<compile_context>
chip_gen: v7x
topology: tpu7x:2x2x1
jax: 0.10.2.dev20260603
libtpu: 0.0.44.dev20260713+nightly
codegen_flags: <defaults>
</compile_context>

<pallas_src>
import functools

import jax
import jax.numpy as jnp
from jax import lax
from jax.experimental import pallas as pl
from jax.experimental.pallas import tpu as pltpu
from jax.experimental.pallas import tpu_sc as plsc

N = 10000
NP = 10240
FIN = 128
HP = 64
NC = 2
NS = 16
NW = NC * NS
K = 128
RPT = NP // NS
SPLIT0 = 0.60

_mesh = plsc.VectorSubcoreMesh(core_axis_name="c", subcore_axis_name="s")


def _make_degree(n0, n1):
    nmax = max(n0, n1)

    @functools.partial(
        pl.kernel,
        out_type=(jax.ShapeDtypeStruct((NP, 16), jnp.float32),
                  jax.ShapeDtypeStruct((NP, 16), jnp.float32)),
        mesh=_mesh,
        compiler_params=pltpu.CompilerParams(use_tc_tiling_on_sc=False),
        scratch_types=(
            (pltpu.VMEM((K,), jnp.int32),) * 2
            + (pltpu.VMEM((K, 16), jnp.float32),
               pltpu.VMEM((K, 16), jnp.float32),
               pltpu.VMEM((RPT, 16), jnp.float32),
               pltpu.VMEM_SHARED((NP, 16), jnp.float32))
            + (pltpu.SemaphoreType.DMA,) * 4
        ),
    )
    def deg_kernel(dst_hbm, ones_hbm, z_hbm, deg0, deg1, *scr):
        idxa, idxb = scr[0], scr[1]
        bufo, bufo2, big, dacc = scr[2], scr[3], scr[4], scr[5]
        s0, s1, s2, s3 = scr[6:10]
        c = lax.axis_index("c")
        s = lax.axis_index("s")
        myn = jnp.where(c == 0, n0, n1)
        cbase = jnp.where(c == 0, s * n0, NS * n0 + s * n1)
        pltpu.sync_copy(ones_hbm, bufo)
        pltpu.sync_copy(z_hbm, bufo2)
        base = s * RPT
        for j in range(RPT // K):
            pltpu.sync_copy(bufo2, dacc.at[pl.ds(base + j * K, K)])
        plsc.subcore_barrier()

        def pair(p, carry):
            i = cbase + 2 * p

            @pl.when(2 * p + 1 < myn)
            def _():
                da = pltpu.async_copy(dst_hbm.at[i], idxa, s0)
                db = pltpu.async_copy(dst_hbm.at[i + 1], idxb, s1)
                da.wait()
                sca = pltpu.async_copy(bufo, dacc.at[idxa], s2, add=True)
                db.wait()
                scb = pltpu.async_copy(bufo, dacc.at[idxb], s3, add=True)
                sca.wait()
                scb.wait()

            @pl.when((2 * p < myn) & (2 * p + 1 >= myn))
            def _():
                pltpu.sync_copy(dst_hbm.at[i], idxa)
                pltpu.sync_copy(bufo, dacc.at[idxa], add=True)

            return carry

        lax.fori_loop(0, (nmax + 1) // 2, pair, 0)
        plsc.subcore_barrier()

        pltpu.sync_copy(dacc.at[pl.ds(base, RPT)], big)

        @pl.when(c == 0)
        def _():
            pltpu.sync_copy(big, deg0.at[pl.ds(base, RPT)])

        @pl.when(c == 1)
        def _():
            pltpu.sync_copy(big, deg1.at[pl.ds(base, RPT)])

    return deg_kernel


def _make_aggregate(n0, n1):
    nmax = max(n0, n1)

    @functools.partial(
        pl.kernel,
        out_type=(jax.ShapeDtypeStruct((NP, HP), jnp.float32),
                  jax.ShapeDtypeStruct((NP, HP), jnp.float32)),
        mesh=_mesh,
        compiler_params=pltpu.CompilerParams(use_tc_tiling_on_sc=False),
        scratch_types=(
            (pltpu.VMEM((K,), jnp.int32),) * 4
            + (pltpu.VMEM((K, HP), jnp.float32),) * 3
            + (pltpu.VMEM((RPT, HP), jnp.float32),)
            + (pltpu.VMEM_SHARED((NP, HP), jnp.float32),)
            + (pltpu.SemaphoreType.DMA,) * 8
        ),
    )
    def agg_kernel(y_hbm, src_hbm, dst_hbm, z_hbm, out0, out1, *scr):
        isa, ida, isb, idb = scr[0:4]
        bufa, bufb, bufz, big = scr[4:8]
        acc = scr[8]
        s0, s1, s2, s3, s4, s5, s6, s7 = scr[9:17]
        c = lax.axis_index("c")
        s = lax.axis_index("s")
        myn = jnp.where(c == 0, n0, n1)
        cbase = jnp.where(c == 0, s * n0, NS * n0 + s * n1)
        pltpu.sync_copy(z_hbm, bufz)
        base = s * RPT
        for j in range(RPT // K):
            pltpu.sync_copy(bufz, acc.at[pl.ds(base + j * K, K)])
        plsc.subcore_barrier()

        def pair(p, carry):
            i = cbase + 2 * p

            @pl.when(2 * p + 1 < myn)
            def _():
                dsa = pltpu.async_copy(src_hbm.at[i], isa, s0)
                dda = pltpu.async_copy(dst_hbm.at[i], ida, s1)
                dsb = pltpu.async_copy(src_hbm.at[i + 1], isb, s2)
                ddb = pltpu.async_copy(dst_hbm.at[i + 1], idb, s3)
                dsa.wait()
                ga = pltpu.async_copy(y_hbm.at[isa], bufa, s4)
                dsb.wait()
                gb = pltpu.async_copy(y_hbm.at[isb], bufb, s5)
                ga.wait()
                dda.wait()
                sca = pltpu.async_copy(bufa, acc.at[ida], s6, add=True)
                gb.wait()
                ddb.wait()
                scb = pltpu.async_copy(bufb, acc.at[idb], s7, add=True)
                sca.wait()
                scb.wait()

            @pl.when((2 * p < myn) & (2 * p + 1 >= myn))
            def _():
                pltpu.sync_copy(src_hbm.at[i], isa)
                pltpu.sync_copy(dst_hbm.at[i], ida)
                pltpu.sync_copy(y_hbm.at[isa], bufa)
                pltpu.sync_copy(bufa, acc.at[ida], add=True)

            return carry

        lax.fori_loop(0, (nmax + 1) // 2, pair, 0)
        plsc.subcore_barrier()

        pltpu.sync_copy(acc.at[pl.ds(base, RPT)], big)

        @pl.when(c == 0)
        def _():
            pltpu.sync_copy(big, out0.at[pl.ds(base, RPT)])

        @pl.when(c == 1)
        def _():
            pltpu.sync_copy(big, out1.at[pl.ds(base, RPT)])

    return agg_kernel



_RB = 2048


def _xw_body(x_ref, w_ref, xw_ref):
    xw_ref[...] = jnp.dot(x_ref[...], w_ref[...],
                          preferred_element_type=jnp.float32)


_xw1 = pl.pallas_call(
    _xw_body,
    grid=(NP // _RB,),
    in_specs=[
        pl.BlockSpec((_RB, FIN), lambda i: (i, 0)),
        pl.BlockSpec((FIN, HP), lambda i: (0, 0)),
    ],
    out_specs=pl.BlockSpec((_RB, HP), lambda i: (i, 0)),
    out_shape=jax.ShapeDtypeStruct((NP, HP), jnp.float32),
)


def _prelude_body(xw_ref, d0_ref, d1_ref, y_ref, ds_ref):
    ds = d0_ref[...] + d1_ref[...] + 1.0
    dis = lax.rsqrt(jnp.maximum(ds, 1.0))
    y_ref[...] = dis[:, :1] * xw_ref[...]
    ds_ref[...] = ds


_prelude = pl.pallas_call(
    _prelude_body,
    grid=(NP // _RB,),
    in_specs=[
        pl.BlockSpec((_RB, HP), lambda i: (i, 0)),
        pl.BlockSpec((_RB, 16), lambda i: (i, 0)),
        pl.BlockSpec((_RB, 16), lambda i: (i, 0)),
    ],
    out_specs=[
        pl.BlockSpec((_RB, HP), lambda i: (i, 0)),
        pl.BlockSpec((_RB, 16), lambda i: (i, 0)),
    ],
    out_shape=[
        jax.ShapeDtypeStruct((NP, HP), jnp.float32),
        jax.ShapeDtypeStruct((NP, 16), jnp.float32),
    ],
)


def _layer_body(a0_ref, a1_ref, y_ref, ds_ref, b_ref, w_ref, yo_ref):
    dis = lax.rsqrt(jnp.maximum(ds_ref[...], 1.0))[:, :1]
    h = jnp.maximum(dis * (a0_ref[...] + a1_ref[...] + y_ref[...]) + b_ref[...], 0.0)
    yo_ref[...] = dis * jnp.dot(h, w_ref[...], preferred_element_type=jnp.float32)


_layer = pl.pallas_call(
    _layer_body,
    grid=(NP // _RB,),
    in_specs=[
        pl.BlockSpec((_RB, HP), lambda i: (i, 0)),
        pl.BlockSpec((_RB, HP), lambda i: (i, 0)),
        pl.BlockSpec((_RB, HP), lambda i: (i, 0)),
        pl.BlockSpec((_RB, 16), lambda i: (i, 0)),
        pl.BlockSpec((1, HP), lambda i: (0, 0)),
        pl.BlockSpec((HP, HP), lambda i: (0, 0)),
    ],
    out_specs=pl.BlockSpec((_RB, HP), lambda i: (i, 0)),
    out_shape=jax.ShapeDtypeStruct((NP, HP), jnp.float32),
)


_RF = 2000


def _final_body(a0_ref, a1_ref, y_ref, ds_ref, b_ref,
                l1w_ref, l1b_ref, l2w_ref, l2b_ref, l3w_ref, l3b_ref,
                out_ref, m_ref):
    i = pl.program_id(0)
    dis = lax.rsqrt(jnp.maximum(ds_ref[...], 1.0))[:, :1]
    h = jnp.maximum(dis * (a0_ref[...] + a1_ref[...] + y_ref[...]) + b_ref[...], 0.0)
    bm = jnp.max(h, axis=0, keepdims=True)

    @pl.when(i == 0)
    def _():
        m_ref[...] = bm
        out_ref[...] = jnp.zeros_like(out_ref)

    @pl.when(i > 0)
    def _():
        m_ref[...] = jnp.maximum(m_ref[...], bm)

    @pl.when(i == pl.num_programs(0) - 1)
    def _():
        g = m_ref[...]
        g = jnp.maximum(jnp.dot(g, l1w_ref[...], preferred_element_type=jnp.float32)
                        + l1b_ref[...], 0.0)
        g = jnp.maximum(jnp.dot(g, l2w_ref[...], preferred_element_type=jnp.float32)
                        + l2b_ref[...], 0.0)
        out_ref[...] = (jnp.dot(g, l3w_ref[...], preferred_element_type=jnp.float32)
                        + l3b_ref[...])


_final = pl.pallas_call(
    _final_body,
    grid=(N // _RF,),
    in_specs=[
        pl.BlockSpec((_RF, HP), lambda i: (i, 0)),
        pl.BlockSpec((_RF, HP), lambda i: (i, 0)),
        pl.BlockSpec((_RF, HP), lambda i: (i, 0)),
        pl.BlockSpec((_RF, 16), lambda i: (i, 0)),
        pl.BlockSpec((1, HP), lambda i: (0, 0)),
        pl.BlockSpec((HP, HP), lambda i: (0, 0)),
        pl.BlockSpec((1, HP), lambda i: (0, 0)),
        pl.BlockSpec((HP, HP), lambda i: (0, 0)),
        pl.BlockSpec((1, HP), lambda i: (0, 0)),
        pl.BlockSpec((HP, HP), lambda i: (0, 0)),
        pl.BlockSpec((1, HP), lambda i: (0, 0)),
    ],
    out_specs=pl.BlockSpec((1, HP), lambda i: (0, 0)),
    out_shape=jax.ShapeDtypeStruct((1, HP), jnp.float32),
    scratch_shapes=[pltpu.VMEM((1, HP), jnp.float32)],
)


def _pad2(a, rows, cols):
    return jnp.zeros((rows, cols), jnp.float32).at[: a.shape[0], : a.shape[1]].set(a)


def _padb(b, cols):
    return jnp.zeros((1, cols), jnp.float32).at[0, : b.shape[0]].set(b)


def kernel(x, edge_index, W1, b1, W2, b2, W3, b3, W4, b4,
           L1w, L1b, L2w, L2b, L3w, L3b):
    f32 = jnp.float32
    e = edge_index.shape[1]
    nsum = -(-e // (NS * K))
    n0 = max(1, min(nsum - 1, int(round(nsum * SPLIT0))))
    n1 = nsum - n0
    tot = NS * nsum
    epad = tot * K

    src = jnp.concatenate(
        [edge_index[0], jnp.full((epad - e,), N, jnp.int32)]).reshape(tot, K)
    dst = jnp.concatenate(
        [edge_index[1], jnp.full((epad - e,), N, jnp.int32)]).reshape(tot, K)

    xp = jnp.zeros((NP, FIN), f32).at[:N].set(x)
    W1p = _pad2(W1, FIN, HP)
    W2p, W3p, W4p = (_pad2(w, HP, HP) for w in (W2, W3, W4))
    L1wp, L2wp, L3wp = (_pad2(w, HP, HP) for w in (L1w, L2w, L3w))
    b1p, b2p, b3p, b4p = (_padb(b, HP) for b in (b1, b2, b3, b4))
    L1bp, L2bp, L3bp = (_padb(b, HP) for b in (L1b, L2b, L3b))

    ones16 = jnp.ones((K, 16), f32)
    z16 = jnp.zeros((K, 16), f32)
    z64 = jnp.zeros((K, HP), f32)

    xw1 = _xw1(xp, W1p)
    deg0, deg1 = _make_degree(n0, n1)(dst, ones16, z16)
    y1, ds = _prelude(xw1, deg0, deg1)

    agg = _make_aggregate(n0, n1)
    a0, a1 = agg(y1, src, dst, z64)
    y2 = _layer(a0, a1, y1, ds, b1p, W2p)
    a0, a1 = agg(y2, src, dst, z64)
    y3 = _layer(a0, a1, y2, ds, b2p, W3p)
    a0, a1 = agg(y3, src, dst, z64)
    y4 = _layer(a0, a1, y3, ds, b3p, W4p)
    a0, a1 = agg(y4, src, dst, z64)

    res = _final(a0, a1, y4, ds, b4p, L1wp, L1bp, L2wp, L2bp, L3wp, L3bp)
    return res[:, :2]

# --- scband reference (transcript-rebuilt; emitter-appended) ---
"""Pipeline reference for scband-survey-ba-2grid-house-gcn-21930103013664 (READ-ONLY COPY).

The authoritative reference and input builder live on the scoring server;
editing this copy changes nothing except your own understanding.
"""

import jax, jax.numpy as jnp
import numpy as np

N = 10000
E = 320000
F_IN = 128
H = 60
NUM_CLASSES = 2


def _glorot(key, shape):
    fan_in = shape[0]
    return jax.random.normal(key, shape, dtype=jnp.float32) / jnp.sqrt(jnp.float32(fan_in))


def setup_inputs(seed: int = 0):
    key = jax.random.key(seed)
    ks = jax.random.split(key, 18)
    inp = {}
    inp['x'] = jax.random.normal(ks[0], (N, F_IN), dtype=jnp.float32)
    inp['edge_index'] = jax.random.randint(ks[1], (2, E), 0, N, dtype=jnp.int32)
    inp['W1'] = _glorot(ks[2], (F_IN, H)); inp['b1'] = jnp.zeros((H,), jnp.float32)
    inp['W2'] = _glorot(ks[3], (H, H)); inp['b2'] = jnp.zeros((H,), jnp.float32)
    inp['W3'] = _glorot(ks[4], (H, H)); inp['b3'] = jnp.zeros((H,), jnp.float32)
    inp['W4'] = _glorot(ks[5], (H, H)); inp['b4'] = jnp.zeros((H,), jnp.float32)
    inp['L1w'] = _glorot(ks[6], (H, H)); inp['L1b'] = jnp.zeros((H,), jnp.float32)
    inp['L2w'] = _glorot(ks[7], (H, 10)); inp['L2b'] = jnp.zeros((10,), jnp.float32)
    inp['L3w'] = _glorot(ks[8], (10, NUM_CLASSES)); inp['L3b'] = jnp.zeros((NUM_CLASSES,), jnp.float32)
    return inp


def _gcn_conv(x, src, dst, ew, W, b, n_nodes):
    # PyG GCNConv: x' = D^{-1/2} (A + I) D^{-1/2} (x W) + b
    xw = x @ W
    deg = jax.ops.segment_sum(ew, dst, num_segments=n_nodes)
    dis = jnp.where(deg > 0.0, jax.lax.rsqrt(jnp.maximum(deg, 1e-12)), 0.0)
    norm = dis[src] * ew * dis[dst]
    msg = xw[src] * norm[:, None]
    out = jax.ops.segment_sum(msg, dst, num_segments=n_nodes)
    return out + b


def reference(x, edge_index, W1, b1, W2, b2, W3, b3, W4, b4, L1w, L1b, L2w, L2b, L3w, L3b):
    n_nodes = x.shape[0]
    # edge_weights default: ones
    ew = jnp.ones((edge_index.shape[1],), dtype=jnp.float32)
    # add self loops (GCNConv default add_self_loops=True)
    loop = jnp.arange(n_nodes, dtype=edge_index.dtype)
    src = jnp.concatenate([edge_index[0], loop])
    dst = jnp.concatenate([edge_index[1], loop])
    ew_full = jnp.concatenate([ew, jnp.ones((n_nodes,), dtype=jnp.float32)])
    h = jax.nn.relu(_gcn_conv(x, src, dst, ew_full, W1, b1, n_nodes))
    h = jax.nn.relu(_gcn_conv(h, src, dst, ew_full, W2, b2, n_nodes))
    h = jax.nn.relu(_gcn_conv(h, src, dst, ew_full, W3, b3, n_nodes))
    h = jax.nn.relu(_gcn_conv(h, src, dst, ew_full, W4, b4, n_nodes))
    # batch = zeros -> global_max_pool over all nodes -> [1, H]
    g = jnp.max(h, axis=0, keepdims=True)
    g = jax.nn.relu(g @ L1w + L1b)
    g = jax.nn.relu(g @ L2w + L2b)
    out = g @ L3w + L3b
    return out


if False:  # reference __main__ guard neutralized (emitter)
    inp = setup_inputs()
    out = reference(**inp)
    print(out.shape)

if __name__ == "__main__":
    import jax
    _d = setup_inputs()
    print(jax.jit(kernel)(*tuple(_d.values())))

</pallas_src>

<mosaic_0001>
#map = affine_map<(d0, d1) -> (0, 0)>
module attributes {stable_mosaic.version = 14 : i64} {
  func.func @agg_kernel(%arg0: i32, %arg1: i32, %arg2: memref<10240x64xf32, #tpu.memory_space<hbm>>, %arg3: memref<2512x128xi32, #tpu.memory_space<hbm>>, %arg4: memref<2512x128xi32, #tpu.memory_space<hbm>>, %arg5: memref<128x64xf32, #tpu.memory_space<hbm>>, %arg6: memref<10240x64xf32, #tpu.memory_space<hbm>>, %arg7: memref<10240x64xf32, #tpu.memory_space<hbm>>, %arg8: memref<128xi32, #tpu.memory_space<vmem>>, %arg9: memref<128xi32, #tpu.memory_space<vmem>>, %arg10: memref<128xi32, #tpu.memory_space<vmem>>, %arg11: memref<128xi32, #tpu.memory_space<vmem>>, %arg12: memref<128x64xf32, #tpu.memory_space<vmem>>, %arg13: memref<128x64xf32, #tpu.memory_space<vmem>>, %arg14: memref<128x64xf32, #tpu.memory_space<vmem>>, %arg15: memref<640x64xf32, #tpu.memory_space<vmem>>, %arg16: memref<10240x64xf32, #tpu.memory_space<vmem_shared>>, %arg17: memref<!tpu.dma_semaphore, #tpu.memory_space<semaphore_mem>>, %arg18: memref<!tpu.dma_semaphore, #tpu.memory_space<semaphore_mem>>, %arg19: memref<!tpu.dma_semaphore, #tpu.memory_space<semaphore_mem>>, %arg20: memref<!tpu.dma_semaphore, #tpu.memory_space<semaphore_mem>>, %arg21: memref<!tpu.dma_semaphore, #tpu.memory_space<semaphore_mem>>, %arg22: memref<!tpu.dma_semaphore, #tpu.memory_space<semaphore_mem>>, %arg23: memref<!tpu.dma_semaphore, #tpu.memory_space<semaphore_mem>>, %arg24: memref<!tpu.dma_semaphore, #tpu.memory_space<semaphore_mem>>) attributes {dimension_semantics = [#tpu.dimension_semantics<core_parallel>, #tpu.dimension_semantics<subcore_parallel>], iteration_bounds = array<i64: 2, 16>, scalar_prefetch = 0 : i64, scratch_operands = 17 : i64, tpu.core_type = #tpu.core_type<sc_vector_subcore>, window_params = [{transform_indices = #map}, {transform_indices = #map}, {transform_indices = #map}, {transform_indices = #map}, {transform_indices = #map}, {transform_indices = #map}]} {
    %eq3A = arith.constant 0 : i32
    %eq3A_0 = arith.cmpi eq, %arg0, %eq3A : i32
    %jit3A = arith.constant 94 : i32
    %jit3A_1 = arith.constant 63 : i32
    %select_n3A = arith.select %eq3A_0, %jit3A, %jit3A_1 : i32
    %eq3A_2 = arith.constant 0 : i32
    %eq3A_3 = arith.cmpi eq, %arg0, %eq3A_2 : i32
    %mul3A = arith.constant 94 : i32
    %mul3A_4 = arith.muli %arg1, %mul3A : i32
    %mul3A_5 = arith.constant 63 : i32
    %mul3A_6 = arith.muli %arg1, %mul3A_5 : i32
    %add3A = arith.constant 1504 : i32
    %add3A_7 = arith.addi %add3A, %mul3A_6 : i32
    %select_n3A_8 = arith.select %eq3A_3, %mul3A_4, %add3A_7 : i32
    "tpu.region"() ({
      %run_scoped3A = tpu.sem_alloc : memref<!tpu.dma_semaphore, #tpu.memory_space<semaphore_mem>>
      tpu.enqueue_dma source(%arg5 : memref<128x64xf32, #tpu.memory_space<hbm>>) target(%arg14 : memref<128x64xf32, #tpu.memory_space<vmem>>) target_semaphore(%run_scoped3A : memref<!tpu.dma_semaphore, #tpu.memory_space<semaphore_mem>>)
      tpu.wait_dma2 semaphore(%run_scoped3A : memref<!tpu.dma_semaphore, #tpu.memory_space<semaphore_mem>>) src(%arg5 : memref<128x64xf32, #tpu.memory_space<hbm>>) dst(%arg14 : memref<128x64xf32, #tpu.memory_space<vmem>>)
      tpu.yield
    }) : () -> ()
    %mul3A_9 = arith.constant 640 : i32
    %mul3A_10 = arith.muli %arg1, %mul3A_9 : i32
    %add3A_11 = arith.constant 0 : i32
    %add3A_12 = arith.addi %mul3A_10, %add3A_11 : i32
    "tpu.region"() ({
      %run_scoped3A = tpu.sem_alloc : memref<!tpu.dma_semaphore, #tpu.memory_space<semaphore_mem>>
      %dma_start3A = arith.constant 0 : i32
      %dma_start3A_35 = tpu.memref_slice %arg16[%add3A_12, %dma_start3A] : memref<10240x64xf32, #tpu.memory_space<vmem_shared>> -> memref<128x64xf32, #tpu.memory_space<vmem_shared>>
      %dma_start3A_36 = arith.constant 0 : i32
      %dma_start3A_37 = tpu.memref_slice %arg16[%add3A_12, %dma_start3A_36] : memref<10240x64xf32, #tpu.memory_space<vmem_shared>> -> memref<128x64xf32, #tpu.memory_space<vmem_shared>>
      tpu.enqueue_dma source(%arg14 : memref<128x64xf32, #tpu.memory_space<vmem>>) target(%dma_start3A_37 : memref<128x64xf32, #tpu.memory_space<vmem_shared>>) target_semaphore(%run_scoped3A : memref<!tpu.dma_semaphore, #tpu.memory_space<semaphore_mem>>)
      %dma_wait3A = arith.constant 0 : i32
      %dma_wait3A_38 = tpu.memref_slice %arg16[%add3A_12, %dma_wait3A] : memref<10240x64xf32, #tpu.memory_space<vmem_shared>> -> memref<128x64xf32, #tpu.memory_space<vmem_shared>>
      %dma_wait3A_39 = arith.constant 0 : i32
      %dma_wait3A_40 = tpu.memref_slice %arg16[%add3A_12, %dma_wait3A_39] : memref<10240x64xf32, #tpu.memory_space<vmem_shared>> -> memref<128x64xf32, #tpu.memory_space<vmem_shared>>
      tpu.wait_dma2 semaphore(%run_scoped3A : memref<!tpu.dma_semaphore, #tpu.memory_space<semaphore_mem>>) src(%arg14 : memref<128x64xf32, #tpu.memory_space<vmem>>) dst(%dma_wait3A_40 : memref<128x64xf32, #tpu.memory_space<vmem_shared>>)
      tpu.yield
    }) : () -> ()
    %add3A_13 = arith.constant 128 : i32
    %add3A_14 = arith.addi %mul3A_10, %add3A_13 : i32
    "tpu.region"() ({
      %run_scoped3A = tpu.sem_alloc : memref<!tpu.dma_semaphore, #tpu.memory_space<semaphore_mem>>
      %dma_start3A = arith.constant 0 : i32
      %dma_start3A_35 = tpu.memref_slice %arg16[%add3A_14, %dma_start3A] : memref<10240x64xf32, #tpu.memory_space<vmem_shared>> -> memref<128x64xf32, #tpu.memory_space<vmem_shared>>
      %dma_start3A_36 = arith.constant 0 : i32
      %dma_start3A_37 = tpu.memref_slice %arg16[%add3A_14, %dma_start3A_36] : memref<10240x64xf32, #tpu.memory_space<vmem_shared>> -> memref<128x64xf32, #tpu.memory_space<vmem_shared>>
      tpu.enqueue_dma source(%arg14 : memref<128x64xf32, #tpu.memory_space<vmem>>) target(%dma_start3A_37 : memref<128x64xf32, #tpu.memory_space<vmem_shared>>) target_semaphore(%run_scoped3A : memref<!tpu.dma_semaphore, #tpu.memory_space<semaphore_mem>>)
      %dma_wait3A = arith.constant 0 : i32
      %dma_wait3A_38 = tpu.memref_slice %arg16[%add3A_14, %dma_wait3A] : memref<10240x64xf32, #tpu.memory_space<vmem_shared>> -> memref<128x64xf32, #tpu.memory_space<vmem_shared>>
      %dma_wait3A_39 = arith.constant 0 : i32
      %dma_wait3A_40 = tpu.memref_slice %arg16[%add3A_14, %dma_wait3A_39] : memref<10240x64xf32, #tpu.memory_space<vmem_shared>> -> memref<128x64xf32, #tpu.memory_space<vmem_shared>>
      tpu.wait_dma2 semaphore(%run_scoped3A : memref<!tpu.dma_semaphore, #tpu.memory_space<semaphore_mem>>) src(%arg14 : memref<128x64xf32, #tpu.memory_space<vmem>>) dst(%dma_wait3A_40 : memref<128x64xf32, #tpu.memory_space<vmem_shared>>)
      tpu.yield
    }) : () -> ()
    %add3A_15 = arith.constant 256 : i32
    %add3A_16 = arith.addi %mul3A_10, %add3A_15 : i32
    "tpu.region"() ({
      %run_scoped3A = tpu.sem_alloc : memref<!tpu.dma_semaphore, #tpu.memory_space<semaphore_mem>>
      %dma_start3A = arith.constant 0 : i32
      %dma_start3A_35 = tpu.memref_slice %arg16[%add3A_16, %dma_start3A] : memref<10240x64xf32, #tpu.memory_space<vmem_shared>> -> memref<128x64xf32, #tpu.memory_space<vmem_shared>>
      %dma_start3A_36 = arith.constant 0 : i32
      %dma_start3A_37 = tpu.memref_slice %arg16[%add3A_16, %dma_start3A_36] : memref<10240x64xf32, #tpu.memory_space<vmem_shared>> -> memref<128x64xf32, #tpu.memory_space<vmem_shared>>
      tpu.enqueue_dma source(%arg14 : memref<128x64xf32, #tpu.memory_space<vmem>>) target(%dma_start3A_37 : memref<128x64xf32, #tpu.memory_space<vmem_shared>>) target_semaphore(%run_scoped3A : memref<!tpu.dma_semaphore, #tpu.memory_space<semaphore_mem>>)
      %dma_wait3A = arith.constant 0 : i32
      %dma_wait3A_38 = tpu.memref_slice %arg16[%add3A_16, %dma_wait3A] : memref<10240x64xf32, #tpu.memory_space<vmem_shared>> -> memref<128x64xf32, #tpu.memory_space<vmem_shared>>
      %dma_wait3A_39 = arith.constant 0 : i32
      %dma_wait3A_40 = tpu.memref_slice %arg16[%add3A_16, %dma_wait3A_39] : memref<10240x64xf32, #tpu.memory_space<vmem_shared>> -> memref<128x64xf32, #tpu.memory_space<vmem_shared>>
      tpu.wait_dma2 semaphore(%run_scoped3A : memref<!tpu.dma_semaphore, #tpu.memory_space<semaphore_mem>>) src(%arg14 : memref<128x64xf32, #tpu.memory_space<vmem>>) dst(%dma_wait3A_40 : memref<128x64xf32, #tpu.memory_space<vmem_shared>>)
      tpu.yield
    }) : () -> ()
    %add3A_17 = arith.constant 384 : i32
    %add3A_18 = arith.addi %mul3A_10, %add3A_17 : i32
    "tpu.region"() ({
      %run_scoped3A = tpu.sem_alloc : memref<!tpu.dma_semaphore, #tpu.memory_space<semaphore_mem>>
      %dma_start3A = arith.constant 0 : i32
      %dma_start3A_35 = tpu.memref_slice %arg16[%add3A_18, %dma_start3A] : memref<10240x64xf32, #tpu.memory_space<vmem_shared>> -> memref<128x64xf32, #tpu.memory_space<vmem_shared>>
      %dma_start3A_36 = arith.constant 0 : i32
      %dma_start3A_37 = tpu.memref_slice %arg16[%add3A_18, %dma_start3A_36] : memref<10240x64xf32, #tpu.memory_space<vmem_shared>> -> memref<128x64xf32, #tpu.memory_space<vmem_shared>>
      tpu.enqueue_dma source(%arg14 : memref<128x64xf32, #tpu.memory_space<vmem>>) target(%dma_start3A_37 : memref<128x64xf32, #tpu.memory_space<vmem_shared>>) target_semaphore(%run_scoped3A : memref<!tpu.dma_semaphore, #tpu.memory_space<semaphore_mem>>)
      %dma_wait3A = arith.constant 0 : i32
      %dma_wait3A_38 = tpu.memref_slice %arg16[%add3A_18, %dma_wait3A] : memref<10240x64xf32, #tpu.memory_space<vmem_shared>> -> memref<128x64xf32, #tpu.memory_space<vmem_shared>>
      %dma_wait3A_39 = arith.constant 0 : i32
      %dma_wait3A_40 = tpu.memref_slice %arg16[%add3A_18, %dma_wait3A_39] : memref<10240x64xf32, #tpu.memory_space<vmem_shared>> -> memref<128x64xf32, #tpu.memory_space<vmem_shared>>
      tpu.wait_dma2 semaphore(%run_scoped3A : memref<!tpu.dma_semaphore, #tpu.memory_space<semaphore_mem>>) src(%arg14 : memref<128x64xf32, #tpu.memory_space<vmem>>) dst(%dma_wait3A_40 : memref<128x64xf32, #tpu.memory_space<vmem_shared>>)
      tpu.yield
    }) : () -> ()
    %add3A_19 = arith.constant 512 : i32
    %add3A_20 = arith.addi %mul3A_10, %add3A_19 : i32
    "tpu.region"() ({
      %run_scoped3A = tpu.sem_alloc : memref<!tpu.dma_semaphore, #tpu.memory_space<semaphore_mem>>
      %dma_start3A = arith.constant 0 : i32
      %dma_start3A_35 = tpu.memref_slice %arg16[%add3A_20, %dma_start3A] : memref<10240x64xf32, #tpu.memory_space<vmem_shared>> -> memref<128x64xf32, #tpu.memory_space<vmem_shared>>
      %dma_start3A_36 = arith.constant 0 : i32
      %dma_start3A_37 = tpu.memref_slice %arg16[%add3A_20, %dma_start3A_36] : memref<10240x64xf32, #tpu.memory_space<vmem_shared>> -> memref<128x64xf32, #tpu.memory_space<vmem_shared>>
      tpu.enqueue_dma source(%arg14 : memref<128x64xf32, #tpu.memory_space<vmem>>) target(%dma_start3A_37 : memref<128x64xf32, #tpu.memory_space<vmem_shared>>) target_semaphore(%run_scoped3A : memref<!tpu.dma_semaphore, #tpu.memory_space<semaphore_mem>>)
      %dma_wait3A = arith.constant 0 : i32
      %dma_wait3A_38 = tpu.memref_slice %arg16[%add3A_20, %dma_wait3A] : memref<10240x64xf32, #tpu.memory_space<vmem_shared>> -> memref<128x64xf32, #tpu.memory_space<vmem_shared>>
      %dma_wait3A_39 = arith.constant 0 : i32
      %dma_wait3A_40 = tpu.memref_slice %arg16[%add3A_20, %dma_wait3A_39] : memref<10240x64xf32, #tpu.memory_space<vmem_shared>> -> memref<128x64xf32, #tpu.memory_space<vmem_shared>>
      tpu.wait_dma2 semaphore(%run_scoped3A : memref<!tpu.dma_semaphore, #tpu.memory_space<semaphore_mem>>) src(%arg14 : memref<128x64xf32, #tpu.memory_space<vmem>>) dst(%dma_wait3A_40 : memref<128x64xf32, #tpu.memory_space<vmem_shared>>)
      tpu.yield
    }) : () -> ()
    %barrier3A = arith.constant 0 : index
    tpu.barrier barrier_id(%barrier3A)
    %scan3A = arith.constant 0 : i32
    %scan3A_21 = arith.constant 0 : i32
    %scan3A_22 = arith.constant 47 : i32
    %scan3A_23 = arith.addi %scan3A_21, %scan3A_22 : i32
    %scan3A_24 = arith.constant 1 : i32
    scf.for %scan3A_35 = %scan3A_21 to %scan3A_23 step %scan3A_24  : i32 {
      %mul3A_36 = arith.constant 2 : i32
      %mul3A_37 = arith.muli %mul3A_36, %scan3A_35 : i32
      %add3A_38 = arith.addi %select_n3A_8, %mul3A_37 : i32
      %mul3A_39 = arith.constant 2 : i32
      %mul3A_40 = arith.muli %mul3A_39, %scan3A_35 : i32
      %add3A_41 = arith.constant 1 : i32
      %add3A_42 = arith.addi %mul3A_40, %add3A_41 : i32
      %lt3A = arith.cmpi slt, %add3A_42, %select_n3A : i32
      %convert_element_type3A_43 = arith.extui %lt3A : i1 to i32
      %cond3A_44 = arith.constant 0 : i32
      %cond3A_45 = arith.cmpi ne, %convert_element_type3A_43, %cond3A_44 : i32
      scf.if %cond3A_45 {
        %dma_start3A = arith.constant 0 : i32
        %dma_start3A_56 = tpu.memref_slice %arg3[%add3A_38, %dma_start3A] : memref<2512x128xi32, #tpu.memory_space<hbm>> -> memref<1x128xi32, #tpu.memory_space<hbm>>
        %dma_start3A_57 = tpu.memref_squeeze %dma_start3A_56 : memref<1x128xi32, #tpu.memory_space<hbm>> -> memref<128xi32, #tpu.memory_space<hbm>>
        %dma_start3A_58 = arith.constant 0 : i32
        %dma_start3A_59 = tpu.memref_slice %arg3[%add3A_38, %dma_start3A_58] : memref<2512x128xi32, #tpu.memory_space<hbm>> -> memref<1x128xi32, #tpu.memory_space<hbm>>
        %dma_start3A_60 = tpu.memref_squeeze %dma_start3A_59 : memref<1x128xi32, #tpu.memory_space<hbm>> -> memref<128xi32, #tpu.memory_space<hbm>>
        tpu.enqueue_dma source(%dma_start3A_60 : memref<128xi32, #tpu.memory_space<hbm>>) target(%arg8 : memref<128xi32, #tpu.memory_space<vmem>>) target_semaphore(%arg17 : memref<!tpu.dma_semaphore, #tpu.memory_space<semaphore_mem>>)
        %dma_start3A_61 = arith.constant 0 : i32
        %dma_start3A_62 = tpu.memref_slice %arg4[%add3A_38, %dma_start3A_61] : memref<2512x128xi32, #tpu.memory_space<hbm>> -> memref<1x128xi32, #tpu.memory_space<hbm>>
        %dma_start3A_63 = tpu.memref_squeeze %dma_start3A_62 : memref<1x128xi32, #tpu.memory_space<hbm>> -> memref<128xi32, #tpu.memory_space<hbm>>
        %dma_start3A_64 = arith.constant 0 : i32
        %dma_start3A_65 = tpu.memref_slice %arg4[%add3A_38, %dma_start3A_64] : memref<2512x128xi32, #tpu.memory_space<hbm>> -> memref<1x128xi32, #tpu.memory_space<hbm>>
        %dma_start3A_66 = tpu.memref_squeeze %dma_start3A_65 : memref<1x128xi32, #tpu.memory_space<hbm>> -> memref<128xi32, #tpu.memory_space<hbm>>
        tpu.enqueue_dma source(%dma_start3A_66 : memref<128xi32, #tpu.memory_space<hbm>>) target(%arg9 : memref<128xi32, #tpu.memory_space<vmem>>) target_semaphore(%arg18 : memref<!tpu.dma_semaphore, #tpu.memory_space<semaphore_mem>>)
        %add3A_67 = arith.constant 1 : i32
        %add3A_68 = arith.addi %add3A_38, %add3A_67 : i32
        %dma_start3A_69 = arith.constant 0 : i32
        %dma_start3A_70 = tpu.memref_slice %arg3[%add3A_68, %dma_start3A_69] : memref<2512x128xi32, #tpu.memory_space<hbm>> -> memref<1x128xi32, #tpu.memory_space<hbm>>
        %dma_start3A_71 = tpu.memref_squeeze %dma_start3A_70 : memref<1x128xi32, #tpu.memory_space<hbm>> -> memref<128xi32, #tpu.memory_space<hbm>>
        %dma_start3A_72 = arith.constant 0 : i32
        %dma_start3A_73 = tpu.memref_slice %arg3[%add3A_68, %dma_start3A_72] : memref<2512x128xi32, #tpu.memory_space<hbm>> -> memref<1x128xi32, #tpu.memory_space<hbm>>
        %dma_start3A_74 = tpu.memref_squeeze %dma_start3A_73 : memref<1x128xi32, #tpu.memory_space<hbm>> -> memref<128xi32, #tpu.memory_space<hbm>>
        tpu.enqueue_dma source(%dma_start3A_74 : memref<128xi32, #tpu.memory_space<hbm>>) target(%arg10 : memref<128xi32, #tpu.memory_space<vmem>>) target_semaphore(%arg19 : memref<!tpu.dma_semaphore, #tpu.memory_space<semaphore_mem>>)
        %add3A_75 = arith.constant 1 : i32
        %add3A_76 = arith.addi %add3A_38, %add3A_75 : i32
        %dma_start3A_77 = arith.constant 0 : i32
        %dma_start3A_78 = tpu.memref_slice %arg4[%add3A_76, %dma_start3A_77] : memref<2512x128xi32, #tpu.memory_space<hbm>> -> memref<1x128xi32, #tpu.memory_space<hbm>>
        %dma_start3A_79 = tpu.memref_squeeze %dma_start3A_78 : memref<1x128xi32, #tpu.memory_space<hbm>> -> memref<128xi32, #tpu.memory_space<hbm>>
        %dma_start3A_80 = arith.constant 0 : i32
        %dma_start3A_81 = tpu.memref_slice %arg4[%add3A_76, %dma_start3A_80] : memref<2512x128xi32, #tpu.memory_space<hbm>> -> memref<1x128xi32, #tpu.memory_space<hbm>>
        %dma_start3A_82 = tpu.memref_squeeze %dma_start3A_81 : memref<1x128xi32, #tpu.memory_space<hbm>> -> memref<128xi32, #tpu.memory_space<hbm>>
        tpu.enqueue_dma source(%dma_start3A_82 : memref<128xi32, #tpu.memory_space<hbm>>) target(%arg11 : memref<128xi32, #tpu.memory_space<vmem>>) target_semaphore(%arg20 : memref<!tpu.dma_semaphore, #tpu.memory_space<semaphore_mem>>)
        %dma_wait3A = arith.constant 0 : i32
        %dma_wait3A_83 = tpu.memref_slice %arg3[%add3A_38, %dma_wait3A] : memref<2512x128xi32, #tpu.memory_space<hbm>> -> memref<1x128xi32, #tpu.memory_space<hbm>>
        %dma_wait3A_84 = tpu.memref_squeeze %dma_wait3A_83 : memref<1x128xi32, #tpu.memory_space<hbm>> -> memref<128xi32, #tpu.memory_space<hbm>>
        %dma_wait3A_85 = arith.constant 0 : i32
        %dma_wait3A_86 = tpu.memref_slice %arg3[%add3A_38, %dma_wait3A_85] : memref<2512x128xi32, #tpu.memory_space<hbm>> -> memref<1x128xi32, #tpu.memory_space<hbm>>
        %dma_wait3A_87 = tpu.memref_squeeze %dma_wait3A_86 : memref<1x128xi32, #tpu.memory_space<hbm>> -> memref<128xi32, #tpu.memory_space<hbm>>
        tpu.wait_dma2 semaphore(%arg17 : memref<!tpu.dma_semaphore, #tpu.memory_space<semaphore_mem>>) src(%dma_wait3A_87 : memref<128xi32, #tpu.memory_space<hbm>>) dst(%arg8 : memref<128xi32, #tpu.memory_space<vmem>>)
        %dma_start3A_88 = arith.constant 0 : i32
        %dma_start3A_89 = arith.constant 0 : i32
        %dma_start3A_90 = tpu.memref_slice %arg2[%dma_start3A_88, %dma_start3A_89] : memref<10240x64xf32, #tpu.memory_space<hbm>> -> memref<10240x64xf32, #tpu.memory_space<hbm>>
        tpu.enqueue_indirect_dma source(%dma_start3A_90 : memref<10240x64xf32, #tpu.memory_space<hbm>>) target(%arg12 : memref<128x64xf32, #tpu.memory_space<vmem>>) offsets(%arg8 : memref<128xi32, #tpu.memory_space<vmem>>) semaphore(%arg21 : memref<!tpu.dma_semaphore, #tpu.memory_space<semaphore_mem>>)
        %dma_wait3A_91 = arith.constant 0 : i32
        %dma_wait3A_92 = tpu.memref_slice %arg3[%add3A_68, %dma_wait3A_91] : memref<2512x128xi32, #tpu.memory_space<hbm>> -> memref<1x128xi32, #tpu.memory_space<hbm>>
        %dma_wait3A_93 = tpu.memref_squeeze %dma_wait3A_92 : memref<1x128xi32, #tpu.memory_space<hbm>> -> memref<128xi32, #tpu.memory_space<hbm>>
        %dma_wait3A_94 = arith.constant 0 : i32
        %dma_wait3A_95 = tpu.memref_slice %arg3[%add3A_68, %dma_wait3A_94] : memref<2512x128xi32, #tpu.memory_space<hbm>> -> memref<1x128xi32, #tpu.memory_space<hbm>>
        %dma_wait3A_96 = tpu.memref_squeeze %dma_wait3A_95 : memref<1x128xi32, #tpu.memory_space<hbm>> -> memref<128xi32, #tpu.memory_space<hbm>>
        tpu.wait_dma2 semaphore(%arg19 : memref<!tpu.dma_semaphore, #tpu.memory_space<semaphore_mem>>) src(%dma_wait3A_96 : memref<128xi32, #tpu.memory_space<hbm>>) dst(%arg10 : memref<128xi32, #tpu.memory_space<vmem>>)
        %dma_start3A_97 = arith.constant 0 : i32
        %dma_start3A_98 = arith.constant 0 : i32
        %dma_start3A_99 = tpu.memref_slice %arg2[%dma_start3A_97, %dma_start3A_98] : memref<10240x64xf32, #tpu.memory_space<hbm>> -> memref<10240x64xf32, #tpu.memory_space<hbm>>
        tpu.enqueue_indirect_dma source(%dma_start3A_99 : memref<10240x64xf32, #tpu.memory_space<hbm>>) target(%arg13 : memref<128x64xf32, #tpu.memory_space<vmem>>) offsets(%arg10 : memref<128xi32, #tpu.memory_space<vmem>>) semaphore(%arg22 : memref<!tpu.dma_semaphore, #tpu.memory_space<semaphore_mem>>)
        %dma_wait3A_100 = arith.constant 0 : i32
        %dma_wait3A_101 = arith.constant 0 : i32
        %dma_wait3A_102 = tpu.memref_slice %arg2[%dma_wait3A_100, %dma_wait3A_101] : memref<10240x64xf32, #tpu.memory_space<hbm>> -> memref<10240x64xf32, #tpu.memory_space<hbm>>
        tpu.wait_indirect_dma semaphore(%arg21 : memref<!tpu.dma_semaphore, #tpu.memory_space<semaphore_mem>>) src(%dma_wait3A_102 : memref<10240x64xf32, #tpu.memory_space<hbm>>) dst(%arg12 : memref<128x64xf32, #tpu.memory_space<vmem>>)
        %dma_wait3A_103 = arith.constant 0 : i32
        %dma_wait3A_104 = tpu.memref_slice %arg4[%add3A_38, %dma_wait3A_103] : memref<2512x128xi32, #tpu.memory_space<hbm>> -> memref<1x128xi32, #tpu.memory_space<hbm>>
        %dma_wait3A_105 = tpu.memref_squeeze %dma_wait3A_104 : memref<1x128xi32, #tpu.memory_space<hbm>> -> memref<128xi32, #tpu.memory_space<hbm>>
        %dma_wait3A_106 = arith.constant 0 : i32
        %dma_wait3A_107 = tpu.memref_slice %arg4[%add3A_38, %dma_wait3A_106] : memref<2512x128xi32, #tpu.memory_space<hbm>> -> memref<1x128xi32, #tpu.memory_space<hbm>>
        %dma_wait3A_108 = tpu.memref_squeeze %dma_wait3A_107 : memref<1x128xi32, #tpu.memory_space<hbm>> -> memref<128xi32, #tpu.memory_space<hbm>>
        tpu.wait_dma2 semaphore(%arg18 : memref<!tpu.dma_semaphore, #tpu.memory_space<semaphore_mem>>) src(%dma_wait3A_108 : memref<128xi32, #tpu.memory_space<hbm>>) dst(%arg9 : memref<128xi32, #tpu.memory_space<vmem>>)
        %dma_start3A_109 = arith.constant 0 : i32
        %dma_start3A_110 = arith.constant 0 : i32
        %dma_start3A_111 = tpu.memref_slice %arg16[%dma_start3A_109, %dma_start3A_110] : memref<10240x64xf32, #tpu.memory_space<vmem_shared>> -> memref<10240x64xf32, #tpu.memory_space<vmem_shared>>
        tpu.enqueue_indirect_dma source(%arg12 : memref<128x64xf32, #tpu.memory_space<vmem>>) target(%dma_start3A_111 : memref<10240x64xf32, #tpu.memory_space<vmem_shared>>) offsets(%arg9 : memref<128xi32, #tpu.memory_space<vmem>>) semaphore(%arg23 : memref<!tpu.dma_semaphore, #tpu.memory_space<semaphore_mem>>) {add = true}
        %dma_wait3A_112 = arith.constant 0 : i32
        %dma_wait3A_113 = arith.constant 0 : i32
        %dma_wait3A_114 = tpu.memref_slice %arg2[%dma_wait3A_112, %dma_wait3A_113] : memref<10240x64xf32, #tpu.memory_space<hbm>> -> memref<10240x64xf32, #tpu.memory_space<hbm>>
        tpu.wait_indirect_dma semaphore(%arg22 : memref<!tpu.dma_semaphore, #tpu.memory_space<semaphore_mem>>) src(%dma_wait3A_114 : memref<10240x64xf32, #tpu.memory_space<hbm>>) dst(%arg13 : memref<128x64xf32, #tpu.memory_space<vmem>>)
        %dma_wait3A_115 = arith.constant 0 : i32
        %dma_wait3A_116 = tpu.memref_slice %arg4[%add3A_76, %dma_wait3A_115] : memref<2512x128xi32, #tpu.memory_space<hbm>> -> memref<1x128xi32, #tpu.memory_space<hbm>>
        %dma_wait3A_117 = tpu.memref_squeeze %dma_wait3A_116 : memref<1x128xi32, #tpu.memory_space<hbm>> -> memref<128xi32, #tpu.memory_space<hbm>>
        %dma_wait3A_118 = arith.constant 0 : i32
        %dma_wait3A_119 = tpu.memref_slice %arg4[%add3A_76, %dma_wait3A_118] : memref<2512x128xi32, #tpu.memory_space<hbm>> -> memref<1x128xi32, #tpu.memory_space<hbm>>
        %dma_wait3A_120 = tpu.memref_squeeze %dma_wait3A_119 : memref<1x128xi32, #tpu.memory_space<hbm>> -> memref<128xi32, #tpu.memory_space<hbm>>
        tpu.wait_dma2 semaphore(%arg20 : memref<!tpu.dma_semaphore, #tpu.memory_space<semaphore_mem>>) src(%dma_wait3A_120 : memref<128xi32, #tpu.memory_space<hbm>>) dst(%arg11 : memref<128xi32, #tpu.memory_space<vmem>>)
        %dma_start3A_121 = arith.constant 0 : i32
        %dma_start3A_122 = arith.constant 0 : i32
        %dma_start3A_123 = tpu.memref_slice %arg16[%dma_start3A_121, %dma_start3A_122] : memref<10240x64xf32, #tpu.memory_space<vmem_shared>> -> memref<10240x64xf32, #tpu.memory_space<vmem_shared>>
        tpu.enqueue_indirect_dma source(%arg13 : memref<128x64xf32, #tpu.memory_space<vmem>>) target(%dma_start3A_123 : memref<10240x64xf32, #tpu.memory_space<vmem_shared>>) offsets(%arg11 : memref<128xi32, #tpu.memory_space<vmem>>) semaphore(%arg24 : memref<!tpu.dma_semaphore, #tpu.memory_space<semaphore_mem>>) {add = true}
        %dma_wait3A_124 = arith.constant 0 : i32
        %dma_wait3A_125 = arith.constant 0 : i32
        %dma_wait3A_126 = tpu.memref_slice %arg16[%dma_wait3A_124, %dma_wait3A_125] : memref<10240x64xf32, #tpu.memory_space<vmem_shared>> -> memref<10240x64xf32, #tpu.memory_space<vmem_shared>>
        tpu.wait_indirect_dma semaphore(%arg23 : memref<!tpu.dma_semaphore, #tpu.memory_space<semaphore_mem>>) src(%arg12 : memref<128x64xf32, #tpu.memory_space<vmem>>) dst(%dma_wait3A_126 : memref<10240x64xf32, #tpu.memory_space<vmem_shared>>)
        %dma_wait3A_127 = arith.constant 0 : i32
        %dma_wait3A_128 = arith.constant 0 : i32
        %dma_wait3A_129 = tpu.memref_slice %arg16[%dma_wait3A_127, %dma_wait3A_128] : memref<10240x64xf32, #tpu.memory_space<vmem_shared>> -> memref<10240x64xf32, #tpu.memory_space<vmem_shared>>
        tpu.wait_indirect_dma semaphore(%arg24 : memref<!tpu.dma_semaphore, #tpu.memory_space<semaphore_mem>>) src(%arg13 : memref<128x64xf32, #tpu.memory_space<vmem>>) dst(%dma_wait3A_129 : memref<10240x64xf32, #tpu.memory_space<vmem_shared>>)
      } else {
      }
      %mul3A_46 = arith.constant 2 : i32
      %mul3A_47 = arith.muli %mul3A_46, %scan3A_35 : i32
      %lt3A_48 = arith.cmpi slt, %mul3A_47, %select_n3A : i32
      %mul3A_49 = arith.constant 2 : i32
      %mul3A_50 = arith.muli %mul3A_49, %scan3A_35 : i32
      %add3A_51 = arith.constant 1 : i32
      %add3A_52 = arith.addi %mul3A_50, %add3A_51 : i32
      %ge3A = arith.cmpi sge, %add3A_52, %select_n3A : i32
      %and3A = arith.andi %lt3A_48, %ge3A : i1
      %convert_element_type3A_53 = arith.extui %and3A : i1 to i32
      %cond3A_54 = arith.constant 0 : i32
      %cond3A_55 = arith.cmpi ne, %convert_element_type3A_53, %cond3A_54 : i32
      scf.if %cond3A_55 {
        "tpu.region"() ({
          %run_scoped3A = tpu.sem_alloc : memref<!tpu.dma_semaphore, #tpu.memory_space<semaphore_mem>>
          %dma_start3A = arith.constant 0 : i32
          %dma_start3A_56 = tpu.memref_slice %arg3[%add3A_38, %dma_start3A] : memref<2512x128xi32, #tpu.memory_space<hbm>> -> memref<1x128xi32, #tpu.memory_space<hbm>>
          %dma_start3A_57 = tpu.memref_squeeze %dma_start3A_56 : memref<1x128xi32, #tpu.memory_space<hbm>> -> memref<128xi32, #tpu.memory_space<hbm>>
          %dma_start3A_58 = arith.constant 0 : i32
          %dma_start3A_59 = tpu.memref_slice %arg3[%add3A_38, %dma_start3A_58] : memref<2512x128xi32, #tpu.memory_space<hbm>> -> memref<1x128xi32, #tpu.memory_space<hbm>>
          %dma_start3A_60 = tpu.memref_squeeze %dma_start3A_59 : memref<1x128xi32, #tpu.memory_space<hbm>> -> memref<128xi32, #tpu.memory_space<hbm>>
          tpu.enqueue_dma source(%dma_start3A_60 : memref<128xi32, #tpu.memory_space<hbm>>) target(%arg8 : memref<128xi32, #tpu.memory_space<vmem>>) target_semaphore(%run_scoped3A : memref<!tpu.dma_semaphore, #tpu.memory_space<semaphore_mem>>)
          %dma_wait3A = arith.constant 0 : i32
          %dma_wait3A_61 = tpu.memref_slice %arg3[%add3A_38, %dma_wait3A] : memref<2512x128xi32, #tpu.memory_space<hbm>> -> memref<1x128xi32, #tpu.memory_space<hbm>>
          %dma_wait3A_62 = tpu.memref_squeeze %dma_wait3A_61 : memref<1x128xi32, #tpu.memory_space<hbm>> -> memref<128xi32, #tpu.memory_space<hbm>>
          %dma_wait3A_63 = arith.constant 0 : i32
          %dma_wait3A_64 = tpu.memref_slice %arg3[%add3A_38, %dma_wait3A_63] : memref<2512x128xi32, #tpu.memory_space<hbm>> -> memref<1x128xi32, #tpu.memory_space<hbm>>
          %dma_wait3A_65 = tpu.memref_squeeze %dma_wait3A_64 : memref<1x128xi32, #tpu.memory_space<hbm>> -> memref<128xi32, #tpu.memory_space<hbm>>
          tpu.wait_dma2 semaphore(%run_scoped3A : memref<!tpu.dma_semaphore, #tpu.memory_space<semaphore_mem>>) src(%dma_wait3A_65 : memref<128xi32, #tpu.memory_space<hbm>>) dst(%arg8 : memref<128xi32, #tpu.memory_space<vmem>>)
          tpu.yield
        }) : () -> ()
        "tpu.region"() ({
          %run_scoped3A = tpu.sem_alloc : memref<!tpu.dma_semaphore, #tpu.memory_space<semaphore_mem>>
          %dma_start3A = arith.constant 0 : i32
          %dma_start3A_56 = tpu.memref_slice %arg4[%add3A_38, %dma_start3A] : memref<2512x128xi32, #tpu.memory_space<hbm>> -> memref<1x128xi32, #tpu.memory_space<hbm>>
          %dma_start3A_57 = tpu.memref_squeeze %dma_start3A_56 : memref<1x128xi32, #tpu.memory_space<hbm>> -> memref<128xi32, #tpu.memory_space<hbm>>
          %dma_start3A_58 = arith.constant 0 : i32
          %dma_start3A_59 = tpu.memref_slice %arg4[%add3A_38, %dma_start3A_58] : memref<2512x128xi32, #tpu.memory_space<hbm>> -> memref<1x128xi32, #tpu.memory_space<hbm>>
          %dma_start3A_60 = tpu.memref_squeeze %dma_start3A_59 : memref<1x128xi32, #tpu.memory_space<hbm>> -> memref<128xi32, #tpu.memory_space<hbm>>
          tpu.enqueue_dma source(%dma_start3A_60 : memref<128xi32, #tpu.memory_space<hbm>>) target(%arg9 : memref<128xi32, #tpu.memory_space<vmem>>) target_semaphore(%run_scoped3A : memref<!tpu.dma_semaphore, #tpu.memory_space<semaphore_mem>>)
          %dma_wait3A = arith.constant 0 : i32
          %dma_wait3A_61 = tpu.memref_slice %arg4[%add3A_38, %dma_wait3A] : memref<2512x128xi32, #tpu.memory_space<hbm>> -> memref<1x128xi32, #tpu.memory_space<hbm>>
          %dma_wait3A_62 = tpu.memref_squeeze %dma_wait3A_61 : memref<1x128xi32, #tpu.memory_space<hbm>> -> memref<128xi32, #tpu.memory_space<hbm>>
          %dma_wait3A_63 = arith.constant 0 : i32
          %dma_wait3A_64 = tpu.memref_slice %arg4[%add3A_38, %dma_wait3A_63] : memref<2512x128xi32, #tpu.memory_space<hbm>> -> memref<1x128xi32, #tpu.memory_space<hbm>>
          %dma_wait3A_65 = tpu.memref_squeeze %dma_wait3A_64 : memref<1x128xi32, #tpu.memory_space<hbm>> -> memref<128xi32, #tpu.memory_space<hbm>>
          tpu.wait_dma2 semaphore(%run_scoped3A : memref<!tpu.dma_semaphore, #tpu.memory_space<semaphore_mem>>) src(%dma_wait3A_65 : memref<128xi32, #tpu.memory_space<hbm>>) dst(%arg9 : memref<128xi32, #tpu.memory_space<vmem>>)
          tpu.yield
        }) : () -> ()
        "tpu.region"() ({
          %run_scoped3A = tpu.sem_alloc : memref<!tpu.dma_semaphore, #tpu.memory_space<semaphore_mem>>
          %dma_start3A = arith.constant 0 : i32
          %dma_start3A_56 = arith.constant 0 : i32
          %dma_start3A_57 = tpu.memref_slice %arg2[%dma_start3A, %dma_start3A_56] : memref<10240x64xf32, #tpu.memory_space<hbm>> -> memref<10240x64xf32, #tpu.memory_space<hbm>>
          tpu.enqueue_indirect_dma source(%dma_start3A_57 : memref<10240x64xf32, #tpu.memory_space<hbm>>) target(%arg12 : memref<128x64xf32, #tpu.memory_space<vmem>>) offsets(%arg8 : memref<128xi32, #tpu.memory_space<vmem>>) semaphore(%run_scoped3A : memref<!tpu.dma_semaphore, #tpu.memory_space<semaphore_mem>>)
          %dma_wait3A = arith.constant 0 : i32
          %dma_wait3A_58 = arith.constant 0 : i32
          %dma_wait3A_59 = tpu.memref_slice %arg2[%dma_wait3A, %dma_wait3A_58] : memref<10240x64xf32, #tpu.memory_space<hbm>> -> memref<10240x64xf32, #tpu.memory_space<hbm>>
          tpu.wait_indirect_dma semaphore(%run_scoped3A : memref<!tpu.dma_semaphore, #tpu.memory_space<semaphore_mem>>) src(%dma_wait3A_59 : memref<10240x64xf32, #tpu.memory_space<hbm>>) dst(%arg12 : memref<128x64xf32, #tpu.memory_space<vmem>>)
          tpu.yield
        }) : () -> ()
        "tpu.region"() ({
          %run_scoped3A = tpu.sem_alloc : memref<!tpu.dma_semaphore, #tpu.memory_space<semaphore_mem>>
          %dma_start3A = arith.constant 0 : i32
          %dma_start3A_56 = arith.constant 0 : i32
          %dma_start3A_57 = tpu.memref_slice %arg16[%dma_start3A, %dma_start3A_56] : memref<10240x64xf32, #tpu.memory_space<vmem_shared>> -> memref<10240x64xf32, #tpu.memory_space<vmem_shared>>
          tpu.enqueue_indirect_dma source(%arg12 : memref<128x64xf32, #tpu.memory_space<vmem>>) target(%dma_start3A_57 : memref<10240x64xf32, #tpu.memory_space<vmem_shared>>) offsets(%arg9 : memref<128xi32, #tpu.memory_space<vmem>>) semaphore(%run_scoped3A : memref<!tpu.dma_semaphore, #tpu.memory_space<semaphore_mem>>) {add = true}
          %dma_wait3A = arith.constant 0 : i32
          %dma_wait3A_58 = arith.constant 0 : i32
          %dma_wait3A_59 = tpu.memref_slice %arg16[%dma_wait3A, %dma_wait3A_58] : memref<10240x64xf32, #tpu.memory_space<vmem_shared>> -> memref<10240x64xf32, #tpu.memory_space<vmem_shared>>
          tpu.wait_indirect_dma semaphore(%run_scoped3A : memref<!tpu.dma_semaphore, #tpu.memory_space<semaphore_mem>>) src(%arg12 : memref<128x64xf32, #tpu.memory_space<vmem>>) dst(%dma_wait3A_59 : memref<10240x64xf32, #tpu.memory_space<vmem_shared>>)
          tpu.yield
        }) : () -> ()
      } else {
      }
    }
    %scan3A_25 = arith.constant 47 : i32
    %barrier3A_26 = arith.constant 0 : index
    tpu.barrier barrier_id(%barrier3A_26)
    "tpu.region"() ({
      %run_scoped3A = tpu.sem_alloc : memref<!tpu.dma_semaphore, #tpu.memory_space<semaphore_mem>>
      %dma_start3A = arith.constant 0 : i32
      %dma_start3A_35 = tpu.memref_slice %arg16[%mul3A_10, %dma_start3A] : memref<10240x64xf32, #tpu.memory_space<vmem_shared>> -> memref<640x64xf32, #tpu.memory_space<vmem_shared>>
      %dma_start3A_36 = arith.constant 0 : i32
      %dma_start3A_37 = tpu.memref_slice %arg16[%mul3A_10, %dma_start3A_36] : memref<10240x64xf32, #tpu.memory_space<vmem_shared>> -> memref<640x64xf32, #tpu.memory_space<vmem_shared>>
      tpu.enqueue_dma source(%dma_start3A_37 : memref<640x64xf32, #tpu.memory_space<vmem_shared>>) target(%arg15 : memref<640x64xf32, #tpu.memory_space<vmem>>) target_semaphore(%run_scoped3A : memref<!tpu.dma_semaphore, #tpu.memory_space<semaphore_mem>>)
      %dma_wait3A = arith.constant 0 : i32
      %dma_wait3A_38 = tpu.memref_slice %arg16[%mul3A_10, %dma_wait3A] : memref<10240x64xf32, #tpu.memory_space<vmem_shared>> -> memref<640x64xf32, #tpu.memory_space<vmem_shared>>
      %dma_wait3A_39 = arith.constant 0 : i32
      %dma_wait3A_40 = tpu.memref_slice %arg16[%mul3A_10, %dma_wait3A_39] : memref<10240x64xf32, #tpu.memory_space<vmem_shared>> -> memref<640x64xf32, #tpu.memory_space<vmem_shared>>
      tpu.wait_dma2 semaphore(%run_scoped3A : memref<!tpu.dma_semaphore, #tpu.memory_space<semaphore_mem>>) src(%dma_wait3A_40 : memref<640x64xf32, #tpu.memory_space<vmem_shared>>) dst(%arg15 : memref<640x64xf32, #tpu.memory_space<vmem>>)
      tpu.yield
    }) : () -> ()
    %eq3A_27 = arith.constant 0 : i32
    %eq3A_28 = arith.cmpi eq, %arg0, %eq3A_27 : i32
    %convert_element_type3A = arith.extui %eq3A_28 : i1 to i32
    %cond3A = arith.constant 0 : i32
    %cond3A_29 = arith.cmpi ne, %convert_element_type3A, %cond3A : i32
    scf.if %cond3A_29 {
      "tpu.region"() ({
        %run_scoped3A = tpu.sem_alloc : memref<!tpu.dma_semaphore, #tpu.memory_space<semaphore_mem>>
        %dma_start3A = arith.constant 0 : i32
        %dma_start3A_35 = tpu.memref_slice %arg6[%mul3A_10, %dma_start3A] : memref<10240x64xf32, #tpu.memory_space<hbm>> -> memref<640x64xf32, #tpu.memory_space<hbm>>
        %dma_start3A_36 = arith.constant 0 : i32
        %dma_start3A_37 = tpu.memref_slice %arg6[%mul3A_10, %dma_start3A_36] : memref<10240x64xf32, #tpu.memory_space<hbm>> -> memref<640x64xf32, #tpu.memory_space<hbm>>
        tpu.enqueue_dma source(%arg15 : memref<640x64xf32, #tpu.memory_space<vmem>>) target(%dma_start3A_37 : memref<640x64xf32, #tpu.memory_space<hbm>>) target_semaphore(%run_scoped3A : memref<!tpu.dma_semaphore, #tpu.memory_space<semaphore_mem>>)
        %dma_wait3A = arith.constant 0 : i32
        %dma_wait3A_38 = tpu.memref_slice %arg6[%mul3A_10, %dma_wait3A] : memref<10240x64xf32, #tpu.memory_space<hbm>> -> memref<640x64xf32, #tpu.memory_space<hbm>>
        %dma_wait3A_39 = arith.constant 0 : i32
        %dma_wait3A_40 = tpu.memref_slice %arg6[%mul3A_10, %dma_wait3A_39] : memref<10240x64xf32, #tpu.memory_space<hbm>> -> memref<640x64xf32, #tpu.memory_space<hbm>>
        tpu.wait_dma2 semaphore(%run_scoped3A : memref<!tpu.dma_semaphore, #tpu.memory_space<semaphore_mem>>) src(%arg15 : memref<640x64xf32, #tpu.memory_space<vmem>>) dst(%dma_wait3A_40 : memref<640x64xf32, #tpu.memory_space<hbm>>)
        tpu.yield
      }) : () -> ()
    } else {
    }
    %eq3A_30 = arith.constant 1 : i32
    %eq3A_31 = arith.cmpi eq, %arg0, %eq3A_30 : i32
    %convert_element_type3A_32 = arith.extui %eq3A_31 : i1 to i32
    %cond3A_33 = arith.constant 0 : i32
    %cond3A_34 = arith.cmpi ne, %convert_element_type3A_32, %cond3A_33 : i32
    scf.if %cond3A_34 {
      "tpu.region"() ({
        %run_scoped3A = tpu.sem_alloc : memref<!tpu.dma_semaphore, #tpu.memory_space<semaphore_mem>>
        %dma_start3A = arith.constant 0 : i32
        %dma_start3A_35 = tpu.memref_slice %arg7[%mul3A_10, %dma_start3A] : memref<10240x64xf32, #tpu.memory_space<hbm>> -> memref<640x64xf32, #tpu.memory_space<hbm>>
        %dma_start3A_36 = arith.constant 0 : i32
        %dma_start3A_37 = tpu.memref_slice %arg7[%mul3A_10, %dma_start3A_36] : memref<10240x64xf32, #tpu.memory_space<hbm>> -> memref<640x64xf32, #tpu.memory_space<hbm>>
        tpu.enqueue_dma source(%arg15 : memref<640x64xf32, #tpu.memory_space<vmem>>) target(%dma_start3A_37 : memref<640x64xf32, #tpu.memory_space<hbm>>) target_semaphore(%run_scoped3A : memref<!tpu.dma_semaphore, #tpu.memory_space<semaphore_mem>>)
        %dma_wait3A = arith.constant 0 : i32
        %dma_wait3A_38 = tpu.memref_slice %arg7[%mul3A_10, %dma_wait3A] : memref<10240x64xf32, #tpu.memory_space<hbm>> -> memref<640x64xf32, #tpu.memory_space<hbm>>
        %dma_wait3A_39 = arith.constant 0 : i32
        %dma_wait3A_40 = tpu.memref_slice %arg7[%mul3A_10, %dma_wait3A_39] : memref<10240x64xf32, #tpu.memory_space<hbm>> -> memref<640x64xf32, #tpu.memory_space<hbm>>
        tpu.wait_dma2 semaphore(%run_scoped3A : memref<!tpu.dma_semaphore, #tpu.memory_space<semaphore_mem>>) src(%arg15 : memref<640x64xf32, #tpu.memory_space<vmem>>) dst(%dma_wait3A_40 : memref<640x64xf32, #tpu.memory_space<hbm>>)
        tpu.yield
      }) : () -> ()
    } else {
    }
    return
  }
}

#map = affine_map<(d0, d1) -> (0, 0)>
module attributes {stable_mosaic.version = 14 : i64} {
  func.func @deg_kernel(%arg0: i32, %arg1: i32, %arg2: memref<2512x128xi32, #tpu.memory_space<hbm>>, %arg3: memref<128x16xf32, #tpu.memory_space<hbm>>, %arg4: memref<128x16xf32, #tpu.memory_space<hbm>>, %arg5: memref<10240x16xf32, #tpu.memory_space<hbm>>, %arg6: memref<10240x16xf32, #tpu.memory_space<hbm>>, %arg7: memref<128xi32, #tpu.memory_space<vmem>>, %arg8: memref<128xi32, #tpu.memory_space<vmem>>, %arg9: memref<128x16xf32, #tpu.memory_space<vmem>>, %arg10: memref<128x16xf32, #tpu.memory_space<vmem>>, %arg11: memref<640x16xf32, #tpu.memory_space<vmem>>, %arg12: memref<10240x16xf32, #tpu.memory_space<vmem_shared>>, %arg13: memref<!tpu.dma_semaphore, #tpu.memory_space<semaphore_mem>>, %arg14: memref<!tpu.dma_semaphore, #tpu.memory_space<semaphore_mem>>, %arg15: memref<!tpu.dma_semaphore, #tpu.memory_space<semaphore_mem>>, %arg16: memref<!tpu.dma_semaphore, #tpu.memory_space<semaphore_mem>>) attributes {dimension_semantics = [#tpu.dimension_semantics<core_parallel>, #tpu.dimension_semantics<subcore_parallel>], iteration_bounds = array<i64: 2, 16>, scalar_prefetch = 0 : i64, scratch_operands = 10 : i64, tpu.core_type = #tpu.core_type<sc_vector_subcore>, window_params = [{transform_indices = #map}, {transform_indices = #map}, {transform_indices = #map}, {transform_indices = #map}, {transform_indices = #map}]} {
    %eq3A = arith.constant 0 : i32
    %eq3A_0 = arith.cmpi eq, %arg0, %eq3A : i32
    %jit3A = arith.constant 94 : i32
    %jit3A_1 = arith.constant 63 : i32
    %select_n3A = arith.select %eq3A_0, %jit3A, %jit3A_1 : i32
    %eq3A_2 = arith.constant 0 : i32
    %eq3A_3 = arith.cmpi eq, %arg0, %eq3A_2 : i32
    %mul3A = arith.constant 94 : i32
    %mul3A_4 = arith.muli %arg1, %mul3A : i32
    %mul3A_5 = arith.constant 63 : i32
    %mul3A_6 = arith.muli %arg1, %mul3A_5 : i32
    %add3A = arith.constant 1504 : i32
    %add3A_7 = arith.addi %add3A, %mul3A_6 : i32
    %select_n3A_8 = arith.select %eq3A_3, %mul3A_4, %add3A_7 : i32
    "tpu.region"() ({
      %run_scoped3A = tpu.sem_alloc : memref<!tpu.dma_semaphore, #tpu.memory_space<semaphore_mem>>
      tpu.enqueue_dma source(%arg3 : memref<128x16xf32, #tpu.memory_space<hbm>>) target(%arg9 : memref<128x16xf32, #tpu.memory_space<vmem>>) target_semaphore(%run_scoped3A : memref<!tpu.dma_semaphore, #tpu.memory_space<semaphore_mem>>)
      tpu.wait_dma2 semaphore(%run_scoped3A : memref<!tpu.dma_semaphore, #tpu.memory_space<semaphore_mem>>) src(%arg3 : memref<128x16xf32, #tpu.memory_space<hbm>>) dst(%arg9 : memref<128x16xf32, #tpu.memory_space<vmem>>)
      tpu.yield
    }) : () -> ()
    "tpu.region"() ({
      %run_scoped3A = tpu.sem_alloc : memref<!tpu.dma_semaphore, #tpu.memory_space<semaphore_mem>>
      tpu.enqueue_dma source(%arg4 : memref<128x16xf32, #tpu.memory_space<hbm>>) target(%arg10 : memref<128x16xf32, #tpu.memory_space<vmem>>) target_semaphore(%run_scoped3A : memref<!tpu.dma_semaphore, #tpu.memory_space<semaphore_mem>>)
      tpu.wait_dma2 semaphore(%run_scoped3A : memref<!tpu.dma_semaphore, #tpu.memory_space<semaphore_mem>>) src(%arg4 : memref<128x16xf32, #tpu.memory_space<hbm>>) dst(%arg10 : memref<128x16xf32, #tpu.memory_space<vmem>>)
      tpu.yield
    }) : () -> ()
    %mul3A_9 = arith.constant 640 : i32
    %mul3A_10 = arith.muli %arg1, %mul3A_9 : i32
    %add3A_11 = arith.constant 0 : i32
    %add3A_12 = arith.addi %mul3A_10, %add3A_11 : i32
    "tpu.region"() ({
      %run_scoped3A = tpu.sem_alloc : memref<!tpu.dma_semaphore, #tpu.memory_space<semaphore_mem>>
      %dma_start3A = arith.constant 0 : i32
      %dma_start3A_35 = tpu.memref_slice %arg12[%add3A_12, %dma_start3A] : memref<10240x16xf32, #tpu.memory_space<vmem_shared>> -> memref<128x16xf32, #tpu.memory_space<vmem_shared>>
      %dma_start3A_36 = arith.constant 0 : i32
      %dma_start3A_37 = tpu.memref_slice %arg12[%add3A_12, %dma_start3A_36] : memref<10240x16xf32, #tpu.memory_space<vmem_shared>> -> memref<128x16xf32, #tpu.memory_space<vmem_shared>>
      tpu.enqueue_dma source(%arg10 : memref<128x16xf32, #tpu.memory_space<vmem>>) target(%dma_start3A_37 : memref<128x16xf32, #tpu.memory_space<vmem_shared>>) target_semaphore(%run_scoped3A : memref<!tpu.dma_semaphore, #tpu.memory_space<semaphore_mem>>)
      %dma_wait3A = arith.constant 0 : i32
      %dma_wait3A_38 = tpu.memref_slice %arg12[%add3A_12, %dma_wait3A] : memref<10240x16xf32, #tpu.memory_space<vmem_shared>> -> memref<128x16xf32, #tpu.memory_space<vmem_shared>>
      %dma_wait3A_39 = arith.constant 0 : i32
      %dma_wait3A_40 = tpu.memref_slice %arg12[%add3A_12, %dma_wait3A_39] : memref<10240x16xf32, #tpu.memory_space<vmem_shared>> -> memref<128x16xf32, #tpu.memory_space<vmem_shared>>
      tpu.wait_dma2 semaphore(%run_scoped3A : memref<!tpu.dma_semaphore, #tpu.memory_space<semaphore_mem>>) src(%arg10 : memref<128x16xf32, #tpu.memory_space<vmem>>) dst(%dma_wait3A_40 : memref<128x16xf32, #tpu.memory_space<vmem_shared>>)
      tpu.yield
    }) : () -> ()
    %add3A_13 = arith.constant 128 : i32
    %add3A_14 = arith.addi %mul3A_10, %add3A_13 : i32
    "tpu.region"() ({
      %run_scoped3A = tpu.sem_alloc : memref<!tpu.dma_semaphore, #tpu.memory_space<semaphore_mem>>
      %dma_start3A = arith.constant 0 : i32
      %dma_start3A_35 = tpu.memref_slice %arg12[%add3A_14, %dma_start3A] : memref<10240x16xf32, #tpu.memory_space<vmem_shared>> -> memref<128x16xf32, #tpu.memory_space<vmem_shared>>
      %dma_start3A_36 = arith.constant 0 : i32
      %dma_start3A_37 = tpu.memref_slice %arg12[%add3A_14, %dma_start3A_36] : memref<10240x16xf32, #tpu.memory_space<vmem_shared>> -> memref<128x16xf32, #tpu.memory_space<vmem_shared>>
      tpu.enqueue_dma source(%arg10 : memref<128x16xf32, #tpu.memory_space<vmem>>) target(%dma_start3A_37 : memref<128x16xf32, #tpu.memory_space<vmem_shared>>) target_semaphore(%run_scoped3A : memref<!tpu.dma_semaphore, #tpu.memory_space<semaphore_mem>>)
      %dma_wait3A = arith.constant 0 : i32
      %dma_wait3A_38 = tpu.memref_slice %arg12[%add3A_14, %dma_wait3A] : memref<10240x16xf32, #tpu.memory_space<vmem_shared>> -> memref<128x16xf32, #tpu.memory_space<vmem_shared>>
      %dma_wait3A_39 = arith.constant 0 : i32
      %dma_wait3A_40 = tpu.memref_slice %arg12[%add3A_14, %dma_wait3A_39] : memref<10240x16xf32, #tpu.memory_space<vmem_shared>> -> memref<128x16xf32, #tpu.memory_space<vmem_shared>>
      tpu.wait_dma2 semaphore(%run_scoped3A : memref<!tpu.dma_semaphore, #tpu.memory_space<semaphore_mem>>) src(%arg10 : memref<128x16xf32, #tpu.memory_space<vmem>>) dst(%dma_wait3A_40 : memref<128x16xf32, #tpu.memory_space<vmem_shared>>)
      tpu.yield
    }) : () -> ()
    %add3A_15 = arith.constant 256 : i32
    %add3A_16 = arith.addi %mul3A_10, %add3A_15 : i32
    "tpu.region"() ({
      %run_scoped3A = tpu.sem_alloc : memref<!tpu.dma_semaphore, #tpu.memory_space<semaphore_mem>>
      %dma_start3A = arith.constant 0 : i32
      %dma_start3A_35 = tpu.memref_slice %arg12[%add3A_16, %dma_start3A] : memref<10240x16xf32, #tpu.memory_space<vmem_shared>> -> memref<128x16xf32, #tpu.memory_space<vmem_shared>>
      %dma_start3A_36 = arith.constant 0 : i32
      %dma_start3A_37 = tpu.memref_slice %arg12[%add3A_16, %dma_start3A_36] : memref<10240x16xf32, #tpu.memory_space<vmem_shared>> -> memref<128x16xf32, #tpu.memory_space<vmem_shared>>
      tpu.enqueue_dma source(%arg10 : memref<128x16xf32, #tpu.memory_space<vmem>>) target(%dma_start3A_37 : memref<128x16xf32, #tpu.memory_space<vmem_shared>>) target_semaphore(%run_scoped3A : memref<!tpu.dma_semaphore, #tpu.memory_space<semaphore_mem>>)
      %dma_wait3A = arith.constant 0 : i32
      %dma_wait3A_38 = tpu.memref_slice %arg12[%add3A_16, %dma_wait3A] : memref<10240x16xf32, #tpu.memory_space<vmem_shared>> -> memref<128x16xf32, #tpu.memory_space<vmem_shared>>
      %dma_wait3A_39 = arith.constant 0 : i32
      %dma_wait3A_40 = tpu.memref_slice %arg12[%add3A_16, %dma_wait3A_39] : memref<10240x16xf32, #tpu.memory_space<vmem_shared>> -> memref<128x16xf32, #tpu.memory_space<vmem_shared>>
      tpu.wait_dma2 semaphore(%run_scoped3A : memref<!tpu.dma_semaphore, #tpu.memory_space<semaphore_mem>>) src(%arg10 : memref<128x16xf32, #tpu.memory_space<vmem>>) dst(%dma_wait3A_40 : memref<128x16xf32, #tpu.memory_space<vmem_shared>>)
      tpu.yield
    }) : () -> ()
    %add3A_17 = arith.constant 384 : i32
    %add3A_18 = arith.addi %mul3A_10, %add3A_17 : i32
    "tpu.region"() ({
      %run_scoped3A = tpu.sem_alloc : memref<!tpu.dma_semaphore, #tpu.memory_space<semaphore_mem>>
      %dma_start3A = arith.constant 0 : i32
      %dma_start3A_35 = tpu.memref_slice %arg12[%add3A_18, %dma_start3A] : memref<10240x16xf32, #tpu.memory_space<vmem_shared>> -> memref<128x16xf32, #tpu.memory_space<vmem_shared>>
      %dma_start3A_36 = arith.constant 0 : i32
      %dma_start3A_37 = tpu.memref_slice %arg12[%add3A_18, %dma_start3A_36] : memref<10240x16xf32, #tpu.memory_space<vmem_shared>> -> memref<128x16xf32, #tpu.memory_space<vmem_shared>>
      tpu.enqueue_dma source(%arg10 : memref<128x16xf32, #tpu.memory_space<vmem>>) target(%dma_start3A_37 : memref<128x16xf32, #tpu.memory_space<vmem_shared>>) target_semaphore(%run_scoped3A : memref<!tpu.dma_semaphore, #tpu.memory_space<semaphore_mem>>)
      %dma_wait3A = arith.constant 0 : i32
      %dma_wait3A_38 = tpu.memref_slice %arg12[%add3A_18, %dma_wait3A] : memref<10240x16xf32, #tpu.memory_space<vmem_shared>> -> memref<128x16xf32, #tpu.memory_space<vmem_shared>>
      %dma_wait3A_39 = arith.constant 0 : i32
      %dma_wait3A_40 = tpu.memref_slice %arg12[%add3A_18, %dma_wait3A_39] : memref<10240x16xf32, #tpu.memory_space<vmem_shared>> -> memref<128x16xf32, #tpu.memory_space<vmem_shared>>
      tpu.wait_dma2 semaphore(%run_scoped3A : memref<!tpu.dma_semaphore, #tpu.memory_space<semaphore_mem>>) src(%arg10 : memref<128x16xf32, #tpu.memory_space<vmem>>) dst(%dma_wait3A_40 : memref<128x16xf32, #tpu.memory_space<vmem_shared>>)
      tpu.yield
    }) : () -> ()
    %add3A_19 = arith.constant 512 : i32
    %add3A_20 = arith.addi %mul3A_10, %add3A_19 : i32
    "tpu.region"() ({
      %run_scoped3A = tpu.sem_alloc : memref<!tpu.dma_semaphore, #tpu.memory_space<semaphore_mem>>
      %dma_start3A = arith.constant 0 : i32
      %dma_start3A_35 = tpu.memref_slice %arg12[%add3A_20, %dma_start3A] : memref<10240x16xf32, #tpu.memory_space<vmem_shared>> -> memref<128x16xf32, #tpu.memory_space<vmem_shared>>
      %dma_start3A_36 = arith.constant 0 : i32
      %dma_start3A_37 = tpu.memref_slice %arg12[%add3A_20, %dma_start3A_36] : memref<10240x16xf32, #tpu.memory_space<vmem_shared>> -> memref<128x16xf32, #tpu.memory_space<vmem_shared>>
      tpu.enqueue_dma source(%arg10 : memref<128x16xf32, #tpu.memory_space<vmem>>) target(%dma_start3A_37 : memref<128x16xf32, #tpu.memory_space<vmem_shared>>) target_semaphore(%run_scoped3A : memref<!tpu.dma_semaphore, #tpu.memory_space<semaphore_mem>>)
      %dma_wait3A = arith.constant 0 : i32
      %dma_wait3A_38 = tpu.memref_slice %arg12[%add3A_20, %dma_wait3A] : memref<10240x16xf32, #tpu.memory_space<vmem_shared>> -> memref<128x16xf32, #tpu.memory_space<vmem_shared>>
      %dma_wait3A_39 = arith.constant 0 : i32
      %dma_wait3A_40 = tpu.memref_slice %arg12[%add3A_20, %dma_wait3A_39] : memref<10240x16xf32, #tpu.memory_space<vmem_shared>> -> memref<128x16xf32, #tpu.memory_space<vmem_shared>>
      tpu.wait_dma2 semaphore(%run_scoped3A : memref<!tpu.dma_semaphore, #tpu.memory_space<semaphore_mem>>) src(%arg10 : memref<128x16xf32, #tpu.memory_space<vmem>>) dst(%dma_wait3A_40 : memref<128x16xf32, #tpu.memory_space<vmem_shared>>)
      tpu.yield
    }) : () -> ()
    %barrier3A = arith.constant 0 : index
    tpu.barrier barrier_id(%barrier3A)
    %scan3A = arith.constant 0 : i32
    %scan3A_21 = arith.constant 0 : i32
    %scan3A_22 = arith.constant 47 : i32
    %scan3A_23 = arith.addi %scan3A_21, %scan3A_22 : i32
    %scan3A_24 = arith.constant 1 : i32
    scf.for %scan3A_35 = %scan3A_21 to %scan3A_23 step %scan3A_24  : i32 {
      %mul3A_36 = arith.constant 2 : i32
      %mul3A_37 = arith.muli %mul3A_36, %scan3A_35 : i32
      %add3A_38 = arith.addi %select_n3A_8, %mul3A_37 : i32
      %mul3A_39 = arith.constant 2 : i32
      %mul3A_40 = arith.muli %mul3A_39, %scan3A_35 : i32
      %add3A_41 = arith.constant 1 : i32
      %add3A_42 = arith.addi %mul3A_40, %add3A_41 : i32
      %lt3A = arith.cmpi slt, %add3A_42, %select_n3A : i32
      %convert_element_type3A_43 = arith.extui %lt3A : i1 to i32
      %cond3A_44 = arith.constant 0 : i32
      %cond3A_45 = arith.cmpi ne, %convert_element_type3A_43, %cond3A_44 : i32
      scf.if %cond3A_45 {
        %dma_start3A = arith.constant 0 : i32
        %dma_start3A_56 = tpu.memref_slice %arg2[%add3A_38, %dma_start3A] : memref<2512x128xi32, #tpu.memory_space<hbm>> -> memref<1x128xi32, #tpu.memory_space<hbm>>
        %dma_start3A_57 = tpu.memref_squeeze %dma_start3A_56 : memref<1x128xi32, #tpu.memory_space<hbm>> -> memref<128xi32, #tpu.memory_space<hbm>>
        %dma_start3A_58 = arith.constant 0 : i32
        %dma_start3A_59 = tpu.memref_slice %arg2[%add3A_38, %dma_start3A_58] : memref<2512x128xi32, #tpu.memory_space<hbm>> -> memref<1x128xi32, #tpu.memory_space<hbm>>
        %dma_start3A_60 = tpu.memref_squeeze %dma_start3A_59 : memref<1x128xi32, #tpu.memory_space<hbm>> -> memref<128xi32, #tpu.memory_space<hbm>>
        tpu.enqueue_dma source(%dma_start3A_60 : memref<128xi32, #tpu.memory_space<hbm>>) target(%arg7 : memref<128xi32, #tpu.memory_space<vmem>>) target_semaphore(%arg13 : memref<!tpu.dma_semaphore, #tpu.memory_space<semaphore_mem>>)
        %add3A_61 = arith.constant 1 : i32
        %add3A_62 = arith.addi %add3A_38, %add3A_61 : i32
        %dma_start3A_63 = arith.constant 0 : i32
        %dma_start3A_64 = tpu.memref_slice %arg2[%add3A_62, %dma_start3A_63] : memref<2512x128xi32, #tpu.memory_space<hbm>> -> memref<1x128xi32, #tpu.memory_space<hbm>>
        %dma_start3A_65 = tpu.memref_squeeze %dma_start3A_64 : memref<1x128xi32, #tpu.memory_space<hbm>> -> memref<128xi32, #tpu.memory_space<hbm>>
        %dma_start3A_66 = arith.constant 0 : i32
        %dma_start3A_67 = tpu.memref_slice %arg2[%add3A_62, %dma_start3A_66] : memref<2512x128xi32, #tpu.memory_space<hbm>> -> memref<1x128xi32, #tpu.memory_space<hbm>>
        %dma_start3A_68 = tpu.memref_squeeze %dma_start3A_67 : memref<1x128xi32, #tpu.memory_space<hbm>> -> memref<128xi32, #tpu.memory_space<hbm>>
        tpu.enqueue_dma source(%dma_start3A_68 : memref<128xi32, #tpu.memory_space<hbm>>) target(%arg8 : memref<128xi32, #tpu.memory_space<vmem>>) target_semaphore(%arg14 : memref<!tpu.dma_semaphore, #tpu.memory_space<semaphore_mem>>)
        %dma_wait3A = arith.constant 0 : i32
        %dma_wait3A_69 = tpu.memref_slice %arg2[%add3A_38, %dma_wait3A] : memref<2512x128xi32, #tpu.memory_space<hbm>> -> memref<1x128xi32, #tpu.memory_space<hbm>>
        %dma_wait3A_70 = tpu.memref_squeeze %dma_wait3A_69 : memref<1x128xi32, #tpu.memory_space<hbm>> -> memref<128xi32, #tpu.memory_space<hbm>>
        %dma_wait3A_71 = arith.constant 0 : i32
        %dma_wait3A_72 = tpu.memref_slice %arg2[%add3A_38, %dma_wait3A_71] : memref<2512x128xi32, #tpu.memory_space<hbm>> -> memref<1x128xi32, #tpu.memory_space<hbm>>
        %dma_wait3A_73 = tpu.memref_squeeze %dma_wait3A_72 : memref<1x128xi32, #tpu.memory_space<hbm>> -> memref<128xi32, #tpu.memory_space<hbm>>
        tpu.wait_dma2 semaphore(%arg13 : memref<!tpu.dma_semaphore, #tpu.memory_space<semaphore_mem>>) src(%dma_wait3A_73 : memref<128xi32, #tpu.memory_space<hbm>>) dst(%arg7 : memref<128xi32, #tpu.memory_space<vmem>>)
        %dma_start3A_74 = arith.constant 0 : i32
        %dma_start3A_75 = arith.constant 0 : i32
        %dma_start3A_76 = tpu.memref_slice %arg12[%dma_start3A_74, %dma_start3A_75] : memref<10240x16xf32, #tpu.memory_space<vmem_shared>> -> memref<10240x16xf32, #tpu.memory_space<vmem_shared>>
        tpu.enqueue_indirect_dma source(%arg9 : memref<128x16xf32, #tpu.memory_space<vmem>>) target(%dma_start3A_76 : memref<10240x16xf32, #tpu.memory_space<vmem_shared>>) offsets(%arg7 : memref<128xi32, #tpu.memory_space<vmem>>) semaphore(%arg15 : memref<!tpu.dma_semaphore, #tpu.memory_space<semaphore_mem>>) {add = true}
        %dma_wait3A_77 = arith.constant 0 : i32
        %dma_wait3A_78 = tpu.memref_slice %arg2[%add3A_62, %dma_wait3A_77] : memref<2512x128xi32, #tpu.memory_space<hbm>> -> memref<1x128xi32, #tpu.memory_space<hbm>>
        %dma_wait3A_79 = tpu.memref_squeeze %dma_wait3A_78 : memref<1x128xi32, #tpu.memory_space<hbm>> -> memref<128xi32, #tpu.memory_space<hbm>>
        %dma_wait3A_80 = arith.constant 0 : i32
        %dma_wait3A_81 = tpu.memref_slice %arg2[%add3A_62, %dma_wait3A_80] : memref<2512x128xi32, #tpu.memory_space<hbm>> -> memref<1x128xi32, #tpu.memory_space<hbm>>
        %dma_wait3A_82 = tpu.memref_squeeze %dma_wait3A_81 : memref<1x128xi32, #tpu.memory_space<hbm>> -> memref<128xi32, #tpu.memory_space<hbm>>
        tpu.wait_dma2 semaphore(%arg14 : memref<!tpu.dma_semaphore, #tpu.memory_space<semaphore_mem>>) src(%dma_wait3A_82 : memref<128xi32, #tpu.memory_space<hbm>>) dst(%arg8 : memref<128xi32, #tpu.memory_space<vmem>>)
        %dma_start3A_83 = arith.constant 0 : i32
        %dma_start3A_84 = arith.constant 0 : i32
        %dma_start3A_85 = tpu.memref_slice %arg12[%dma_start3A_83, %dma_start3A_84] : memref<10240x16xf32, #tpu.memory_space<vmem_shared>> -> memref<10240x16xf32, #tpu.memory_space<vmem_shared>>
        tpu.enqueue_indirect_dma source(%arg9 : memref<128x16xf32, #tpu.memory_space<vmem>>) target(%dma_start3A_85 : memref<10240x16xf32, #tpu.memory_space<vmem_shared>>) offsets(%arg8 : memref<128xi32, #tpu.memory_space<vmem>>) semaphore(%arg16 : memref<!tpu.dma_semaphore, #tpu.memory_space<semaphore_mem>>) {add = true}
        %dma_wait3A_86 = arith.constant 0 : i32
        %dma_wait3A_87 = arith.constant 0 : i32
        %dma_wait3A_88 = tpu.memref_slice %arg12[%dma_wait3A_86, %dma_wait3A_87] : memref<10240x16xf32, #tpu.memory_space<vmem_shared>> -> memref<10240x16xf32, #tpu.memory_space<vmem_shared>>
        tpu.wait_indirect_dma semaphore(%arg15 : memref<!tpu.dma_semaphore, #tpu.memory_space<semaphore_mem>>) src(%arg9 : memref<128x16xf32, #tpu.memory_space<vmem>>) dst(%dma_wait3A_88 : memref<10240x16xf32, #tpu.memory_space<vmem_shared>>)
        %dma_wait3A_89 = arith.constant 0 : i32
        %dma_wait3A_90 = arith.constant 0 : i32
        %dma_wait3A_91 = tpu.memref_slice %arg12[%dma_wait3A_89, %dma_wait3A_90] : memref<10240x16xf32, #tpu.memory_space<vmem_shared>> -> memref<10240x16xf32, #tpu.memory_space<vmem_shared>>
        tpu.wait_indirect_dma semaphore(%arg16 : memref<!tpu.dma_semaphore, #tpu.memory_space<semaphore_mem>>) src(%arg9 : memref<128x16xf32, #tpu.memory_space<vmem>>) dst(%dma_wait3A_91 : memref<10240x16xf32, #tpu.memory_space<vmem_shared>>)
      } else {
      }
      %mul3A_46 = arith.constant 2 : i32
      %mul3A_47 = arith.muli %mul3A_46, %scan3A_35 : i32
      %lt3A_48 = arith.cmpi slt, %mul3A_47, %select_n3A : i32
      %mul3A_49 = arith.constant 2 : i32
      %mul3A_50 = arith.muli %mul3A_49, %scan3A_35 : i32
      %add3A_51 = arith.constant 1 : i32
      %add3A_52 = arith.addi %mul3A_50, %add3A_51 : i32
      %ge3A = arith.cmpi sge, %add3A_52, %select_n3A : i32
      %and3A = arith.andi %lt3A_48, %ge3A : i1
      %convert_element_type3A_53 = arith.extui %and3A : i1 to i32
      %cond3A_54 = arith.constant 0 : i32
      %cond3A_55 = arith.cmpi ne, %convert_element_type3A_53, %cond3A_54 : i32
      scf.if %cond3A_55 {
        "tpu.region"() ({
          %run_scoped3A = tpu.sem_alloc : memref<!tpu.dma_semaphore, #tpu.memory_space<semaphore_mem>>
          %dma_start3A = arith.constant 0 : i32
          %dma_start3A_56 = tpu.memref_slice %arg2[%add3A_38, %dma_start3A] : memref<2512x128xi32, #tpu.memory_space<hbm>> -> memref<1x128xi32, #tpu.memory_space<hbm>>
          %dma_start3A_57 = tpu.memref_squeeze %dma_start3A_56 : memref<1x128xi32, #tpu.memory_space<hbm>> -> memref<128xi32, #tpu.memory_space<hbm>>
          %dma_start3A_58 = arith.constant 0 : i32
          %dma_start3A_59 = tpu.memref_slice %arg2[%add3A_38, %dma_start3A_58] : memref<2512x128xi32, #tpu.memory_space<hbm>> -> memref<1x128xi32, #tpu.memory_space<hbm>>
          %dma_start3A_60 = tpu.memref_squeeze %dma_start3A_59 : memref<1x128xi32, #tpu.memory_space<hbm>> -> memref<128xi32, #tpu.memory_space<hbm>>
          tpu.enqueue_dma source(%dma_start3A_60 : memref<128xi32, #tpu.memory_space<hbm>>) target(%arg7 : memref<128xi32, #tpu.memory_space<vmem>>) target_semaphore(%run_scoped3A : memref<!tpu.dma_semaphore, #tpu.memory_space<semaphore_mem>>)
          %dma_wait3A = arith.constant 0 : i32
          %dma_wait3A_61 = tpu.memref_slice %arg2[%add3A_38, %dma_wait3A] : memref<2512x128xi32, #tpu.memory_space<hbm>> -> memref<1x128xi32, #tpu.memory_space<hbm>>
          %dma_wait3A_62 = tpu.memref_squeeze %dma_wait3A_61 : memref<1x128xi32, #tpu.memory_space<hbm>> -> memref<128xi32, #tpu.memory_space<hbm>>
          %dma_wait3A_63 = arith.constant 0 : i32
          %dma_wait3A_64 = tpu.memref_slice %arg2[%add3A_38, %dma_wait3A_63] : memref<2512x128xi32, #tpu.memory_space<hbm>> -> memref<1x128xi32, #tpu.memory_space<hbm>>
          %dma_wait3A_65 = tpu.memref_squeeze %dma_wait3A_64 : memref<1x128xi32, #tpu.memory_space<hbm>> -> memref<128xi32, #tpu.memory_space<hbm>>
          tpu.wait_dma2 semaphore(%run_scoped3A : memref<!tpu.dma_semaphore, #tpu.memory_space<semaphore_mem>>) src(%dma_wait3A_65 : memref<128xi32, #tpu.memory_space<hbm>>) dst(%arg7 : memref<128xi32, #tpu.memory_space<vmem>>)
          tpu.yield
        }) : () -> ()
        "tpu.region"() ({
          %run_scoped3A = tpu.sem_alloc : memref<!tpu.dma_semaphore, #tpu.memory_space<semaphore_mem>>
          %dma_start3A = arith.constant 0 : i32
          %dma_start3A_56 = arith.constant 0 : i32
          %dma_start3A_57 = tpu.memref_slice %arg12[%dma_start3A, %dma_start3A_56] : memref<10240x16xf32, #tpu.memory_space<vmem_shared>> -> memref<10240x16xf32, #tpu.memory_space<vmem_shared>>
          tpu.enqueue_indirect_dma source(%arg9 : memref<128x16xf32, #tpu.memory_space<vmem>>) target(%dma_start3A_57 : memref<10240x16xf32, #tpu.memory_space<vmem_shared>>) offsets(%arg7 : memref<128xi32, #tpu.memory_space<vmem>>) semaphore(%run_scoped3A : memref<!tpu.dma_semaphore, #tpu.memory_space<semaphore_mem>>) {add = true}
          %dma_wait3A = arith.constant 0 : i32
          %dma_wait3A_58 = arith.constant 0 : i32
          %dma_wait3A_59 = tpu.memref_slice %arg12[%dma_wait3A, %dma_wait3A_58] : memref<10240x16xf32, #tpu.memory_space<vmem_shared>> -> memref<10240x16xf32, #tpu.memory_space<vmem_shared>>
          tpu.wait_indirect_dma semaphore(%run_scoped3A : memref<!tpu.dma_semaphore, #tpu.memory_space<semaphore_mem>>) src(%arg9 : memref<128x16xf32, #tpu.memory_space<vmem>>) dst(%dma_wait3A_59 : memref<10240x16xf32, #tpu.memory_space<vmem_shared>>)
          tpu.yield
        }) : () -> ()
      } else {
      }
    }
    %scan3A_25 = arith.constant 47 : i32
    %barrier3A_26 = arith.constant 0 : index
    tpu.barrier barrier_id(%barrier3A_26)
    "tpu.region"() ({
      %run_scoped3A = tpu.sem_alloc : memref<!tpu.dma_semaphore, #tpu.memory_space<semaphore_mem>>
      %dma_start3A = arith.constant 0 : i32
      %dma_start3A_35 = tpu.memref_slice %arg12[%mul3A_10, %dma_start3A] : memref<10240x16xf32, #tpu.memory_space<vmem_shared>> -> memref<640x16xf32, #tpu.memory_space<vmem_shared>>
      %dma_start3A_36 = arith.constant 0 : i32
      %dma_start3A_37 = tpu.memref_slice %arg12[%mul3A_10, %dma_start3A_36] : memref<10240x16xf32, #tpu.memory_space<vmem_shared>> -> memref<640x16xf32, #tpu.memory_space<vmem_shared>>
      tpu.enqueue_dma source(%dma_start3A_37 : memref<640x16xf32, #tpu.memory_space<vmem_shared>>) target(%arg11 : memref<640x16xf32, #tpu.memory_space<vmem>>) target_semaphore(%run_scoped3A : memref<!tpu.dma_semaphore, #tpu.memory_space<semaphore_mem>>)
      %dma_wait3A = arith.constant 0 : i32
      %dma_wait3A_38 = tpu.memref_slice %arg12[%mul3A_10, %dma_wait3A] : memref<10240x16xf32, #tpu.memory_space<vmem_shared>> -> memref<640x16xf32, #tpu.memory_space<vmem_shared>>
      %dma_wait3A_39 = arith.constant 0 : i32
      %dma_wait3A_40 = tpu.memref_slice %arg12[%mul3A_10, %dma_wait3A_39] : memref<10240x16xf32, #tpu.memory_space<vmem_shared>> -> memref<640x16xf32, #tpu.memory_space<vmem_shared>>
      tpu.wait_dma2 semaphore(%run_scoped3A : memref<!tpu.dma_semaphore, #tpu.memory_space<semaphore_mem>>) src(%dma_wait3A_40 : memref<640x16xf32, #tpu.memory_space<vmem_shared>>) dst(%arg11 : memref<640x16xf32, #tpu.memory_space<vmem>>)
      tpu.yield
    }) : () -> ()
    %eq3A_27 = arith.constant 0 : i32
    %eq3A_28 = arith.cmpi eq, %arg0, %eq3A_27 : i32
    %convert_element_type3A = arith.extui %eq3A_28 : i1 to i32
    %cond3A = arith.constant 0 : i32
    %cond3A_29 = arith.cmpi ne, %convert_element_type3A, %cond3A : i32
    scf.if %cond3A_29 {
      "tpu.region"() ({
        %run_scoped3A = tpu.sem_alloc : memref<!tpu.dma_semaphore, #tpu.memory_space<semaphore_mem>>
        %dma_start3A = arith.constant 0 : i32
        %dma_start3A_35 = tpu.memref_slice %arg5[%mul3A_10, %dma_start3A] : memref<10240x16xf32, #tpu.memory_space<hbm>> -> memref<640x16xf32, #tpu.memory_space<hbm>>
        %dma_start3A_36 = arith.constant 0 : i32
        %dma_start3A_37 = tpu.memref_slice %arg5[%mul3A_10, %dma_start3A_36] : memref<10240x16xf32, #tpu.memory_space<hbm>> -> memref<640x16xf32, #tpu.memory_space<hbm>>
        tpu.enqueue_dma source(%arg11 : memref<640x16xf32, #tpu.memory_space<vmem>>) target(%dma_start3A_37 : memref<640x16xf32, #tpu.memory_space<hbm>>) target_semaphore(%run_scoped3A : memref<!tpu.dma_semaphore, #tpu.memory_space<semaphore_mem>>)
        %dma_wait3A = arith.constant 0 : i32
        %dma_wait3A_38 = tpu.memref_slice %arg5[%mul3A_10, %dma_wait3A] : memref<10240x16xf32, #tpu.memory_space<hbm>> -> memref<640x16xf32, #tpu.memory_space<hbm>>
        %dma_wait3A_39 = arith.constant 0 : i32
        %dma_wait3A_40 = tpu.memref_slice %arg5[%mul3A_10, %dma_wait3A_39] : memref<10240x16xf32, #tpu.memory_space<hbm>> -> memref<640x16xf32, #tpu.memory_space<hbm>>
        tpu.wait_dma2 semaphore(%run_scoped3A : memref<!tpu.dma_semaphore, #tpu.memory_space<semaphore_mem>>) src(%arg11 : memref<640x16xf32, #tpu.memory_space<vmem>>) dst(%dma_wait3A_40 : memref<640x16xf32, #tpu.memory_space<hbm>>)
        tpu.yield
      }) : () -> ()
    } else {
    }
    %eq3A_30 = arith.constant 1 : i32
    %eq3A_31 = arith.cmpi eq, %arg0, %eq3A_30 : i32
    %convert_element_type3A_32 = arith.extui %eq3A_31 : i1 to i32
    %cond3A_33 = arith.constant 0 : i32
    %cond3A_34 = arith.cmpi ne, %convert_element_type3A_32, %cond3A_33 : i32
    scf.if %cond3A_34 {
      "tpu.region"() ({
        %run_scoped3A = tpu.sem_alloc : memref<!tpu.dma_semaphore, #tpu.memory_space<semaphore_mem>>
        %dma_start3A = arith.constant 0 : i32
        %dma_start3A_35 = tpu.memref_slice %arg6[%mul3A_10, %dma_start3A] : memref<10240x16xf32, #tpu.memory_space<hbm>> -> memref<640x16xf32, #tpu.memory_space<hbm>>
        %dma_start3A_36 = arith.constant 0 : i32
        %dma_start3A_37 = tpu.memref_slice %arg6[%mul3A_10, %dma_start3A_36] : memref<10240x16xf32, #tpu.memory_space<hbm>> -> memref<640x16xf32, #tpu.memory_space<hbm>>
        tpu.enqueue_dma source(%arg11 : memref<640x16xf32, #tpu.memory_space<vmem>>) target(%dma_start3A_37 : memref<640x16xf32, #tpu.memory_space<hbm>>) target_semaphore(%run_scoped3A : memref<!tpu.dma_semaphore, #tpu.memory_space<semaphore_mem>>)
        %dma_wait3A = arith.constant 0 : i32
        %dma_wait3A_38 = tpu.memref_slice %arg6[%mul3A_10, %dma_wait3A] : memref<10240x16xf32, #tpu.memory_space<hbm>> -> memref<640x16xf32, #tpu.memory_space<hbm>>
        %dma_wait3A_39 = arith.constant 0 : i32
        %dma_wait3A_40 = tpu.memref_slice %arg6[%mul3A_10, %dma_wait3A_39] : memref<10240x16xf32, #tpu.memory_space<hbm>> -> memref<640x16xf32, #tpu.memory_space<hbm>>
        tpu.wait_dma2 semaphore(%run_scoped3A : memref<!tpu.dma_semaphore, #tpu.memory_space<semaphore_mem>>) src(%arg11 : memref<640x16xf32, #tpu.memory_space<vmem>>) dst(%dma_wait3A_40 : memref<640x16xf32, #tpu.memory_space<hbm>>)
        tpu.yield
      }) : () -> ()
    } else {
    }
    return
  }
}

#map = affine_map<(d0, d1) -> (0, 0)>
module attributes {stable_mosaic.version = 14 : i64} {
  func.func @agg_kernel(%arg0: i32, %arg1: i32, %arg2: memref<10240x64xf32, #tpu.memory_space<hbm>>, %arg3: memref<2512x128xi32, #tpu.memory_space<hbm>>, %arg4: memref<2512x128xi32, #tpu.memory_space<hbm>>, %arg5: memref<128x64xf32, #tpu.memory_space<hbm>>, %arg6: memref<10240x64xf32, #tpu.memory_space<hbm>>, %arg7: memref<10240x64xf32, #tpu.memory_space<hbm>>, %arg8: memref<128xi32, #tpu.memory_space<vmem>>, %arg9: memref<128xi32, #tpu.memory_space<vmem>>, %arg10: memref<128xi32, #tpu.memory_space<vmem>>, %arg11: memref<128xi32, #tpu.memory_space<vmem>>, %arg12: memref<128x64xf32, #tpu.memory_space<vmem>>, %arg13: memref<128x64xf32, #tpu.memory_space<vmem>>, %arg14: memref<128x64xf32, #tpu.memory_space<vmem>>, %arg15: memref<640x64xf32, #tpu.memory_space<vmem>>, %arg16: memref<10240x64xf32, #tpu.memory_space<vmem_shared>>, %arg17: memref<!tpu.dma_semaphore, #tpu.memory_space<semaphore_mem>>, %arg18: memref<!tpu.dma_semaphore, #tpu.memory_space<semaphore_mem>>, %arg19: memref<!tpu.dma_semaphore, #tpu.memory_space<semaphore_mem>>, %arg20: memref<!tpu.dma_semaphore, #tpu.memory_space<semaphore_mem>>, %arg21: memref<!tpu.dma_semaphore, #tpu.memory_space<semaphore_mem>>, %arg22: memref<!tpu.dma_semaphore, #tpu.memory_space<semaphore_mem>>, %arg23: memref<!tpu.dma_semaphore, #tpu.memory_space<semaphore_mem>>, %arg24: memref<!tpu.dma_semaphore, #tpu.memory_space<semaphore_mem>>) attributes {dimension_semantics = [#tpu.dimension_semantics<core_parallel>, #tpu.dimension_semantics<subcore_parallel>], iteration_bounds = array<i64: 2, 16>, scalar_prefetch = 0 : i64, scratch_operands = 17 : i64, tpu.core_type = #tpu.core_type<sc_vector_subcore>, window_params = [{transform_indices = #map}, {transform_indices = #map}, {transform_indices = #map}, {transform_indices = #map}, {transform_indices = #map}, {transform_indices = #map}]} {
    %eq3A = arith.constant 0 : i32
    %eq3A_0 = arith.cmpi eq, %arg0, %eq3A : i32
    %jit3A = arith.constant 94 : i32
    %jit3A_1 = arith.constant 63 : i32
    %select_n3A = arith.select %eq3A_0, %jit3A, %jit3A_1 : i32
    %eq3A_2 = arith.constant 0 : i32
    %eq3A_3 = arith.cmpi eq, %arg0, %eq3A_2 : i32
    %mul3A = arith.constant 94 : i32
    %mul3A_4 = arith.muli %arg1, %mul3A : i32
    %mul3A_5 = arith.constant 63 : i32
    %mul3A_6 = arith.muli %arg1, %mul3A_5 : i32
    %add3A = arith.constant 1504 : i32
    %add3A_7 = arith.addi %add3A, %mul3A_6 : i32
    %select_n3A_8 = arith.select %eq3A_3, %mul3A_4, %add3A_7 : i32
    "tpu.region"() ({
      %run_scoped3A = tpu.sem_alloc : memref<!tpu.dma_semaphore, #tpu.memory_space<semaphore_mem>>
      tpu.enqueue_dma source(%arg5 : memref<128x64xf32, #tpu.memory_space<hbm>>) target(%arg14 : memref<128x64xf32, #tpu.memory_space<vmem>>) target_semaphore(%run_scoped3A : memref<!tpu.dma_semaphore, #tpu.memory_space<semaphore_mem>>)
      tpu.wait_dma2 semaphore(%run_scoped3A : memref<!tpu.dma_semaphore, #tpu.memory_space<semaphore_mem>>) src(%arg5 : memref<128x64xf32, #tpu.memory_space<hbm>>) dst(%arg14 : memref<128x64xf32, #tpu.memory_space<vmem>>)
      tpu.yield
    }) : () -> ()
    %mul3A_9 = arith.constant 640 : i32
    %mul3A_10 = arith.muli %arg1, %mul3A_9 : i32
    %add3A_11 = arith.constant 0 : i32
    %add3A_12 = arith.addi %mul3A_10, %add3A_11 : i32
    "tpu.region"() ({
      %run_scoped3A = tpu.sem_alloc : memref<!tpu.dma_semaphore, #tpu.memory_space<semaphore_mem>>
      %dma_start3A = arith.constant 0 : i32
      %dma_start3A_35 = tpu.memref_slice %arg16[%add3A_12, %dma_start3A] : memref<10240x64xf32, #tpu.memory_space<vmem_shared>> -> memref<128x64xf32, #tpu.memory_space<vmem_shared>>
      %dma_start3A_36 = arith.constant 0 : i32
      %dma_start3A_37 = tpu.memref_slice %arg16[%add3A_12, %dma_start3A_36] : memref<10240x64xf32, #tpu.memory_space<vmem_shared>> -> memref<128x64xf32, #tpu.memory_space<vmem_shared>>
      tpu.enqueue_dma source(%arg14 : memref<128x64xf32, #tpu.memory_space<vmem>>) target(%dma_start3A_37 : memref<128x64xf32, #tpu.memory_space<vmem_shared>>) target_semaphore(%run_scoped3A : memref<!tpu.dma_semaphore, #tpu.memory_space<semaphore_mem>>)
      %dma_wait3A = arith.constant 0 : i32
      %dma_wait3A_38 = tpu.memref_slice %arg16[%add3A_12, %dma_wait3A] : memref<10240x64xf32, #tpu.memory_space<vmem_shared>> -> memref<128x64xf32, #tpu.memory_space<vmem_shared>>
      %dma_wait3A_39 = arith.constant 0 : i32
      %dma_wait3A_40 = tpu.memref_slice %arg16[%add3A_12, %dma_wait3A_39] : memref<10240x64xf32, #tpu.memory_space<vmem_shared>> -> memref<128x64xf32, #tpu.memory_space<vmem_shared>>
      tpu.wait_dma2 semaphore(%run_scoped3A : memref<!tpu.dma_semaphore, #tpu.memory_space<semaphore_mem>>) src(%arg14 : memref<128x64xf32, #tpu.memory_space<vmem>>) dst(%dma_wait3A_40 : memref<128x64xf32, #tpu.memory_space<vmem_shared>>)
      tpu.yield
    }) : () -> ()
    %add3A_13 = arith.constant 128 : i32
    %add3A_14 = arith.addi %mul3A_10, %add3A_13 : i32
    "tpu.region"() ({
      %run_scoped3A = tpu.sem_alloc : memref<!tpu.dma_semaphore, #tpu.memory_space<semaphore_mem>>
      %dma_start3A = arith.constant 0 : i32
      %dma_start3A_35 = tpu.memref_slice %arg16[%add3A_14, %dma_start3A] : memref<10240x64xf32, #tpu.memory_space<vmem_shared>> -> memref<128x64xf32, #tpu.memory_space<vmem_shared>>
      %dma_start3A_36 = arith.constant 0 : i32
      %dma_start3A_37 = tpu.memref_slice %arg16[%add3A_14, %dma_start3A_36] : memref<10240x64xf32, #tpu.memory_space<vmem_shared>> -> memref<128x64xf32, #tpu.memory_space<vmem_shared>>
      tpu.enqueue_dma source(%arg14 : memref<128x64xf32, #tpu.memory_space<vmem>>) target(%dma_start3A_37 : memref<128x64xf32, #tpu.memory_space<vmem_shared>>) target_semaphore(%run_scoped3A : memref<!tpu.dma_semaphore, #tpu.memory_space<semaphore_mem>>)
      %dma_wait3A = arith.constant 0 : i32
      %dma_wait3A_38 = tpu.memref_slice %arg16[%add3A_14, %dma_wait3A] : memref<10240x64xf32, #tpu.memory_space<vmem_shared>> -> memref<128x64xf32, #tpu.memory_space<vmem_shared>>
      %dma_wait3A_39 = arith.constant 0 : i32
      %dma_wait3A_40 = tpu.memref_slice %arg16[%add3A_14, %dma_wait3A_39] : memref<10240x64xf32, #tpu.memory_space<vmem_shared>> -> memref<128x64xf32, #tpu.memory_space<vmem_shared>>
      tpu.wait_dma2 semaphore(%run_scoped3A : memref<!tpu.dma_semaphore, #tpu.memory_space<semaphore_mem>>) src(%arg14 : memref<128x64xf32, #tpu.memory_space<vmem>>) dst(%dma_wait3A_40 : memref<128x64xf32, #tpu.memory_space<vmem_shared>>)
      tpu.yield
    }) : () -> ()
    %add3A_15 = arith.constant 256 : i32
    %add3A_16 = arith.addi %mul3A_10, %add3A_15 : i32
    "tpu.region"() ({
      %run_scoped3A = tpu.sem_alloc : memref<!tpu.dma_semaphore, #tpu.memory_space<semaphore_mem>>
      %dma_start3A = arith.constant 0 : i32
      %dma_start3A_35 = tpu.memref_slice %arg16[%add3A_16, %dma_start3A] : memref<10240x64xf32, #tpu.memory_space<vmem_shared>> -> memref<128x64xf32, #tpu.memory_space<vmem_shared>>
      %dma_start3A_36 = arith.constant 0 : i32
      %dma_start3A_37 = tpu.memref_slice %arg16[%add3A_16, %dma_start3A_36] : memref<10240x64xf32, #tpu.memory_space<vmem_shared>> -> memref<128x64xf32, #tpu.memory_space<vmem_shared>>
      tpu.enqueue_dma source(%arg14 : memref<128x64xf32, #tpu.memory_space<vmem>>) target(%dma_start3A_37 : memref<128x64xf32, #tpu.memory_space<vmem_shared>>) target_semaphore(%run_scoped3A : memref<!tpu.dma_semaphore, #tpu.memory_space<semaphore_mem>>)
      %dma_wait3A = arith.constant 0 : i32
      %dma_wait3A_38 = tpu.memref_slice %arg16[%add3A_16, %dma_wait3A] : memref<10240x64xf32, #tpu.memory_space<vmem_shared>> -> memref<128x64xf32, #tpu.memory_space<vmem_shared>>
      %dma_wait3A_39 = arith.constant 0 : i32
      %dma_wait3A_40 = tpu.memref_slice %arg16[%add3A_16, %dma_wait3A_39] : memref<10240x64xf32, #tpu.memory_space<vmem_shared>> -> memref<128x64xf32, #tpu.memory_space<vmem_shared>>
      tpu.wait_dma2 semaphore(%run_scoped3A : memref<!tpu.dma_semaphore, #tpu.memory_space<semaphore_mem>>) src(%arg14 : memref<128x64xf32, #tpu.memory_space<vmem>>) dst(%dma_wait3A_40 : memref<128x64xf32, #tpu.memory_space<vmem_shared>>)
      tpu.yield
    }) : () -> ()
    %add3A_17 = arith.constant 384 : i32
    %add3A_18 = arith.addi %mul3A_10, %add3A_17 : i32
    "tpu.region"() ({
      %run_scoped3A = tpu.sem_alloc : memref<!tpu.dma_semaphore, #tpu.memory_space<semaphore_mem>>
      %dma_start3A = arith.constant 0 : i32
      %dma_start3A_35 = tpu.memref_slice %arg16[%add3A_18, %dma_start3A] : memref<10240x64xf32, #tpu.memory_space<vmem_shared>> -> memref<128x64xf32, #tpu.memory_space<vmem_shared>>
      %dma_start3A_36 = arith.constant 0 : i32
      %dma_start3A_37 = tpu.memref_slice %arg16[%add3A_18, %dma_start3A_36] : memref<10240x64xf32, #tpu.memory_space<vmem_shared>> -> memref<128x64xf32, #tpu.memory_space<vmem_shared>>
      tpu.enqueue_dma source(%arg14 : memref<128x64xf32, #tpu.memory_space<vmem>>) target(%dma_start3A_37 : memref<128x64xf32, #tpu.memory_space<vmem_shared>>) target_semaphore(%run_scoped3A : memref<!tpu.dma_semaphore, #tpu.memory_space<semaphore_mem>>)
      %dma_wait3A = arith.constant 0 : i32
      %dma_wait3A_38 = tpu.memref_slice %arg16[%add3A_18, %dma_wait3A] : memref<10240x64xf32, #tpu.memory_space<vmem_shared>> -> memref<128x64xf32, #tpu.memory_space<vmem_shared>>
      %dma_wait3A_39 = arith.constant 0 : i32
      %dma_wait3A_40 = tpu.memref_slice %arg16[%add3A_18, %dma_wait3A_39] : memref<10240x64xf32, #tpu.memory_space<vmem_shared>> -> memref<128x64xf32, #tpu.memory_space<vmem_shared>>
      tpu.wait_dma2 semaphore(%run_scoped3A : memref<!tpu.dma_semaphore, #tpu.memory_space<semaphore_mem>>) src(%arg14 : memref<128x64xf32, #tpu.memory_space<vmem>>) dst(%dma_wait3A_40 : memref<128x64xf32, #tpu.memory_space<vmem_shared>>)
      tpu.yield
    }) : () -> ()
    %add3A_19 = arith.constant 512 : i32
    %add3A_20 = arith.addi %mul3A_10, %add3A_19 : i32
    "tpu.region"() ({
      %run_scoped3A = tpu.sem_alloc : memref<!tpu.dma_semaphore, #tpu.memory_space<semaphore_mem>>
      %dma_start3A = arith.constant 0 : i32
      %dma_start3A_35 = tpu.memref_slice %arg16[%add3A_20, %dma_start3A] : memref<10240x64xf32, #tpu.memory_space<vmem_shared>> -> memref<128x64xf32, #tpu.memory_space<vmem_shared>>
      %dma_start3A_36 = arith.constant 0 : i32
      %dma_start3A_37 = tpu.memref_slice %arg16[%add3A_20, %dma_start3A_36] : memref<10240x64xf32, #tpu.memory_space<vmem_shared>> -> memref<128x64xf32, #tpu.memory_space<vmem_shared>>
      tpu.enqueue_dma source(%arg14 : memref<128x64xf32, #tpu.memory_space<vmem>>) target(%dma_start3A_37 : memref<128x64xf32, #tpu.memory_space<vmem_shared>>) target_semaphore(%run_scoped3A : memref<!tpu.dma_semaphore, #tpu.memory_space<semaphore_mem>>)
      %dma_wait3A = arith.constant 0 : i32
      %dma_wait3A_38 = tpu.memref_slice %arg16[%add3A_20, %dma_wait3A] : memref<10240x64xf32, #tpu.memory_space<vmem_shared>> -> memref<128x64xf32, #tpu.memory_space<vmem_shared>>
      %dma_wait3A_39 = arith.constant 0 : i32
      %dma_wait3A_40 = tpu.memref_slice %arg16[%add3A_20, %dma_wait3A_39] : memref<10240x64xf32, #tpu.memory_space<vmem_shared>> -> memref<128x64xf32, #tpu.memory_space<vmem_shared>>
      tpu.wait_dma2 semaphore(%run_scoped3A : memref<!tpu.dma_semaphore, #tpu.memory_space<semaphore_mem>>) src(%arg14 : memref<128x64xf32, #tpu.memory_space<vmem>>) dst(%dma_wait3A_40 : memref<128x64xf32, #tpu.memory_space<vmem_shared>>)
      tpu.yield
    }) : () -> ()
    %barrier3A = arith.constant 0 : index
    tpu.barrier barrier_id(%barrier3A)
    %scan3A = arith.constant 0 : i32
    %scan3A_21 = arith.constant 0 : i32
    %scan3A_22 = arith.constant 47 : i32
    %scan3A_23 = arith.addi %scan3A_21, %scan3A_22 : i32
    %scan3A_24 = arith.constant 1 : i32
    scf.for %scan3A_35 = %scan3A_21 to %scan3A_23 step %scan3A_24  : i32 {
      %mul3A_36 = arith.constant 2 : i32
      %mul3A_37 = arith.muli %mul3A_36, %scan3A_35 : i32
      %add3A_38 = arith.addi %select_n3A_8, %mul3A_37 : i32
      %mul3A_39 = arith.constant 2 : i32
      %mul3A_40 = arith.muli %mul3A_39, %scan3A_35 : i32
      %add3A_41 = arith.constant 1 : i32
      %add3A_42 = arith.addi %mul3A_40, %add3A_41 : i32
      %lt3A = arith.cmpi slt, %add3A_42, %select_n3A : i32
      %convert_element_type3A_43 = arith.extui %lt3A : i1 to i32
      %cond3A_44 = arith.constant 0 : i32
      %cond3A_45 = arith.cmpi ne, %convert_element_type3A_43, %cond3A_44 : i32
      scf.if %cond3A_45 {
        %dma_start3A = arith.constant 0 : i32
        %dma_start3A_56 = tpu.memref_slice %arg3[%add3A_38, %dma_start3A] : memref<2512x128xi32, #tpu.memory_space<hbm>> -> memref<1x128xi32, #tpu.memory_space<hbm>>
        %dma_start3A_57 = tpu.memref_squeeze %dma_start3A_56 : memref<1x128xi32, #tpu.memory_space<hbm>> -> memref<128xi32, #tpu.memory_space<hbm>>
        %dma_start3A_58 = arith.constant 0 : i32
        %dma_start3A_59 = tpu.memref_slice %arg3[%add3A_38, %dma_start3A_58] : memref<2512x128xi32, #tpu.memory_space<hbm>> -> memref<1x128xi32, #tpu.memory_space<hbm>>
        %dma_start3A_60 = tpu.memref_squeeze %dma_start3A_59 : memref<1x128xi32, #tpu.memory_space<hbm>> -> memref<128xi32, #tpu.memory_space<hbm>>
        tpu.enqueue_dma source(%dma_start3A_60 : memref<128xi32, #tpu.memory_space<hbm>>) target(%arg8 : memref<128xi32, #tpu.memory_space<vmem>>) target_semaphore(%arg17 : memref<!tpu.dma_semaphore, #tpu.memory_space<semaphore_mem>>)
        %dma_start3A_61 = arith.constant 0 : i32
        %dma_start3A_62 = tpu.memref_slice %arg4[%add3A_38, %dma_start3A_61] : memref<2512x128xi32, #tpu.memory_space<hbm>> -> memref<1x128xi32, #tpu.memory_space<hbm>>
        %dma_start3A_63 = tpu.memref_squeeze %dma_start3A_62 : memref<1x128xi32, #tpu.memory_space<hbm>> -> memref<128xi32, #tpu.memory_space<hbm>>
        %dma_start3A_64 = arith.constant 0 : i32
        %dma_start3A_65 = tpu.memref_slice %arg4[%add3A_38, %dma_start3A_64] : memref<2512x128xi32, #tpu.memory_space<hbm>> -> memref<1x128xi32, #tpu.memory_space<hbm>>
        %dma_start3A_66 = tpu.memref_squeeze %dma_start3A_65 : memref<1x128xi32, #tpu.memory_space<hbm>> -> memref<128xi32, #tpu.memory_space<hbm>>
        tpu.enqueue_dma source(%dma_start3A_66 : memref<128xi32, #tpu.memory_space<hbm>>) target(%arg9 : memref<128xi32, #tpu.memory_space<vmem>>) target_semaphore(%arg18 : memref<!tpu.dma_semaphore, #tpu.memory_space<semaphore_mem>>)
        %add3A_67 = arith.constant 1 : i32
        %add3A_68 = arith.addi %add3A_38, %add3A_67 : i32
        %dma_start3A_69 = arith.constant 0 : i32
        %dma_start3A_70 = tpu.memref_slice %arg3[%add3A_68, %dma_start3A_69] : memref<2512x128xi32, #tpu.memory_space<hbm>> -> memref<1x128xi32, #tpu.memory_space<hbm>>
        %dma_start3A_71 = tpu.memref_squeeze %dma_start3A_70 : memref<1x128xi32, #tpu.memory_space<hbm>> -> memref<128xi32, #tpu.memory_space<hbm>>
        %dma_start3A_72 = arith.constant 0 : i32
        %dma_start3A_73 = tpu.memref_slice %arg3[%add3A_68, %dma_start3A_72] : memref<2512x128xi32, #tpu.memory_space<hbm>> -> memref<1x128xi32, #tpu.memory_space<hbm>>
        %dma_start3A_74 = tpu.memref_squeeze %dma_start3A_73 : memref<1x128xi32, #tpu.memory_space<hbm>> -> memref<128xi32, #tpu.memory_space<hbm>>
        tpu.enqueue_dma source(%dma_start3A_74 : memref<128xi32, #tpu.memory_space<hbm>>) target(%arg10 : memref<128xi32, #tpu.memory_space<vmem>>) target_semaphore(%arg19 : memref<!tpu.dma_semaphore, #tpu.memory_space<semaphore_mem>>)
        %add3A_75 = arith.constant 1 : i32
        %add3A_76 = arith.addi %add3A_38, %add3A_75 : i32
        %dma_start3A_77 = arith.constant 0 : i32
        %dma_start3A_78 = tpu.memref_slice %arg4[%add3A_76, %dma_start3A_77] : memref<2512x128xi32, #tpu.memory_space<hbm>> -> memref<1x128xi32, #tpu.memory_space<hbm>>
        %dma_start3A_79 = tpu.memref_squeeze %dma_start3A_78 : memref<1x128xi32, #tpu.memory_space<hbm>> -> memref<128xi32, #tpu.memory_space<hbm>>
        %dma_start3A_80 = arith.constant 0 : i32
        %dma_start3A_81 = tpu.memref_slice %arg4[%add3A_76, %dma_start3A_80] : memref<2512x128xi32, #tpu.memory_space<hbm>> -> memref<1x128xi32, #tpu.memory_space<hbm>>
        %dma_start3A_82 = tpu.memref_squeeze %dma_start3A_81 : memref<1x128xi32, #tpu.memory_space<hbm>> -> memref<128xi32, #tpu.memory_space<hbm>>
        tpu.enqueue_dma source(%dma_start3A_82 : memref<128xi32, #tpu.memory_space<hbm>>) target(%arg11 : memref<128xi32, #tpu.memory_space<vmem>>) target_semaphore(%arg20 : memref<!tpu.dma_semaphore, #tpu.memory_space<semaphore_mem>>)
        %dma_wait3A = arith.constant 0 : i32
        %dma_wait3A_83 = tpu.memref_slice %arg3[%add3A_38, %dma_wait3A] : memref<2512x128xi32, #tpu.memory_space<hbm>> -> memref<1x128xi32, #tpu.memory_space<hbm>>
        %dma_wait3A_84 = tpu.memref_squeeze %dma_wait3A_83 : memref<1x128xi32, #tpu.memory_space<hbm>> -> memref<128xi32, #tpu.memory_space<hbm>>
        %dma_wait3A_85 = arith.constant 0 : i32
        %dma_wait3A_86 = tpu.memref_slice %arg3[%add3A_38, %dma_wait3A_85] : memref<2512x128xi32, #tpu.memory_space<hbm>> -> memref<1x128xi32, #tpu.memory_space<hbm>>
        %dma_wait3A_87 = tpu.memref_squeeze %dma_wait3A_86 : memref<1x128xi32, #tpu.memory_space<hbm>> -> memref<128xi32, #tpu.memory_space<hbm>>
        tpu.wait_dma2 semaphore(%arg17 : memref<!tpu.dma_semaphore, #tpu.memory_space<semaphore_mem>>) src(%dma_wait3A_87 : memref<128xi32, #tpu.memory_space<hbm>>) dst(%arg8 : memref<128xi32, #tpu.memory_space<vmem>>)
        %dma_start3A_88 = arith.constant 0 : i32
        %dma_start3A_89 = arith.constant 0 : i32
        %dma_start3A_90 = tpu.memref_slice %arg2[%dma_start3A_88, %dma_start3A_89] : memref<10240x64xf32, #tpu.memory_space<hbm>> -> memref<10240x64xf32, #tpu.memory_space<hbm>>
        tpu.enqueue_indirect_dma source(%dma_start3A_90 : memref<10240x64xf32, #tpu.memory_space<hbm>>) target(%arg12 : memref<128x64xf32, #tpu.memory_space<vmem>>) offsets(%arg8 : memref<128xi32, #tpu.memory_space<vmem>>) semaphore(%arg21 : memref<!tpu.dma_semaphore, #tpu.memory_space<semaphore_mem>>)
        %dma_wait3A_91 = arith.constant 0 : i32
        %dma_wait3A_92 = tpu.memref_slice %arg3[%add3A_68, %dma_wait3A_91] : memref<2512x128xi32, #tpu.memory_space<hbm>> -> memref<1x128xi32, #tpu.memory_space<hbm>>
        %dma_wait3A_93 = tpu.memref_squeeze %dma_wait3A_92 : memref<1x128xi32, #tpu.memory_space<hbm>> -> memref<128xi32, #tpu.memory_space<hbm>>
        %dma_wait3A_94 = arith.constant 0 : i32
        %dma_wait3A_95 = tpu.memref_slice %arg3[%add3A_68, %dma_wait3A_94] : memref<2512x128xi32, #tpu.memory_space<hbm>> -> memref<1x128xi32, #tpu.memory_space<hbm>>
        %dma_wait3A_96 = tpu.memref_squeeze %dma_wait3A_95 : memref<1x128xi32, #tpu.memory_space<hbm>> -> memref<128xi32, #tpu.memory_space<hbm>>
        tpu.wait_dma2 semaphore(%arg19 : memref<!tpu.dma_semaphore, #tpu.memory_space<semaphore_mem>>) src(%dma_wait3A_96 : memref<128xi32, #tpu.memory_space<hbm>>) dst(%arg10 : memref<128xi32, #tpu.memory_space<vmem>>)
        %dma_start3A_97 = arith.constant 0 : i32
        %dma_start3A_98 = arith.constant 0 : i32
        %dma_start3A_99 = tpu.memref_slice %arg2[%dma_start3A_97, %dma_start3A_98] : memref<10240x64xf32, #tpu.memory_space<hbm>> -> memref<10240x64xf32, #tpu.memory_space<hbm>>
        tpu.enqueue_indirect_dma source(%dma_start3A_99 : memref<10240x64xf32, #tpu.memory_space<hbm>>) target(%arg13 : memref<128x64xf32, #tpu.memory_space<vmem>>) offsets(%arg10 : memref<128xi32, #tpu.memory_space<vmem>>) semaphore(%arg22 : memref<!tpu.dma_semaphore, #tpu.memory_space<semaphore_mem>>)
        %dma_wait3A_100 = arith.constant 0 : i32
        %dma_wait3A_101 = arith.constant 0 : i32
        %dma_wait3A_102 = tpu.memref_slice %arg2[%dma_wait3A_100, %dma_wait3A_101] : memref<10240x64xf32, #tpu.memory_space<hbm>> -> memref<10240x64xf32, #tpu.memory_space<hbm>>
        tpu.wait_indirect_dma semaphore(%arg21 : memref<!tpu.dma_semaphore, #tpu.memory_space<semaphore_mem>>) src(%dma_wait3A_102 : memref<10240x64xf32, #tpu.memory_space<hbm>>) dst(%arg12 : memref<128x64xf32, #tpu.memory_space<vmem>>)
        %dma_wait3A_103 = arith.constant 0 : i32
        %dma_wait3A_104 = tpu.memref_slice %arg4[%add3A_38, %dma_wait3A_103] : memref<2512x128xi32, #tpu.memory_space<hbm>> -> memref<1x128xi32, #tpu.memory_space<hbm>>
        %dma_wait3A_105 = tpu.memref_squeeze %dma_wait3A_104 : memref<1x128xi32, #tpu.memory_space<hbm>> -> memref<128xi32, #tpu.memory_space<hbm>>
        %dma_wait3A_106 = arith.constant 0 : i32
        %dma_wait3A_107 = tpu.memref_slice %arg4[%add3A_38, %dma_wait3A_106] : memref<2512x128xi32, #tpu.memory_space<hbm>> -> memref<1x128xi32, #tpu.memory_space<hbm>>
        %dma_wait3A_108 = tpu.memref_squeeze %dma_wait3A_107 : memref<1x128xi32, #tpu.memory_space<hbm>> -> memref<128xi32, #tpu.memory_space<hbm>>
        tpu.wait_dma2 semaphore(%arg18 : memref<!tpu.dma_semaphore, #tpu.memory_space<semaphore_mem>>) src(%dma_wait3A_108 : memref<128xi32, #tpu.memory_space<hbm>>) dst(%arg9 : memref<128xi32, #tpu.memory_space<vmem>>)
        %dma_start3A_109 = arith.constant 0 : i32
        %dma_start3A_110 = arith.constant 0 : i32
        %dma_start3A_111 = tpu.memref_slice %arg16[%dma_start3A_109, %dma_start3A_110] : memref<10240x64xf32, #tpu.memory_space<vmem_shared>> -> memref<10240x64xf32, #tpu.memory_space<vmem_shared>>
        tpu.enqueue_indirect_dma source(%arg12 : memref<128x64xf32, #tpu.memory_space<vmem>>) target(%dma_start3A_111 : memref<10240x64xf32, #tpu.memory_space<vmem_shared>>) offsets(%arg9 : memref<128xi32, #tpu.memory_space<vmem>>) semaphore(%arg23 : memref<!tpu.dma_semaphore, #tpu.memory_space<semaphore_mem>>) {add = true}
        %dma_wait3A_112 = arith.constant 0 : i32
        %dma_wait3A_113 = arith.constant 0 : i32
        %dma_wait3A_114 = tpu.memref_slice %arg2[%dma_wait3A_112, %dma_wait3A_113] : memref<10240x64xf32, #tpu.memory_space<hbm>> -> memref<10240x64xf32, #tpu.memory_space<hbm>>
        tpu.wait_indirect_dma semaphore(%arg22 : memref<!tpu.dma_semaphore, #tpu.memory_space<semaphore_mem>>) src(%dma_wait3A_114 : memref<10240x64xf32, #tpu.memory_space<hbm>>) dst(%arg13 : memref<128x64xf32, #tpu.memory_space<vmem>>)
        %dma_wait3A_115 = arith.constant 0 : i32
        %dma_wait3A_116 = tpu.memref_slice %arg4[%add3A_76, %dma_wait3A_115] : memref<2512x128xi32, #tpu.memory_space<hbm>> -> memref<1x128xi32, #tpu.memory_space<hbm>>
        %dma_wait3A_117 = tpu.memref_squeeze %dma_wait3A_116 : memref<1x128xi32, #tpu.memory_space<hbm>> -> memref<128xi32, #tpu.memory_space<hbm>>
        %dma_wait3A_118 = arith.constant 0 : i32
        %dma_wait3A_119 = tpu.memref_slice %arg4[%add3A_76, %dma_wait3A_118] : memref<2512x128xi32, #tpu.memory_space<hbm>> -> memref<1x128xi32, #tpu.memory_space<hbm>>
        %dma_wait3A_120 = tpu.memref_squeeze %dma_wait3A_119 : memref<1x128xi32, #tpu.memory_space<hbm>> -> memref<128xi32, #tpu.memory_space<hbm>>
        tpu.wait_dma2 semaphore(%arg20 : memref<!tpu.dma_semaphore, #tpu.memory_space<semaphore_mem>>) src(%dma_wait3A_120 : memref<128xi32, #tpu.memory_space<hbm>>) dst(%arg11 : memref<128xi32, #tpu.memory_space<vmem>>)
        %dma_start3A_121 = arith.constant 0 : i32
        %dma_start3A_122 = arith.constant 0 : i32
        %dma_start3A_123 = tpu.memref_slice %arg16[%dma_start3A_121, %dma_start3A_122] : memref<10240x64xf32, #tpu.memory_space<vmem_shared>> -> memref<10240x64xf32, #tpu.memory_space<vmem_shared>>
        tpu.enqueue_indirect_dma source(%arg13 : memref<128x64xf32, #tpu.memory_space<vmem>>) target(%dma_start3A_123 : memref<10240x64xf32, #tpu.memory_space<vmem_shared>>) offsets(%arg11 : memref<128xi32, #tpu.memory_space<vmem>>) semaphore(%arg24 : memref<!tpu.dma_semaphore, #tpu.memory_space<semaphore_mem>>) {add = true}
        %dma_wait3A_124 = arith.constant 0 : i32
        %dma_wait3A_125 = arith.constant 0 : i32
        %dma_wait3A_126 = tpu.memref_slice %arg16[%dma_wait3A_124, %dma_wait3A_125] : memref<10240x64xf32, #tpu.memory_space<vmem_shared>> -> memref<10240x64xf32, #tpu.memory_space<vmem_shared>>
        tpu.wait_indirect_dma semaphore(%arg23 : memref<!tpu.dma_semaphore, #tpu.memory_space<semaphore_mem>>) src(%arg12 : memref<128x64xf32, #tpu.memory_space<vmem>>) dst(%dma_wait3A_126 : memref<10240x64xf32, #tpu.memory_space<vmem_shared>>)
        %dma_wait3A_127 = arith.constant 0 : i32
        %dma_wait3A_128 = arith.constant 0 : i32
        %dma_wait3A_129 = tpu.memref_slice %arg16[%dma_wait3A_127, %dma_wait3A_128] : memref<10240x64xf32, #tpu.memory_space<vmem_shared>> -> memref<10240x64xf32, #tpu.memory_space<vmem_shared>>
        tpu.wait_indirect_dma semaphore(%arg24 : memref<!tpu.dma_semaphore, #tpu.memory_space<semaphore_mem>>) src(%arg13 : memref<128x64xf32, #tpu.memory_space<vmem>>) dst(%dma_wait3A_129 : memref<10240x64xf32, #tpu.memory_space<vmem_shared>>)
      } else {
      }
      %mul3A_46 = arith.constant 2 : i32
      %mul3A_47 = arith.muli %mul3A_46, %scan3A_35 : i32
      %lt3A_48 = arith.cmpi slt, %mul3A_47, %select_n3A : i32
      %mul3A_49 = arith.constant 2 : i32
      %mul3A_50 = arith.muli %mul3A_49, %scan3A_35 : i32
      %add3A_51 = arith.constant 1 : i32
      %add3A_52 = arith.addi %mul3A_50, %add3A_51 : i32
      %ge3A = arith.cmpi sge, %add3A_52, %select_n3A : i32
      %and3A = arith.andi %lt3A_48, %ge3A : i1
      %convert_element_type3A_53 = arith.extui %and3A : i1 to i32
      %cond3A_54 = arith.constant 0 : i32
      %cond3A_55 = arith.cmpi ne, %convert_element_type3A_53, %cond3A_54 : i32
      scf.if %cond3A_55 {
        "tpu.region"() ({
          %run_scoped3A = tpu.sem_alloc : memref<!tpu.dma_semaphore, #tpu.memory_space<semaphore_mem>>
          %dma_start3A = arith.constant 0 : i32
          %dma_start3A_56 = tpu.memref_slice %arg3[%add3A_38, %dma_start3A] : memref<2512x128xi32, #tpu.memory_space<hbm>> -> memref<1x128xi32, #tpu.memory_space<hbm>>
          %dma_start3A_57 = tpu.memref_squeeze %dma_start3A_56 : memref<1x128xi32, #tpu.memory_space<hbm>> -> memref<128xi32, #tpu.memory_space<hbm>>
          %dma_start3A_58 = arith.constant 0 : i32
          %dma_start3A_59 = tpu.memref_slice %arg3[%add3A_38, %dma_start3A_58] : memref<2512x128xi32, #tpu.memory_space<hbm>> -> memref<1x128xi32, #tpu.memory_space<hbm>>
          %dma_start3A_60 = tpu.memref_squeeze %dma_start3A_59 : memref<1x128xi32, #tpu.memory_space<hbm>> -> memref<128xi32, #tpu.memory_space<hbm>>
          tpu.enqueue_dma source(%dma_start3A_60 : memref<128xi32, #tpu.memory_space<hbm>>) target(%arg8 : memref<128xi32, #tpu.memory_space<vmem>>) target_semaphore(%run_scoped3A : memref<!tpu.dma_semaphore, #tpu.memory_space<semaphore_mem>>)
          %dma_wait3A = arith.constant 0 : i32
          %dma_wait3A_61 = tpu.memref_slice %arg3[%add3A_38, %dma_wait3A] : memref<2512x128xi32, #tpu.memory_space<hbm>> -> memref<1x128xi32, #tpu.memory_space<hbm>>
          %dma_wait3A_62 = tpu.memref_squeeze %dma_wait3A_61 : memref<1x128xi32, #tpu.memory_space<hbm>> -> memref<128xi32, #tpu.memory_space<hbm>>
          %dma_wait3A_63 = arith.constant 0 : i32
          %dma_wait3A_64 = tpu.memref_slice %arg3[%add3A_38, %dma_wait3A_63] : memref<2512x128xi32, #tpu.memory_space<hbm>> -> memref<1x128xi32, #tpu.memory_space<hbm>>
          %dma_wait3A_65 = tpu.memref_squeeze %dma_wait3A_64 : memref<1x128xi32, #tpu.memory_space<hbm>> -> memref<128xi32, #tpu.memory_space<hbm>>
          tpu.wait_dma2 semaphore(%run_scoped3A : memref<!tpu.dma_semaphore, #tpu.memory_space<semaphore_mem>>) src(%dma_wait3A_65 : memref<128xi32, #tpu.memory_space<hbm>>) dst(%arg8 : memref<128xi32, #tpu.memory_space<vmem>>)
          tpu.yield
        }) : () -> ()
        "tpu.region"() ({
          %run_scoped3A = tpu.sem_alloc : memref<!tpu.dma_semaphore, #tpu.memory_space<semaphore_mem>>
          %dma_start3A = arith.constant 0 : i32
          %dma_start3A_56 = tpu.memref_slice %arg4[%add3A_38, %dma_start3A] : memref<2512x128xi32, #tpu.memory_space<hbm>> -> memref<1x128xi32, #tpu.memory_space<hbm>>
          %dma_start3A_57 = tpu.memref_squeeze %dma_start3A_56 : memref<1x128xi32, #tpu.memory_space<hbm>> -> memref<128xi32, #tpu.memory_space<hbm>>
          %dma_start3A_58 = arith.constant 0 : i32
          %dma_start3A_59 = tpu.memref_slice %arg4[%add3A_38, %dma_start3A_58] : memref<2512x128xi32, #tpu.memory_space<hbm>> -> memref<1x128xi32, #tpu.memory_space<hbm>>
          %dma_start3A_60 = tpu.memref_squeeze %dma_start3A_59 : memref<1x128xi32, #tpu.memory_space<hbm>> -> memref<128xi32, #tpu.memory_space<hbm>>
          tpu.enqueue_dma source(%dma_start3A_60 : memref<128xi32, #tpu.memory_space<hbm>>) target(%arg9 : memref<128xi32, #tpu.memory_space<vmem>>) target_semaphore(%run_scoped3A : memref<!tpu.dma_semaphore, #tpu.memory_space<semaphore_mem>>)
          %dma_wait3A = arith.constant 0 : i32
          %dma_wait3A_61 = tpu.memref_slice %arg4[%add3A_38, %dma_wait3A] : memref<2512x128xi32, #tpu.memory_space<hbm>> -> memref<1x128xi32, #tpu.memory_space<hbm>>
          %dma_wait3A_62 = tpu.memref_squeeze %dma_wait3A_61 : memref<1x128xi32, #tpu.memory_space<hbm>> -> memref<128xi32, #tpu.memory_space<hbm>>
          %dma_wait3A_63 = arith.constant 0 : i32
          %dma_wait3A_64 = tpu.memref_slice %arg4[%add3A_38, %dma_wait3A_63] : memref<2512x128xi32, #tpu.memory_space<hbm>> -> memref<1x128xi32, #tpu.memory_space<hbm>>
          %dma_wait3A_65 = tpu.memref_squeeze %dma_wait3A_64 : memref<1x128xi32, #tpu.memory_space<hbm>> -> memref<128xi32, #tpu.memory_space<hbm>>
          tpu.wait_dma2 semaphore(%run_scoped3A : memref<!tpu.dma_semaphore, #tpu.memory_space<semaphore_mem>>) src(%dma_wait3A_65 : memref<128xi32, #tpu.memory_space<hbm>>) dst(%arg9 : memref<128xi32, #tpu.memory_space<vmem>>)
          tpu.yield
        }) : () -> ()
        "tpu.region"() ({
          %run_scoped3A = tpu.sem_alloc : memref<!tpu.dma_semaphore, #tpu.memory_space<semaphore_mem>>
          %dma_start3A = arith.constant 0 : i32
          %dma_start3A_56 = arith.constant 0 : i32
          %dma_start3A_57 = tpu.memref_slice %arg2[%dma_start3A, %dma_start3A_56] : memref<10240x64xf32, #tpu.memory_space<hbm>> -> memref<10240x64xf32, #tpu.memory_space<hbm>>
          tpu.enqueue_indirect_dma source(%dma_start3A_57 : memref<10240x64xf32, #tpu.memory_space<hbm>>) target(%arg12 : memref<128x64xf32, #tpu.memory_space<vmem>>) offsets(%arg8 : memref<128xi32, #tpu.memory_space<vmem>>) semaphore(%run_scoped3A : memref<!tpu.dma_semaphore, #tpu.memory_space<semaphore_mem>>)
          %dma_wait3A = arith.constant 0 : i32
          %dma_wait3A_58 = arith.constant 0 : i32
          %dma_wait3A_59 = tpu.memref_slice %arg2[%dma_wait3A, %dma_wait3A_58] : memref<10240x64xf32, #tpu.memory_space<hbm>> -> memref<10240x64xf32, #tpu.memory_space<hbm>>
          tpu.wait_indirect_dma semaphore(%run_scoped3A : memref<!tpu.dma_semaphore, #tpu.memory_space<semaphore_mem>>) src(%dma_wait3A_59 : memref<10240x64xf32, #tpu.memory_space<hbm>>) dst(%arg12 : memref<128x64xf32, #tpu.memory_space<vmem>>)
          tpu.yield
        }) : () -> ()
        "tpu.region"() ({
          %run_scoped3A = tpu.sem_alloc : memref<!tpu.dma_semaphore, #tpu.memory_space<semaphore_mem>>
          %dma_start3A = arith.constant 0 : i32
          %dma_start3A_56 = arith.constant 0 : i32
          %dma_start3A_57 = tpu.memref_slice %arg16[%dma_start3A, %dma_start3A_56] : memref<10240x64xf32, #tpu.memory_space<vmem_shared>> -> memref<10240x64xf32, #tpu.memory_space<vmem_shared>>
          tpu.enqueue_indirect_dma source(%arg12 : memref<128x64xf32, #tpu.memory_space<vmem>>) target(%dma_start3A_57 : memref<10240x64xf32, #tpu.memory_space<vmem_shared>>) offsets(%arg9 : memref<128xi32, #tpu.memory_space<vmem>>) semaphore(%run_scoped3A : memref<!tpu.dma_semaphore, #tpu.memory_space<semaphore_mem>>) {add = true}
          %dma_wait3A = arith.constant 0 : i32
          %dma_wait3A_58 = arith.constant 0 : i32
          %dma_wait3A_59 = tpu.memref_slice %arg16[%dma_wait3A, %dma_wait3A_58] : memref<10240x64xf32, #tpu.memory_space<vmem_shared>> -> memref<10240x64xf32, #tpu.memory_space<vmem_shared>>
          tpu.wait_indirect_dma semaphore(%run_scoped3A : memref<!tpu.dma_semaphore, #tpu.memory_space<semaphore_mem>>) src(%arg12 : memref<128x64xf32, #tpu.memory_space<vmem>>) dst(%dma_wait3A_59 : memref<10240x64xf32, #tpu.memory_space<vmem_shared>>)
          tpu.yield
        }) : () -> ()
      } else {
      }
    }
    %scan3A_25 = arith.constant 47 : i32
    %barrier3A_26 = arith.constant 0 : index
    tpu.barrier barrier_id(%barrier3A_26)
    "tpu.region"() ({
      %run_scoped3A = tpu.sem_alloc : memref<!tpu.dma_semaphore, #tpu.memory_space<semaphore_mem>>
      %dma_start3A = arith.constant 0 : i32
      %dma_start3A_35 = tpu.memref_slice %arg16[%mul3A_10, %dma_start3A] : memref<10240x64xf32, #tpu.memory_space<vmem_shared>> -> memref<640x64xf32, #tpu.memory_space<vmem_shared>>
      %dma_start3A_36 = arith.constant 0 : i32
      %dma_start3A_37 = tpu.memref_slice %arg16[%mul3A_10, %dma_start3A_36] : memref<10240x64xf32, #tpu.memory_space<vmem_shared>> -> memref<640x64xf32, #tpu.memory_space<vmem_shared>>
      tpu.enqueue_dma source(%dma_start3A_37 : memref<640x64xf32, #tpu.memory_space<vmem_shared>>) target(%arg15 : memref<640x64xf32, #tpu.memory_space<vmem>>) target_semaphore(%run_scoped3A : memref<!tpu.dma_semaphore, #tpu.memory_space<semaphore_mem>>)
      %dma_wait3A = arith.constant 0 : i32
      %dma_wait3A_38 = tpu.memref_slice %arg16[%mul3A_10, %dma_wait3A] : memref<10240x64xf32, #tpu.memory_space<vmem_shared>> -> memref<640x64xf32, #tpu.memory_space<vmem_shared>>
      %dma_wait3A_39 = arith.constant 0 : i32
      %dma_wait3A_40 = tpu.memref_slice %arg16[%mul3A_10, %dma_wait3A_39] : memref<10240x64xf32, #tpu.memory_space<vmem_shared>> -> memref<640x64xf32, #tpu.memory_space<vmem_shared>>
      tpu.wait_dma2 semaphore(%run_scoped3A : memref<!tpu.dma_semaphore, #tpu.memory_space<semaphore_mem>>) src(%dma_wait3A_40 : memref<640x64xf32, #tpu.memory_space<vmem_shared>>) dst(%arg15 : memref<640x64xf32, #tpu.memory_space<vmem>>)
      tpu.yield
    }) : () -> ()
    %eq3A_27 = arith.constant 0 : i32
    %eq3A_28 = arith.cmpi eq, %arg0, %eq3A_27 : i32
    %convert_element_type3A = arith.extui %eq3A_28 : i1 to i32
    %cond3A = arith.constant 0 : i32
    %cond3A_29 = arith.cmpi ne, %convert_element_type3A, %cond3A : i32
    scf.if %cond3A_29 {
      "tpu.region"() ({
        %run_scoped3A = tpu.sem_alloc : memref<!tpu.dma_semaphore, #tpu.memory_space<semaphore_mem>>
        %dma_start3A = arith.constant 0 : i32
        %dma_start3A_35 = tpu.memref_slice %arg6[%mul3A_10, %dma_start3A] : memref<10240x64xf32, #tpu.memory_space<hbm>> -> memref<640x64xf32, #tpu.memory_space<hbm>>
        %dma_start3A_36 = arith.constant 0 : i32
        %dma_start3A_37 = tpu.memref_slice %arg6[%mul3A_10, %dma_start3A_36] : memref<10240x64xf32, #tpu.memory_space<hbm>> -> memref<640x64xf32, #tpu.memory_space<hbm>>
        tpu.enqueue_dma source(%arg15 : memref<640x64xf32, #tpu.memory_space<vmem>>) target(%dma_start3A_37 : memref<640x64xf32, #tpu.memory_space<hbm>>) target_semaphore(%run_scoped3A : memref<!tpu.dma_semaphore, #tpu.memory_space<semaphore_mem>>)
        %dma_wait3A = arith.constant 0 : i32
        %dma_wait3A_38 = tpu.memref_slice %arg6[%mul3A_10, %dma_wait3A] : memref<10240x64xf32, #tpu.memory_space<hbm>> -> memref<640x64xf32, #tpu.memory_space<hbm>>
        %dma_wait3A_39 = arith.constant 0 : i32
        %dma_wait3A_40 = tpu.memref_slice %arg6[%mul3A_10, %dma_wait3A_39] : memref<10240x64xf32, #tpu.memory_space<hbm>> -> memref<640x64xf32, #tpu.memory_space<hbm>>
        tpu.wait_dma2 semaphore(%run_scoped3A : memref<!tpu.dma_semaphore, #tpu.memory_space<semaphore_mem>>) src(%arg15 : memref<640x64xf32, #tpu.memory_space<vmem>>) dst(%dma_wait3A_40 : memref<640x64xf32, #tpu.memory_space<hbm>>)
        tpu.yield
      }) : () -> ()
    } else {
    }
    %eq3A_30 = arith.constant 1 : i32
    %eq3A_31 = arith.cmpi eq, %arg0, %eq3A_30 : i32
    %convert_element_type3A_32 = arith.extui %eq3A_31 : i1 to i32
    %cond3A_33 = arith.constant 0 : i32
    %cond3A_34 = arith.cmpi ne, %convert_element_type3A_32, %cond3A_33 : i32
    scf.if %cond3A_34 {
      "tpu.region"() ({
        %run_scoped3A = tpu.sem_alloc : memref<!tpu.dma_semaphore, #tpu.memory_space<semaphore_mem>>
        %dma_start3A = arith.constant 0 : i32
        %dma_start3A_35 = tpu.memref_slice %arg7[%mul3A_10, %dma_start3A] : memref<10240x64xf32, #tpu.memory_space<hbm>> -> memref<640x64xf32, #tpu.memory_space<hbm>>
        %dma_start3A_36 = arith.constant 0 : i32
        %dma_start3A_37 = tpu.memref_slice %arg7[%mul3A_10, %dma_start3A_36] : memref<10240x64xf32, #tpu.memory_space<hbm>> -> memref<640x64xf32, #tpu.memory_space<hbm>>
        tpu.enqueue_dma source(%arg15 : memref<640x64xf32, #tpu.memory_space<vmem>>) target(%dma_start3A_37 : memref<640x64xf32, #tpu.memory_space<hbm>>) target_semaphore(%run_scoped3A : memref<!tpu.dma_semaphore, #tpu.memory_space<semaphore_mem>>)
        %dma_wait3A = arith.constant 0 : i32
        %dma_wait3A_38 = tpu.memref_slice %arg7[%mul3A_10, %dma_wait3A] : memref<10240x64xf32, #tpu.memory_space<hbm>> -> memref<640x64xf32, #tpu.memory_space<hbm>>
        %dma_wait3A_39 = arith.constant 0 : i32
        %dma_wait3A_40 = tpu.memref_slice %arg7[%mul3A_10, %dma_wait3A_39] : memref<10240x64xf32, #tpu.memory_space<hbm>> -> memref<640x64xf32, #tpu.memory_space<hbm>>
        tpu.wait_dma2 semaphore(%run_scoped3A : memref<!tpu.dma_semaphore, #tpu.memory_space<semaphore_mem>>) src(%arg15 : memref<640x64xf32, #tpu.memory_space<vmem>>) dst(%dma_wait3A_40 : memref<640x64xf32, #tpu.memory_space<hbm>>)
        tpu.yield
      }) : () -> ()
    } else {
    }
    return
  }
}

#map = affine_map<(d0, d1) -> (0, 0)>
module attributes {stable_mosaic.version = 14 : i64} {
  func.func @agg_kernel(%arg0: i32, %arg1: i32, %arg2: memref<10240x64xf32, #tpu.memory_space<hbm>>, %arg3: memref<2512x128xi32, #tpu.memory_space<hbm>>, %arg4: memref<2512x128xi32, #tpu.memory_space<hbm>>, %arg5: memref<128x64xf32, #tpu.memory_space<hbm>>, %arg6: memref<10240x64xf32, #tpu.memory_space<hbm>>, %arg7: memref<10240x64xf32, #tpu.memory_space<hbm>>, %arg8: memref<128xi32, #tpu.memory_space<vmem>>, %arg9: memref<128xi32, #tpu.memory_space<vmem>>, %arg10: memref<128xi32, #tpu.memory_space<vmem>>, %arg11: memref<128xi32, #tpu.memory_space<vmem>>, %arg12: memref<128x64xf32, #tpu.memory_space<vmem>>, %arg13: memref<128x64xf32, #tpu.memory_space<vmem>>, %arg14: memref<128x64xf32, #tpu.memory_space<vmem>>, %arg15: memref<640x64xf32, #tpu.memory_space<vmem>>, %arg16: memref<10240x64xf32, #tpu.memory_space<vmem_shared>>, %arg17: memref<!tpu.dma_semaphore, #tpu.memory_space<semaphore_mem>>, %arg18: memref<!tpu.dma_semaphore, #tpu.memory_space<semaphore_mem>>, %arg19: memref<!tpu.dma_semaphore, #tpu.memory_space<semaphore_mem>>, %arg20: memref<!tpu.dma_semaphore, #tpu.memory_space<semaphore_mem>>, %arg21: memref<!tpu.dma_semaphore, #tpu.memory_space<semaphore_mem>>, %arg22: memref<!tpu.dma_semaphore, #tpu.memory_space<semaphore_mem>>, %arg23: memref<!tpu.dma_semaphore, #tpu.memory_space<semaphore_mem>>, %arg24: memref<!tpu.dma_semaphore, #tpu.memory_space<semaphore_mem>>) attributes {dimension_semantics = [#tpu.dimension_semantics<core_parallel>, #tpu.dimension_semantics<subcore_parallel>], iteration_bounds = array<i64: 2, 16>, scalar_prefetch = 0 : i64, scratch_operands = 17 : i64, tpu.core_type = #tpu.core_type<sc_vector_subcore>, window_params = [{transform_indices = #map}, {transform_indices = #map}, {transform_indices = #map}, {transform_indices = #map}, {transform_indices = #map}, {transform_indices = #map}]} {
    %eq3A = arith.constant 0 : i32
    %eq3A_0 = arith.cmpi eq, %arg0, %eq3A : i32
    %jit3A = arith.constant 94 : i32
    %jit3A_1 = arith.constant 63 : i32
    %select_n3A = arith.select %eq3A_0, %jit3A, %jit3A_1 : i32
    %eq3A_2 = arith.constant 0 : i32
    %eq3A_3 = arith.cmpi eq, %arg0, %eq3A_2 : i32
    %mul3A = arith.constant 94 : i32
    %mul3A_4 = arith.muli %arg1, %mul3A : i32
    %mul3A_5 = arith.constant 63 : i32
    %mul3A_6 = arith.muli %arg1, %mul3A_5 : i32
    %add3A = arith.constant 1504 : i32
    %add3A_7 = arith.addi %add3A, %mul3A_6 : i32
    %select_n3A_8 = arith.select %eq3A_3, %mul3A_4, %add3A_7 : i32
    "tpu.region"() ({
      %run_scoped3A = tpu.sem_alloc : memref<!tpu.dma_semaphore, #tpu.memory_space<semaphore_mem>>
      tpu.enqueue_dma source(%arg5 : memref<128x64xf32, #tpu.memory_space<hbm>>) target(%arg14 : memref<128x64xf32, #tpu.memory_space<vmem>>) target_semaphore(%run_scoped3A : memref<!tpu.dma_semaphore, #tpu.memory_space<semaphore_mem>>)
      tpu.wait_dma2 semaphore(%run_scoped3A : memref<!tpu.dma_semaphore, #tpu.memory_space<semaphore_mem>>) src(%arg5 : memref<128x64xf32, #tpu.memory_space<hbm>>) dst(%arg14 : memref<128x64xf32, #tpu.memory_space<vmem>>)
      tpu.yield
    }) : () -> ()
    %mul3A_9 = arith.constant 640 : i32
    %mul3A_10 = arith.muli %arg1, %mul3A_9 : i32
    %add3A_11 = arith.constant 0 : i32
    %add3A_12 = arith.addi %mul3A_10, %add3A_11 : i32
    "tpu.region"() ({
      %run_scoped3A = tpu.sem_alloc : memref<!tpu.dma_semaphore, #tpu.memory_space<semaphore_mem>>
      %dma_start3A = arith.constant 0 : i32
      %dma_start3A_35 = tpu.memref_slice %arg16[%add3A_12, %dma_start3A] : memref<10240x64xf32, #tpu.memory_space<vmem_shared>> -> memref<128x64xf32, #tpu.memory_space<vmem_shared>>
      %dma_start3A_36 = arith.constant 0 : i32
      %dma_start3A_37 = tpu.memref_slice %arg16[%add3A_12, %dma_start3A_36] : memref<10240x64xf32, #tpu.memory_space<vmem_shared>> -> memref<128x64xf32, #tpu.memory_space<vmem_shared>>
      tpu.enqueue_dma source(%arg14 : memref<128x64xf32, #tpu.memory_space<vmem>>) target(%dma_start3A_37 : memref<128x64xf32, #tpu.memory_space<vmem_shared>>) target_semaphore(%run_scoped3A : memref<!tpu.dma_semaphore, #tpu.memory_space<semaphore_mem>>)
      %dma_wait3A = arith.constant 0 : i32
      %dma_wait3A_38 = tpu.memref_slice %arg16[%add3A_12, %dma_wait3A] : memref<10240x64xf32, #tpu.memory_space<vmem_shared>> -> memref<128x64xf32, #tpu.memory_space<vmem_shared>>
      %dma_wait3A_39 = arith.constant 0 : i32
      %dma_wait3A_40 = tpu.memref_slice %arg16[%add3A_12, %dma_wait3A_39] : memref<10240x64xf32, #tpu.memory_space<vmem_shared>> -> memref<128x64xf32, #tpu.memory_space<vmem_shared>>
      tpu.wait_dma2 semaphore(%run_scoped3A : memref<!tpu.dma_semaphore, #tpu.memory_space<semaphore_mem>>) src(%arg14 : memref<128x64xf32, #tpu.memory_space<vmem>>) dst(%dma_wait3A_40 : memref<128x64xf32, #tpu.memory_space<vmem_shared>>)
      tpu.yield
    }) : () -> ()
    %add3A_13 = arith.constant 128 : i32
    %add3A_14 = arith.addi %mul3A_10, %add3A_13 : i32
    "tpu.region"() ({
      %run_scoped3A = tpu.sem_alloc : memref<!tpu.dma_semaphore, #tpu.memory_space<semaphore_mem>>
      %dma_start3A = arith.constant 0 : i32
      %dma_start3A_35 = tpu.memref_slice %arg16[%add3A_14, %dma_start3A] : memref<10240x64xf32, #tpu.memory_space<vmem_shared>> -> memref<128x64xf32, #tpu.memory_space<vmem_shared>>
      %dma_start3A_36 = arith.constant 0 : i32
      %dma_start3A_37 = tpu.memref_slice %arg16[%add3A_14, %dma_start3A_36] : memref<10240x64xf32, #tpu.memory_space<vmem_shared>> -> memref<128x64xf32, #tpu.memory_space<vmem_shared>>
      tpu.enqueue_dma source(%arg14 : memref<128x64xf32, #tpu.memory_space<vmem>>) target(%dma_start3A_37 : memref<128x64xf32, #tpu.memory_space<vmem_shared>>) target_semaphore(%run_scoped3A : memref<!tpu.dma_semaphore, #tpu.memory_space<semaphore_mem>>)
      %dma_wait3A = arith.constant 0 : i32
      %dma_wait3A_38 = tpu.memref_slice %arg16[%add3A_14, %dma_wait3A] : memref<10240x64xf32, #tpu.memory_space<vmem_shared>> -> memref<128x64xf32, #tpu.memory_space<vmem_shared>>
      %dma_wait3A_39 = arith.constant 0 : i32
      %dma_wait3A_40 = tpu.memref_slice %arg16[%add3A_14, %dma_wait3A_39] : memref<10240x64xf32, #tpu.memory_space<vmem_shared>> -> memref<128x64xf32, #tpu.memory_space<vmem_shared>>
      tpu.wait_dma2 semaphore(%run_scoped3A : memref<!tpu.dma_semaphore, #tpu.memory_space<semaphore_mem>>) src(%arg14 : memref<128x64xf32, #tpu.memory_space<vmem>>) dst(%dma_wait3A_40 : memref<128x64xf32, #tpu.memory_space<vmem_shared>>)
      tpu.yield
    }) : () -> ()
    %add3A_15 = arith.constant 256 : i32
    %add3A_16 = arith.addi %mul3A_10, %add3A_15 : i32
    "tpu.region"() ({
      %run_scoped3A = tpu.sem_alloc : memref<!tpu.dma_semaphore, #tpu.memory_space<semaphore_mem>>
      %dma_start3A = arith.constant 0 : i32
      %dma_start3A_35 = tpu.memref_slice %arg16[%add3A_16, %dma_start3A] : memref<10240x64xf32, #tpu.memory_space<vmem_shared>> -> memref<128x64xf32, #tpu.memory_space<vmem_shared>>
      %dma_start3A_36 = arith.constant 0 : i32
      %dma_start3A_37 = tpu.memref_slice %arg16[%add3A_16, %dma_start3A_36] : memref<10240x64xf32, #tpu.memory_space<vmem_shared>> -> memref<128x64xf32, #tpu.memory_space<vmem_shared>>
      tpu.enqueue_dma source(%arg14 : memref<128x64xf32, #tpu.memory_space<vmem>>) target(%dma_start3A_37 : memref<128x64xf32, #tpu.memory_space<vmem_shared>>) target_semaphore(%run_scoped3A : memref<!tpu.dma_semaphore, #tpu.memory_space<semaphore_mem>>)
      %dma_wait3A = arith.constant 0 : i32
      %dma_wait3A_38 = tpu.memref_slice %arg16[%add3A_16, %dma_wait3A] : memref<10240x64xf32, #tpu.memory_space<vmem_shared>> -> memref<128x64xf32, #tpu.memory_space<vmem_shared>>
      %dma_wait3A_39 = arith.constant 0 : i32
      %dma_wait3A_40 = tpu.memref_slice %arg16[%add3A_16, %dma_wait3A_39] : memref<10240x64xf32, #tpu.memory_space<vmem_shared>> -> memref<128x64xf32, #tpu.memory_space<vmem_shared>>
      tpu.wait_dma2 semaphore(%run_scoped3A : memref<!tpu.dma_semaphore, #tpu.memory_space<semaphore_mem>>) src(%arg14 : memref<128x64xf32, #tpu.memory_space<vmem>>) dst(%dma_wait3A_40 : memref<128x64xf32, #tpu.memory_space<vmem_shared>>)
      tpu.yield
    }) : () -> ()
    %add3A_17 = arith.constant 384 : i32
    %add3A_18 = arith.addi %mul3A_10, %add3A_17 : i32
    "tpu.region"() ({
      %run_scoped3A = tpu.sem_alloc : memref<!tpu.dma_semaphore, #tpu.memory_space<semaphore_mem>>
      %dma_start3A = arith.constant 0 : i32
      %dma_start3A_35 = tpu.memref_slice %arg16[%add3A_18, %dma_start3A] : memref<10240x64xf32, #tpu.memory_space<vmem_shared>> -> memref<128x64xf32, #tpu.memory_space<vmem_shared>>
      %dma_start3A_36 = arith.constant 0 : i32
      %dma_start3A_37 = tpu.memref_slice %arg16[%add3A_18, %dma_start3A_36] : memref<10240x64xf32, #tpu.memory_space<vmem_shared>> -> memref<128x64xf32, #tpu.memory_space<vmem_shared>>
      tpu.enqueue_dma source(%arg14 : memref<128x64xf32, #tpu.memory_space<vmem>>) target(%dma_start3A_37 : memref<128x64xf32, #tpu.memory_space<vmem_shared>>) target_semaphore(%run_scoped3A : memref<!tpu.dma_semaphore, #tpu.memory_space<semaphore_mem>>)
      %dma_wait3A = arith.constant 0 : i32
      %dma_wait3A_38 = tpu.memref_slice %arg16[%add3A_18, %dma_wait3A] : memref<10240x64xf32, #tpu.memory_space<vmem_shared>> -> memref<128x64xf32, #tpu.memory_space<vmem_shared>>
      %dma_wait3A_39 = arith.constant 0 : i32
      %dma_wait3A_40 = tpu.memref_slice %arg16[%add3A_18, %dma_wait3A_39] : memref<10240x64xf32, #tpu.memory_space<vmem_shared>> -> memref<128x64xf32, #tpu.memory_space<vmem_shared>>
      tpu.wait_dma2 semaphore(%run_scoped3A : memref<!tpu.dma_semaphore, #tpu.memory_space<semaphore_mem>>) src(%arg14 : memref<128x64xf32, #tpu.memory_space<vmem>>) dst(%dma_wait3A_40 : memref<128x64xf32, #tpu.memory_space<vmem_shared>>)
      tpu.yield
    }) : () -> ()
    %add3A_19 = arith.constant 512 : i32
    %add3A_20 = arith.addi %mul3A_10, %add3A_19 : i32
    "tpu.region"() ({
      %run_scoped3A = tpu.sem_alloc : memref<!tpu.dma_semaphore, #tpu.memory_space<semaphore_mem>>
      %dma_start3A = arith.constant 0 : i32
      %dma_start3A_35 = tpu.memref_slice %arg16[%add3A_20, %dma_start3A] : memref<10240x64xf32, #tpu.memory_space<vmem_shared>> -> memref<128x64xf32, #tpu.memory_space<vmem_shared>>
      %dma_start3A_36 = arith.constant 0 : i32
      %dma_start3A_37 = tpu.memref_slice %arg16[%add3A_20, %dma_start3A_36] : memref<10240x64xf32, #tpu.memory_space<vmem_shared>> -> memref<128x64xf32, #tpu.memory_space<vmem_shared>>
      tpu.enqueue_dma source(%arg14 : memref<128x64xf32, #tpu.memory_space<vmem>>) target(%dma_start3A_37 : memref<128x64xf32, #tpu.memory_space<vmem_shared>>) target_semaphore(%run_scoped3A : memref<!tpu.dma_semaphore, #tpu.memory_space<semaphore_mem>>)
      %dma_wait3A = arith.constant 0 : i32
      %dma_wait3A_38 = tpu.memref_slice %arg16[%add3A_20, %dma_wait3A] : memref<10240x64xf32, #tpu.memory_space<vmem_shared>> -> memref<128x64xf32, #tpu.memory_space<vmem_shared>>
      %dma_wait3A_39 = arith.constant 0 : i32
      %dma_wait3A_40 = tpu.memref_slice %arg16[%add3A_20, %dma_wait3A_39] : memref<10240x64xf32, #tpu.memory_space<vmem_shared>> -> memref<128x64xf32, #tpu.memory_space<vmem_shared>>
      tpu.wait_dma2 semaphore(%run_scoped3A : memref<!tpu.dma_semaphore, #tpu.memory_space<semaphore_mem>>) src(%arg14 : memref<128x64xf32, #tpu.memory_space<vmem>>) dst(%dma_wait3A_40 : memref<128x64xf32, #tpu.memory_space<vmem_shared>>)
      tpu.yield
    }) : () -> ()
    %barrier3A = arith.constant 0 : index
    tpu.barrier barrier_id(%barrier3A)
    %scan3A = arith.constant 0 : i32
    %scan3A_21 = arith.constant 0 : i32
    %scan3A_22 = arith.constant 47 : i32
    %scan3A_23 = arith.addi %scan3A_21, %scan3A_22 : i32
    %scan3A_24 = arith.constant 1 : i32
    scf.for %scan3A_35 = %scan3A_21 to %scan3A_23 step %scan3A_24  : i32 {
      %mul3A_36 = arith.constant 2 : i32
      %mul3A_37 = arith.muli %mul3A_36, %scan3A_35 : i32
      %add3A_38 = arith.addi %select_n3A_8, %mul3A_37 : i32
      %mul3A_39 = arith.constant 2 : i32
      %mul3A_40 = arith.muli %mul3A_39, %scan3A_35 : i32
      %add3A_41 = arith.constant 1 : i32
      %add3A_42 = arith.addi %mul3A_40, %add3A_41 : i32
      %lt3A = arith.cmpi slt, %add3A_42, %select_n3A : i32
      %convert_element_type3A_43 = arith.extui %lt3A : i1 to i32
      %cond3A_44 = arith.constant 0 : i32
      %cond3A_45 = arith.cmpi ne, %convert_element_type3A_43, %cond3A_44 : i32
      scf.if %cond3A_45 {
        %dma_start3A = arith.constant 0 : i32
        %dma_start3A_56 = tpu.memref_slice %arg3[%add3A_38, %dma_start3A] : memref<2512x128xi32, #tpu.memory_space<hbm>> -> memref<1x128xi32, #tpu.memory_space<hbm>>
        %dma_start3A_57 = tpu.memref_squeeze %dma_start3A_56 : memref<1x128xi32, #tpu.memory_space<hbm>> -> memref<128xi32, #tpu.memory_space<hbm>>
        %dma_start3A_58 = arith.constant 0 : i32
        %dma_start3A_59 = tpu.memref_slice %arg3[%add3A_38, %dma_start3A_58] : memref<2512x128xi32, #tpu.memory_space<hbm>> -> memref<1x128xi32, #tpu.memory_space<hbm>>
        %dma_start3A_60 = tpu.memref_squeeze %dma_start3A_59 : memref<1x128xi32, #tpu.memory_space<hbm>> -> memref<128xi32, #tpu.memory_space<hbm>>
        tpu.enqueue_dma source(%dma_start3A_60 : memref<128xi32, #tpu.memory_space<hbm>>) target(%arg8 : memref<128xi32, #tpu.memory_space<vmem>>) target_semaphore(%arg17 : memref<!tpu.dma_semaphore, #tpu.memory_space<semaphore_mem>>)
        %dma_start3A_61 = arith.constant 0 : i32
        %dma_start3A_62 = tpu.memref_slice %arg4[%add3A_38, %dma_start3A_61] : memref<2512x128xi32, #tpu.memory_space<hbm>> -> memref<1x128xi32, #tpu.memory_space<hbm>>
        %dma_start3A_63 = tpu.memref_squeeze %dma_start3A_62 : memref<1x128xi32, #tpu.memory_space<hbm>> -> memref<128xi32, #tpu.memory_space<hbm>>
        %dma_start3A_64 = arith.constant 0 : i32
        %dma_start3A_65 = tpu.memref_slice %arg4[%add3A_38, %dma_start3A_64] : memref<2512x128xi32, #tpu.memory_space<hbm>> -> memref<1x128xi32, #tpu.memory_space<hbm>>
        %dma_start3A_66 = tpu.memref_squeeze %dma_start3A_65 : memref<1x128xi32, #tpu.memory_space<hbm>> -> memref<128xi32, #tpu.memory_space<hbm>>
        tpu.enqueue_dma source(%dma_start3A_66 : memref<128xi32, #tpu.memory_space<hbm>>) target(%arg9 : memref<128xi32, #tpu.memory_space<vmem>>) target_semaphore(%arg18 : memref<!tpu.dma_semaphore, #tpu.memory_space<semaphore_mem>>)
        %add3A_67 = arith.constant 1 : i32
        %add3A_68 = arith.addi %add3A_38, %add3A_67 : i32
        %dma_start3A_69 = arith.constant 0 : i32
        %dma_start3A_70 = tpu.memref_slice %arg3[%add3A_68, %dma_start3A_69] : memref<2512x128xi32, #tpu.memory_space<hbm>> -> memref<1x128xi32, #tpu.memory_space<hbm>>
        %dma_start3A_71 = tpu.memref_squeeze %dma_start3A_70 : memref<1x128xi32, #tpu.memory_space<hbm>> -> memref<128xi32, #tpu.memory_space<hbm>>
        %dma_start3A_72 = arith.constant 0 : i32
        %dma_start3A_73 = tpu.memref_slice %arg3[%add3A_68, %dma_start3A_72] : memref<2512x128xi32, #tpu.memory_space<hbm>> -> memref<1x128xi32, #tpu.memory_space<hbm>>
        %dma_start3A_74 = tpu.memref_squeeze %dma_start3A_73 : memref<1x128xi32, #tpu.memory_space<hbm>> -> memref<128xi32, #tpu.memory_space<hbm>>
        tpu.enqueue_dma source(%dma_start3A_74 : memref<128xi32, #tpu.memory_space<hbm>>) target(%arg10 : memref<128xi32, #tpu.memory_space<vmem>>) target_semaphore(%arg19 : memref<!tpu.dma_semaphore, #tpu.memory_space<semaphore_mem>>)
        %add3A_75 = arith.constant 1 : i32
        %add3A_76 = arith.addi %add3A_38, %add3A_75 : i32
        %dma_start3A_77 = arith.constant 0 : i32
        %dma_start3A_78 = tpu.memref_slice %arg4[%add3A_76, %dma_start3A_77] : memref<2512x128xi32, #tpu.memory_space<hbm>> -> memref<1x128xi32, #tpu.memory_space<hbm>>
        %dma_start3A_79 = tpu.memref_squeeze %dma_start3A_78 : memref<1x128xi32, #tpu.memory_space<hbm>> -> memref<128xi32, #tpu.memory_space<hbm>>
        %dma_start3A_80 = arith.constant 0 : i32
        %dma_start3A_81 = tpu.memref_slice %arg4[%add3A_76, %dma_start3A_80] : memref<2512x128xi32, #tpu.memory_space<hbm>> -> memref<1x128xi32, #tpu.memory_space<hbm>>
        %dma_start3A_82 = tpu.memref_squeeze %dma_start3A_81 : memref<1x128xi32, #tpu.memory_space<hbm>> -> memref<128xi32, #tpu.memory_space<hbm>>
        tpu.enqueue_dma source(%dma_start3A_82 : memref<128xi32, #tpu.memory_space<hbm>>) target(%arg11 : memref<128xi32, #tpu.memory_space<vmem>>) target_semaphore(%arg20 : memref<!tpu.dma_semaphore, #tpu.memory_space<semaphore_mem>>)
        %dma_wait3A = arith.constant 0 : i32
        %dma_wait3A_83 = tpu.memref_slice %arg3[%add3A_38, %dma_wait3A] : memref<2512x128xi32, #tpu.memory_space<hbm>> -> memref<1x128xi32, #tpu.memory_space<hbm>>
        %dma_wait3A_84 = tpu.memref_squeeze %dma_wait3A_83 : memref<1x128xi32, #tpu.memory_space<hbm>> -> memref<128xi32, #tpu.memory_space<hbm>>
        %dma_wait3A_85 = arith.constant 0 : i32
        %dma_wait3A_86 = tpu.memref_slice %arg3[%add3A_38, %dma_wait3A_85] : memref<2512x128xi32, #tpu.memory_space<hbm>> -> memref<1x128xi32, #tpu.memory_space<hbm>>
        %dma_wait3A_87 = tpu.memref_squeeze %dma_wait3A_86 : memref<1x128xi32, #tpu.memory_space<hbm>> -> memref<128xi32, #tpu.memory_space<hbm>>
        tpu.wait_dma2 semaphore(%arg17 : memref<!tpu.dma_semaphore, #tpu.memory_space<semaphore_mem>>) src(%dma_wait3A_87 : memref<128xi32, #tpu.memory_space<hbm>>) dst(%arg8 : memref<128xi32, #tpu.memory_space<vmem>>)
        %dma_start3A_88 = arith.constant 0 : i32
        %dma_start3A_89 = arith.constant 0 : i32
        %dma_start3A_90 = tpu.memref_slice %arg2[%dma_start3A_88, %dma_start3A_89] : memref<10240x64xf32, #tpu.memory_space<hbm>> -> memref<10240x64xf32, #tpu.memory_space<hbm>>
        tpu.enqueue_indirect_dma source(%dma_start3A_90 : memref<10240x64xf32, #tpu.memory_space<hbm>>) target(%arg12 : memref<128x64xf32, #tpu.memory_space<vmem>>) offsets(%arg8 : memref<128xi32, #tpu.memory_space<vmem>>) semaphore(%arg21 : memref<!tpu.dma_semaphore, #tpu.memory_space<semaphore_mem>>)
        %dma_wait3A_91 = arith.constant 0 : i32
        %dma_wait3A_92 = tpu.memref_slice %arg3[%add3A_68, %dma_wait3A_91] : memref<2512x128xi32, #tpu.memory_space<hbm>> -> memref<1x128xi32, #tpu.memory_space<hbm>>
        %dma_wait3A_93 = tpu.memref_squeeze %dma_wait3A_92 : memref<1x128xi32, #tpu.memory_space<hbm>> -> memref<128xi32, #tpu.memory_space<hbm>>
        %dma_wait3A_94 = arith.constant 0 : i32
        %dma_wait3A_95 = tpu.memref_slice %arg3[%add3A_68, %dma_wait3A_94] : memref<2512x128xi32, #tpu.memory_space<hbm>> -> memref<1x128xi32, #tpu.memory_space<hbm>>
        %dma_wait3A_96 = tpu.memref_squeeze %dma_wait3A_95 : memref<1x128xi32, #tpu.memory_space<hbm>> -> memref<128xi32, #tpu.memory_space<hbm>>
        tpu.wait_dma2 semaphore(%arg19 : memref<!tpu.dma_semaphore, #tpu.memory_space<semaphore_mem>>) src(%dma_wait3A_96 : memref<128xi32, #tpu.memory_space<hbm>>) dst(%arg10 : memref<128xi32, #tpu.memory_space<vmem>>)
        %dma_start3A_97 = arith.constant 0 : i32
        %dma_start3A_98 = arith.constant 0 : i32
        %dma_start3A_99 = tpu.memref_slice %arg2[%dma_start3A_97, %dma_start3A_98] : memref<10240x64xf32, #tpu.memory_space<hbm>> -> memref<10240x64xf32, #tpu.memory_space<hbm>>
        tpu.enqueue_indirect_dma source(%dma_start3A_99 : memref<10240x64xf32, #tpu.memory_space<hbm>>) target(%arg13 : memref<128x64xf32, #tpu.memory_space<vmem>>) offsets(%arg10 : memref<128xi32, #tpu.memory_space<vmem>>) semaphore(%arg22 : memref<!tpu.dma_semaphore, #tpu.memory_space<semaphore_mem>>)
        %dma_wait3A_100 = arith.constant 0 : i32
        %dma_wait3A_101 = arith.constant 0 : i32
        %dma_wait3A_102 = tpu.memref_slice %arg2[%dma_wait3A_100, %dma_wait3A_101] : memref<10240x64xf32, #tpu.memory_space<hbm>> -> memref<10240x64xf32, #tpu.memory_space<hbm>>
        tpu.wait_indirect_dma semaphore(%arg21 : memref<!tpu.dma_semaphore, #tpu.memory_space<semaphore_mem>>) src(%dma_wait3A_102 : memref<10240x64xf32, #tpu.memory_space<hbm>>) dst(%arg12 : memref<128x64xf32, #tpu.memory_space<vmem>>)
        %dma_wait3A_103 = arith.constant 0 : i32
        %dma_wait3A_104 = tpu.memref_slice %arg4[%add3A_38, %dma_wait3A_103] : memref<2512x128xi32, #tpu.memory_space<hbm>> -> memref<1x128xi32, #tpu.memory_space<hbm>>
        %dma_wait3A_105 = tpu.memref_squeeze %dma_wait3A_104 : memref<1x128xi32, #tpu.memory_space<hbm>> -> memref<128xi32, #tpu.memory_space<hbm>>
        %dma_wait3A_106 = arith.constant 0 : i32
        %dma_wait3A_107 = tpu.memref_slice %arg4[%add3A_38, %dma_wait3A_106] : memref<2512x128xi32, #tpu.memory_space<hbm>> -> memref<1x128xi32, #tpu.memory_space<hbm>>
        %dma_wait3A_108 = tpu.memref_squeeze %dma_wait3A_107 : memref<1x128xi32, #tpu.memory_space<hbm>> -> memref<128xi32, #tpu.memory_space<hbm>>
        tpu.wait_dma2 semaphore(%arg18 : memref<!tpu.dma_semaphore, #tpu.memory_space<semaphore_mem>>) src(%dma_wait3A_108 : memref<128xi32, #tpu.memory_space<hbm>>) dst(%arg9 : memref<128xi32, #tpu.memory_space<vmem>>)
        %dma_start3A_109 = arith.constant 0 : i32
        %dma_start3A_110 = arith.constant 0 : i32
        %dma_start3A_111 = tpu.memref_slice %arg16[%dma_start3A_109, %dma_start3A_110] : memref<10240x64xf32, #tpu.memory_space<vmem_shared>> -> memref<10240x64xf32, #tpu.memory_space<vmem_shared>>
        tpu.enqueue_indirect_dma source(%arg12 : memref<128x64xf32, #tpu.memory_space<vmem>>) target(%dma_start3A_111 : memref<10240x64xf32, #tpu.memory_space<vmem_shared>>) offsets(%arg9 : memref<128xi32, #tpu.memory_space<vmem>>) semaphore(%arg23 : memref<!tpu.dma_semaphore, #tpu.memory_space<semaphore_mem>>) {add = true}
        %dma_wait3A_112 = arith.constant 0 : i32
        %dma_wait3A_113 = arith.constant 0 : i32
        %dma_wait3A_114 = tpu.memref_slice %arg2[%dma_wait3A_112, %dma_wait3A_113] : memref<10240x64xf32, #tpu.memory_space<hbm>> -> memref<10240x64xf32, #tpu.memory_space<hbm>>
        tpu.wait_indirect_dma semaphore(%arg22 : memref<!tpu.dma_semaphore, #tpu.memory_space<semaphore_mem>>) src(%dma_wait3A_114 : memref<10240x64xf32, #tpu.memory_space<hbm>>) dst(%arg13 : memref<128x64xf32, #tpu.memory_space<vmem>>)
        %dma_wait3A_115 = arith.constant 0 : i32
        %dma_wait3A_116 = tpu.memref_slice %arg4[%add3A_76, %dma_wait3A_115] : memref<2512x128xi32, #tpu.memory_space<hbm>> -> memref<1x128xi32, #tpu.memory_space<hbm>>
        %dma_wait3A_117 = tpu.memref_squeeze %dma_wait3A_116 : memref<1x128xi32, #tpu.memory_space<hbm>> -> memref<128xi32, #tpu.memory_space<hbm>>
        %dma_wait3A_118 = arith.constant 0 : i32
        %dma_wait3A_119 = tpu.memref_slice %arg4[%add3A_76, %dma_wait3A_118] : memref<2512x128xi32, #tpu.memory_space<hbm>> -> memref<1x128xi32, #tpu.memory_space<hbm>>
        %dma_wait3A_120 = tpu.memref_squeeze %dma_wait3A_119 : memref<1x128xi32, #tpu.memory_space<hbm>> -> memref<128xi32, #tpu.memory_space<hbm>>
        tpu.wait_dma2 semaphore(%arg20 : memref<!tpu.dma_semaphore, #tpu.memory_space<semaphore_mem>>) src(%dma_wait3A_120 : memref<128xi32, #tpu.memory_space<hbm>>) dst(%arg11 : memref<128xi32, #tpu.memory_space<vmem>>)
        %dma_start3A_121 = arith.constant 0 : i32
        %dma_start3A_122 = arith.constant 0 : i32
        %dma_start3A_123 = tpu.memref_slice %arg16[%dma_start3A_121, %dma_start3A_122] : memref<10240x64xf32, #tpu.memory_space<vmem_shared>> -> memref<10240x64xf32, #tpu.memory_space<vmem_shared>>
        tpu.enqueue_indirect_dma source(%arg13 : memref<128x64xf32, #tpu.memory_space<vmem>>) target(%dma_start3A_123 : memref<10240x64xf32, #tpu.memory_space<vmem_shared>>) offsets(%arg11 : memref<128xi32, #tpu.memory_space<vmem>>) semaphore(%arg24 : memref<!tpu.dma_semaphore, #tpu.memory_space<semaphore_mem>>) {add = true}
        %dma_wait3A_124 = arith.constant 0 : i32
        %dma_wait3A_125 = arith.constant 0 : i32
        %dma_wait3A_126 = tpu.memref_slice %arg16[%dma_wait3A_124, %dma_wait3A_125] : memref<10240x64xf32, #tpu.memory_space<vmem_shared>> -> memref<10240x64xf32, #tpu.memory_space<vmem_shared>>
        tpu.wait_indirect_dma semaphore(%arg23 : memref<!tpu.dma_semaphore, #tpu.memory_space<semaphore_mem>>) src(%arg12 : memref<128x64xf32, #tpu.memory_space<vmem>>) dst(%dma_wait3A_126 : memref<10240x64xf32, #tpu.memory_space<vmem_shared>>)
        %dma_wait3A_127 = arith.constant 0 : i32
        %dma_wait3A_128 = arith.constant 0 : i32
        %dma_wait3A_129 = tpu.memref_slice %arg16[%dma_wait3A_127, %dma_wait3A_128] : memref<10240x64xf32, #tpu.memory_space<vmem_shared>> -> memref<10240x64xf32, #tpu.memory_space<vmem_shared>>
        tpu.wait_indirect_dma semaphore(%arg24 : memref<!tpu.dma_semaphore, #tpu.memory_space<semaphore_mem>>) src(%arg13 : memref<128x64xf32, #tpu.memory_space<vmem>>) dst(%dma_wait3A_129 : memref<10240x64xf32, #tpu.memory_space<vmem_shared>>)
      } else {
      }
      %mul3A_46 = arith.constant 2 : i32
      %mul3A_47 = arith.muli %mul3A_46, %scan3A_35 : i32
      %lt3A_48 = arith.cmpi slt, %mul3A_47, %select_n3A : i32
      %mul3A_49 = arith.constant 2 : i32
      %mul3A_50 = arith.muli %mul3A_49, %scan3A_35 : i32
      %add3A_51 = arith.constant 1 : i32
      %add3A_52 = arith.addi %mul3A_50, %add3A_51 : i32
      %ge3A = arith.cmpi sge, %add3A_52, %select_n3A : i32
      %and3A = arith.andi %lt3A_48, %ge3A : i1
      %convert_element_type3A_53 = arith.extui %and3A : i1 to i32
      %cond3A_54 = arith.constant 0 : i32
      %cond3A_55 = arith.cmpi ne, %convert_element_type3A_53, %cond3A_54 : i32
      scf.if %cond3A_55 {
        "tpu.region"() ({
          %run_scoped3A = tpu.sem_alloc : memref<!tpu.dma_semaphore, #tpu.memory_space<semaphore_mem>>
          %dma_start3A = arith.constant 0 : i32
          %dma_start3A_56 = tpu.memref_slice %arg3[%add3A_38, %dma_start3A] : memref<2512x128xi32, #tpu.memory_space<hbm>> -> memref<1x128xi32, #tpu.memory_space<hbm>>
          %dma_start3A_57 = tpu.memref_squeeze %dma_start3A_56 : memref<1x128xi32, #tpu.memory_space<hbm>> -> memref<128xi32, #tpu.memory_space<hbm>>
          %dma_start3A_58 = arith.constant 0 : i32
          %dma_start3A_59 = tpu.memref_slice %arg3[%add3A_38, %dma_start3A_58] : memref<2512x128xi32, #tpu.memory_space<hbm>> -> memref<1x128xi32, #tpu.memory_space<hbm>>
          %dma_start3A_60 = tpu.memref_squeeze %dma_start3A_59 : memref<1x128xi32, #tpu.memory_space<hbm>> -> memref<128xi32, #tpu.memory_space<hbm>>
          tpu.enqueue_dma source(%dma_start3A_60 : memref<128xi32, #tpu.memory_space<hbm>>) target(%arg8 : memref<128xi32, #tpu.memory_space<vmem>>) target_semaphore(%run_scoped3A : memref<!tpu.dma_semaphore, #tpu.memory_space<semaphore_mem>>)
          %dma_wait3A = arith.constant 0 : i32
          %dma_wait3A_61 = tpu.memref_slice %arg3[%add3A_38, %dma_wait3A] : memref<2512x128xi32, #tpu.memory_space<hbm>> -> memref<1x128xi32, #tpu.memory_space<hbm>>
          %dma_wait3A_62 = tpu.memref_squeeze %dma_wait3A_61 : memref<1x128xi32, #tpu.memory_space<hbm>> -> memref<128xi32, #tpu.memory_space<hbm>>
          %dma_wait3A_63 = arith.constant 0 : i32
          %dma_wait3A_64 = tpu.memref_slice %arg3[%add3A_38, %dma_wait3A_63] : memref<2512x128xi32, #tpu.memory_space<hbm>> -> memref<1x128xi32, #tpu.memory_space<hbm>>
          %dma_wait3A_65 = tpu.memref_squeeze %dma_wait3A_64 : memref<1x128xi32, #tpu.memory_space<hbm>> -> memref<128xi32, #tpu.memory_space<hbm>>
          tpu.wait_dma2 semaphore(%run_scoped3A : memref<!tpu.dma_semaphore, #tpu.memory_space<semaphore_mem>>) src(%dma_wait3A_65 : memref<128xi32, #tpu.memory_space<hbm>>) dst(%arg8 : memref<128xi32, #tpu.memory_space<vmem>>)
          tpu.yield
        }) : () -> ()
        "tpu.region"() ({
          %run_scoped3A = tpu.sem_alloc : memref<!tpu.dma_semaphore, #tpu.memory_space<semaphore_mem>>
          %dma_start3A = arith.constant 0 : i32
          %dma_start3A_56 = tpu.memref_slice %arg4[%add3A_38, %dma_start3A] : memref<2512x128xi32, #tpu.memory_space<hbm>> -> memref<1x128xi32, #tpu.memory_space<hbm>>
          %dma_start3A_57 = tpu.memref_squeeze %dma_start3A_56 : memref<1x128xi32, #tpu.memory_space<hbm>> -> memref<128xi32, #tpu.memory_space<hbm>>
          %dma_start3A_58 = arith.constant 0 : i32
          %dma_start3A_59 = tpu.memref_slice %arg4[%add3A_38, %dma_start3A_58] : memref<2512x128xi32, #tpu.memory_space<hbm>> -> memref<1x128xi32, #tpu.memory_space<hbm>>
          %dma_start3A_60 = tpu.memref_squeeze %dma_start3A_59 : memref<1x128xi32, #tpu.memory_space<hbm>> -> memref<128xi32, #tpu.memory_space<hbm>>
          tpu.enqueue_dma source(%dma_start3A_60 : memref<128xi32, #tpu.memory_space<hbm>>) target(%arg9 : memref<128xi32, #tpu.memory_space<vmem>>) target_semaphore(%run_scoped3A : memref<!tpu.dma_semaphore, #tpu.memory_space<semaphore_mem>>)
          %dma_wait3A = arith.constant 0 : i32
          %dma_wait3A_61 = tpu.memref_slice %arg4[%add3A_38, %dma_wait3A] : memref<2512x128xi32, #tpu.memory_space<hbm>> -> memref<1x128xi32, #tpu.memory_space<hbm>>
          %dma_wait3A_62 = tpu.memref_squeeze %dma_wait3A_61 : memref<1x128xi32, #tpu.memory_space<hbm>> -> memref<128xi32, #tpu.memory_space<hbm>>
          %dma_wait3A_63 = arith.constant 0 : i32
          %dma_wait3A_64 = tpu.memref_slice %arg4[%add3A_38, %dma_wait3A_63] : memref<2512x128xi32, #tpu.memory_space<hbm>> -> memref<1x128xi32, #tpu.memory_space<hbm>>
          %dma_wait3A_65 = tpu.memref_squeeze %dma_wait3A_64 : memref<1x128xi32, #tpu.memory_space<hbm>> -> memref<128xi32, #tpu.memory_space<hbm>>
          tpu.wait_dma2 semaphore(%run_scoped3A : memref<!tpu.dma_semaphore, #tpu.memory_space<semaphore_mem>>) src(%dma_wait3A_65 : memref<128xi32, #tpu.memory_space<hbm>>) dst(%arg9 : memref<128xi32, #tpu.memory_space<vmem>>)
          tpu.yield
        }) : () -> ()
        "tpu.region"() ({
          %run_scoped3A = tpu.sem_alloc : memref<!tpu.dma_semaphore, #tpu.memory_space<semaphore_mem>>
          %dma_start3A = arith.constant 0 : i32
          %dma_start3A_56 = arith.constant 0 : i32
          %dma_start3A_57 = tpu.memref_slice %arg2[%dma_start3A, %dma_start3A_56] : memref<10240x64xf32, #tpu.memory_space<hbm>> -> memref<10240x64xf32, #tpu.memory_space<hbm>>
          tpu.enqueue_indirect_dma source(%dma_start3A_57 : memref<10240x64xf32, #tpu.memory_space<hbm>>) target(%arg12 : memref<128x64xf32, #tpu.memory_space<vmem>>) offsets(%arg8 : memref<128xi32, #tpu.memory_space<vmem>>) semaphore(%run_scoped3A : memref<!tpu.dma_semaphore, #tpu.memory_space<semaphore_mem>>)
          %dma_wait3A = arith.constant 0 : i32
          %dma_wait3A_58 = arith.constant 0 : i32
          %dma_wait3A_59 = tpu.memref_slice %arg2[%dma_wait3A, %dma_wait3A_58] : memref<10240x64xf32, #tpu.memory_space<hbm>> -> memref<10240x64xf32, #tpu.memory_space<hbm>>
          tpu.wait_indirect_dma semaphore(%run_scoped3A : memref<!tpu.dma_semaphore, #tpu.memory_space<semaphore_mem>>) src(%dma_wait3A_59 : memref<10240x64xf32, #tpu.memory_space<hbm>>) dst(%arg12 : memref<128x64xf32, #tpu.memory_space<vmem>>)
          tpu.yield
        }) : () -> ()
        "tpu.region"() ({
          %run_scoped3A = tpu.sem_alloc : memref<!tpu.dma_semaphore, #tpu.memory_space<semaphore_mem>>
          %dma_start3A = arith.constant 0 : i32
          %dma_start3A_56 = arith.constant 0 : i32
          %dma_start3A_57 = tpu.memref_slice %arg16[%dma_start3A, %dma_start3A_56] : memref<10240x64xf32, #tpu.memory_space<vmem_shared>> -> memref<10240x64xf32, #tpu.memory_space<vmem_shared>>
          tpu.enqueue_indirect_dma source(%arg12 : memref<128x64xf32, #tpu.memory_space<vmem>>) target(%dma_start3A_57 : memref<10240x64xf32, #tpu.memory_space<vmem_shared>>) offsets(%arg9 : memref<128xi32, #tpu.memory_space<vmem>>) semaphore(%run_scoped3A : memref<!tpu.dma_semaphore, #tpu.memory_space<semaphore_mem>>) {add = true}
          %dma_wait3A = arith.constant 0 : i32
          %dma_wait3A_58 = arith.constant 0 : i32
          %dma_wait3A_59 = tpu.memref_slice %arg16[%dma_wait3A, %dma_wait3A_58] : memref<10240x64xf32, #tpu.memory_space<vmem_shared>> -> memref<10240x64xf32, #tpu.memory_space<vmem_shared>>
          tpu.wait_indirect_dma semaphore(%run_scoped3A : memref<!tpu.dma_semaphore, #tpu.memory_space<semaphore_mem>>) src(%arg12 : memref<128x64xf32, #tpu.memory_space<vmem>>) dst(%dma_wait3A_59 : memref<10240x64xf32, #tpu.memory_space<vmem_shared>>)
          tpu.yield
        }) : () -> ()
      } else {
      }
    }
    %scan3A_25 = arith.constant 47 : i32
    %barrier3A_26 = arith.constant 0 : index
    tpu.barrier barrier_id(%barrier3A_26)
    "tpu.region"() ({
      %run_scoped3A = tpu.sem_alloc : memref<!tpu.dma_semaphore, #tpu.memory_space<semaphore_mem>>
      %dma_start3A = arith.constant 0 : i32
      %dma_start3A_35 = tpu.memref_slice %arg16[%mul3A_10, %dma_start3A] : memref<10240x64xf32, #tpu.memory_space<vmem_shared>> -> memref<640x64xf32, #tpu.memory_space<vmem_shared>>
      %dma_start3A_36 = arith.constant 0 : i32
      %dma_start3A_37 = tpu.memref_slice %arg16[%mul3A_10, %dma_start3A_36] : memref<10240x64xf32, #tpu.memory_space<vmem_shared>> -> memref<640x64xf32, #tpu.memory_space<vmem_shared>>
      tpu.enqueue_dma source(%dma_start3A_37 : memref<640x64xf32, #tpu.memory_space<vmem_shared>>) target(%arg15 : memref<640x64xf32, #tpu.memory_space<vmem>>) target_semaphore(%run_scoped3A : memref<!tpu.dma_semaphore, #tpu.memory_space<semaphore_mem>>)
      %dma_wait3A = arith.constant 0 : i32
      %dma_wait3A_38 = tpu.memref_slice %arg16[%mul3A_10, %dma_wait3A] : memref<10240x64xf32, #tpu.memory_space<vmem_shared>> -> memref<640x64xf32, #tpu.memory_space<vmem_shared>>
      %dma_wait3A_39 = arith.constant 0 : i32
      %dma_wait3A_40 = tpu.memref_slice %arg16[%mul3A_10, %dma_wait3A_39] : memref<10240x64xf32, #tpu.memory_space<vmem_shared>> -> memref<640x64xf32, #tpu.memory_space<vmem_shared>>
      tpu.wait_dma2 semaphore(%run_scoped3A : memref<!tpu.dma_semaphore, #tpu.memory_space<semaphore_mem>>) src(%dma_wait3A_40 : memref<640x64xf32, #tpu.memory_space<vmem_shared>>) dst(%arg15 : memref<640x64xf32, #tpu.memory_space<vmem>>)
      tpu.yield
    }) : () -> ()
    %eq3A_27 = arith.constant 0 : i32
    %eq3A_28 = arith.cmpi eq, %arg0, %eq3A_27 : i32
    %convert_element_type3A = arith.extui %eq3A_28 : i1 to i32
    %cond3A = arith.constant 0 : i32
    %cond3A_29 = arith.cmpi ne, %convert_element_type3A, %cond3A : i32
    scf.if %cond3A_29 {
      "tpu.region"() ({
        %run_scoped3A = tpu.sem_alloc : memref<!tpu.dma_semaphore, #tpu.memory_space<semaphore_mem>>
        %dma_start3A = arith.constant 0 : i32
        %dma_start3A_35 = tpu.memref_slice %arg6[%mul3A_10, %dma_start3A] : memref<10240x64xf32, #tpu.memory_space<hbm>> -> memref<640x64xf32, #tpu.memory_space<hbm>>
        %dma_start3A_36 = arith.constant 0 : i32
        %dma_start3A_37 = tpu.memref_slice %arg6[%mul3A_10, %dma_start3A_36] : memref<10240x64xf32, #tpu.memory_space<hbm>> -> memref<640x64xf32, #tpu.memory_space<hbm>>
        tpu.enqueue_dma source(%arg15 : memref<640x64xf32, #tpu.memory_space<vmem>>) target(%dma_start3A_37 : memref<640x64xf32, #tpu.memory_space<hbm>>) target_semaphore(%run_scoped3A : memref<!tpu.dma_semaphore, #tpu.memory_space<semaphore_mem>>)
        %dma_wait3A = arith.constant 0 : i32
        %dma_wait3A_38 = tpu.memref_slice %arg6[%mul3A_10, %dma_wait3A] : memref<10240x64xf32, #tpu.memory_space<hbm>> -> memref<640x64xf32, #tpu.memory_space<hbm>>
        %dma_wait3A_39 = arith.constant 0 : i32
        %dma_wait3A_40 = tpu.memref_slice %arg6[%mul3A_10, %dma_wait3A_39] : memref<10240x64xf32, #tpu.memory_space<hbm>> -> memref<640x64xf32, #tpu.memory_space<hbm>>
        tpu.wait_dma2 semaphore(%run_scoped3A : memref<!tpu.dma_semaphore, #tpu.memory_space<semaphore_mem>>) src(%arg15 : memref<640x64xf32, #tpu.memory_space<vmem>>) dst(%dma_wait3A_40 : memref<640x64xf32, #tpu.memory_space<hbm>>)
        tpu.yield
      }) : () -> ()
    } else {
    }
    %eq3A_30 = arith.constant 1 : i32
    %eq3A_31 = arith.cmpi eq, %arg0, %eq3A_30 : i32
    %convert_element_type3A_32 = arith.extui %eq3A_31 : i1 to i32
    %cond3A_33 = arith.constant 0 : i32
    %cond3A_34 = arith.cmpi ne, %convert_element_type3A_32, %cond3A_33 : i32
    scf.if %cond3A_34 {
      "tpu.region"() ({
        %run_scoped3A = tpu.sem_alloc : memref<!tpu.dma_semaphore, #tpu.memory_space<semaphore_mem>>
        %dma_start3A = arith.constant 0 : i32
        %dma_start3A_35 = tpu.memref_slice %arg7[%mul3A_10, %dma_start3A] : memref<10240x64xf32, #tpu.memory_space<hbm>> -> memref<640x64xf32, #tpu.memory_space<hbm>>
        %dma_start3A_36 = arith.constant 0 : i32
        %dma_start3A_37 = tpu.memref_slice %arg7[%mul3A_10, %dma_start3A_36] : memref<10240x64xf32, #tpu.memory_space<hbm>> -> memref<640x64xf32, #tpu.memory_space<hbm>>
        tpu.enqueue_dma source(%arg15 : memref<640x64xf32, #tpu.memory_space<vmem>>) target(%dma_start3A_37 : memref<640x64xf32, #tpu.memory_space<hbm>>) target_semaphore(%run_scoped3A : memref<!tpu.dma_semaphore, #tpu.memory_space<semaphore_mem>>)
        %dma_wait3A = arith.constant 0 : i32
        %dma_wait3A_38 = tpu.memref_slice %arg7[%mul3A_10, %dma_wait3A] : memref<10240x64xf32, #tpu.memory_space<hbm>> -> memref<640x64xf32, #tpu.memory_space<hbm>>
        %dma_wait3A_39 = arith.constant 0 : i32
        %dma_wait3A_40 = tpu.memref_slice %arg7[%mul3A_10, %dma_wait3A_39] : memref<10240x64xf32, #tpu.memory_space<hbm>> -> memref<640x64xf32, #tpu.memory_space<hbm>>
        tpu.wait_dma2 semaphore(%run_scoped3A : memref<!tpu.dma_semaphore, #tpu.memory_space<semaphore_mem>>) src(%arg15 : memref<640x64xf32, #tpu.memory_space<vmem>>) dst(%dma_wait3A_40 : memref<640x64xf32, #tpu.memory_space<hbm>>)
        tpu.yield
      }) : () -> ()
    } else {
    }
    return
  }
}

#map = affine_map<(d0, d1) -> (0, 0)>
module attributes {stable_mosaic.version = 14 : i64} {
  func.func @agg_kernel(%arg0: i32, %arg1: i32, %arg2: memref<10240x64xf32, #tpu.memory_space<hbm>>, %arg3: memref<2512x128xi32, #tpu.memory_space<hbm>>, %arg4: memref<2512x128xi32, #tpu.memory_space<hbm>>, %arg5: memref<128x64xf32, #tpu.memory_space<hbm>>, %arg6: memref<10240x64xf32, #tpu.memory_space<hbm>>, %arg7: memref<10240x64xf32, #tpu.memory_space<hbm>>, %arg8: memref<128xi32, #tpu.memory_space<vmem>>, %arg9: memref<128xi32, #tpu.memory_space<vmem>>, %arg10: memref<128xi32, #tpu.memory_space<vmem>>, %arg11: memref<128xi32, #tpu.memory_space<vmem>>, %arg12: memref<128x64xf32, #tpu.memory_space<vmem>>, %arg13: memref<128x64xf32, #tpu.memory_space<vmem>>, %arg14: memref<128x64xf32, #tpu.memory_space<vmem>>, %arg15: memref<640x64xf32, #tpu.memory_space<vmem>>, %arg16: memref<10240x64xf32, #tpu.memory_space<vmem_shared>>, %arg17: memref<!tpu.dma_semaphore, #tpu.memory_space<semaphore_mem>>, %arg18: memref<!tpu.dma_semaphore, #tpu.memory_space<semaphore_mem>>, %arg19: memref<!tpu.dma_semaphore, #tpu.memory_space<semaphore_mem>>, %arg20: memref<!tpu.dma_semaphore, #tpu.memory_space<semaphore_mem>>, %arg21: memref<!tpu.dma_semaphore, #tpu.memory_space<semaphore_mem>>, %arg22: memref<!tpu.dma_semaphore, #tpu.memory_space<semaphore_mem>>, %arg23: memref<!tpu.dma_semaphore, #tpu.memory_space<semaphore_mem>>, %arg24: memref<!tpu.dma_semaphore, #tpu.memory_space<semaphore_mem>>) attributes {dimension_semantics = [#tpu.dimension_semantics<core_parallel>, #tpu.dimension_semantics<subcore_parallel>], iteration_bounds = array<i64: 2, 16>, scalar_prefetch = 0 : i64, scratch_operands = 17 : i64, tpu.core_type = #tpu.core_type<sc_vector_subcore>, window_params = [{transform_indices = #map}, {transform_indices = #map}, {transform_indices = #map}, {transform_indices = #map}, {transform_indices = #map}, {transform_indices = #map}]} {
    %eq3A = arith.constant 0 : i32
    %eq3A_0 = arith.cmpi eq, %arg0, %eq3A : i32
    %jit3A = arith.constant 94 : i32
    %jit3A_1 = arith.constant 63 : i32
    %select_n3A = arith.select %eq3A_0, %jit3A, %jit3A_1 : i32
    %eq3A_2 = arith.constant 0 : i32
    %eq3A_3 = arith.cmpi eq, %arg0, %eq3A_2 : i32
    %mul3A = arith.constant 94 : i32
    %mul3A_4 = arith.muli %arg1, %mul3A : i32
    %mul3A_5 = arith.constant 63 : i32
    %mul3A_6 = arith.muli %arg1, %mul3A_5 : i32
    %add3A = arith.constant 1504 : i32
    %add3A_7 = arith.addi %add3A, %mul3A_6 : i32
    %select_n3A_8 = arith.select %eq3A_3, %mul3A_4, %add3A_7 : i32
    "tpu.region"() ({
      %run_scoped3A = tpu.sem_alloc : memref<!tpu.dma_semaphore, #tpu.memory_space<semaphore_mem>>
      tpu.enqueue_dma source(%arg5 : memref<128x64xf32, #tpu.memory_space<hbm>>) target(%arg14 : memref<128x64xf32, #tpu.memory_space<vmem>>) target_semaphore(%run_scoped3A : memref<!tpu.dma_semaphore, #tpu.memory_space<semaphore_mem>>)
      tpu.wait_dma2 semaphore(%run_scoped3A : memref<!tpu.dma_semaphore, #tpu.memory_space<semaphore_mem>>) src(%arg5 : memref<128x64xf32, #tpu.memory_space<hbm>>) dst(%arg14 : memref<128x64xf32, #tpu.memory_space<vmem>>)
      tpu.yield
    }) : () -> ()
    %mul3A_9 = arith.constant 640 : i32
    %mul3A_10 = arith.muli %arg1, %mul3A_9 : i32
    %add3A_11 = arith.constant 0 : i32
    %add3A_12 = arith.addi %mul3A_10, %add3A_11 : i32
    "tpu.region"() ({
      %run_scoped3A = tpu.sem_alloc : memref<!tpu.dma_semaphore, #tpu.memory_space<semaphore_mem>>
      %dma_start3A = arith.constant 0 : i32
      %dma_start3A_35 = tpu.memref_slice %arg16[%add3A_12, %dma_start3A] : memref<10240x64xf32, #tpu.memory_space<vmem_shared>> -> memref<128x64xf32, #tpu.memory_space<vmem_shared>>
      %dma_start3A_36 = arith.constant 0 : i32
      %dma_start3A_37 = tpu.memref_slice %arg16[%add3A_12, %dma_start3A_36] : memref<10240x64xf32, #tpu.memory_space<vmem_shared>> -> memref<128x64xf32, #tpu.memory_space<vmem_shared>>
      tpu.enqueue_dma source(%arg14 : memref<128x64xf32, #tpu.memory_space<vmem>>) target(%dma_start3A_37 : memref<128x64xf32, #tpu.memory_space<vmem_shared>>) target_semaphore(%run_scoped3A : memref<!tpu.dma_semaphore, #tpu.memory_space<semaphore_mem>>)
      %dma_wait3A = arith.constant 0 : i32
      %dma_wait3A_38 = tpu.memref_slice %arg16[%add3A_12, %dma_wait3A] : memref<10240x64xf32, #tpu.memory_space<vmem_shared>> -> memref<128x64xf32, #tpu.memory_space<vmem_shared>>
      %dma_wait3A_39 = arith.constant 0 : i32
      %dma_wait3A_40 = tpu.memref_slice %arg16[%add3A_12, %dma_wait3A_39] : memref<10240x64xf32, #tpu.memory_space<vmem_shared>> -> memref<128x64xf32, #tpu.memory_space<vmem_shared>>
      tpu.wait_dma2 semaphore(%run_scoped3A : memref<!tpu.dma_semaphore, #tpu.memory_space<semaphore_mem>>) src(%arg14 : memref<128x64xf32, #tpu.memory_space<vmem>>) dst(%dma_wait3A_40 : memref<128x64xf32, #tpu.memory_space<vmem_shared>>)
      tpu.yield
    }) : () -> ()
    %add3A_13 = arith.constant 128 : i32
    %add3A_14 = arith.addi %mul3A_10, %add3A_13 : i32
    "tpu.region"() ({
      %run_scoped3A = tpu.sem_alloc : memref<!tpu.dma_semaphore, #tpu.memory_space<semaphore_mem>>
      %dma_start3A = arith.constant 0 : i32
      %dma_start3A_35 = tpu.memref_slice %arg16[%add3A_14, %dma_start3A] : memref<10240x64xf32, #tpu.memory_space<vmem_shared>> -> memref<128x64xf32, #tpu.memory_space<vmem_shared>>
      %dma_start3A_36 = arith.constant 0 : i32
      %dma_start3A_37 = tpu.memref_slice %arg16[%add3A_14, %dma_start3A_36] : memref<10240x64xf32, #tpu.memory_space<vmem_shared>> -> memref<128x64xf32, #tpu.memory_space<vmem_shared>>
      tpu.enqueue_dma source(%arg14 : memref<128x64xf32, #tpu.memory_space<vmem>>) target(%dma_start3A_37 : memref<128x64xf32, #tpu.memory_space<vmem_shared>>) target_semaphore(%run_scoped3A : memref<!tpu.dma_semaphore, #tpu.memory_space<semaphore_mem>>)
      %dma_wait3A = arith.constant 0 : i32
      %dma_wait3A_38 = tpu.memref_slice %arg16[%add3A_14, %dma_wait3A] : memref<10240x64xf32, #tpu.memory_space<vmem_shared>> -> memref<128x64xf32, #tpu.memory_space<vmem_shared>>
      %dma_wait3A_39 = arith.constant 0 : i32
      %dma_wait3A_40 = tpu.memref_slice %arg16[%add3A_14, %dma_wait3A_39] : memref<10240x64xf32, #tpu.memory_space<vmem_shared>> -> memref<128x64xf32, #tpu.memory_space<vmem_shared>>
      tpu.wait_dma2 semaphore(%run_scoped3A : memref<!tpu.dma_semaphore, #tpu.memory_space<semaphore_mem>>) src(%arg14 : memref<128x64xf32, #tpu.memory_space<vmem>>) dst(%dma_wait3A_40 : memref<128x64xf32, #tpu.memory_space<vmem_shared>>)
      tpu.yield
    }) : () -> ()
    %add3A_15 = arith.constant 256 : i32
    %add3A_16 = arith.addi %mul3A_10, %add3A_15 : i32
    "tpu.region"() ({
      %run_scoped3A = tpu.sem_alloc : memref<!tpu.dma_semaphore, #tpu.memory_space<semaphore_mem>>
      %dma_start3A = arith.constant 0 : i32
      %dma_start3A_35 = tpu.memref_slice %arg16[%add3A_16, %dma_start3A] : memref<10240x64xf32, #tpu.memory_space<vmem_shared>> -> memref<128x64xf32, #tpu.memory_space<vmem_shared>>
      %dma_start3A_36 = arith.constant 0 : i32
      %dma_start3A_37 = tpu.memref_slice %arg16[%add3A_16, %dma_start3A_36] : memref<10240x64xf32, #tpu.memory_space<vmem_shared>> -> memref<128x64xf32, #tpu.memory_space<vmem_shared>>
      tpu.enqueue_dma source(%arg14 : memref<128x64xf32, #tpu.memory_space<vmem>>) target(%dma_start3A_37 : memref<128x64xf32, #tpu.memory_space<vmem_shared>>) target_semaphore(%run_scoped3A : memref<!tpu.dma_semaphore, #tpu.memory_space<semaphore_mem>>)
      %dma_wait3A = arith.constant 0 : i32
      %dma_wait3A_38 = tpu.memref_slice %arg16[%add3A_16, %dma_wait3A] : memref<10240x64xf32, #tpu.memory_space<vmem_shared>> -> memref<128x64xf32, #tpu.memory_space<vmem_shared>>
      %dma_wait3A_39 = arith.constant 0 : i32
      %dma_wait3A_40 = tpu.memref_slice %arg16[%add3A_16, %dma_wait3A_39] : memref<10240x64xf32, #tpu.memory_space<vmem_shared>> -> memref<128x64xf32, #tpu.memory_space<vmem_shared>>
      tpu.wait_dma2 semaphore(%run_scoped3A : memref<!tpu.dma_semaphore, #tpu.memory_space<semaphore_mem>>) src(%arg14 : memref<128x64xf32, #tpu.memory_space<vmem>>) dst(%dma_wait3A_40 : memref<128x64xf32, #tpu.memory_space<vmem_shared>>)
      tpu.yield
    }) : () -> ()
    %add3A_17 = arith.constant 384 : i32
    %add3A_18 = arith.addi %mul3A_10, %add3A_17 : i32
    "tpu.region"() ({
      %run_scoped3A = tpu.sem_alloc : memref<!tpu.dma_semaphore, #tpu.memory_space<semaphore_mem>>
      %dma_start3A = arith.constant 0 : i32
      %dma_start3A_35 = tpu.memref_slice %arg16[%add3A_18, %dma_start3A] : memref<10240x64xf32, #tpu.memory_space<vmem_shared>> -> memref<128x64xf32, #tpu.memory_space<vmem_shared>>
      %dma_start3A_36 = arith.constant 0 : i32
      %dma_start3A_37 = tpu.memref_slice %arg16[%add3A_18, %dma_start3A_36] : memref<10240x64xf32, #tpu.memory_space<vmem_shared>> -> memref<128x64xf32, #tpu.memory_space<vmem_shared>>
      tpu.enqueue_dma source(%arg14 : memref<128x64xf32, #tpu.memory_space<vmem>>) target(%dma_start3A_37 : memref<128x64xf32, #tpu.memory_space<vmem_shared>>) target_semaphore(%run_scoped3A : memref<!tpu.dma_semaphore, #tpu.memory_space<semaphore_mem>>)
      %dma_wait3A = arith.constant 0 : i32
      %dma_wait3A_38 = tpu.memref_slice %arg16[%add3A_18, %dma_wait3A] : memref<10240x64xf32, #tpu.memory_space<vmem_shared>> -> memref<128x64xf32, #tpu.memory_space<vmem_shared>>
      %dma_wait3A_39 = arith.constant 0 : i32
      %dma_wait3A_40 = tpu.memref_slice %arg16[%add3A_18, %dma_wait3A_39] : memref<10240x64xf32, #tpu.memory_space<vmem_shared>> -> memref<128x64xf32, #tpu.memory_space<vmem_shared>>
      tpu.wait_dma2 semaphore(%run_scoped3A : memref<!tpu.dma_semaphore, #tpu.memory_space<semaphore_mem>>) src(%arg14 : memref<128x64xf32, #tpu.memory_space<vmem>>) dst(%dma_wait3A_40 : memref<128x64xf32, #tpu.memory_space<vmem_shared>>)
      tpu.yield
    }) : () -> ()
    %add3A_19 = arith.constant 512 : i32
    %add3A_20 = arith.addi %mul3A_10, %add3A_19 : i32
    "tpu.region"() ({
      %run_scoped3A = tpu.sem_alloc : memref<!tpu.dma_semaphore, #tpu.memory_space<semaphore_mem>>
      %dma_start3A = arith.constant 0 : i32
      %dma_start3A_35 = tpu.memref_slice %arg16[%add3A_20, %dma_start3A] : memref<10240x64xf32, #tpu.memory_space<vmem_shared>> -> memref<128x64xf32, #tpu.memory_space<vmem_shared>>
      %dma_start3A_36 = arith.constant 0 : i32
      %dma_start3A_37 = tpu.memref_slice %arg16[%add3A_20, %dma_start3A_36] : memref<10240x64xf32, #tpu.memory_space<vmem_shared>> -> memref<128x64xf32, #tpu.memory_space<vmem_shared>>
      tpu.enqueue_dma source(%arg14 : memref<128x64xf32, #tpu.memory_space<vmem>>) target(%dma_start3A_37 : memref<128x64xf32, #tpu.memory_space<vmem_shared>>) target_semaphore(%run_scoped3A : memref<!tpu.dma_semaphore, #tpu.memory_space<semaphore_mem>>)
      %dma_wait3A = arith.constant 0 : i32
      %dma_wait3A_38 = tpu.memref_slice %arg16[%add3A_20, %dma_wait3A] : memref<10240x64xf32, #tpu.memory_space<vmem_shared>> -> memref<128x64xf32, #tpu.memory_space<vmem_shared>>
      %dma_wait3A_39 = arith.constant 0 : i32
      %dma_wait3A_40 = tpu.memref_slice %arg16[%add3A_20, %dma_wait3A_39] : memref<10240x64xf32, #tpu.memory_space<vmem_shared>> -> memref<128x64xf32, #tpu.memory_space<vmem_shared>>
      tpu.wait_dma2 semaphore(%run_scoped3A : memref<!tpu.dma_semaphore, #tpu.memory_space<semaphore_mem>>) src(%arg14 : memref<128x64xf32, #tpu.memory_space<vmem>>) dst(%dma_wait3A_40 : memref<128x64xf32, #tpu.memory_space<vmem_shared>>)
      tpu.yield
    }) : () -> ()
    %barrier3A = arith.constant 0 : index
    tpu.barrier barrier_id(%barrier3A)
    %scan3A = arith.constant 0 : i32
    %scan3A_21 = arith.constant 0 : i32
    %scan3A_22 = arith.constant 47 : i32
    %scan3A_23 = arith.addi %scan3A_21, %scan3A_22 : i32
    %scan3A_24 = arith.constant 1 : i32
    scf.for %scan3A_35 = %scan3A_21 to %scan3A_23 step %scan3A_24  : i32 {
      %mul3A_36 = arith.constant 2 : i32
      %mul3A_37 = arith.muli %mul3A_36, %scan3A_35 : i32
      %add3A_38 = arith.addi %select_n3A_8, %mul3A_37 : i32
      %mul3A_39 = arith.constant 2 : i32
      %mul3A_40 = arith.muli %mul3A_39, %scan3A_35 : i32
      %add3A_41 = arith.constant 1 : i32
      %add3A_42 = arith.addi %mul3A_40, %add3A_41 : i32
      %lt3A = arith.cmpi slt, %add3A_42, %select_n3A : i32
      %convert_element_type3A_43 = arith.extui %lt3A : i1 to i32
      %cond3A_44 = arith.constant 0 : i32
      %cond3A_45 = arith.cmpi ne, %convert_element_type3A_43, %cond3A_44 : i32
      scf.if %cond3A_45 {
        %dma_start3A = arith.constant 0 : i32
        %dma_start3A_56 = tpu.memref_slice %arg3[%add3A_38, %dma_start3A] : memref<2512x128xi32, #tpu.memory_space<hbm>> -> memref<1x128xi32, #tpu.memory_space<hbm>>
        %dma_start3A_57 = tpu.memref_squeeze %dma_start3A_56 : memref<1x128xi32, #tpu.memory_space<hbm>> -> memref<128xi32, #tpu.memory_space<hbm>>
        %dma_start3A_58 = arith.constant 0 : i32
        %dma_start3A_59 = tpu.memref_slice %arg3[%add3A_38, %dma_start3A_58] : memref<2512x128xi32, #tpu.memory_space<hbm>> -> memref<1x128xi32, #tpu.memory_space<hbm>>
        %dma_start3A_60 = tpu.memref_squeeze %dma_start3A_59 : memref<1x128xi32, #tpu.memory_space<hbm>> -> memref<128xi32, #tpu.memory_space<hbm>>
        tpu.enqueue_dma source(%dma_start3A_60 : memref<128xi32, #tpu.memory_space<hbm>>) target(%arg8 : memref<128xi32, #tpu.memory_space<vmem>>) target_semaphore(%arg17 : memref<!tpu.dma_semaphore, #tpu.memory_space<semaphore_mem>>)
        %dma_start3A_61 = arith.constant 0 : i32
        %dma_start3A_62 = tpu.memref_slice %arg4[%add3A_38, %dma_start3A_61] : memref<2512x128xi32, #tpu.memory_space<hbm>> -> memref<1x128xi32, #tpu.memory_space<hbm>>
        %dma_start3A_63 = tpu.memref_squeeze %dma_start3A_62 : memref<1x128xi32, #tpu.memory_space<hbm>> -> memref<128xi32, #tpu.memory_space<hbm>>
        %dma_start3A_64 = arith.constant 0 : i32
        %dma_start3A_65 = tpu.memref_slice %arg4[%add3A_38, %dma_start3A_64] : memref<2512x128xi32, #tpu.memory_space<hbm>> -> memref<1x128xi32, #tpu.memory_space<hbm>>
        %dma_start3A_66 = tpu.memref_squeeze %dma_start3A_65 : memref<1x128xi32, #tpu.memory_space<hbm>> -> memref<128xi32, #tpu.memory_space<hbm>>
        tpu.enqueue_dma source(%dma_start3A_66 : memref<128xi32, #tpu.memory_space<hbm>>) target(%arg9 : memref<128xi32, #tpu.memory_space<vmem>>) target_semaphore(%arg18 : memref<!tpu.dma_semaphore, #tpu.memory_space<semaphore_mem>>)
        %add3A_67 = arith.constant 1 : i32
        %add3A_68 = arith.addi %add3A_38, %add3A_67 : i32
        %dma_start3A_69 = arith.constant 0 : i32
        %dma_start3A_70 = tpu.memref_slice %arg3[%add3A_68, %dma_start3A_69] : memref<2512x128xi32, #tpu.memory_space<hbm>> -> memref<1x128xi32, #tpu.memory_space<hbm>>
        %dma_start3A_71 = tpu.memref_squeeze %dma_start3A_70 : memref<1x128xi32, #tpu.memory_space<hbm>> -> memref<128xi32, #tpu.memory_space<hbm>>
        %dma_start3A_72 = arith.constant 0 : i32
        %dma_start3A_73 = tpu.memref_slice %arg3[%add3A_68, %dma_start3A_72] : memref<2512x128xi32, #tpu.memory_space<hbm>> -> memref<1x128xi32, #tpu.memory_space<hbm>>
        %dma_start3A_74 = tpu.memref_squeeze %dma_start3A_73 : memref<1x128xi32, #tpu.memory_space<hbm>> -> memref<128xi32, #tpu.memory_space<hbm>>
        tpu.enqueue_dma source(%dma_start3A_74 : memref<128xi32, #tpu.memory_space<hbm>>) target(%arg10 : memref<128xi32, #tpu.memory_space<vmem>>) target_semaphore(%arg19 : memref<!tpu.dma_semaphore, #tpu.memory_space<semaphore_mem>>)
        %add3A_75 = arith.constant 1 : i32
        %add3A_76 = arith.addi %add3A_38, %add3A_75 : i32
        %dma_start3A_77 = arith.constant 0 : i32
        %dma_start3A_78 = tpu.memref_slice %arg4[%add3A_76, %dma_start3A_77] : memref<2512x128xi32, #tpu.memory_space<hbm>> -> memref<1x128xi32, #tpu.memory_space<hbm>>
        %dma_start3A_79 = tpu.memref_squeeze %dma_start3A_78 : memref<1x128xi32, #tpu.memory_space<hbm>> -> memref<128xi32, #tpu.memory_space<hbm>>
        %dma_start3A_80 = arith.constant 0 : i32
        %dma_start3A_81 = tpu.memref_slice %arg4[%add3A_76, %dma_start3A_80] : memref<2512x128xi32, #tpu.memory_space<hbm>> -> memref<1x128xi32, #tpu.memory_space<hbm>>
        %dma_start3A_82 = tpu.memref_squeeze %dma_start3A_81 : memref<1x128xi32, #tpu.memory_space<hbm>> -> memref<128xi32, #tpu.memory_space<hbm>>
        tpu.enqueue_dma source(%dma_start3A_82 : memref<128xi32, #tpu.memory_space<hbm>>) target(%arg11 : memref<128xi32, #tpu.memory_space<vmem>>) target_semaphore(%arg20 : memref<!tpu.dma_semaphore, #tpu.memory_space<semaphore_mem>>)
        %dma_wait3A = arith.constant 0 : i32
        %dma_wait3A_83 = tpu.memref_slice %arg3[%add3A_38, %dma_wait3A] : memref<2512x128xi32, #tpu.memory_space<hbm>> -> memref<1x128xi32, #tpu.memory_space<hbm>>
        %dma_wait3A_84 = tpu.memref_squeeze %dma_wait3A_83 : memref<1x128xi32, #tpu.memory_space<hbm>> -> memref<128xi32, #tpu.memory_space<hbm>>
        %dma_wait3A_85 = arith.constant 0 : i32
        %dma_wait3A_86 = tpu.memref_slice %arg3[%add3A_38, %dma_wait3A_85] : memref<2512x128xi32, #tpu.memory_space<hbm>> -> memref<1x128xi32, #tpu.memory_space<hbm>>
        %dma_wait3A_87 = tpu.memref_squeeze %dma_wait3A_86 : memref<1x128xi32, #tpu.memory_space<hbm>> -> memref<128xi32, #tpu.memory_space<hbm>>
        tpu.wait_dma2 semaphore(%arg17 : memref<!tpu.dma_semaphore, #tpu.memory_space<semaphore_mem>>) src(%dma_wait3A_87 : memref<128xi32, #tpu.memory_space<hbm>>) dst(%arg8 : memref<128xi32, #tpu.memory_space<vmem>>)
        %dma_start3A_88 = arith.constant 0 : i32
        %dma_start3A_89 = arith.constant 0 : i32
        %dma_start3A_90 = tpu.memref_slice %arg2[%dma_start3A_88, %dma_start3A_89] : memref<10240x64xf32, #tpu.memory_space<hbm>> -> memref<10240x64xf32, #tpu.memory_space<hbm>>
        tpu.enqueue_indirect_dma source(%dma_start3A_90 : memref<10240x64xf32, #tpu.memory_space<hbm>>) target(%arg12 : memref<128x64xf32, #tpu.memory_space<vmem>>) offsets(%arg8 : memref<128xi32, #tpu.memory_space<vmem>>) semaphore(%arg21 : memref<!tpu.dma_semaphore, #tpu.memory_space<semaphore_mem>>)
        %dma_wait3A_91 = arith.constant 0 : i32
        %dma_wait3A_92 = tpu.memref_slice %arg3[%add3A_68, %dma_wait3A_91] : memref<2512x128xi32, #tpu.memory_space<hbm>> -> memref<1x128xi32, #tpu.memory_space<hbm>>
        %dma_wait3A_93 = tpu.memref_squeeze %dma_wait3A_92 : memref<1x128xi32, #tpu.memory_space<hbm>> -> memref<128xi32, #tpu.memory_space<hbm>>
        %dma_wait3A_94 = arith.constant 0 : i32
        %dma_wait3A_95 = tpu.memref_slice %arg3[%add3A_68, %dma_wait3A_94] : memref<2512x128xi32, #tpu.memory_space<hbm>> -> memref<1x128xi32, #tpu.memory_space<hbm>>
        %dma_wait3A_96 = tpu.memref_squeeze %dma_wait3A_95 : memref<1x128xi32, #tpu.memory_space<hbm>> -> memref<128xi32, #tpu.memory_space<hbm>>
        tpu.wait_dma2 semaphore(%arg19 : memref<!tpu.dma_semaphore, #tpu.memory_space<semaphore_mem>>) src(%dma_wait3A_96 : memref<128xi32, #tpu.memory_space<hbm>>) dst(%arg10 : memref<128xi32, #tpu.memory_space<vmem>>)
        %dma_start3A_97 = arith.constant 0 : i32
        %dma_start3A_98 = arith.constant 0 : i32
        %dma_start3A_99 = tpu.memref_slice %arg2[%dma_start3A_97, %dma_start3A_98] : memref<10240x64xf32, #tpu.memory_space<hbm>> -> memref<10240x64xf32, #tpu.memory_space<hbm>>
        tpu.enqueue_indirect_dma source(%dma_start3A_99 : memref<10240x64xf32, #tpu.memory_space<hbm>>) target(%arg13 : memref<128x64xf32, #tpu.memory_space<vmem>>) offsets(%arg10 : memref<128xi32, #tpu.memory_space<vmem>>) semaphore(%arg22 : memref<!tpu.dma_semaphore, #tpu.memory_space<semaphore_mem>>)
        %dma_wait3A_100 = arith.constant 0 : i32
        %dma_wait3A_101 = arith.constant 0 : i32
        %dma_wait3A_102 = tpu.memref_slice %arg2[%dma_wait3A_100, %dma_wait3A_101] : memref<10240x64xf32, #tpu.memory_space<hbm>> -> memref<10240x64xf32, #tpu.memory_space<hbm>>
        tpu.wait_indirect_dma semaphore(%arg21 : memref<!tpu.dma_semaphore, #tpu.memory_space<semaphore_mem>>) src(%dma_wait3A_102 : memref<10240x64xf32, #tpu.memory_space<hbm>>) dst(%arg12 : memref<128x64xf32, #tpu.memory_space<vmem>>)
        %dma_wait3A_103 = arith.constant 0 : i32
        %dma_wait3A_104 = tpu.memref_slice %arg4[%add3A_38, %dma_wait3A_103] : memref<2512x128xi32, #tpu.memory_space<hbm>> -> memref<1x128xi32, #tpu.memory_space<hbm>>
        %dma_wait3A_105 = tpu.memref_squeeze %dma_wait3A_104 : memref<1x128xi32, #tpu.memory_space<hbm>> -> memref<128xi32, #tpu.memory_space<hbm>>
        %dma_wait3A_106 = arith.constant 0 : i32
        %dma_wait3A_107 = tpu.memref_slice %arg4[%add3A_38, %dma_wait3A_106] : memref<2512x128xi32, #tpu.memory_space<hbm>> -> memref<1x128xi32, #tpu.memory_space<hbm>>
        %dma_wait3A_108 = tpu.memref_squeeze %dma_wait3A_107 : memref<1x128xi32, #tpu.memory_space<hbm>> -> memref<128xi32, #tpu.memory_space<hbm>>
        tpu.wait_dma2 semaphore(%arg18 : memref<!tpu.dma_semaphore, #tpu.memory_space<semaphore_mem>>) src(%dma_wait3A_108 : memref<128xi32, #tpu.memory_space<hbm>>) dst(%arg9 : memref<128xi32, #tpu.memory_space<vmem>>)
        %dma_start3A_109 = arith.constant 0 : i32
        %dma_start3A_110 = arith.constant 0 : i32
        %dma_start3A_111 = tpu.memref_slice %arg16[%dma_start3A_109, %dma_start3A_110] : memref<10240x64xf32, #tpu.memory_space<vmem_shared>> -> memref<10240x64xf32, #tpu.memory_space<vmem_shared>>
        tpu.enqueue_indirect_dma source(%arg12 : memref<128x64xf32, #tpu.memory_space<vmem>>) target(%dma_start3A_111 : memref<10240x64xf32, #tpu.memory_space<vmem_shared>>) offsets(%arg9 : memref<128xi32, #tpu.memory_space<vmem>>) semaphore(%arg23 : memref<!tpu.dma_semaphore, #tpu.memory_space<semaphore_mem>>) {add = true}
        %dma_wait3A_112 = arith.constant 0 : i32
        %dma_wait3A_113 = arith.constant 0 : i32
        %dma_wait3A_114 = tpu.memref_slice %arg2[%dma_wait3A_112, %dma_wait3A_113] : memref<10240x64xf32, #tpu.memory_space<hbm>> -> memref<10240x64xf32, #tpu.memory_space<hbm>>
        tpu.wait_indirect_dma semaphore(%arg22 : memref<!tpu.dma_semaphore, #tpu.memory_space<semaphore_mem>>) src(%dma_wait3A_114 : memref<10240x64xf32, #tpu.memory_space<hbm>>) dst(%arg13 : memref<128x64xf32, #tpu.memory_space<vmem>>)
        %dma_wait3A_115 = arith.constant 0 : i32
        %dma_wait3A_116 = tpu.memref_slice %arg4[%add3A_76, %dma_wait3A_115] : memref<2512x128xi32, #tpu.memory_space<hbm>> -> memref<1x128xi32, #tpu.memory_space<hbm>>
        %dma_wait3A_117 = tpu.memref_squeeze %dma_wait3A_116 : memref<1x128xi32, #tpu.memory_space<hbm>> -> memref<128xi32, #tpu.memory_space<hbm>>
        %dma_wait3A_118 = arith.constant 0 : i32
        %dma_wait3A_119 = tpu.memref_slice %arg4[%add3A_76, %dma_wait3A_118] : memref<2512x128xi32, #tpu.memory_space<hbm>> -> memref<1x128xi32, #tpu.memory_space<hbm>>
        %dma_wait3A_120 = tpu.memref_squeeze %dma_wait3A_119 : memref<1x128xi32, #tpu.memory_space<hbm>> -> memref<128xi32, #tpu.memory_space<hbm>>
        tpu.wait_dma2 semaphore(%arg20 : memref<!tpu.dma_semaphore, #tpu.memory_space<semaphore_mem>>) src(%dma_wait3A_120 : memref<128xi32, #tpu.memory_space<hbm>>) dst(%arg11 : memref<128xi32, #tpu.memory_space<vmem>>)
        %dma_start3A_121 = arith.constant 0 : i32
        %dma_start3A_122 = arith.constant 0 : i32
        %dma_start3A_123 = tpu.memref_slice %arg16[%dma_start3A_121, %dma_start3A_122] : memref<10240x64xf32, #tpu.memory_space<vmem_shared>> -> memref<10240x64xf32, #tpu.memory_space<vmem_shared>>
        tpu.enqueue_indirect_dma source(%arg13 : memref<128x64xf32, #tpu.memory_space<vmem>>) target(%dma_start3A_123 : memref<10240x64xf32, #tpu.memory_space<vmem_shared>>) offsets(%arg11 : memref<128xi32, #tpu.memory_space<vmem>>) semaphore(%arg24 : memref<!tpu.dma_semaphore, #tpu.memory_space<semaphore_mem>>) {add = true}
        %dma_wait3A_124 = arith.constant 0 : i32
        %dma_wait3A_125 = arith.constant 0 : i32
        %dma_wait3A_126 = tpu.memref_slice %arg16[%dma_wait3A_124, %dma_wait3A_125] : memref<10240x64xf32, #tpu.memory_space<vmem_shared>> -> memref<10240x64xf32, #tpu.memory_space<vmem_shared>>
        tpu.wait_indirect_dma semaphore(%arg23 : memref<!tpu.dma_semaphore, #tpu.memory_space<semaphore_mem>>) src(%arg12 : memref<128x64xf32, #tpu.memory_space<vmem>>) dst(%dma_wait3A_126 : memref<10240x64xf32, #tpu.memory_space<vmem_shared>>)
        %dma_wait3A_127 = arith.constant 0 : i32
        %dma_wait3A_128 = arith.constant 0 : i32
        %dma_wait3A_129 = tpu.memref_slice %arg16[%dma_wait3A_127, %dma_wait3A_128] : memref<10240x64xf32, #tpu.memory_space<vmem_shared>> -> memref<10240x64xf32, #tpu.memory_space<vmem_shared>>
        tpu.wait_indirect_dma semaphore(%arg24 : memref<!tpu.dma_semaphore, #tpu.memory_space<semaphore_mem>>) src(%arg13 : memref<128x64xf32, #tpu.memory_space<vmem>>) dst(%dma_wait3A_129 : memref<10240x64xf32, #tpu.memory_space<vmem_shared>>)
      } else {
      }
      %mul3A_46 = arith.constant 2 : i32
      %mul3A_47 = arith.muli %mul3A_46, %scan3A_35 : i32
      %lt3A_48 = arith.cmpi slt, %mul3A_47, %select_n3A : i32
      %mul3A_49 = arith.constant 2 : i32
      %mul3A_50 = arith.muli %mul3A_49, %scan3A_35 : i32
      %add3A_51 = arith.constant 1 : i32
      %add3A_52 = arith.addi %mul3A_50, %add3A_51 : i32
      %ge3A = arith.cmpi sge, %add3A_52, %select_n3A : i32
      %and3A = arith.andi %lt3A_48, %ge3A : i1
      %convert_element_type3A_53 = arith.extui %and3A : i1 to i32
      %cond3A_54 = arith.constant 0 : i32
      %cond3A_55 = arith.cmpi ne, %convert_element_type3A_53, %cond3A_54 : i32
      scf.if %cond3A_55 {
        "tpu.region"() ({
          %run_scoped3A = tpu.sem_alloc : memref<!tpu.dma_semaphore, #tpu.memory_space<semaphore_mem>>
          %dma_start3A = arith.constant 0 : i32
          %dma_start3A_56 = tpu.memref_slice %arg3[%add3A_38, %dma_start3A] : memref<2512x128xi32, #tpu.memory_space<hbm>> -> memref<1x128xi32, #tpu.memory_space<hbm>>
          %dma_start3A_57 = tpu.memref_squeeze %dma_start3A_56 : memref<1x128xi32, #tpu.memory_space<hbm>> -> memref<128xi32, #tpu.memory_space<hbm>>
          %dma_start3A_58 = arith.constant 0 : i32
          %dma_start3A_59 = tpu.memref_slice %arg3[%add3A_38, %dma_start3A_58] : memref<2512x128xi32, #tpu.memory_space<hbm>> -> memref<1x128xi32, #tpu.memory_space<hbm>>
          %dma_start3A_60 = tpu.memref_squeeze %dma_start3A_59 : memref<1x128xi32, #tpu.memory_space<hbm>> -> memref<128xi32, #tpu.memory_space<hbm>>
          tpu.enqueue_dma source(%dma_start3A_60 : memref<128xi32, #tpu.memory_space<hbm>>) target(%arg8 : memref<128xi32, #tpu.memory_space<vmem>>) target_semaphore(%run_scoped3A : memref<!tpu.dma_semaphore, #tpu.memory_space<semaphore_mem>>)
          %dma_wait3A = arith.constant 0 : i32
          %dma_wait3A_61 = tpu.memref_slice %arg3[%add3A_38, %dma_wait3A] : memref<2512x128xi32, #tpu.memory_space<hbm>> -> memref<1x128xi32, #tpu.memory_space<hbm>>
          %dma_wait3A_62 = tpu.memref_squeeze %dma_wait3A_61 : memref<1x128xi32, #tpu.memory_space<hbm>> -> memref<128xi32, #tpu.memory_space<hbm>>
          %dma_wait3A_63 = arith.constant 0 : i32
          %dma_wait3A_64 = tpu.memref_slice %arg3[%add3A_38, %dma_wait3A_63] : memref<2512x128xi32, #tpu.memory_space<hbm>> -> memref<1x128xi32, #tpu.memory_space<hbm>>
          %dma_wait3A_65 = tpu.memref_squeeze %dma_wait3A_64 : memref<1x128xi32, #tpu.memory_space<hbm>> -> memref<128xi32, #tpu.memory_space<hbm>>
          tpu.wait_dma2 semaphore(%run_scoped3A : memref<!tpu.dma_semaphore, #tpu.memory_space<semaphore_mem>>) src(%dma_wait3A_65 : memref<128xi32, #tpu.memory_space<hbm>>) dst(%arg8 : memref<128xi32, #tpu.memory_space<vmem>>)
          tpu.yield
        }) : () -> ()
        "tpu.region"() ({
          %run_scoped3A = tpu.sem_alloc : memref<!tpu.dma_semaphore, #tpu.memory_space<semaphore_mem>>
          %dma_start3A = arith.constant 0 : i32
          %dma_start3A_56 = tpu.memref_slice %arg4[%add3A_38, %dma_start3A] : memref<2512x128xi32, #tpu.memory_space<hbm>> -> memref<1x128xi32, #tpu.memory_space<hbm>>
          %dma_start3A_57 = tpu.memref_squeeze %dma_start3A_56 : memref<1x128xi32, #tpu.memory_space<hbm>> -> memref<128xi32, #tpu.memory_space<hbm>>
          %dma_start3A_58 = arith.constant 0 : i32
          %dma_start3A_59 = tpu.memref_slice %arg4[%add3A_38, %dma_start3A_58] : memref<2512x128xi32, #tpu.memory_space<hbm>> -> memref<1x128xi32, #tpu.memory_space<hbm>>
          %dma_start3A_60 = tpu.memref_squeeze %dma_start3A_59 : memref<1x128xi32, #tpu.memory_space<hbm>> -> memref<128xi32, #tpu.memory_space<hbm>>
          tpu.enqueue_dma source(%dma_start3A_60 : memref<128xi32, #tpu.memory_space<hbm>>) target(%arg9 : memref<128xi32, #tpu.memory_space<vmem>>) target_semaphore(%run_scoped3A : memref<!tpu.dma_semaphore, #tpu.memory_space<semaphore_mem>>)
          %dma_wait3A = arith.constant 0 : i32
          %dma_wait3A_61 = tpu.memref_slice %arg4[%add3A_38, %dma_wait3A] : memref<2512x128xi32, #tpu.memory_space<hbm>> -> memref<1x128xi32, #tpu.memory_space<hbm>>
          %dma_wait3A_62 = tpu.memref_squeeze %dma_wait3A_61 : memref<1x128xi32, #tpu.memory_space<hbm>> -> memref<128xi32, #tpu.memory_space<hbm>>
          %dma_wait3A_63 = arith.constant 0 : i32
          %dma_wait3A_64 = tpu.memref_slice %arg4[%add3A_38, %dma_wait3A_63] : memref<2512x128xi32, #tpu.memory_space<hbm>> -> memref<1x128xi32, #tpu.memory_space<hbm>>
          %dma_wait3A_65 = tpu.memref_squeeze %dma_wait3A_64 : memref<1x128xi32, #tpu.memory_space<hbm>> -> memref<128xi32, #tpu.memory_space<hbm>>
          tpu.wait_dma2 semaphore(%run_scoped3A : memref<!tpu.dma_semaphore, #tpu.memory_space<semaphore_mem>>) src(%dma_wait3A_65 : memref<128xi32, #tpu.memory_space<hbm>>) dst(%arg9 : memref<128xi32, #tpu.memory_space<vmem>>)
          tpu.yield
        }) : () -> ()
        "tpu.region"() ({
          %run_scoped3A = tpu.sem_alloc : memref<!tpu.dma_semaphore, #tpu.memory_space<semaphore_mem>>
          %dma_start3A = arith.constant 0 : i32
          %dma_start3A_56 = arith.constant 0 : i32
          %dma_start3A_57 = tpu.memref_slice %arg2[%dma_start3A, %dma_start3A_56] : memref<10240x64xf32, #tpu.memory_space<hbm>> -> memref<10240x64xf32, #tpu.memory_space<hbm>>
          tpu.enqueue_indirect_dma source(%dma_start3A_57 : memref<10240x64xf32, #tpu.memory_space<hbm>>) target(%arg12 : memref<128x64xf32, #tpu.memory_space<vmem>>) offsets(%arg8 : memref<128xi32, #tpu.memory_space<vmem>>) semaphore(%run_scoped3A : memref<!tpu.dma_semaphore, #tpu.memory_space<semaphore_mem>>)
          %dma_wait3A = arith.constant 0 : i32
          %dma_wait3A_58 = arith.constant 0 : i32
          %dma_wait3A_59 = tpu.memref_slice %arg2[%dma_wait3A, %dma_wait3A_58] : memref<10240x64xf32, #tpu.memory_space<hbm>> -> memref<10240x64xf32, #tpu.memory_space<hbm>>
          tpu.wait_indirect_dma semaphore(%run_scoped3A : memref<!tpu.dma_semaphore, #tpu.memory_space<semaphore_mem>>) src(%dma_wait3A_59 : memref<10240x64xf32, #tpu.memory_space<hbm>>) dst(%arg12 : memref<128x64xf32, #tpu.memory_space<vmem>>)
          tpu.yield
        }) : () -> ()
        "tpu.region"() ({
          %run_scoped3A = tpu.sem_alloc : memref<!tpu.dma_semaphore, #tpu.memory_space<semaphore_mem>>
          %dma_start3A = arith.constant 0 : i32
          %dma_start3A_56 = arith.constant 0 : i32
          %dma_start3A_57 = tpu.memref_slice %arg16[%dma_start3A, %dma_start3A_56] : memref<10240x64xf32, #tpu.memory_space<vmem_shared>> -> memref<10240x64xf32, #tpu.memory_space<vmem_shared>>
          tpu.enqueue_indirect_dma source(%arg12 : memref<128x64xf32, #tpu.memory_space<vmem>>) target(%dma_start3A_57 : memref<10240x64xf32, #tpu.memory_space<vmem_shared>>) offsets(%arg9 : memref<128xi32, #tpu.memory_space<vmem>>) semaphore(%run_scoped3A : memref<!tpu.dma_semaphore, #tpu.memory_space<semaphore_mem>>) {add = true}
          %dma_wait3A = arith.constant 0 : i32
          %dma_wait3A_58 = arith.constant 0 : i32
          %dma_wait3A_59 = tpu.memref_slice %arg16[%dma_wait3A, %dma_wait3A_58] : memref<10240x64xf32, #tpu.memory_space<vmem_shared>> -> memref<10240x64xf32, #tpu.memory_space<vmem_shared>>
          tpu.wait_indirect_dma semaphore(%run_scoped3A : memref<!tpu.dma_semaphore, #tpu.memory_space<semaphore_mem>>) src(%arg12 : memref<128x64xf32, #tpu.memory_space<vmem>>) dst(%dma_wait3A_59 : memref<10240x64xf32, #tpu.memory_space<vmem_shared>>)
          tpu.yield
        }) : () -> ()
      } else {
      }
    }
    %scan3A_25 = arith.constant 47 : i32
    %barrier3A_26 = arith.constant 0 : index
    tpu.barrier barrier_id(%barrier3A_26)
    "tpu.region"() ({
      %run_scoped3A = tpu.sem_alloc : memref<!tpu.dma_semaphore, #tpu.memory_space<semaphore_mem>>
      %dma_start3A = arith.constant 0 : i32
      %dma_start3A_35 = tpu.memref_slice %arg16[%mul3A_10, %dma_start3A] : memref<10240x64xf32, #tpu.memory_space<vmem_shared>> -> memref<640x64xf32, #tpu.memory_space<vmem_shared>>
      %dma_start3A_36 = arith.constant 0 : i32
      %dma_start3A_37 = tpu.memref_slice %arg16[%mul3A_10, %dma_start3A_36] : memref<10240x64xf32, #tpu.memory_space<vmem_shared>> -> memref<640x64xf32, #tpu.memory_space<vmem_shared>>
      tpu.enqueue_dma source(%dma_start3A_37 : memref<640x64xf32, #tpu.memory_space<vmem_shared>>) target(%arg15 : memref<640x64xf32, #tpu.memory_space<vmem>>) target_semaphore(%run_scoped3A : memref<!tpu.dma_semaphore, #tpu.memory_space<semaphore_mem>>)
      %dma_wait3A = arith.constant 0 : i32
      %dma_wait3A_38 = tpu.memref_slice %arg16[%mul3A_10, %dma_wait3A] : memref<10240x64xf32, #tpu.memory_space<vmem_shared>> -> memref<640x64xf32, #tpu.memory_space<vmem_shared>>
      %dma_wait3A_39 = arith.constant 0 : i32
      %dma_wait3A_40 = tpu.memref_slice %arg16[%mul3A_10, %dma_wait3A_39] : memref<10240x64xf32, #tpu.memory_space<vmem_shared>> -> memref<640x64xf32, #tpu.memory_space<vmem_shared>>
      tpu.wait_dma2 semaphore(%run_scoped3A : memref<!tpu.dma_semaphore, #tpu.memory_space<semaphore_mem>>) src(%dma_wait3A_40 : memref<640x64xf32, #tpu.memory_space<vmem_shared>>) dst(%arg15 : memref<640x64xf32, #tpu.memory_space<vmem>>)
      tpu.yield
    }) : () -> ()
    %eq3A_27 = arith.constant 0 : i32
    %eq3A_28 = arith.cmpi eq, %arg0, %eq3A_27 : i32
    %convert_element_type3A = arith.extui %eq3A_28 : i1 to i32
    %cond3A = arith.constant 0 : i32
    %cond3A_29 = arith.cmpi ne, %convert_element_type3A, %cond3A : i32
    scf.if %cond3A_29 {
      "tpu.region"() ({
        %run_scoped3A = tpu.sem_alloc : memref<!tpu.dma_semaphore, #tpu.memory_space<semaphore_mem>>
        %dma_start3A = arith.constant 0 : i32
        %dma_start3A_35 = tpu.memref_slice %arg6[%mul3A_10, %dma_start3A] : memref<10240x64xf32, #tpu.memory_space<hbm>> -> memref<640x64xf32, #tpu.memory_space<hbm>>
        %dma_start3A_36 = arith.constant 0 : i32
        %dma_start3A_37 = tpu.memref_slice %arg6[%mul3A_10, %dma_start3A_36] : memref<10240x64xf32, #tpu.memory_space<hbm>> -> memref<640x64xf32, #tpu.memory_space<hbm>>
        tpu.enqueue_dma source(%arg15 : memref<640x64xf32, #tpu.memory_space<vmem>>) target(%dma_start3A_37 : memref<640x64xf32, #tpu.memory_space<hbm>>) target_semaphore(%run_scoped3A : memref<!tpu.dma_semaphore, #tpu.memory_space<semaphore_mem>>)
        %dma_wait3A = arith.constant 0 : i32
        %dma_wait3A_38 = tpu.memref_slice %arg6[%mul3A_10, %dma_wait3A] : memref<10240x64xf32, #tpu.memory_space<hbm>> -> memref<640x64xf32, #tpu.memory_space<hbm>>
        %dma_wait3A_39 = arith.constant 0 : i32
        %dma_wait3A_40 = tpu.memref_slice %arg6[%mul3A_10, %dma_wait3A_39] : memref<10240x64xf32, #tpu.memory_space<hbm>> -> memref<640x64xf32, #tpu.memory_space<hbm>>
        tpu.wait_dma2 semaphore(%run_scoped3A : memref<!tpu.dma_semaphore, #tpu.memory_space<semaphore_mem>>) src(%arg15 : memref<640x64xf32, #tpu.memory_space<vmem>>) dst(%dma_wait3A_40 : memref<640x64xf32, #tpu.memory_space<hbm>>)
        tpu.yield
      }) : () -> ()
    } else {
    }
    %eq3A_30 = arith.constant 1 : i32
    %eq3A_31 = arith.cmpi eq, %arg0, %eq3A_30 : i32
    %convert_element_type3A_32 = arith.extui %eq3A_31 : i1 to i32
    %cond3A_33 = arith.constant 0 : i32
    %cond3A_34 = arith.cmpi ne, %convert_element_type3A_32, %cond3A_33 : i32
    scf.if %cond3A_34 {
      "tpu.region"() ({
        %run_scoped3A = tpu.sem_alloc : memref<!tpu.dma_semaphore, #tpu.memory_space<semaphore_mem>>
        %dma_start3A = arith.constant 0 : i32
        %dma_start3A_35 = tpu.memref_slice %arg7[%mul3A_10, %dma_start3A] : memref<10240x64xf32, #tpu.memory_space<hbm>> -> memref<640x64xf32, #tpu.memory_space<hbm>>
        %dma_start3A_36 = arith.constant 0 : i32
        %dma_start3A_37 = tpu.memref_slice %arg7[%mul3A_10, %dma_start3A_36] : memref<10240x64xf32, #tpu.memory_space<hbm>> -> memref<640x64xf32, #tpu.memory_space<hbm>>
        tpu.enqueue_dma source(%arg15 : memref<640x64xf32, #tpu.memory_space<vmem>>) target(%dma_start3A_37 : memref<640x64xf32, #tpu.memory_space<hbm>>) target_semaphore(%run_scoped3A : memref<!tpu.dma_semaphore, #tpu.memory_space<semaphore_mem>>)
        %dma_wait3A = arith.constant 0 : i32
        %dma_wait3A_38 = tpu.memref_slice %arg7[%mul3A_10, %dma_wait3A] : memref<10240x64xf32, #tpu.memory_space<hbm>> -> memref<640x64xf32, #tpu.memory_space<hbm>>
        %dma_wait3A_39 = arith.constant 0 : i32
        %dma_wait3A_40 = tpu.memref_slice %arg7[%mul3A_10, %dma_wait3A_39] : memref<10240x64xf32, #tpu.memory_space<hbm>> -> memref<640x64xf32, #tpu.memory_space<hbm>>
        tpu.wait_dma2 semaphore(%run_scoped3A : memref<!tpu.dma_semaphore, #tpu.memory_space<semaphore_mem>>) src(%arg15 : memref<640x64xf32, #tpu.memory_space<vmem>>) dst(%dma_wait3A_40 : memref<640x64xf32, #tpu.memory_space<hbm>>)
        tpu.yield
      }) : () -> ()
    } else {
    }
    return
  }
}

module attributes {stable_mosaic.version = 14 : i64} {
  func.func @_xw_body(%arg0: i32, %arg1: memref<2048x128xf32, #tpu.memory_space<vmem>>, %arg2: memref<128x64xf32, #tpu.memory_space<vmem>>, %arg3: memref<2048x64xf32, #tpu.memory_space<vmem>>) attributes {dimension_semantics = [#tpu.dimension_semantics<arbitrary>], iteration_bounds = array<i64: 5>, scalar_prefetch = 0 : i64, scratch_operands = 0 : i64, tpu.core_type = #tpu.core_type<tc>, window_params = [{transform_indices = @transform_0, window_bounds = array<i64: 2048, 128>}, {pipeline_mode = #tpu.pipeline_mode<synchronous>, transform_indices = @transform_1, window_bounds = array<i64: 128, 64>}, {transform_indices = @transform_2, window_bounds = array<i64: 2048, 64>}]} {
    %get3A = arith.constant 0 : index
    %get3A_0 = arith.constant 0 : index
    %get3A_1 = vector.load %arg1[%get3A, %get3A_0] : memref<2048x128xf32, #tpu.memory_space<vmem>>, vector<2048x128xf32>
    %get3A_2 = arith.constant 0 : index
    %get3A_3 = arith.constant 0 : index
    %get3A_4 = vector.load %arg2[%get3A_2, %get3A_3] : memref<128x64xf32, #tpu.memory_space<vmem>>, vector<128x64xf32>
    %dot_general3A = arith.constant dense<0.000000e+00> : vector<2048x64xf32>
    %dot_general3A_5 = tpu.matmul %get3A_1, %get3A_4, %dot_general3A {dimension_numbers = #tpu.dot_dimension_numbers<[1], [0], [0], [1], [0, 0, 1, 1], [], []>, transpose_lhs_hint = false} : vector<2048x128xf32>, vector<128x64xf32>, vector<2048x64xf32> -> vector<2048x64xf32>
    %swap3A = arith.constant 0 : index
    %swap3A_6 = arith.constant 0 : index
    %swap3A_7 = vector.load %arg3[%swap3A, %swap3A_6] : memref<2048x64xf32, #tpu.memory_space<vmem>>, vector<2048x64xf32>
    tpu.vector_store %arg3[%swap3A, %swap3A_6], %dot_general3A_5 {strides = array<i32>} : memref<2048x64xf32, #tpu.memory_space<vmem>>, vector<2048x64xf32>,
    return
  }
  func.func @transform_0(%arg0: i32) -> (i32, i32) {
    %c0_i32 = arith.constant 0 : i32
    %c0_i32_0 = arith.constant 0 : i32
    return %arg0, %c0_i32 : i32, i32
  }
  func.func @transform_1(%arg0: i32) -> (i32, i32) {
    %c0_i32 = arith.constant 0 : i32
    %c0_i32_0 = arith.constant 0 : i32
    %c0_i32_1 = arith.constant 0 : i32
    return %c0_i32, %c0_i32_0 : i32, i32
  }
  func.func @transform_2(%arg0: i32) -> (i32, i32) {
    %c0_i32 = arith.constant 0 : i32
    %c0_i32_0 = arith.constant 0 : i32
    return %arg0, %c0_i32 : i32, i32
  }
}

module attributes {stable_mosaic.version = 14 : i64} {
  func.func @_prelude_body(%arg0: i32, %arg1: memref<2048x64xf32, #tpu.memory_space<vmem>>, %arg2: memref<2048x16xf32, #tpu.memory_space<vmem>>, %arg3: memref<2048x16xf32, #tpu.memory_space<vmem>>, %arg4: memref<2048x64xf32, #tpu.memory_space<vmem>>, %arg5: memref<2048x16xf32, #tpu.memory_space<vmem>>) attributes {dimension_semantics = [#tpu.dimension_semantics<arbitrary>], iteration_bounds = array<i64: 5>, scalar_prefetch = 0 : i64, scratch_operands = 0 : i64, tpu.core_type = #tpu.core_type<tc>, window_params = [{transform_indices = @transform_0, window_bounds = array<i64: 2048, 64>}, {transform_indices = @transform_1, window_bounds = array<i64: 2048, 16>}, {transform_indices = @transform_2, window_bounds = array<i64: 2048, 16>}, {transform_indices = @transform_3, window_bounds = array<i64: 2048, 64>}, {transform_indices = @transform_4, window_bounds = array<i64: 2048, 16>}]} {
    %get3A = arith.constant 0 : index
    %get3A_0 = arith.constant 0 : index
    %get3A_1 = vector.load %arg2[%get3A, %get3A_0] : memref<2048x16xf32, #tpu.memory_space<vmem>>, vector<2048x16xf32>
    %get3A_2 = arith.constant 0 : index
    %get3A_3 = arith.constant 0 : index
    %get3A_4 = vector.load %arg3[%get3A_2, %get3A_3] : memref<2048x16xf32, #tpu.memory_space<vmem>>, vector<2048x16xf32>
    %add3A = arith.addf %get3A_1, %get3A_4 : vector<2048x16xf32>
    %add3A_5 = arith.constant 1.000000e+00 : f32
    %add3A_6 = vector.broadcast %add3A_5 : f32 to vector<2048x16xf32>
    %add3A_7 = arith.addf %add3A, %add3A_6 : vector<2048x16xf32>
    %max3A = arith.constant 1.000000e+00 : f32
    %max3A_8 = vector.broadcast %max3A : f32 to vector<2048x16xf32>
    %max3A_9 = arith.maximumf %add3A_7, %max3A_8 : vector<2048x16xf32>
    %rsqrt3A = math.rsqrt %max3A_9 : vector<2048x16xf32>
    %slice3A = vector.extract_strided_slice %rsqrt3A {offsets = [0, 0], sizes = [2048, 1], strides = [1, 1]} : vector<2048x16xf32> to vector<2048x1xf32>
    %get3A_10 = arith.constant 0 : index
    %get3A_11 = arith.constant 0 : index
    %get3A_12 = vector.load %arg1[%get3A_10, %get3A_11] : memref<2048x64xf32, #tpu.memory_space<vmem>>, vector<2048x64xf32>
    %mul3A = vector.broadcast %slice3A : vector<2048x1xf32> to vector<2048x64xf32>
    %mul3A_13 = arith.mulf %mul3A, %get3A_12 : vector<2048x64xf32>
    %swap3A = arith.constant 0 : index
    %swap3A_14 = arith.constant 0 : index
    %swap3A_15 = vector.load %arg4[%swap3A, %swap3A_14] : memref<2048x64xf32, #tpu.memory_space<vmem>>, vector<2048x64xf32>
    tpu.vector_store %arg4[%swap3A, %swap3A_14], %mul3A_13 {strides = array<i32>} : memref<2048x64xf32, #tpu.memory_space<vmem>>, vector<2048x64xf32>,
    %swap3A_16 = arith.constant 0 : index
    %swap3A_17 = arith.constant 0 : index
    %swap3A_18 = vector.load %arg5[%swap3A_16, %swap3A_17] : memref<2048x16xf32, #tpu.memory_space<vmem>>, vector<2048x16xf32>
    tpu.vector_store %arg5[%swap3A_16, %swap3A_17], %add3A_7 {strides = array<i32>} : memref<2048x16xf32, #tpu.memory_space<vmem>>, vector<2048x16xf32>,
    return
  }
  func.func @transform_0(%arg0: i32) -> (i32, i32) {
    %c0_i32 = arith.constant 0 : i32
    %c0_i32_0 = arith.constant 0 : i32
    return %arg0, %c0_i32 : i32, i32
  }
  func.func @transform_1(%arg0: i32) -> (i32, i32) {
    %c0_i32 = arith.constant 0 : i32
    %c0_i32_0 = arith.constant 0 : i32
    return %arg0, %c0_i32 : i32, i32
  }
  func.func @transform_2(%arg0: i32) -> (i32, i32) {
    %c0_i32 = arith.constant 0 : i32
    %c0_i32_0 = arith.constant 0 : i32
    return %arg0, %c0_i32 : i32, i32
  }
  func.func @transform_3(%arg0: i32) -> (i32, i32) {
    %c0_i32 = arith.constant 0 : i32
    %c0_i32_0 = arith.constant 0 : i32
    return %arg0, %c0_i32 : i32, i32
  }
  func.func @transform_4(%arg0: i32) -> (i32, i32) {
    %c0_i32 = arith.constant 0 : i32
    %c0_i32_0 = arith.constant 0 : i32
    return %arg0, %c0_i32 : i32, i32
  }
}

module attributes {stable_mosaic.version = 14 : i64} {
  func.func @_layer_body(%arg0: i32, %arg1: memref<2048x64xf32, #tpu.memory_space<vmem>>, %arg2: memref<2048x64xf32, #tpu.memory_space<vmem>>, %arg3: memref<2048x64xf32, #tpu.memory_space<vmem>>, %arg4: memref<2048x16xf32, #tpu.memory_space<vmem>>, %arg5: memref<1x64xf32, #tpu.memory_space<vmem>>, %arg6: memref<64x64xf32, #tpu.memory_space<vmem>>, %arg7: memref<2048x64xf32, #tpu.memory_space<vmem>>) attributes {dimension_semantics = [#tpu.dimension_semantics<arbitrary>], iteration_bounds = array<i64: 5>, scalar_prefetch = 0 : i64, scratch_operands = 0 : i64, tpu.core_type = #tpu.core_type<tc>, window_params = [{transform_indices = @transform_0, window_bounds = array<i64: 2048, 64>}, {transform_indices = @transform_1, window_bounds = array<i64: 2048, 64>}, {transform_indices = @transform_2, window_bounds = array<i64: 2048, 64>}, {transform_indices = @transform_3, window_bounds = array<i64: 2048, 16>}, {pipeline_mode = #tpu.pipeline_mode<synchronous>, transform_indices = @transform_4, window_bounds = array<i64: 1, 64>}, {pipeline_mode = #tpu.pipeline_mode<synchronous>, transform_indices = @transform_5, window_bounds = array<i64: 64, 64>}, {transform_indices = @transform_6, window_bounds = array<i64: 2048, 64>}]} {
    %get3A = arith.constant 0 : index
    %get3A_0 = arith.constant 0 : index
    %get3A_1 = vector.load %arg4[%get3A, %get3A_0] : memref<2048x16xf32, #tpu.memory_space<vmem>>, vector<2048x16xf32>
    %max3A = arith.constant 1.000000e+00 : f32
    %max3A_2 = vector.broadcast %max3A : f32 to vector<2048x16xf32>
    %max3A_3 = arith.maximumf %get3A_1, %max3A_2 : vector<2048x16xf32>
    %rsqrt3A = math.rsqrt %max3A_3 : vector<2048x16xf32>
    %slice3A = vector.extract_strided_slice %rsqrt3A {offsets = [0, 0], sizes = [2048, 1], strides = [1, 1]} : vector<2048x16xf32> to vector<2048x1xf32>
    %get3A_4 = arith.constant 0 : index
    %get3A_5 = arith.constant 0 : index
    %get3A_6 = vector.load %arg1[%get3A_4, %get3A_5] : memref<2048x64xf32, #tpu.memory_space<vmem>>, vector<2048x64xf32>
    %get3A_7 = arith.constant 0 : index
    %get3A_8 = arith.constant 0 : index
    %get3A_9 = vector.load %arg2[%get3A_7, %get3A_8] : memref<2048x64xf32, #tpu.memory_space<vmem>>, vector<2048x64xf32>
    %add3A = arith.addf %get3A_6, %get3A_9 : vector<2048x64xf32>
    %get3A_10 = arith.constant 0 : index
    %get3A_11 = arith.constant 0 : index
    %get3A_12 = vector.load %arg3[%get3A_10, %get3A_11] : memref<2048x64xf32, #tpu.memory_space<vmem>>, vector<2048x64xf32>
    %add3A_13 = arith.addf %add3A, %get3A_12 : vector<2048x64xf32>
    %mul3A = vector.broadcast %slice3A : vector<2048x1xf32> to vector<2048x64xf32>
    %mul3A_14 = arith.mulf %mul3A, %add3A_13 : vector<2048x64xf32>
    %get3A_15 = arith.constant 0 : index
    %get3A_16 = arith.constant 0 : index
    %get3A_17 = vector.load %arg5[%get3A_15, %get3A_16] : memref<1x64xf32, #tpu.memory_space<vmem>>, vector<1x64xf32>
    %add3A_18 = vector.broadcast %get3A_17 : vector<1x64xf32> to vector<2048x64xf32>
    %add3A_19 = arith.addf %mul3A_14, %add3A_18 : vector<2048x64xf32>
    %max3A_20 = arith.constant 0.000000e+00 : f32
    %max3A_21 = vector.broadcast %max3A_20 : f32 to vector<2048x64xf32>
    %max3A_22 = arith.maximumf %add3A_19, %max3A_21 : vector<2048x64xf32>
    %get3A_23 = arith.constant 0 : index
    %get3A_24 = arith.constant 0 : index
    %get3A_25 = vector.load %arg6[%get3A_23, %get3A_24] : memref<64x64xf32, #tpu.memory_space<vmem>>, vector<64x64xf32>
    %dot_general3A = arith.constant dense<0.000000e+00> : vector<2048x64xf32>
    %dot_general3A_26 = tpu.matmul %max3A_22, %get3A_25, %dot_general3A {dimension_numbers = #tpu.dot_dimension_numbers<[1], [0], [0], [1], [0, 0, 1, 1], [], []>, transpose_lhs_hint = false} : vector<2048x64xf32>, vector<64x64xf32>, vector<2048x64xf32> -> vector<2048x64xf32>
    %mul3A_27 = vector.broadcast %slice3A : vector<2048x1xf32> to vector<2048x64xf32>
    %mul3A_28 = arith.mulf %mul3A_27, %dot_general3A_26 : vector<2048x64xf32>
    %swap3A = arith.constant 0 : index
    %swap3A_29 = arith.constant 0 : index
    %swap3A_30 = vector.load %arg7[%swap3A, %swap3A_29] : memref<2048x64xf32, #tpu.memory_space<vmem>>, vector<2048x64xf32>
    tpu.vector_store %arg7[%swap3A, %swap3A_29], %mul3A_28 {strides = array<i32>} : memref<2048x64xf32, #tpu.memory_space<vmem>>, vector<2048x64xf32>,
    return
  }
  func.func @transform_0(%arg0: i32) -> (i32, i32) {
    %c0_i32 = arith.constant 0 : i32
    %c0_i32_0 = arith.constant 0 : i32
    return %arg0, %c0_i32 : i32, i32
  }
  func.func @transform_1(%arg0: i32) -> (i32, i32) {
    %c0_i32 = arith.constant 0 : i32
    %c0_i32_0 = arith.constant 0 : i32
    return %arg0, %c0_i32 : i32, i32
  }
  func.func @transform_2(%arg0: i32) -> (i32, i32) {
    %c0_i32 = arith.constant 0 : i32
    %c0_i32_0 = arith.constant 0 : i32
    return %arg0, %c0_i32 : i32, i32
  }
  func.func @transform_3(%arg0: i32) -> (i32, i32) {
    %c0_i32 = arith.constant 0 : i32
    %c0_i32_0 = arith.constant 0 : i32
    return %arg0, %c0_i32 : i32, i32
  }
  func.func @transform_4(%arg0: i32) -> (i32, i32) {
    %c0_i32 = arith.constant 0 : i32
    %c0_i32_0 = arith.constant 0 : i32
    %c0_i32_1 = arith.constant 0 : i32
    return %c0_i32, %c0_i32_0 : i32, i32
  }
  func.func @transform_5(%arg0: i32) -> (i32, i32) {
    %c0_i32 = arith.constant 0 : i32
    %c0_i32_0 = arith.constant 0 : i32
    %c0_i32_1 = arith.constant 0 : i32
    return %c0_i32, %c0_i32_0 : i32, i32
  }
  func.func @transform_6(%arg0: i32) -> (i32, i32) {
    %c0_i32 = arith.constant 0 : i32
    %c0_i32_0 = arith.constant 0 : i32
    return %arg0, %c0_i32 : i32, i32
  }
}

module attributes {stable_mosaic.version = 14 : i64} {
  func.func @_final_body(%arg0: i32, %arg1: memref<2000x64xf32, #tpu.memory_space<vmem>>, %arg2: memref<2000x64xf32, #tpu.memory_space<vmem>>, %arg3: memref<2000x64xf32, #tpu.memory_space<vmem>>, %arg4: memref<2000x16xf32, #tpu.memory_space<vmem>>, %arg5: memref<1x64xf32, #tpu.memory_space<vmem>>, %arg6: memref<64x64xf32, #tpu.memory_space<vmem>>, %arg7: memref<1x64xf32, #tpu.memory_space<vmem>>, %arg8: memref<64x64xf32, #tpu.memory_space<vmem>>, %arg9: memref<1x64xf32, #tpu.memory_space<vmem>>, %arg10: memref<64x64xf32, #tpu.memory_space<vmem>>, %arg11: memref<1x64xf32, #tpu.memory_space<vmem>>, %arg12: memref<1x64xf32, #tpu.memory_space<vmem>>, %arg13: memref<1x64xf32, #tpu.memory_space<vmem>>) attributes {dimension_semantics = [#tpu.dimension_semantics<arbitrary>], iteration_bounds = array<i64: 5>, scalar_prefetch = 0 : i64, scratch_operands = 1 : i64, tpu.core_type = #tpu.core_type<tc>, window_params = [{transform_indices = @transform_0, window_bounds = array<i64: 2000, 64>}, {transform_indices = @transform_1, window_bounds = array<i64: 2000, 64>}, {transform_indices = @transform_2, window_bounds = array<i64: 2000, 64>}, {transform_indices = @transform_3, window_bounds = array<i64: 2000, 16>}, {pipeline_mode = #tpu.pipeline_mode<synchronous>, transform_indices = @transform_4, window_bounds = array<i64: 1, 64>}, {pipeline_mode = #tpu.pipeline_mode<synchronous>, transform_indices = @transform_5, window_bounds = array<i64: 64, 64>}, {pipeline_mode = #tpu.pipeline_mode<synchronous>, transform_indices = @transform_6, window_bounds = array<i64: 1, 64>}, {pipeline_mode = #tpu.pipeline_mode<synchronous>, transform_indices = @transform_7, window_bounds = array<i64: 64, 64>}, {pipeline_mode = #tpu.pipeline_mode<synchronous>, transform_indices = @transform_8, window_bounds = array<i64: 1, 64>}, {pipeline_mode = #tpu.pipeline_mode<synchronous>, transform_indices = @transform_9, window_bounds = array<i64: 64, 64>}, {pipeline_mode = #tpu.pipeline_mode<synchronous>, transform_indices = @transform_10, window_bounds = array<i64: 1, 64>}, {pipeline_mode = #tpu.pipeline_mode<synchronous>, transform_indices = @transform_11, window_bounds = array<i64: 1, 64>}]} {
    %get3A = arith.constant 0 : index
    %get3A_0 = arith.constant 0 : index
    %get3A_1 = vector.load %arg4[%get3A, %get3A_0] : memref<2000x16xf32, #tpu.memory_space<vmem>>, vector<2000x16xf32>
    %max3A = arith.constant 1.000000e+00 : f32
    %max3A_2 = vector.broadcast %max3A : f32 to vector<2000x16xf32>
    %max3A_3 = arith.maximumf %get3A_1, %max3A_2 : vector<2000x16xf32>
    %rsqrt3A = math.rsqrt %max3A_3 : vector<2000x16xf32>
    %slice3A = vector.extract_strided_slice %rsqrt3A {offsets = [0, 0], sizes = [2000, 1], strides = [1, 1]} : vector<2000x16xf32> to vector<2000x1xf32>
    %get3A_4 = arith.constant 0 : index
    %get3A_5 = arith.constant 0 : index
    %get3A_6 = vector.load %arg1[%get3A_4, %get3A_5] : memref<2000x64xf32, #tpu.memory_space<vmem>>, vector<2000x64xf32>
    %get3A_7 = arith.constant 0 : index
    %get3A_8 = arith.constant 0 : index
    %get3A_9 = vector.load %arg2[%get3A_7, %get3A_8] : memref<2000x64xf32, #tpu.memory_space<vmem>>, vector<2000x64xf32>
    %add3A = arith.addf %get3A_6, %get3A_9 : vector<2000x64xf32>
    %get3A_10 = arith.constant 0 : index
    %get3A_11 = arith.constant 0 : index
    %get3A_12 = vector.load %arg3[%get3A_10, %get3A_11] : memref<2000x64xf32, #tpu.memory_space<vmem>>, vector<2000x64xf32>
    %add3A_13 = arith.addf %add3A, %get3A_12 : vector<2000x64xf32>
    %mul3A = vector.broadcast %slice3A : vector<2000x1xf32> to vector<2000x64xf32>
    %mul3A_14 = arith.mulf %mul3A, %add3A_13 : vector<2000x64xf32>
    %get3A_15 = arith.constant 0 : index
    %get3A_16 = arith.constant 0 : index
    %get3A_17 = vector.load %arg5[%get3A_15, %get3A_16] : memref<1x64xf32, #tpu.memory_space<vmem>>, vector<1x64xf32>
    %add3A_18 = vector.broadcast %get3A_17 : vector<1x64xf32> to vector<2000x64xf32>
    %add3A_19 = arith.addf %mul3A_14, %add3A_18 : vector<2000x64xf32>
    %max3A_20 = arith.constant 0.000000e+00 : f32
    %max3A_21 = vector.broadcast %max3A_20 : f32 to vector<2000x64xf32>
    %max3A_22 = arith.maximumf %add3A_19, %max3A_21 : vector<2000x64xf32>
    %reduce_max3A = arith.constant dense<0xFF800000> : vector<64xf32>
    %reduce_max3A_23 = vector.multi_reduction <maximumf>, %max3A_22, %reduce_max3A [0] : vector<2000x64xf32> to vector<64xf32>
    %broadcast_in_dim3A = vector.shape_cast %reduce_max3A_23 : vector<64xf32> to vector<1x64xf32>
    %eq3A = arith.constant 0 : i32
    %eq3A_24 = arith.cmpi eq, %arg0, %eq3A : i32
    %convert_element_type3A = arith.extui %eq3A_24 : i1 to i32
    %cond3A = arith.constant 0 : i32
    %cond3A_25 = arith.cmpi ne, %convert_element_type3A, %cond3A : i32
    scf.if %cond3A_25 {
      %swap3A = arith.constant 0 : index
      %swap3A_35 = arith.constant 0 : index
      %swap3A_36 = vector.load %arg13[%swap3A, %swap3A_35] : memref<1x64xf32, #tpu.memory_space<vmem>>, vector<1x64xf32>
      tpu.vector_store %arg13[%swap3A, %swap3A_35], %broadcast_in_dim3A {strides = array<i32>} : memref<1x64xf32, #tpu.memory_space<vmem>>, vector<1x64xf32>,
      %broadcast_in_dim3A_37 = arith.constant 0.000000e+00 : f32
      %broadcast_in_dim3A_38 = vector.broadcast %broadcast_in_dim3A_37 : f32 to vector<1x64xf32>
      %swap3A_39 = arith.constant 0 : index
      %swap3A_40 = arith.constant 0 : index
      %swap3A_41 = vector.load %arg12[%swap3A_39, %swap3A_40] : memref<1x64xf32, #tpu.memory_space<vmem>>, vector<1x64xf32>
      tpu.vector_store %arg12[%swap3A_39, %swap3A_40], %broadcast_in_dim3A_38 {strides = array<i32>} : memref<1x64xf32, #tpu.memory_space<vmem>>, vector<1x64xf32>,
    } else {
    }
    %gt3A = arith.constant 0 : i32
    %gt3A_26 = arith.cmpi sgt, %arg0, %gt3A : i32
    %convert_element_type3A_27 = arith.extui %gt3A_26 : i1 to i32
    %cond3A_28 = arith.constant 0 : i32
    %cond3A_29 = arith.cmpi ne, %convert_element_type3A_27, %cond3A_28 : i32
    scf.if %cond3A_29 {
      %get3A_35 = arith.constant 0 : index
      %get3A_36 = arith.constant 0 : index
      %get3A_37 = vector.load %arg13[%get3A_35, %get3A_36] : memref<1x64xf32, #tpu.memory_space<vmem>>, vector<1x64xf32>
      %max3A_38 = arith.maximumf %get3A_37, %broadcast_in_dim3A : vector<1x64xf32>
      %swap3A = arith.constant 0 : index
      %swap3A_39 = arith.constant 0 : index
      %swap3A_40 = vector.load %arg13[%swap3A, %swap3A_39] : memref<1x64xf32, #tpu.memory_space<vmem>>, vector<1x64xf32>
      tpu.vector_store %arg13[%swap3A, %swap3A_39], %max3A_38 {strides = array<i32>} : memref<1x64xf32, #tpu.memory_space<vmem>>, vector<1x64xf32>,
    } else {
    }
    %eq3A_30 = arith.constant 4 : i32
    %eq3A_31 = arith.cmpi eq, %arg0, %eq3A_30 : i32
    %convert_element_type3A_32 = arith.extui %eq3A_31 : i1 to i32
    %cond3A_33 = arith.constant 0 : i32
    %cond3A_34 = arith.cmpi ne, %convert_element_type3A_32, %cond3A_33 : i32
    scf.if %cond3A_34 {
      %get3A_35 = arith.constant 0 : index
      %get3A_36 = arith.constant 0 : index
      %get3A_37 = vector.load %arg13[%get3A_35, %get3A_36] : memref<1x64xf32, #tpu.memory_space<vmem>>, vector<1x64xf32>
      %get3A_38 = arith.constant 0 : index
      %get3A_39 = arith.constant 0 : index
      %get3A_40 = vector.load %arg6[%get3A_38, %get3A_39] : memref<64x64xf32, #tpu.memory_space<vmem>>, vector<64x64xf32>
      %dot_general3A = arith.constant dense<0.000000e+00> : vector<1x64xf32>
      %dot_general3A_41 = tpu.matmul %get3A_37, %get3A_40, %dot_general3A {dimension_numbers = #tpu.dot_dimension_numbers<[1], [0], [0], [1], [0, 0, 1, 1], [], []>, transpose_lhs_hint = false} : vector<1x64xf32>, vector<64x64xf32>, vector<1x64xf32> -> vector<1x64xf32>
      %get3A_42 = arith.constant 0 : index
      %get3A_43 = arith.constant 0 : index
      %get3A_44 = vector.load %arg7[%get3A_42, %get3A_43] : memref<1x64xf32, #tpu.memory_space<vmem>>, vector<1x64xf32>
      %add3A_45 = arith.addf %dot_general3A_41, %get3A_44 : vector<1x64xf32>
      %max3A_46 = arith.constant 0.000000e+00 : f32
      %max3A_47 = vector.broadcast %max3A_46 : f32 to vector<1x64xf32>
      %max3A_48 = arith.maximumf %add3A_45, %max3A_47 : vector<1x64xf32>
      %get3A_49 = arith.constant 0 : index
      %get3A_50 = arith.constant 0 : index
      %get3A_51 = vector.load %arg8[%get3A_49, %get3A_50] : memref<64x64xf32, #tpu.memory_space<vmem>>, vector<64x64xf32>
      %dot_general3A_52 = arith.constant dense<0.000000e+00> : vector<1x64xf32>
      %dot_general3A_53 = tpu.matmul %max3A_48, %get3A_51, %dot_general3A_52 {dimension_numbers = #tpu.dot_dimension_numbers<[1], [0], [0], [1], [0, 0, 1, 1], [], []>, transpose_lhs_hint = false} : vector<1x64xf32>, vector<64x64xf32>, vector<1x64xf32> -> vector<1x64xf32>
      %get3A_54 = arith.constant 0 : index
      %get3A_55 = arith.constant 0 : index
      %get3A_56 = vector.load %arg9[%get3A_54, %get3A_55] : memref<1x64xf32, #tpu.memory_space<vmem>>, vector<1x64xf32>
      %add3A_57 = arith.addf %dot_general3A_53, %get3A_56 : vector<1x64xf32>
      %max3A_58 = arith.constant 0.000000e+00 : f32
      %max3A_59 = vector.broadcast %max3A_58 : f32 to vector<1x64xf32>
      %max3A_60 = arith.maximumf %add3A_57, %max3A_59 : vector<1x64xf32>
      %get3A_61 = arith.constant 0 : index
      %get3A_62 = arith.constant 0 : index
      %get3A_63 = vector.load %arg10[%get3A_61, %get3A_62] : memref<64x64xf32, #tpu.memory_space<vmem>>, vector<64x64xf32>
      %dot_general3A_64 = arith.constant dense<0.000000e+00> : vector<1x64xf32>
      %dot_general3A_65 = tpu.matmul %max3A_60, %get3A_63, %dot_general3A_64 {dimension_numbers = #tpu.dot_dimension_numbers<[1], [0], [0], [1], [0, 0, 1, 1], [], []>, transpose_lhs_hint = false} : vector<1x64xf32>, vector<64x64xf32>, vector<1x64xf32> -> vector<1x64xf32>
      %get3A_66 = arith.constant 0 : index
      %get3A_67 = arith.constant 0 : index
      %get3A_68 = vector.load %arg11[%get3A_66, %get3A_67] : memref<1x64xf32, #tpu.memory_space<vmem>>, vector<1x64xf32>
      %add3A_69 = arith.addf %dot_general3A_65, %get3A_68 : vector<1x64xf32>
      %swap3A = arith.constant 0 : index
      %swap3A_70 = arith.constant 0 : index
      %swap3A_71 = vector.load %arg12[%swap3A, %swap3A_70] : memref<1x64xf32, #tpu.memory_space<vmem>>, vector<1x64xf32>
      tpu.vector_store %arg12[%swap3A, %swap3A_70], %add3A_69 {strides = array<i32>} : memref<1x64xf32, #tpu.memory_space<vmem>>, vector<1x64xf32>,
    } else {
    }
    return
  }
  func.func @transform_0(%arg0: i32) -> (i32, i32) {
    %c0_i32 = arith.constant 0 : i32
    %c0_i32_0 = arith.constant 0 : i32
    return %arg0, %c0_i32 : i32, i32
  }
  func.func @transform_1(%arg0: i32) -> (i32, i32) {
    %c0_i32 = arith.constant 0 : i32
    %c0_i32_0 = arith.constant 0 : i32
    return %arg0, %c0_i32 : i32, i32
  }
  func.func @transform_2(%arg0: i32) -> (i32, i32) {
    %c0_i32 = arith.constant 0 : i32
    %c0_i32_0 = arith.constant 0 : i32
    return %arg0, %c0_i32 : i32, i32
  }
  func.func @transform_3(%arg0: i32) -> (i32, i32) {
    %c0_i32 = arith.constant 0 : i32
    %c0_i32_0 = arith.constant 0 : i32
    return %arg0, %c0_i32 : i32, i32
  }
  func.func @transform_4(%arg0: i32) -> (i32, i32) {
    %c0_i32 = arith.constant 0 : i32
    %c0_i32_0 = arith.constant 0 : i32
    %c0_i32_1 = arith.constant 0 : i32
    return %c0_i32, %c0_i32_0 : i32, i32
  }
  func.func @transform_5(%arg0: i32) -> (i32, i32) {
    %c0_i32 = arith.constant 0 : i32
    %c0_i32_0 = arith.constant 0 : i32
    %c0_i32_1 = arith.constant 0 : i32
    return %c0_i32, %c0_i32_0 : i32, i32
  }
  func.func @transform_6(%arg0: i32) -> (i32, i32) {
    %c0_i32 = arith.constant 0 : i32
    %c0_i32_0 = arith.constant 0 : i32
    %c0_i32_1 = arith.constant 0 : i32
    return %c0_i32, %c0_i32_0 : i32, i32
  }
  func.func @transform_7(%arg0: i32) -> (i32, i32) {
    %c0_i32 = arith.constant 0 : i32
    %c0_i32_0 = arith.constant 0 : i32
    %c0_i32_1 = arith.constant 0 : i32
    return %c0_i32, %c0_i32_0 : i32, i32
  }
  func.func @transform_8(%arg0: i32) -> (i32, i32) {
    %c0_i32 = arith.constant 0 : i32
    %c0_i32_0 = arith.constant 0 : i32
    %c0_i32_1 = arith.constant 0 : i32
    return %c0_i32, %c0_i32_0 : i32, i32
  }
  func.func @transform_9(%arg0: i32) -> (i32, i32) {
    %c0_i32 = arith.constant 0 : i32
    %c0_i32_0 = arith.constant 0 : i32
    %c0_i32_1 = arith.constant 0 : i32
    return %c0_i32, %c0_i32_0 : i32, i32
  }
  func.func @transform_10(%arg0: i32) -> (i32, i32) {
    %c0_i32 = arith.constant 0 : i32
    %c0_i32_0 = arith.constant 0 : i32
    %c0_i32_1 = arith.constant 0 : i32
    return %c0_i32, %c0_i32_0 : i32, i32
  }
  func.func @transform_11(%arg0: i32) -> (i32, i32) {
    %c0_i32 = arith.constant 0 : i32
    %c0_i32_0 = arith.constant 0 : i32
    %c0_i32_1 = arith.constant 0 : i32
    return %c0_i32, %c0_i32_0 : i32, i32
  }
}

</mosaic_0001>

<sc_bundles>
// kernel: kernel.13.cloned.1.call-start
scs
__scs_entry_jumppad:
0x0: {  	(pc) =	sbr.rel $0x88, $3  }
0x1: {  	(tag) =	ssettag $0x0;
	lr =	simm.s32 $0x1  }
0x2: {  	[smem:$0x3F91] =	sst lr;
	_ =	strace $0xD0000000  }
0x3: {  	_ = 	snop  }
0x4: {  	_ = 	snop  }
0x5: {  	_ = 	snop  }
0x6: {  	_ = 	snop  }
0x7: {  	_ = 	snop  }
__scs_overlays_trampoline_lowered:
0x8: {  	[smem:$0x3FA0] =	sst s0  }
0x9: {  	[smem:$0x3FA1] =	sst s1  }
0xa: {  	[smem:$0x3FA2] =	sst s2  }
0xb: {  	[smem:$0x3FA3] =	sst s3  }
0xc: {  	[smem:$0x3FA4] =	sst s4  }
0xd: {  	[smem:$0x3FA5] =	sst s5  }
0xe: {  	[smem:$0x3FA6] =	sst s6  }
0xf: {  	[smem:$0x3FA7] =	sst s7  }
0x10: {  	[smem:$0x3FA8] =	sst s8  }
0x11: {  	[smem:$0x3FA9] =	sst s9;
	s0 =	simm.s32 @!p0 $0x0  }
0x12: {  	s1 =	sld [smem:$0x3F8F];
	s0 =	simm.s32 @p0 $0x1  }
0x13: {  	[smem:$0x3FAA] =	sst s0;
	s0 =	simm.s32 @!p1 $0x0  }
0x14: {  	s2 =	sld [smem:$0x3F8E];
	s0 =	simm.s32 @p1 $0x1  }
0x15: {  	[smem:$0x3FAB] =	sst s0;
	s0 =	simm.s32 @!p2 $0x0  }
0x16: {  	s3 =	sld [smem:$0x3FDB];
	s0 =	simm.s32 @p2 $0x1  }
0x17: {  	s4 =	simm.s32 $0x1BF5;
	[smem:$0x3FAD] =	sst s0  }
0x18: {  	s0 =	sld [smem:$0x3F90];
	_ =	swait.ge [sflag:s4], $0x0  }
0x19: {  	s7 =	sld [smem:$0x3F91]  }
0x1a: {  	s8 =	sadd.s32 $0xFFFFE003, lr  }
0x1b: {  	s9 =	sadd.s32 $0xFFFFFEF7, lr;
	s5 =	simm.s32 $0xFFFFFFFF;
	p2 =	slt.u32 s8, $0xFFFFF086  }
0x1c: {  	p1 =	slt.u32 s9, $0xF7A;
	s5 =	simm.s32 @!p2 $0x0  }
0x1d: {  	s5 =	simm.s32 @p1 $0x1;
	p0 =	seq.s32 s7, s2  }
0x1e: {  	s7 =	smul.u32 @!p0 $0xF7A, s2;
	p2 =	seq.s32 @!p0 s5, $0x0  }
0x1f: {  	s9 =	smul.u32 $0xF7A, s1;
	s8 =	simm.s32 @!p0 $0x1BF5;
	p2 =	por !p2, p0  }
0x20: {  	[sflag:s8] =	ssyncset.s32 @!p0 $0xFFFFF086;
	s6 =	sadd.s32 @!p0 s3, s7;
	s7 =	simm.s32 @!p0 $0x108  }
0x21: {  	s3 =	sadd.s32 s3, s9;
	s6 =	sadd.s32 @!p0 $0x88, s6;
	s7 =	simm.s32 @p2 $0x1082  }
0x22: {  	[simem:s7], [sflag:s8] =	dma.local @!p0 [hbm:s6], $0xF7A  }
0x23: {  	s9 =	sor.u32 $0xD0000000, s2;
	s6 =	simm.s32 $0x108;
	_ =	swait.ge @!p0 [sflag:s8], $0x0  }
0x24: {  	s3 =	sadd.s32 $0x88, s3;
	s6 =	simm.s32 @!p1 $0x1082;
	[sflag:s4] =	ssyncset.s32 $0xFFFFF086  }
0x25: {  	[simem:s6], [sflag:s4] =	dma.local [hbm:s3], $0xF7A  }
0x26: {  	[smem:$0x3F91] =	sst s1;
	(tag) =	ssettag s2;
	_ =	strace s9  }
0x27: {  	s1 =	sld [smem:$0x3FA1]  }
0x28: {  	s2 =	sld [smem:$0x3FA2]  }
0x29: {  	s4 =	sld [smem:$0x3FA4]  }
0x2a: {  	p0 =	seq.s32 s5, $0x0;
	s5 =	sld [smem:$0x3FA5]  }
0x2b: {  	s6 =	sld [smem:$0x3FA6]  }
0x2c: {  	s7 =	sld [smem:$0x3FA7]  }
0x2d: {  	s3 =	simm.s32 $0x108;
	s8 =	sld [smem:$0x3FA8]  }
0x2e: {  	s3 =	simm.s32 @!p0 $0x1082;
	s9 =	sld [smem:$0x3FA9]  }
0x2f: {  	lr =	sadd.s32 s0, s3;
	s0 =	sld [smem:$0x3FA0]  }
0x30: {  	s3 =	sld [smem:$0x3FA3]  }
0x31: {  	[smem:$0x3FAC] =	sst s10  }
0x32: {  	s10 =	sld [smem:$0x3FAA];
	_ =	sdelay $0x3  }
0x33: {  	p0 =	seq.s32 s10, $0x1;
	s10 =	sld [smem:$0x3FAC];
	_ =	sdelay $0x3  }
0x34: {  	[smem:$0x3FAC] =	sst s10  }
0x35: {  	s10 =	sld [smem:$0x3FAB];
	_ =	sdelay $0x3  }
0x36: {  	p1 =	seq.s32 s10, $0x1;
	s10 =	sld [smem:$0x3FAC];
	_ =	sdelay $0x3  }
0x37: {  	[smem:$0x3FAC] =	sst s10  }
0x38: {  	s10 =	sld [smem:$0x3FAD]  }
0x39: {  	_ = 	snop;
	(pc) =	sbr.ind lr, $3  }
0x3a: {  	_ = 	snop  }
0x3b: {  	_ = 	snop  }
0x3c: {  	p2 =	seq.s32 s10, $0x1;
	s10 =	sld [smem:$0x3FAC]  }
0x3d: {  	_ =	shalt  }
0x3e: {  	_ =	shalt  }
0x3f: {  	_ =	shalt  }
0x40: {  	_ =	shalt  }
0x41: {  	_ =	shalt  }
0x42: {  	_ =	shalt  }
0x43: {  	_ =	shalt  }
0x44: {  	_ =	shalt  }
0x45: {  	_ =	shalt  }
0x46: {  	_ =	shalt  }
0x47: {  	_ =	shalt  }
0x48: {  	_ =	shalt  }
0x49: {  	_ =	shalt  }
0x4a: {  	_ =	shalt  }
0x4b: {  	_ =	shalt  }
0x4c: {  	_ =	shalt  }
0x4d: {  	_ =	shalt  }
0x4e: {  	_ =	shalt  }
0x4f: {  	_ =	shalt  }
0x50: {  	_ =	shalt  }
0x51: {  	_ =	shalt  }
0x52: {  	_ =	shalt  }
0x53: {  	_ =	shalt  }
0x54: {  	_ =	shalt  }
0x55: {  	_ =	shalt  }
0x56: {  	_ =	shalt  }
0x57: {  	_ =	shalt  }
0x58: {  	_ =	shalt  }
0x59: {  	_ =	shalt  }
0x5a: {  	_ =	shalt  }
0x5b: {  	_ =	shalt  }
0x5c: {  	_ =	shalt  }
0x5d: {  	_ =	shalt  }
0x5e: {  	_ =	shalt  }
0x5f: {  	_ =	shalt  }
0x60: {  	_ =	shalt  }
0x61: {  	_ =	shalt  }
0x62: {  	_ =	shalt  }
0x63: {  	_ =	shalt  }
0x64: {  	_ =	shalt  }
0x65: {  	_ =	shalt  }
0x66: {  	_ =	shalt  }
0x67: {  	_ =	shalt  }
0x68: {  	_ =	shalt  }
0x69: {  	_ =	shalt  }
0x6a: {  	_ =	shalt  }
0x6b: {  	_ =	shalt  }
0x6c: {  	_ =	shalt  }
0x6d: {  	_ =	shalt  }
0x6e: {  	_ =	shalt  }
0x6f: {  	_ =	shalt  }
0x70: {  	_ =	shalt  }
0x71: {  	_ =	shalt  }
0x72: {  	_ =	shalt  }
0x73: {  	_ =	shalt  }
0x74: {  	_ =	shalt  }
0x75: {  	_ =	shalt  }
0x76: {  	_ =	shalt  }
0x77: {  	_ =	shalt  }
0x78: {  	_ =	shalt  }
0x79: {  	_ =	shalt  }
0x7a: {  	_ =	shalt  }
0x7b: {  	_ =	shalt  }
0x7c: {  	_ =	shalt  }
0x7d: {  	_ =	shalt  }
0x7e: {  	_ =	shalt  }
0x7f: {  	_ =	shalt  }
0x80: {  	_ =	shalt  }
0x81: {  	_ =	shalt  }
0x82: {  	_ =	shalt  }
0x83: {  	_ =	shalt  }
0x84: {  	_ =	shalt  }
0x85: {  	_ =	shalt  }
0x86: {  	_ =	shalt  }
0x87: {  	_ =	shalt  }
.Lfunc_end0:
.L_simem_size_0:
called_computation_lowered:
.L_overlay_start_0:
0x88: {  	s2 =	sld [smem:$0x3FD9]  }
0x89: {  	s3 =	sld [smem:$0x3FFE];
	_ =	sdelay $0x1  }
0x8a: {  	s1 =	srdreg.scid  }
0x8b: {  	s0 =	sand.u32 $0x1, s1  }
0x8c: {  	s16 =	sshll.u32 s0, $0xA;
	s2 =	sadd.s32 s3, s2  }
0x8d: {  	s2 =	sadd.s32 s2, s16  }
0x8e: {  	[smem:$0x3FB8] =	sst s2  }
0x8f: {  	_ = 	snop  }
0x90: {  	(tm) =	ssettm $0x1  }
0x91: {  	s17 =	sld [smem:$0x3FFB];
	_ =	sdelay $0x3  }
0x92: {  	_ =	strace s17  }
0x93: {  	s2 =	sld [smem:$0x3FFC];
	_ =	sdelay $0x3  }
0x94: {  	_ =	strace s2  }
0x95: {  	s2 =	sld [smem:$0x3FFD];
	_ =	sdelay $0x3  }
0x96: {  	_ =	strace s2  }
0x97: {  	_ =	strace $0x8FFFFFFF  }
0x98: {  	s18 =	sld [smem:$0x3FDB];
	_ =	sdelay $0x1  }
0x99: {  	s19 =	simm.s32 $_scs_section_size  }
0x9a: {  	s4 =	simm.s32 $_size__tile_overlayer_lowered;
	s5 =	simm.s32 $_tile_overlayer_lowered  }
0x9b: {  	s22 =	simm.s32 $0x1BFF;
	s21 =	sshll.u32 s5, $0x1;
	s2 =	sadd.s32 s19, s18  }
0x9c: {  	s6 =	simm.s32 $0x0;
	s20 =	sshll.u32 s4, $0x1;
	s4 =	sadd.s32 s21, s2  }
0x9d: {  	[timem:s6], [sflag:s22] =	dma.local [hbm:s4], s20  }
0x9e: {  	_ =	swait.ge [sflag:s22], s20  }
0x9f: {  	s3 =	ssub.s32 $0x0, s20;
	[sflag:s22] =	ssyncset.done $0x0  }
0xa0: {  	[sflag:s22] =	ssyncadd.s32 s3;
	_ =	sdelay $0x1  }
0xa1: {  	s23 =	simm.s32 $0x1B8B  }
0xa2: {  	_ =	swait.ge [sflag:s23], $0x1  }
0xa3: {  	[sflag:s23] =	ssyncset.done $0x0  }
0xa4: {  	s25 =	simm.s32 $0x1B8E;
	s24 =	sld [smem:$0x3FFE];
	[sflag:s23] =	ssyncadd.s32 $0xFFFFFFFF  }
0xa5: {  	s26 =	simm.s32 $execute0_lowered;
	[smem:$0x3FD2] =	sst s25  }
0xa6: {  	s4 =	sshll.u32 s26, $0x1;
	_ =	strace $0x80000046;
	[dreg:$0x1] =	wrdreg $0xFFFFFFFF  }
0xa7: {  	s28 =	simm.s32 $_size_execute0_lowered;
	s2 =	sadd.s32 s2, s4;
	[dreg:$0x0] =	wrdreg $0x0  }
0xa8: {  	s4 =	sshll.u32 s28, $0x1;
	[dreg:$0x2] =	wrdreg s2  }
0xa9: {  	[dreg:$0x3] =	wrdreg s4  }
0xaa: {  	[dreg:$0x4] =	wrdreg $0xC0  }
0xab: {  	_ =	task [dreg:s6], $0x5FFFF  }
0xac: {  	[dreg:$0x1] =	wrdreg $0xFFFFFFFF  }
0xad: {  	[dreg:$0x0] =	wrdreg $0x60  }
0xae: {  	[dreg:$0x2] =	wrdreg s24  }
0xaf: {  	[dreg:$0x3] =	wrdreg $0x39000  }
0xb0: {  	[dreg:$0x4] =	wrdreg $0x9  }
0xb1: {  	_ =	task.clear_ibuf [dreg:s6], $0x5FFFF;
	_ =	strace $0x90000046  }
0xb2: {  	s29 =	simm.s32 $0x9;
	_ =	strace $0x80000048  }
0xb3: {  	_ =	swait.ge [sflag:s29], $0x1  }
0xb4: {  	[sflag:s29] =	ssyncadd.s32 $0xFFFFFFFF  }
0xb5: {  	_ =	strace $0x90000048  }
0xb6: {  	_ =	sfence  }
0xb7: {  	s30 =	sld [smem:$0x0];
	_ =	sdelay $0x2  }
0xb8: {  	s31 =	sshll.u32 s1, $0xD;
	s1 =	sshrl.u32 s1, $0x2  }
0xb9: {  	s3 =	sand.u32 $0x4000, s31;
	s1 =	sadd.s32 s1, s30  }
0xba: {  	s0 =	sor.u32 s3, s0;
	s1 =	sshll.u32 s1, $0x11  }
0xbb: {  	s0 =	sor.u32 s1, s0  }
0xbc: {  	s0 =	sadd.s32 $0x8F2B, s0  }
0xbd: {  	[sflag:s0] =	ssyncadd.remote.s32 $0x1  }
0xbe: {  	_ =	sfence.sel $0xFFFF  }
0xbf: {  	[dreg:$0x0] =	wrdreg $0xFFFFFFFF;
	(pc) =	sbr.abs _section_cstart, $3  }
0xc0: {  	[dreg:$0x1] =	wrdreg $0xFFFFFFFF  }
0xc1: {  	_ =	task.clear_ibuf [dreg:s6], $0x2FFFF;
	_ =	strace $0x9FFFFFFF  }
0xc2: {  	(tm) =	ssettm $0x7FFFFFFF  }
0xc3: {  	_ =	shalt  }
tec
execute0_lowered:
.L_overlay_start_1:
0x0: {  	(tag) =	ssettag $0x1  }
0x1: {  	s0 =	stileid.u32  }
0x2: {  	s1 =	srdreg.scid;
	s6 =	rddreg [dreg:$0x0]  }
0x3: {  	s2 =	rddreg [dreg:$0x1];
	s3 =	smul.u32 $0x3F, s0  }
0x4: {  	s18 =	simm.s32 $0x1100;
	s19 =	simm.s32 $0x0;
	s4 =	smul.u32 $0x5E, s0  }
0x5: {  	s7 =	sand.u32 $0x1, s1;
	s1 =	rddreg [dreg:$0x2];
	s8 =	smul.u32 $0xA000, s0  }
0x6: {  	s11 =	sadd.s32 $0x13800, s6;
	s13 =	sadd.s32 $0xE800, s6;
	s12 =	smul.u32 $0x2800, s0  }
0x7: {  	p0 =	seq.s32 s7, $0x0;
	s7 =	ssub.s32 $0x2, s7;
	s5 =	sadd.s32 $0x5E0, s3  }
0x8: {  	s3 =	simm.s32 $0x0;
	s9 =	sshrl.u32 s7, $0x1;
	s8 =	sshrl.u32 s8, $0x2  }
0x9: {  	s17 =	sshrl.u32 s12, $0x3;
	s13 =	smov.u32 @p0 s11;
	s5 =	smov.u32 @p0 s4  }
0xa: {  	[smem:$0x7FF] =	sst s3;
	s15 =	ssub.s32 s7, s9;
	s16 =	sadd.s32 s8, s2  }
0xb: {  	s7 =	sadd.s32 s12, s2;
	s13 =	sadd.s32 s13, s17;
	s17 =	simm.s32 $0x900  }
0xc: {  	s4 =	sshll.u32 s5, $0x4;
	_ =	strace $0x80000047;
	s5 =	sadd.s32 $0xE400, s6  }
0xd: {  	s8 =	sadd.s32 $0x800, s16;
	s9 =	sadd.s32 $0x1000, s16;
	s10 =	sadd.s32 $0x1800, s16  }
0xe: {  	s11 =	sadd.s32 $0x2000, s16;
	s12 =	smax.u32 s15, $0x1;
	s15 =	simm.s32 $0x100  }
0xf: {  	s14 =	sadd.s32 s4, s6;
	s4 =	sadd.s32 $0xE600, s6;
	s6 =	simm.s32 $0x5E  }
0x10: {  	s16 =	simm.s32 $0x5;
	s6 =	simm.s32 @!p0 $0x3F;
	s14 =	sadd.s32 $0x4600, s14  }
.LBB2_1:
0x11: {  	[tilespmem:s15], [sflag:$0x5] =	stream.linear.gather [hbm4b:s4+s3], $0x800, $0x38;
	[tilespmem:$0x6100] =	vst v63  }
0x12: {  	_ =	swait.ge [sflag:s16], $0x800  }
0x13: {  	[sflag:s16] =	ssyncset.done $0x0  }
0x14: {  	[sflag:s16] =	ssyncadd.s32 $0xFFFFF800  }
0x15: {  	[tilespmem:s17], [sflag:$0x5] =	stream.linear.gather [hbm4b:s5+s3], $0x800, $0x38;
	[tilespmem:$0x6100] =	vst v63  }
0x16: {  	_ =	swait.ge [sflag:s16], $0x800  }
0x17: {  	[sflag:s16] =	ssyncset.done $0x0  }
0x18: {  	[sflag:s16] =	ssyncadd.s32 $0xFFFFF800  }
0x19: {  	[spmem:s7] =	stream.linear.scatter [tilespmem:s17], [sflag:$0x5], $0x800, $0x38;
	[tilespmem:$0x6100] =	vst v63  }
0x1a: {  	_ =	swait.ge [sflag:s16], $0x800  }
0x1b: {  	[sflag:s16] =	ssyncset.done $0x0  }
0x1c: {  	[sflag:s16] =	ssyncadd.s32 $0xFFFFF800  }
0x1d: {  	[spmem:s8] =	stream.linear.scatter [tilespmem:s17], [sflag:$0x5], $0x800, $0x38;
	[tilespmem:$0x6100] =	vst v63  }
0x1e: {  	_ =	swait.ge [sflag:s16], $0x800  }
0x1f: {  	[sflag:s16] =	ssyncset.done $0x0  }
0x20: {  	[sflag:s16] =	ssyncadd.s32 $0xFFFFF800  }
0x21: {  	[spmem:s9] =	stream.linear.scatter [tilespmem:s17], [sflag:$0x5], $0x800, $0x38;
	[tilespmem:$0x6100] =	vst v63  }
0x22: {  	_ =	swait.ge [sflag:s16], $0x800  }
0x23: {  	[sflag:s16] =	ssyncset.done $0x0  }
0x24: {  	[sflag:s16] =	ssyncadd.s32 $0xFFFFF800  }
0x25: {  	[spmem:s10] =	stream.linear.scatter [tilespmem:s17], [sflag:$0x5], $0x800, $0x38;
	[tilespmem:$0x6100] =	vst v63  }
0x26: {  	_ =	swait.ge [sflag:s16], $0x800  }
0x27: {  	[sflag:s16] =	ssyncset.done $0x0  }
0x28: {  	[sflag:s16] =	ssyncadd.s32 $0xFFFFF800  }
0x29: {  	[spmem:s11] =	stream.linear.scatter [tilespmem:s17], [sflag:$0x5], $0x800, $0x38;
	[tilespmem:$0x6100] =	vst v63  }
0x2a: {  	_ =	swait.ge [sflag:s16], $0x800  }
0x2b: {  	[sflag:s16] =	ssyncset.done $0x0  }
0x2c: {  	p0 =	sle.u32 s6, $0x1;
	[sflag:s16] =	ssyncadd.s32 $0xFFFFF800  }
0x2d: {  	s20 =	simm.s32 @!p0 $0x0;
	[bflag:$0x0] =	sbarrier.arrive $0xFFFF  }
0x2e: {  	[tilespmem:s20], [sflag:$0x1] =	stream.linear.gather @!p0 [hbm4b:s14+s20], $0x80, $0x38;
	[tilespmem:$0x6100] =	vst v63  }
0x2f: {  	s21 =	sadd.s32 @!p0 $0x10, s14;
	s22 =	simm.s32 @!p0 $0x80;
	s23 =	simm.s32 @!p0 $0x1  }
0x30: {  	[tilespmem:s22], [sflag:$0x2] =	stream.linear.gather @!p0 [hbm4b:s21+s20], $0x80, $0x38;
	[tilespmem:$0x6100] =	vst v63  }
0x31: {  	_ =	swait.ge @!p0 [sflag:s23], $0x80  }
0x32: {  	[sflag:s23] =	ssyncset.done @!p0 $0x0  }
0x33: {  	s21 =	simm.s32 @!p0 $0x100;
	[sflag:s23] =	ssyncadd.s32 @!p0 $0xFFFFFF80;
	s23 =	simm.s32 @!p0 $0x2  }
0x34: {  	[spmem:s2] =	stream.indirect.scatter.add.f32 @!p0 [tilespmem:s21], [sflag:$0x3], $0x10, s20, s22, $0xb8;
	[tilespmem:$0x6100] =	vst v63  }
0x35: {  	_ =	swait.ge @!p0 [sflag:s23], $0x80  }
0x36: {  	[sflag:s23] =	ssyncset.done @!p0 $0x0  }
0x37: {  	s20 =	simm.s32 @!p0 $0x3;
	[sflag:s23] =	ssyncadd.s32 @!p0 $0xFFFFFF80  }
0x38: {  	[spmem:s2] =	stream.indirect.scatter.add.f32 @!p0 [tilespmem:s21], [sflag:$0x4], $0x10, s22, s22, $0xb8;
	[tilespmem:$0x6100] =	vst v63  }
0x39: {  	_ =	swait.ge @!p0 [sflag:s20], $0x800  }
0x3a: {  	[sflag:s20] =	ssyncset.done @!p0 $0x0  }
0x3b: {  	p1 =	sle.u32 s6, $0x0;
	[sflag:s20] =	ssyncadd.s32 @!p0 $0xFFFFF800;
	s20 =	simm.s32 @!p0 $0x4  }
0x3c: {  	p2 =	sgt.u32 @!p1 s6, $0x1;
	_ =	swait.ge @!p0 [sflag:s20], $0x800  }
0x3d: {  	p2 =	por p2, p1;
	[sflag:s20] =	ssyncset.done @!p0 $0x0  }
0x3e: {  	s21 =	simm.s32 @!p2 $0x6;
	[sflag:s20] =	ssyncadd.s32 @!p0 $0xFFFFF800;
	s20 =	simm.s32 @!p2 $0x0  }
0x3f: {  	[tilespmem:s20], [sflag:$0x6] =	stream.linear.gather @!p2 [hbm4b:s14+s20], $0x80, $0x38;
	[tilespmem:$0x6100] =	vst v63  }
0x40: {  	_ =	swait.ge @!p2 [sflag:s21], $0x80  }
0x41: {  	s23 =	simm.s32 @!p2 $0x5;
	[sflag:s21] =	ssyncset.done @!p2 $0x0  }
0x42: {  	s22 =	simm.s32 @!p2 $0x100;
	[sflag:s21] =	ssyncadd.s32 @!p2 $0xFFFFFF80;
	s21 =	simm.s32 @!p2 $0x80  }
0x43: {  	[spmem:s2] =	stream.indirect.scatter.add.f32 @!p2 [tilespmem:s22], [sflag:$0x5], $0x10, s20, s21, $0xb8;
	[tilespmem:$0x6100] =	vst v63  }
0x44: {  	p0 =	sle.u32 s6, $0x3;
	s21 =	simm.s32 $0x3;
	_ =	swait.ge @!p2 [sflag:s23], $0x800  }
0x45: {  	s22 =	simm.s32 $0x5;
	s20 =	sadd.s32 $0x20, s14;
	[sflag:s23] =	ssyncset.done @!p2 $0x0  }
.LBB2_2:
0x46: {  	s24 =	simm.s32 @!p0 $0x0  }
0x47: {  	[sflag:s23] =	ssyncadd.s32 @!p2 $0xFFFFF800;
	s23 =	smov.u32 s22;
	s22 =	sadd.s32 $0x2, s22  }
0x48: {  	[tilespmem:s24], [sflag:$0x1] =	stream.linear.gather @!p0 [hbm4b:s20+s24], $0x80, $0x38;
	[tilespmem:$0x6100] =	vst v63  }
0x49: {  	s25 =	sadd.s32 @!p0 $0x10, s20;
	s26 =	simm.s32 @!p0 $0x80;
	s28 =	simm.s32 @!p0 $0x1  }
0x4a: {  	[tilespmem:s26], [sflag:$0x2] =	stream.linear.gather @!p0 [hbm4b:s25+s24], $0x80, $0x38;
	[tilespmem:$0x6100] =	vst v63  }
0x4b: {  	p1 =	sne.s32 s22, $0x5F;
	_ =	swait.ge @!p0 [sflag:s28], $0x80  }
0x4c: {  	[sflag:s28] =	ssyncset.done @!p0 $0x0  }
0x4d: {  	s25 =	simm.s32 @!p0 $0x100;
	[sflag:s28] =	ssyncadd.s32 @!p0 $0xFFFFFF80;
	s28 =	simm.s32 @!p0 $0x2  }
0x4e: {  	[spmem:s2] =	stream.indirect.scatter.add.f32 @!p0 [tilespmem:s25], [sflag:$0x3], $0x10, s24, s26, $0xb8;
	[tilespmem:$0x6100] =	vst v63  }
0x4f: {  	_ =	swait.ge @!p0 [sflag:s28], $0x80  }
0x50: {  	[sflag:s28] =	ssyncset.done @!p0 $0x0  }
0x51: {  	s24 =	simm.s32 @!p0 $0x3;
	[sflag:s28] =	ssyncadd.s32 @!p0 $0xFFFFFF80  }
0x52: {  	[spmem:s2] =	stream.indirect.scatter.add.f32 @!p0 [tilespmem:s25], [sflag:$0x4], $0x10, s26, s26, $0xb8;
	[tilespmem:$0x6100] =	vst v63  }
0x53: {  	_ =	swait.ge @!p0 [sflag:s24], $0x800  }
0x54: {  	s25 =	sadd.s32 $0xFFFFFFFF, s21;
	[sflag:s24] =	ssyncset.done @!p0 $0x0  }
0x55: {  	p2 =	sge.u32 s25, s6;
	[sflag:s24] =	ssyncadd.s32 @!p0 $0xFFFFF800;
	s24 =	simm.s32 @!p0 $0x4  }
0x56: {  	p3 =	slt.u32 @!p2 s21, s6;
	s21 =	smov.u32 s23;
	_ =	swait.ge @!p0 [sflag:s24], $0x800  }
0x57: {  	p2 =	por p3, p2;
	[sflag:s24] =	ssyncset.done @!p0 $0x0  }
0x58: {  	s25 =	simm.s32 @!p2 $0x6;
	[sflag:s24] =	ssyncadd.s32 @!p0 $0xFFFFF800;
	s24 =	simm.s32 @!p2 $0x0  }
0x59: {  	[tilespmem:s24], [sflag:$0x6] =	stream.linear.gather @!p2 [hbm4b:s20+s24], $0x80, $0x38;
	[tilespmem:$0x6100] =	vst v63  }
0x5a: {  	_ =	swait.ge @!p2 [sflag:s25], $0x80  }
.Ltmp0:
0x5b: {  	s23 =	simm.s32 @!p2 $0x5;
	[sflag:s25] =	ssyncset.done @!p2 $0x0;
	(pc) =	sbr.rel @p1 .LBB2_2-.Ltmp0, $4  }
0x5c: {  	s26 =	simm.s32 @!p2 $0x100;
	[sflag:s25] =	ssyncadd.s32 @!p2 $0xFFFFFF80;
	s25 =	simm.s32 @!p2 $0x80  }
0x5d: {  	[spmem:s2] =	stream.indirect.scatter.add.f32 @!p2 [tilespmem:s26], [sflag:$0x5], $0x10, s24, s25, $0xb8;
	[tilespmem:$0x6100] =	vst v63  }
0x5e: {  	_ =	swait.ge @!p2 [sflag:s23], $0x800  }
0x5f: {  	p0 =	sge.u32 s21, s6;
	s20 =	sadd.s32 $0x20, s20;
	[sflag:s23] =	ssyncset.done @!p2 $0x0  }
0x60: {  	s22 =	simm.s32 @!p0 $0x0;
	[sflag:s23] =	ssyncadd.s32 @!p2 $0xFFFFF800  }
0x61: {  	[tilespmem:s22], [sflag:$0x1] =	stream.linear.gather @!p0 [hbm4b:s20+s22], $0x80, $0x38;
	[tilespmem:$0x6100] =	vst v63  }
0x62: {  	s23 =	sadd.s32 @!p0 $0x10, s20;
	s24 =	simm.s32 @!p0 $0x80;
	s25 =	simm.s32 @!p0 $0x1  }
0x63: {  	[tilespmem:s24], [sflag:$0x2] =	stream.linear.gather @!p0 [hbm4b:s23+s22], $0x80, $0x38;
	[tilespmem:$0x6100] =	vst v63  }
0x64: {  	_ =	swait.ge @!p0 [sflag:s25], $0x80  }
0x65: {  	[sflag:s25] =	ssyncset.done @!p0 $0x0  }
0x66: {  	s23 =	simm.s32 @!p0 $0x100;
	[sflag:s25] =	ssyncadd.s32 @!p0 $0xFFFFFF80;
	s25 =	simm.s32 @!p0 $0x2  }
0x67: {  	[spmem:s2] =	stream.indirect.scatter.add.f32 @!p0 [tilespmem:s23], [sflag:$0x3], $0x10, s22, s24, $0xb8;
	[tilespmem:$0x6100] =	vst v63  }
0x68: {  	_ =	swait.ge @!p0 [sflag:s25], $0x80  }
0x69: {  	[sflag:s25] =	ssyncset.done @!p0 $0x0  }
0x6a: {  	s22 =	simm.s32 @!p0 $0x3;
	[sflag:s25] =	ssyncadd.s32 @!p0 $0xFFFFFF80  }
0x6b: {  	[spmem:s2] =	stream.indirect.scatter.add.f32 @!p0 [tilespmem:s23], [sflag:$0x4], $0x10, s24, s24, $0xb8;
	[tilespmem:$0x6100] =	vst v63  }
0x6c: {  	_ =	swait.ge @!p0 [sflag:s22], $0x800  }
0x6d: {  	s31 =	sadd.s32 $0xFFFFFFFF, s21;
	[sflag:s22] =	ssyncset.done @!p0 $0x0  }
0x6e: {  	p1 =	sge.u32 s31, s6;
	[sflag:s22] =	ssyncadd.s32 @!p0 $0xFFFFF800;
	s22 =	simm.s32 @!p0 $0x4  }
0x6f: {  	p2 =	slt.u32 @!p1 s21, s6;
	_ =	swait.ge @!p0 [sflag:s22], $0x800  }
0x70: {  	p1 =	por p2, p1;
	[sflag:s22] =	ssyncset.done @!p0 $0x0  }
0x71: {  	s21 =	simm.s32 @!p1 $0x0;
	[sflag:s22] =	ssyncadd.s32 @!p0 $0xFFFFF800;
	s22 =	simm.s32 @!p1 $0x6  }
0x72: {  	[tilespmem:s21], [sflag:$0x6] =	stream.linear.gather @!p1 [hbm4b:s20+s21], $0x80, $0x38;
	[tilespmem:$0x6100] =	vst v63  }
0x73: {  	_ =	swait.ge @!p1 [sflag:s22], $0x80  }
0x74: {  	s23 =	simm.s32 @!p1 $0x100;
	[sflag:s22] =	ssyncset.done @!p1 $0x0  }
0x75: {  	s20 =	simm.s32 @!p1 $0x5;
	[sflag:s22] =	ssyncadd.s32 @!p1 $0xFFFFFF80;
	s22 =	simm.s32 @!p1 $0x80  }
0x76: {  	[spmem:s2] =	stream.indirect.scatter.add.f32 @!p1 [tilespmem:s23], [sflag:$0x5], $0x10, s21, s22, $0xb8;
	[tilespmem:$0x6100] =	vst v63  }
0x77: {  	_ =	swait.ge @!p1 [sflag:s20], $0x800  }
0x78: {  	[sflag:s20] =	ssyncset.done @!p1 $0x0  }
0x79: {  	[sflag:s20] =	ssyncadd.s32 @!p1 $0xFFFFF800  }
0x7a: {  	[bflag:$0x0] =	sbarrier.arrive $0xFFFF  }
0x7b: {  	[tilespmem:s18], [sflag:$0x5] =	stream.linear.gather [spmem:s7], $0x2800, $0x38;
	[tilespmem:$0x6100] =	vst v63  }
0x7c: {  	s19 =	sadd.s32 $0x1, s19;
	_ =	swait.ge [sflag:s16], $0x2800  }
0x7d: {  	p0 =	sne.s32 s19, s12;
	[sflag:s16] =	ssyncset.done $0x0  }
.Ltmp1:
0x7e: {  	[sflag:s16] =	ssyncadd.s32 $0xFFFFD800;
	(pc) =	sbr.rel @p0 .LBB2_1-.Ltmp1, $4  }
0x7f: {  	[hbm4b:s13+s3] =	stream.linear.scatter [tilespmem:s18], [sflag:$0x5], $0x2800, $0x38;
	[tilespmem:$0x6100] =	vst v63  }
0x80: {  	_ =	swait.ge [sflag:s16], $0x2800  }
0x81: {  	[sflag:s16] =	ssyncset.done $0x0  }
0x82: {  	[sflag:s16] =	ssyncadd.s32 $0xFFFFD800  }
0x83: {  	_ =	sfence.sel $0x180000  }
0x84: {  	[bflag:$0x0] =	sbarrier.arrive $0xFFFF  }
0x85: {  	p0 =	sne.s32 s0, $0x0;
	_ =	strace $0x90000047  }
0x86: {  	s0 =	sadd.s32 @!p0 $0x100000, s1;
	[bflag:$0x2] =	sbarrier.arrive $0xFFFF  }
0x87: {  	[sflag:s0] =	ssyncadd.tile.s32 @!p0 $0x1;
	_ =	shalt  }
.Lfunc_end2:
_tile_overlayer_lowered:
.L_overlay_start_2:
0x88: {  	(tag) =	ssettag $0x2  }
0x89: {  	s0 =	rddreg [dreg:$0x0];
	s2 =	stileid.u32  }
0x8a: {  	s1 =	rddreg [dreg:$0x1];
	p0 =	sne.s32 s2, $0x0  }
0x8b: {  	s3 =	rddreg [dreg:$0x2];
	[bflag:$0x3] =	sbarrier.arrive $0xFFFF;
	s2 =	simm.s32 @!p0 $0x1C05  }
0x8c: {  	[timem:s3], [sflag:s2] =	dma.local @!p0 [hbm:s0], s1  }
0x8d: {  	s0 =	simm.s32 @!p0 $0x5  }
0x8e: {  	_ =	swait.ge @!p0 [sflag:s0], s1  }
0x8f: {  	s1 =	ssub.s32 @!p0 $0x0, s1;
	[sflag:s0] =	ssyncset.done @!p0 $0x0  }
0x90: {  	[sflag:s0] =	ssyncadd.s32 @!p0 s1  }
0x91: {  	[bflag:$0x3] =	sbarrier.arrive $0xFFFF  }
0x92: {  	_ =	shalt  }

// kernel: kernel.16.cloned.1.call-start
scs
__scs_entry_jumppad:
0x0: {  	(pc) =	sbr.rel $0x88, $3  }
0x1: {  	(tag) =	ssettag $0x0;
	lr =	simm.s32 $0x1  }
0x2: {  	[smem:$0x3F91] =	sst lr;
	_ =	strace $0xD0000000  }
0x3: {  	_ = 	snop  }
0x4: {  	_ = 	snop  }
0x5: {  	_ = 	snop  }
0x6: {  	_ = 	snop  }
0x7: {  	_ = 	snop  }
__scs_overlays_trampoline_lowered:
0x8: {  	[smem:$0x3FA0] =	sst s0  }
0x9: {  	[smem:$0x3FA1] =	sst s1  }
0xa: {  	[smem:$0x3FA2] =	sst s2  }
0xb: {  	[smem:$0x3FA3] =	sst s3  }
0xc: {  	[smem:$0x3FA4] =	sst s4  }
0xd: {  	[smem:$0x3FA5] =	sst s5  }
0xe: {  	[smem:$0x3FA6] =	sst s6  }
0xf: {  	[smem:$0x3FA7] =	sst s7  }
0x10: {  	[smem:$0x3FA8] =	sst s8  }
0x11: {  	[smem:$0x3FA9] =	sst s9;
	s0 =	simm.s32 @!p0 $0x0  }
0x12: {  	s1 =	sld [smem:$0x3F8F];
	s0 =	simm.s32 @p0 $0x1  }
0x13: {  	[smem:$0x3FAA] =	sst s0;
	s0 =	simm.s32 @!p1 $0x0  }
0x14: {  	s2 =	sld [smem:$0x3F8E];
	s0 =	simm.s32 @p1 $0x1  }
0x15: {  	[smem:$0x3FAB] =	sst s0;
	s0 =	simm.s32 @!p2 $0x0  }
0x16: {  	s3 =	sld [smem:$0x3FDB];
	s0 =	simm.s32 @p2 $0x1  }
0x17: {  	s4 =	simm.s32 $0x1BF5;
	[smem:$0x3FAD] =	sst s0  }
0x18: {  	s0 =	sld [smem:$0x3F90];
	_ =	swait.ge [sflag:s4], $0x0  }
0x19: {  	s7 =	sld [smem:$0x3F91]  }
0x1a: {  	s8 =	sadd.s32 $0xFFFFE003, lr  }
0x1b: {  	s9 =	sadd.s32 $0xFFFFFEF7, lr;
	s5 =	simm.s32 $0xFFFFFFFF;
	p2 =	slt.u32 s8, $0xFFFFF086  }
0x1c: {  	p1 =	slt.u32 s9, $0xF7A;
	s5 =	simm.s32 @!p2 $0x0  }
0x1d: {  	s5 =	simm.s32 @p1 $0x1;
	p0 =	seq.s32 s7, s2  }
0x1e: {  	s7 =	smul.u32 @!p0 $0xF7A, s2;
	p2 =	seq.s32 @!p0 s5, $0x0  }
0x1f: {  	s9 =	smul.u32 $0xF7A, s1;
	s8 =	simm.s32 @!p0 $0x1BF5;
	p2 =	por !p2, p0  }
0x20: {  	[sflag:s8] =	ssyncset.s32 @!p0 $0xFFFFF086;
	s6 =	sadd.s32 @!p0 s3, s7;
	s7 =	simm.s32 @!p0 $0x108  }
0x21: {  	s3 =	sadd.s32 s3, s9;
	s6 =	sadd.s32 @!p0 $0x88, s6;
	s7 =	simm.s32 @p2 $0x1082  }
0x22: {  	[simem:s7], [sflag:s8] =	dma.local @!p0 [hbm:s6], $0xF7A  }
0x23: {  	s9 =	sor.u32 $0xD0000000, s2;
	s6 =	simm.s32 $0x108;
	_ =	swait.ge @!p0 [sflag:s8], $0x0  }
0x24: {  	s3 =	sadd.s32 $0x88, s3;
	s6 =	simm.s32 @!p1 $0x1082;
	[sflag:s4] =	ssyncset.s32 $0xFFFFF086  }
0x25: {  	[simem:s6], [sflag:s4] =	dma.local [hbm:s3], $0xF7A  }
0x26: {  	[smem:$0x3F91] =	sst s1;
	(tag) =	ssettag s2;
	_ =	strace s9  }
0x27: {  	s1 =	sld [smem:$0x3FA1]  }
0x28: {  	s2 =	sld [smem:$0x3FA2]  }
0x29: {  	s4 =	sld [smem:$0x3FA4]  }
0x2a: {  	p0 =	seq.s32 s5, $0x0;
	s5 =	sld [smem:$0x3FA5]  }
0x2b: {  	s6 =	sld [smem:$0x3FA6]  }
0x2c: {  	s7 =	sld [smem:$0x3FA7]  }
0x2d: {  	s3 =	simm.s32 $0x108;
	s8 =	sld [smem:$0x3FA8]  }
0x2e: {  	s3 =	simm.s32 @!p0 $0x1082;
	s9 =	sld [smem:$0x3FA9]  }
0x2f: {  	lr =	sadd.s32 s0, s3;
	s0 =	sld [smem:$0x3FA0]  }
0x30: {  	s3 =	sld [smem:$0x3FA3]  }
0x31: {  	[smem:$0x3FAC] =	sst s10  }
0x32: {  	s10 =	sld [smem:$0x3FAA];
	_ =	sdelay $0x3  }
0x33: {  	p0 =	seq.s32 s10, $0x1;
	s10 =	sld [smem:$0x3FAC];
	_ =	sdelay $0x3  }
0x34: {  	[smem:$0x3FAC] =	sst s10  }
0x35: {  	s10 =	sld [smem:$0x3FAB];
	_ =	sdelay $0x3  }
0x36: {  	p1 =	seq.s32 s10, $0x1;
	s10 =	sld [smem:$0x3FAC];
	_ =	sdelay $0x3  }
0x37: {  	[smem:$0x3FAC] =	sst s10  }
0x38: {  	s10 =	sld [smem:$0x3FAD]  }
0x39: {  	_ = 	snop;
	(pc) =	sbr.ind lr, $3  }
0x3a: {  	_ = 	snop  }
0x3b: {  	_ = 	snop  }
0x3c: {  	p2 =	seq.s32 s10, $0x1;
	s10 =	sld [smem:$0x3FAC]  }
0x3d: {  	_ =	shalt  }
0x3e: {  	_ =	shalt  }
0x3f: {  	_ =	shalt  }
0x40: {  	_ =	shalt  }
0x41: {  	_ =	shalt  }
0x42: {  	_ =	shalt  }
0x43: {  	_ =	shalt  }
0x44: {  	_ =	shalt  }
0x45: {  	_ =	shalt  }
0x46: {  	_ =	shalt  }
0x47: {  	_ =	shalt  }
0x48: {  	_ =	shalt  }
0x49: {  	_ =	shalt  }
0x4a: {  	_ =	shalt  }
0x4b: {  	_ =	shalt  }
0x4c: {  	_ =	shalt  }
0x4d: {  	_ =	shalt  }
0x4e: {  	_ =	shalt  }
0x4f: {  	_ =	shalt  }
0x50: {  	_ =	shalt  }
0x51: {  	_ =	shalt  }
0x52: {  	_ =	shalt  }
0x53: {  	_ =	shalt  }
0x54: {  	_ =	shalt  }
0x55: {  	_ =	shalt  }
0x56: {  	_ =	shalt  }
0x57: {  	_ =	shalt  }
0x58: {  	_ =	shalt  }
0x59: {  	_ =	shalt  }
0x5a: {  	_ =	shalt  }
0x5b: {  	_ =	shalt  }
0x5c: {  	_ =	shalt  }
0x5d: {  	_ =	shalt  }
0x5e: {  	_ =	shalt  }
0x5f: {  	_ =	shalt  }
0x60: {  	_ =	shalt  }
0x61: {  	_ =	shalt  }
0x62: {  	_ =	shalt  }
0x63: {  	_ =	shalt  }
0x64: {  	_ =	shalt  }
0x65: {  	_ =	shalt  }
0x66: {  	_ =	shalt  }
0x67: {  	_ =	shalt  }
0x68: {  	_ =	shalt  }
0x69: {  	_ =	shalt  }
0x6a: {  	_ =	shalt  }
0x6b: {  	_ =	shalt  }
0x6c: {  	_ =	shalt  }
0x6d: {  	_ =	shalt  }
0x6e: {  	_ =	shalt  }
0x6f: {  	_ =	shalt  }
0x70: {  	_ =	shalt  }
0x71: {  	_ =	shalt  }
0x72: {  	_ =	shalt  }
0x73: {  	_ =	shalt  }
0x74: {  	_ =	shalt  }
0x75: {  	_ =	shalt  }
0x76: {  	_ =	shalt  }
0x77: {  	_ =	shalt  }
0x78: {  	_ =	shalt  }
0x79: {  	_ =	shalt  }
0x7a: {  	_ =	shalt  }
0x7b: {  	_ =	shalt  }
0x7c: {  	_ =	shalt  }
0x7d: {  	_ =	shalt  }
0x7e: {  	_ =	shalt  }
0x7f: {  	_ =	shalt  }
0x80: {  	_ =	shalt  }
0x81: {  	_ =	shalt  }
0x82: {  	_ =	shalt  }
0x83: {  	_ =	shalt  }
0x84: {  	_ =	shalt  }
0x85: {  	_ =	shalt  }
0x86: {  	_ =	shalt  }
0x87: {  	_ =	shalt  }
.Lfunc_end0:
.L_simem_size_0:
called_computation.1_lowered:
.L_overlay_start_0:
0x88: {  	s2 =	sld [smem:$0x3FD9]  }
0x89: {  	s3 =	sld [smem:$0x3FFE];
	_ =	sdelay $0x1  }
0x8a: {  	s1 =	srdreg.scid  }
0x8b: {  	s0 =	sand.u32 $0x1, s1  }
0x8c: {  	s16 =	sshll.u32 s0, $0xA;
	s2 =	sadd.s32 s3, s2  }
0x8d: {  	s2 =	sadd.s32 s2, s16  }
0x8e: {  	[smem:$0x3FB8] =	sst s2  }
0x8f: {  	_ = 	snop  }
0x90: {  	(tm) =	ssettm $0x1  }
0x91: {  	s17 =	sld [smem:$0x3FFB];
	_ =	sdelay $0x3  }
0x92: {  	_ =	strace s17  }
0x93: {  	s2 =	sld [smem:$0x3FFC];
	_ =	sdelay $0x3  }
0x94: {  	_ =	strace s2  }
0x95: {  	s2 =	sld [smem:$0x3FFD];
	_ =	sdelay $0x3  }
0x96: {  	_ =	strace s2  }
0x97: {  	_ =	strace $0x8FFFFFFF  }
0x98: {  	s18 =	sld [smem:$0x3FDB];
	_ =	sdelay $0x1  }
0x99: {  	s19 =	simm.s32 $_scs_section_size  }
0x9a: {  	s4 =	simm.s32 $_size__tile_overlayer_lowered;
	s5 =	simm.s32 $_tile_overlayer_lowered  }
0x9b: {  	s22 =	simm.s32 $0x1BFF;
	s21 =	sshll.u32 s5, $0x1;
	s2 =	sadd.s32 s19, s18  }
0x9c: {  	s6 =	simm.s32 $0x0;
	s20 =	sshll.u32 s4, $0x1;
	s4 =	sadd.s32 s21, s2  }
0x9d: {  	[timem:s6], [sflag:s22] =	dma.local [hbm:s4], s20  }
0x9e: {  	_ =	swait.ge [sflag:s22], s20  }
0x9f: {  	s3 =	ssub.s32 $0x0, s20;
	[sflag:s22] =	ssyncset.done $0x0  }
0xa0: {  	[sflag:s22] =	ssyncadd.s32 s3;
	_ =	sdelay $0x1  }
0xa1: {  	s23 =	simm.s32 $0x1B8B  }
0xa2: {  	_ =	swait.ge [sflag:s23], $0x1  }
0xa3: {  	[sflag:s23] =	ssyncset.done $0x0  }
0xa4: {  	s25 =	simm.s32 $0x1B8E;
	s24 =	sld [smem:$0x3FFE];
	[sflag:s23] =	ssyncadd.s32 $0xFFFFFFFF  }
0xa5: {  	s26 =	simm.s32 $execute0_lowered;
	[smem:$0x3FD2] =	sst s25  }
0xa6: {  	s4 =	sshll.u32 s26, $0x1;
	_ =	strace $0x80000049;
	[dreg:$0x1] =	wrdreg $0xFFFFFFFF  }
0xa7: {  	s28 =	simm.s32 $_size_execute0_lowered;
	s2 =	sadd.s32 s2, s4;
	[dreg:$0x0] =	wrdreg $0x0  }
0xa8: {  	s4 =	sshll.u32 s28, $0x1;
	[dreg:$0x2] =	wrdreg s2  }
0xa9: {  	[dreg:$0x3] =	wrdreg s4  }
0xaa: {  	[dreg:$0x4] =	wrdreg $0xC0  }
0xab: {  	_ =	task [dreg:s6], $0x5FFFF  }
0xac: {  	[dreg:$0x1] =	wrdreg $0xFFFFFFFF  }
0xad: {  	[dreg:$0x0] =	wrdreg $0x60  }
0xae: {  	[dreg:$0x2] =	wrdreg s24  }
0xaf: {  	[dreg:$0x3] =	wrdreg $0x102000  }
0xb0: {  	[dreg:$0x4] =	wrdreg $0x9  }
0xb1: {  	_ =	task.clear_ibuf [dreg:s6], $0x5FFFF;
	_ =	strace $0x90000049  }
0xb2: {  	s29 =	simm.s32 $0x9;
	_ =	strace $0x8000004B  }
0xb3: {  	_ =	swait.ge [sflag:s29], $0x1  }
0xb4: {  	[sflag:s29] =	ssyncadd.s32 $0xFFFFFFFF  }
0xb5: {  	_ =	strace $0x9000004B  }
0xb6: {  	_ =	sfence  }
0xb7: {  	s30 =	sld [smem:$0x0];
	_ =	sdelay $0x2  }
0xb8: {  	s31 =	sshll.u32 s1, $0xD;
	s1 =	sshrl.u32 s1, $0x2  }
0xb9: {  	s3 =	sand.u32 $0x4000, s31;
	s1 =	sadd.s32 s1, s30  }
0xba: {  	s0 =	sor.u32 s3, s0;
	s1 =	sshll.u32 s1, $0x11  }
0xbb: {  	s0 =	sor.u32 s1, s0  }
0xbc: {  	s0 =	sadd.s32 $0x8F2B, s0  }
0xbd: {  	[sflag:s0] =	ssyncadd.remote.s32 $0x1  }
0xbe: {  	_ =	sfence.sel $0xFFFF  }
0xbf: {  	[dreg:$0x0] =	wrdreg $0xFFFFFFFF;
	(pc) =	sbr.abs _section_cstart, $3  }
0xc0: {  	[dreg:$0x1] =	wrdreg $0xFFFFFFFF  }
0xc1: {  	_ =	task.clear_ibuf [dreg:s6], $0x2FFFF;
	_ =	strace $0x9FFFFFFF  }
0xc2: {  	(tm) =	ssettm $0x7FFFFFFF  }
0xc3: {  	_ =	shalt  }
tec
execute0_lowered:
.L_overlay_start_1:
0x0: {  	(tag) =	ssettag $0x1  }
0x1: {  	s0 =	stileid.u32  }
0x2: {  	s1 =	srdreg.scid;
	s6 =	rddreg [dreg:$0x0]  }
0x3: {  	s2 =	rddreg [dreg:$0x1];
	s3 =	smul.u32 $0x3F, s0  }
0x4: {  	s18 =	simm.s32 $0x6200;
	s19 =	simm.s32 $0x0;
	s4 =	smul.u32 $0x5E, s0  }
0x5: {  	s7 =	sand.u32 $0x1, s1;
	s1 =	rddreg [dreg:$0x2];
	s8 =	smul.u32 $0x28000, s0  }
0x6: {  	s11 =	sadd.s32 $0x72600, s6;
	s13 =	sadd.s32 $0x5E600, s6;
	s12 =	smul.u32 $0xA000, s0  }
0x7: {  	p0 =	seq.s32 s7, $0x0;
	s7 =	ssub.s32 $0x2, s7;
	s5 =	sadd.s32 $0x5E0, s3  }
0x8: {  	s3 =	simm.s32 $0x0;
	s9 =	sshrl.u32 s7, $0x1;
	s8 =	sshrl.u32 s8, $0x2  }
0x9: {  	s17 =	sshrl.u32 s12, $0x3;
	s13 =	smov.u32 @p0 s11;
	s5 =	smov.u32 @p0 s4  }
0xa: {  	[smem:$0x7FF] =	sst s3;
	s4 =	sadd.s32 $0x4A600, s6;
	s14 =	ssub.s32 s7, s9  }
0xb: {  	s16 =	sadd.s32 s8, s2;
	s7 =	sadd.s32 s12, s2;
	s13 =	sadd.s32 s13, s17  }
0xc: {  	s17 =	simm.s32 $0x9;
	s5 =	sshll.u32 s5, $0x4;
	_ =	strace $0x8000004A  }
0xd: {  	s8 =	sadd.s32 $0x2000, s16;
	s9 =	sadd.s32 $0x4000, s16;
	s10 =	sadd.s32 $0x6000, s16  }
0xe: {  	s11 =	sadd.s32 $0x8000, s16;
	s12 =	smax.u32 s14, $0x1;
	s16 =	simm.s32 $0x4200  }
0xf: {  	s15 =	sadd.s32 s5, s6;
	s5 =	sadd.s32 $0xE400, s6;
	s6 =	simm.s32 $0x5E  }
0x10: {  	s6 =	simm.s32 @!p0 $0x3F;
	s14 =	sadd.s32 $0x4600, s15;
	s15 =	sadd.s32 $0x18800, s15  }
.LBB2_1:
0x11: {  	[tilespmem:s16], [sflag:$0x9] =	stream.linear.gather [hbm4b:s5+s3], $0x2000, $0x38;
	[tilespmem:$0x1A200] =	vst v63  }
0x12: {  	_ =	swait.ge [sflag:s17], $0x2000  }
0x13: {  	[sflag:s17] =	ssyncset.done $0x0  }
0x14: {  	[sflag:s17] =	ssyncadd.s32 $0xFFFFE000  }
0x15: {  	[spmem:s7] =	stream.linear.scatter [tilespmem:s16], [sflag:$0x9], $0x2000, $0x38;
	[tilespmem:$0x1A200] =	vst v63  }
0x16: {  	_ =	swait.ge [sflag:s17], $0x2000  }
0x17: {  	[sflag:s17] =	ssyncset.done $0x0  }
0x18: {  	[sflag:s17] =	ssyncadd.s32 $0xFFFFE000  }
0x19: {  	[spmem:s8] =	stream.linear.scatter [tilespmem:s16], [sflag:$0x9], $0x2000, $0x38;
	[tilespmem:$0x1A200] =	vst v63  }
0x1a: {  	_ =	swait.ge [sflag:s17], $0x2000  }
0x1b: {  	[sflag:s17] =	ssyncset.done $0x0  }
0x1c: {  	[sflag:s17] =	ssyncadd.s32 $0xFFFFE000  }
0x1d: {  	[spmem:s9] =	stream.linear.scatter [tilespmem:s16], [sflag:$0x9], $0x2000, $0x38;
	[tilespmem:$0x1A200] =	vst v63  }
0x1e: {  	_ =	swait.ge [sflag:s17], $0x2000  }
0x1f: {  	[sflag:s17] =	ssyncset.done $0x0  }
0x20: {  	[sflag:s17] =	ssyncadd.s32 $0xFFFFE000  }
0x21: {  	[spmem:s10] =	stream.linear.scatter [tilespmem:s16], [sflag:$0x9], $0x2000, $0x38;
	[tilespmem:$0x1A200] =	vst v63  }
0x22: {  	_ =	swait.ge [sflag:s17], $0x2000  }
0x23: {  	[sflag:s17] =	ssyncset.done $0x0  }
0x24: {  	[sflag:s17] =	ssyncadd.s32 $0xFFFFE000  }
0x25: {  	[spmem:s11] =	stream.linear.scatter [tilespmem:s16], [sflag:$0x9], $0x2000, $0x38;
	[tilespmem:$0x1A200] =	vst v63  }
0x26: {  	_ =	swait.ge [sflag:s17], $0x2000  }
0x27: {  	[sflag:s17] =	ssyncset.done $0x0  }
0x28: {  	p0 =	sle.u32 s6, $0x1;
	[sflag:s17] =	ssyncadd.s32 $0xFFFFE000  }
0x29: {  	s20 =	sadd.s32 @!p0 $0x0, s15;
	s21 =	simm.s32 @!p0 $0x0;
	[bflag:$0x0] =	sbarrier.arrive $0xFFFF  }
0x2a: {  	[tilespmem:s21], [sflag:$0x1] =	stream.linear.gather @!p0 [hbm4b:s20+s21], $0x80, $0x38;
	[tilespmem:$0x1A200] =	vst v63  }
0x2b: {  	s22 =	sadd.s32 @!p0 $0x0, s14;
	s23 =	simm.s32 @!p0 $0x80  }
0x2c: {  	[tilespmem:s23], [sflag:$0x2] =	stream.linear.gather @!p0 [hbm4b:s22+s21], $0x80, $0x38;
	[tilespmem:$0x1A200] =	vst v63  }
0x2d: {  	s24 =	simm.s32 @!p0 $0x100;
	s20 =	sadd.s32 @!p0 $0x10, s20  }
0x2e: {  	[tilespmem:s24], [sflag:$0x3] =	stream.linear.gather @!p0 [hbm4b:s20+s21], $0x80, $0x38;
	[tilespmem:$0x1A200] =	vst v63  }
0x2f: {  	s25 =	simm.s32 @!p0 $0x1;
	s20 =	sadd.s32 @!p0 $0x10, s22;
	s22 =	simm.s32 @!p0 $0x180  }
0x30: {  	[tilespmem:s22], [sflag:$0x4] =	stream.linear.gather @!p0 [hbm4b:s20+s21], $0x80, $0x38;
	[tilespmem:$0x1A200] =	vst v63  }
0x31: {  	_ =	swait.ge @!p0 [sflag:s25], $0x80  }
0x32: {  	[sflag:s25] =	ssyncset.done @!p0 $0x0  }
0x33: {  	s26 =	simm.s32 @!p0 $0x3;
	s20 =	simm.s32 @!p0 $0x200;
	[sflag:s25] =	ssyncadd.s32 @!p0 $0xFFFFFF80  }
0x34: {  	[tilespmem:s20], [sflag:$0x5] =	stream.indirect.gather @!p0 [hbm4b:s4+s23], $0x40, s21, s23, $0xb8;
	[tilespmem:$0x1A200] =	vst v63  }
0x35: {  	_ =	swait.ge @!p0 [sflag:s26], $0x80  }
0x36: {  	[sflag:s26] =	ssyncset.done @!p0 $0x0  }
0x37: {  	s25 =	simm.s32 @!p0 $0x5;
	s21 =	simm.s32 @!p0 $0x2200;
	[sflag:s26] =	ssyncadd.s32 @!p0 $0xFFFFFF80  }
0x38: {  	[tilespmem:s21], [sflag:$0x6] =	stream.indirect.gather @!p0 [hbm4b:s4+s23], $0x40, s24, s23, $0xb8;
	[tilespmem:$0x1A200] =	vst v63  }
0x39: {  	_ =	swait.ge @!p0 [sflag:s25], $0x2000  }
0x3a: {  	[sflag:s25] =	ssyncset.done @!p0 $0x0  }
0x3b: {  	s24 =	simm.s32 @!p0 $0x2;
	[sflag:s25] =	ssyncadd.s32 @!p0 $0xFFFFE000  }
0x3c: {  	_ =	swait.ge @!p0 [sflag:s24], $0x80  }
0x3d: {  	[sflag:s24] =	ssyncset.done @!p0 $0x0  }
0x3e: {  	s25 =	simm.s32 @!p0 $0x6;
	[sflag:s24] =	ssyncadd.s32 @!p0 $0xFFFFFF80  }
0x3f: {  	[spmem:s2] =	stream.indirect.scatter.add.f32 @!p0 [tilespmem:s20], [sflag:$0x7], $0x40, s23, s23, $0xb8;
	[tilespmem:$0x1A200] =	vst v63  }
0x40: {  	_ =	swait.ge @!p0 [sflag:s25], $0x2000  }
0x41: {  	[sflag:s25] =	ssyncset.done @!p0 $0x0  }
0x42: {  	s20 =	simm.s32 @!p0 $0x4;
	[sflag:s25] =	ssyncadd.s32 @!p0 $0xFFFFE000  }
0x43: {  	_ =	swait.ge @!p0 [sflag:s20], $0x80  }
0x44: {  	[sflag:s20] =	ssyncset.done @!p0 $0x0  }
0x45: {  	s24 =	simm.s32 @!p0 $0x7;
	[sflag:s20] =	ssyncadd.s32 @!p0 $0xFFFFFF80  }
0x46: {  	[spmem:s2] =	stream.indirect.scatter.add.f32 @!p0 [tilespmem:s21], [sflag:$0x8], $0x40, s22, s23, $0xb8;
	[tilespmem:$0x1A200] =	vst v63  }
0x47: {  	_ =	swait.ge @!p0 [sflag:s24], $0x2000  }
0x48: {  	p1 =	sle.u32 s6, $0x0;
	[sflag:s24] =	ssyncset.done @!p0 $0x0  }
0x49: {  	p2 =	sgt.u32 @!p1 s6, $0x1;
	s20 =	simm.s32 @!p0 $0x8;
	[sflag:s24] =	ssyncadd.s32 @!p0 $0xFFFFE000  }
0x4a: {  	p2 =	por p2, p1;
	_ =	swait.ge @!p0 [sflag:s20], $0x2000  }
0x4b: {  	s21 =	sadd.s32 @!p2 $0x0, s15;
	[sflag:s20] =	ssyncset.done @!p0 $0x0  }
0x4c: {  	s22 =	simm.s32 @!p2 $0x0;
	[sflag:s20] =	ssyncadd.s32 @!p0 $0xFFFFE000;
	s20 =	simm.s32 @!p2 $0xA  }
0x4d: {  	[tilespmem:s22], [sflag:$0xA] =	stream.linear.gather @!p2 [hbm4b:s21+s22], $0x80, $0x38;
	[tilespmem:$0x1A200] =	vst v63  }
0x4e: {  	_ =	swait.ge @!p2 [sflag:s20], $0x80  }
0x4f: {  	[sflag:s20] =	ssyncset.done @!p2 $0x0  }
0x50: {  	s23 =	simm.s32 @!p2 $0x80;
	s21 =	sadd.s32 @!p2 $0x0, s14;
	[sflag:s20] =	ssyncadd.s32 @!p2 $0xFFFFFF80  }
0x51: {  	[tilespmem:s23], [sflag:$0xA] =	stream.linear.gather @!p2 [hbm4b:s21+s22], $0x80, $0x38;
	[tilespmem:$0x1A200] =	vst v63  }
0x52: {  	_ =	swait.ge @!p2 [sflag:s20], $0x80  }
0x53: {  	[sflag:s20] =	ssyncset.done @!p2 $0x0  }
0x54: {  	s21 =	simm.s32 @!p2 $0x200;
	[sflag:s20] =	ssyncadd.s32 @!p2 $0xFFFFFF80  }
0x55: {  	[tilespmem:s21], [sflag:$0xA] =	stream.indirect.gather @!p2 [hbm4b:s4+s23], $0x40, s22, s23, $0xb8;
	[tilespmem:$0x1A200] =	vst v63  }
0x56: {  	_ =	swait.ge @!p2 [sflag:s20], $0x2000  }
0x57: {  	s24 =	simm.s32 @!p2 $0x9;
	[sflag:s20] =	ssyncset.done @!p2 $0x0  }
0x58: {  	p0 =	sle.u32 s6, $0x3;
	s22 =	simm.s32 $0x40;
	[sflag:s20] =	ssyncadd.s32 @!p2 $0xFFFFE000  }
0x59: {  	[spmem:s2] =	stream.indirect.scatter.add.f32 @!p2 [tilespmem:s21], [sflag:$0x9], $0x40, s23, s23, $0xb8;
	[tilespmem:$0x1A200] =	vst v63  }
0x5a: {  	s20 =	simm.s32 $0x20;
	s21 =	simm.s32 $0x3;
	_ =	swait.ge @!p2 [sflag:s24], $0x2000  }
.LBB2_2:
0x5b: {  	s25 =	sadd.s32 @!p0 s20, s15  }
0x5c: {  	s26 =	simm.s32 @!p0 $0x0;
	[sflag:s24] =	ssyncset.done @!p2 $0x0;
	s23 =	smov.u32 s22  }
0x5d: {  	s22 =	sadd.s32 $0x20, s22;
	s28 =	sadd.s32 @!p0 $0x10, s25;
	[sflag:s24] =	ssyncadd.s32 @!p2 $0xFFFFE000  }
0x5e: {  	[tilespmem:s26], [sflag:$0x1] =	stream.linear.gather @!p0 [hbm4b:s25+s26], $0x80, $0x38;
	[tilespmem:$0x1A200] =	vst v63  }
0x5f: {  	p1 =	sne.s32 s22, $0x5E0;
	s24 =	simm.s32 @!p0 $0x80;
	s25 =	sadd.s32 @!p0 s20, s14  }
0x60: {  	[tilespmem:s24], [sflag:$0x2] =	stream.linear.gather @!p0 [hbm4b:s25+s26], $0x80, $0x38;
	[tilespmem:$0x1A200] =	vst v63  }
0x61: {  	s29 =	simm.s32 @!p0 $0x100;
	s25 =	sadd.s32 @!p0 $0x10, s25  }
0x62: {  	[tilespmem:s29], [sflag:$0x3] =	stream.linear.gather @!p0 [hbm4b:s28+s26], $0x80, $0x38;
	[tilespmem:$0x1A200] =	vst v63  }
0x63: {  	s30 =	simm.s32 @!p0 $0x1;
	s28 =	simm.s32 @!p0 $0x180  }
0x64: {  	[tilespmem:s28], [sflag:$0x4] =	stream.linear.gather @!p0 [hbm4b:s25+s26], $0x80, $0x38;
	[tilespmem:$0x1A200] =	vst v63  }
0x65: {  	_ =	swait.ge @!p0 [sflag:s30], $0x80  }
0x66: {  	s31 =	simm.s32 @!p0 $0x3;
	s25 =	simm.s32 @!p0 $0x200;
	[sflag:s30] =	ssyncset.done @!p0 $0x0  }
0x67: {  	[sflag:s30] =	ssyncadd.s32 @!p0 $0xFFFFFF80  }
0x68: {  	[tilespmem:s25], [sflag:$0x5] =	stream.indirect.gather @!p0 [hbm4b:s4+s24], $0x40, s26, s24, $0xb8;
	[tilespmem:$0x1A200] =	vst v63  }
0x69: {  	_ =	swait.ge @!p0 [sflag:s31], $0x80  }
0x6a: {  	s30 =	simm.s32 @!p0 $0x5;
	s26 =	simm.s32 @!p0 $0x2200;
	[sflag:s31] =	ssyncset.done @!p0 $0x0  }
0x6b: {  	[sflag:s31] =	ssyncadd.s32 @!p0 $0xFFFFFF80  }
0x6c: {  	[tilespmem:s26], [sflag:$0x6] =	stream.indirect.gather @!p0 [hbm4b:s4+s24], $0x40, s29, s24, $0xb8;
	[tilespmem:$0x1A200] =	vst v63  }
0x6d: {  	_ =	swait.ge @!p0 [sflag:s30], $0x2000  }
0x6e: {  	s29 =	simm.s32 @!p0 $0x2;
	[sflag:s30] =	ssyncset.done @!p0 $0x0  }
0x6f: {  	[sflag:s30] =	ssyncadd.s32 @!p0 $0xFFFFE000  }
0x70: {  	_ =	swait.ge @!p0 [sflag:s29], $0x80  }
0x71: {  	s30 =	simm.s32 @!p0 $0x6;
	[sflag:s29] =	ssyncset.done @!p0 $0x0  }
0x72: {  	[sflag:s29] =	ssyncadd.s32 @!p0 $0xFFFFFF80  }
0x73: {  	[spmem:s2] =	stream.indirect.scatter.add.f32 @!p0 [tilespmem:s25], [sflag:$0x7], $0x40, s24, s24, $0xb8;
	[tilespmem:$0x1A200] =	vst v63  }
0x74: {  	_ =	swait.ge @!p0 [sflag:s30], $0x2000  }
0x75: {  	s25 =	simm.s32 @!p0 $0x4;
	[sflag:s30] =	ssyncset.done @!p0 $0x0  }
0x76: {  	[sflag:s30] =	ssyncadd.s32 @!p0 $0xFFFFE000  }
0x77: {  	_ =	swait.ge @!p0 [sflag:s25], $0x80  }
0x78: {  	s29 =	simm.s32 @!p0 $0x7;
	[sflag:s25] =	ssyncset.done @!p0 $0x0  }
0x79: {  	[sflag:s25] =	ssyncadd.s32 @!p0 $0xFFFFFF80  }
0x7a: {  	[spmem:s2] =	stream.indirect.scatter.add.f32 @!p0 [tilespmem:s26], [sflag:$0x8], $0x40, s28, s24, $0xb8;
	[tilespmem:$0x1A200] =	vst v63  }
0x7b: {  	s24 =	sadd.s32 $0xFFFFFFFF, s21;
	_ =	swait.ge @!p0 [sflag:s29], $0x2000  }
0x7c: {  	s25 =	simm.s32 @!p0 $0x8;
	p2 =	sge.u32 s24, s6;
	[sflag:s29] =	ssyncset.done @!p0 $0x0  }
0x7d: {  	p3 =	slt.u32 @!p2 s21, s6;
	[sflag:s29] =	ssyncadd.s32 @!p0 $0xFFFFE000  }
0x7e: {  	p2 =	por p3, p2;
	_ =	swait.ge @!p0 [sflag:s25], $0x2000  }
0x7f: {  	s24 =	sadd.s32 @!p2 s20, s15;
	s26 =	simm.s32 @!p2 $0x0;
	[sflag:s25] =	ssyncset.done @!p0 $0x0  }
0x80: {  	[sflag:s25] =	ssyncadd.s32 @!p0 $0xFFFFE000;
	s25 =	simm.s32 @!p2 $0xA  }
0x81: {  	[tilespmem:s26], [sflag:$0xA] =	stream.linear.gather @!p2 [hbm4b:s24+s26], $0x80, $0x38;
	[tilespmem:$0x1A200] =	vst v63  }
0x82: {  	_ =	swait.ge @!p2 [sflag:s25], $0x80  }
0x83: {  	s28 =	simm.s32 @!p2 $0x80;
	s24 =	sadd.s32 @!p2 s20, s14;
	[sflag:s25] =	ssyncset.done @!p2 $0x0  }
0x84: {  	s20 =	smov.u32 s23;
	[sflag:s25] =	ssyncadd.s32 @!p2 $0xFFFFFF80  }
0x85: {  	[tilespmem:s28], [sflag:$0xA] =	stream.linear.gather @!p2 [hbm4b:s24+s26], $0x80, $0x38;
	[tilespmem:$0x1A200] =	vst v63  }
0x86: {  	_ =	swait.ge @!p2 [sflag:s25], $0x80  }
0x87: {  	s23 =	simm.s32 @!p2 $0x200;
	[sflag:s25] =	ssyncset.done @!p2 $0x0  }
0x88: {  	[sflag:s25] =	ssyncadd.s32 @!p2 $0xFFFFFF80  }
0x89: {  	[tilespmem:s23], [sflag:$0xA] =	stream.indirect.gather @!p2 [hbm4b:s4+s28], $0x40, s26, s28, $0xb8;
	[tilespmem:$0x1A200] =	vst v63  }
.Ltmp0:
0x8a: {  	_ =	swait.ge @!p2 [sflag:s25], $0x2000;
	(pc) =	sbr.rel @p1 .LBB2_2-.Ltmp0, $4  }
0x8b: {  	[sflag:s25] =	ssyncset.done @!p2 $0x0  }
0x8c: {  	s21 =	sadd.s32 $0x2, s21;
	s24 =	simm.s32 @!p2 $0x9;
	[sflag:s25] =	ssyncadd.s32 @!p2 $0xFFFFE000  }
0x8d: {  	[spmem:s2] =	stream.indirect.scatter.add.f32 @!p2 [tilespmem:s23], [sflag:$0x9], $0x40, s28, s28, $0xb8;
	[tilespmem:$0x1A200] =	vst v63  }
0x8e: {  	p0 =	sge.u32 s21, s6;
	_ =	swait.ge @!p2 [sflag:s24], $0x2000  }
0x8f: {  	[sflag:s24] =	ssyncset.done @!p2 $0x0  }
0x90: {  	s22 =	sadd.s32 @!p0 s20, s15;
	s23 =	simm.s32 @!p0 $0x0;
	[sflag:s24] =	ssyncadd.s32 @!p2 $0xFFFFE000  }
0x91: {  	[tilespmem:s23], [sflag:$0x1] =	stream.linear.gather @!p0 [hbm4b:s22+s23], $0x80, $0x38;
	[tilespmem:$0x1A200] =	vst v63  }
0x92: {  	s25 =	simm.s32 @!p0 $0x80;
	s24 =	sadd.s32 @!p0 s20, s14  }
0x93: {  	[tilespmem:s25], [sflag:$0x2] =	stream.linear.gather @!p0 [hbm4b:s24+s23], $0x80, $0x38;
	[tilespmem:$0x1A200] =	vst v63  }
0x94: {  	s26 =	simm.s32 @!p0 $0x100;
	s22 =	sadd.s32 @!p0 $0x10, s22  }
0x95: {  	[tilespmem:s26], [sflag:$0x3] =	stream.linear.gather @!p0 [hbm4b:s22+s23], $0x80, $0x38;
	[tilespmem:$0x1A200] =	vst v63  }
0x96: {  	s28 =	simm.s32 @!p0 $0x1;
	s22 =	sadd.s32 @!p0 $0x10, s24;
	s24 =	simm.s32 @!p0 $0x180  }
0x97: {  	[tilespmem:s24], [sflag:$0x4] =	stream.linear.gather @!p0 [hbm4b:s22+s23], $0x80, $0x38;
	[tilespmem:$0x1A200] =	vst v63  }
0x98: {  	_ =	swait.ge @!p0 [sflag:s28], $0x80  }
0x99: {  	[sflag:s28] =	ssyncset.done @!p0 $0x0  }
0x9a: {  	s29 =	simm.s32 @!p0 $0x3;
	s22 =	simm.s32 @!p0 $0x200;
	[sflag:s28] =	ssyncadd.s32 @!p0 $0xFFFFFF80  }
0x9b: {  	[tilespmem:s22], [sflag:$0x5] =	stream.indirect.gather @!p0 [hbm4b:s4+s25], $0x40, s23, s25, $0xb8;
	[tilespmem:$0x1A200] =	vst v63  }
0x9c: {  	_ =	swait.ge @!p0 [sflag:s29], $0x80  }
0x9d: {  	[sflag:s29] =	ssyncset.done @!p0 $0x0  }
0x9e: {  	s28 =	simm.s32 @!p0 $0x5;
	s23 =	simm.s32 @!p0 $0x2200;
	[sflag:s29] =	ssyncadd.s32 @!p0 $0xFFFFFF80  }
0x9f: {  	[tilespmem:s23], [sflag:$0x6] =	stream.indirect.gather @!p0 [hbm4b:s4+s25], $0x40, s26, s25, $0xb8;
	[tilespmem:$0x1A200] =	vst v63  }
0xa0: {  	_ =	swait.ge @!p0 [sflag:s28], $0x2000  }
0xa1: {  	[sflag:s28] =	ssyncset.done @!p0 $0x0  }
0xa2: {  	s26 =	simm.s32 @!p0 $0x2;
	[sflag:s28] =	ssyncadd.s32 @!p0 $0xFFFFE000  }
0xa3: {  	_ =	swait.ge @!p0 [sflag:s26], $0x80  }
0xa4: {  	[sflag:s26] =	ssyncset.done @!p0 $0x0  }
0xa5: {  	s28 =	simm.s32 @!p0 $0x6;
	[sflag:s26] =	ssyncadd.s32 @!p0 $0xFFFFFF80  }
0xa6: {  	[spmem:s2] =	stream.indirect.scatter.add.f32 @!p0 [tilespmem:s22], [sflag:$0x7], $0x40, s25, s25, $0xb8;
	[tilespmem:$0x1A200] =	vst v63  }
0xa7: {  	_ =	swait.ge @!p0 [sflag:s28], $0x2000  }
0xa8: {  	[sflag:s28] =	ssyncset.done @!p0 $0x0  }
0xa9: {  	s22 =	simm.s32 @!p0 $0x4;
	[sflag:s28] =	ssyncadd.s32 @!p0 $0xFFFFE000  }
0xaa: {  	_ =	swait.ge @!p0 [sflag:s22], $0x80  }
0xab: {  	[sflag:s22] =	ssyncset.done @!p0 $0x0  }
0xac: {  	s26 =	simm.s32 @!p0 $0x7;
	[sflag:s22] =	ssyncadd.s32 @!p0 $0xFFFFFF80  }
0xad: {  	[spmem:s2] =	stream.indirect.scatter.add.f32 @!p0 [tilespmem:s23], [sflag:$0x8], $0x40, s24, s25, $0xb8;
	[tilespmem:$0x1A200] =	vst v63  }
0xae: {  	s31 =	sadd.s32 $0xFFFFFFFF, s21;
	_ =	swait.ge @!p0 [sflag:s26], $0x2000  }
0xaf: {  	p1 =	sge.u32 s31, s6;
	[sflag:s26] =	ssyncset.done @!p0 $0x0  }
0xb0: {  	p2 =	slt.u32 @!p1 s21, s6;
	s22 =	simm.s32 @!p0 $0x8;
	[sflag:s26] =	ssyncadd.s32 @!p0 $0xFFFFE000  }
0xb1: {  	p1 =	por p2, p1;
	_ =	swait.ge @!p0 [sflag:s22], $0x2000  }
0xb2: {  	s21 =	sadd.s32 @!p1 s20, s15;
	[sflag:s22] =	ssyncset.done @!p0 $0x0  }
0xb3: {  	s23 =	simm.s32 @!p1 $0x0;
	[sflag:s22] =	ssyncadd.s32 @!p0 $0xFFFFE000;
	s22 =	simm.s32 @!p1 $0xA  }
0xb4: {  	[tilespmem:s23], [sflag:$0xA] =	stream.linear.gather @!p1 [hbm4b:s21+s23], $0x80, $0x38;
	[tilespmem:$0x1A200] =	vst v63  }
0xb5: {  	_ =	swait.ge @!p1 [sflag:s22], $0x80  }
0xb6: {  	[sflag:s22] =	ssyncset.done @!p1 $0x0  }
0xb7: {  	s20 =	sadd.s32 @!p1 s20, s14;
	s21 =	simm.s32 @!p1 $0x80;
	[sflag:s22] =	ssyncadd.s32 @!p1 $0xFFFFFF80  }
0xb8: {  	[tilespmem:s21], [sflag:$0xA] =	stream.linear.gather @!p1 [hbm4b:s20+s23], $0x80, $0x38;
	[tilespmem:$0x1A200] =	vst v63  }
0xb9: {  	_ =	swait.ge @!p1 [sflag:s22], $0x80  }
0xba: {  	[sflag:s22] =	ssyncset.done @!p1 $0x0  }
0xbb: {  	s20 =	simm.s32 @!p1 $0x200;
	[sflag:s22] =	ssyncadd.s32 @!p1 $0xFFFFFF80  }
0xbc: {  	[tilespmem:s20], [sflag:$0xA] =	stream.indirect.gather @!p1 [hbm4b:s4+s21], $0x40, s23, s21, $0xb8;
	[tilespmem:$0x1A200] =	vst v63  }
0xbd: {  	_ =	swait.ge @!p1 [sflag:s22], $0x2000  }
0xbe: {  	[sflag:s22] =	ssyncset.done @!p1 $0x0  }
0xbf: {  	[sflag:s22] =	ssyncadd.s32 @!p1 $0xFFFFE000;
	s22 =	simm.s32 @!p1 $0x9  }
0xc0: {  	[spmem:s2] =	stream.indirect.scatter.add.f32 @!p1 [tilespmem:s20], [sflag:$0x9], $0x40, s21, s21, $0xb8;
	[tilespmem:$0x1A200] =	vst v63  }
0xc1: {  	_ =	swait.ge @!p1 [sflag:s22], $0x2000  }
0xc2: {  	[sflag:s22] =	ssyncset.done @!p1 $0x0  }
0xc3: {  	[sflag:s22] =	ssyncadd.s32 @!p1 $0xFFFFE000  }
0xc4: {  	[bflag:$0x0] =	sbarrier.arrive $0xFFFF  }
0xc5: {  	[tilespmem:s18], [sflag:$0x9] =	stream.linear.gather [spmem:s7], $0xA000, $0x38;
	[tilespmem:$0x1A200] =	vst v63  }
0xc6: {  	s19 =	sadd.s32 $0x1, s19;
	_ =	swait.ge [sflag:s17], $0xA000  }
0xc7: {  	p0 =	sne.s32 s19, s12;
	[sflag:s17] =	ssyncset.done $0x0  }
.Ltmp1:
0xc8: {  	[sflag:s17] =	ssyncadd.s32 $0xFFFF6000;
	(pc) =	sbr.rel @p0 .LBB2_1-.Ltmp1, $4  }
0xc9: {  	[hbm4b:s13+s3] =	stream.linear.scatter [tilespmem:s18], [sflag:$0x9], $0xA000, $0x38;
	[tilespmem:$0x1A200] =	vst v63  }
0xca: {  	_ =	swait.ge [sflag:s17], $0xA000  }
0xcb: {  	[sflag:s17] =	ssyncset.done $0x0  }
0xcc: {  	[sflag:s17] =	ssyncadd.s32 $0xFFFF6000  }
0xcd: {  	_ =	sfence.sel $0x180000  }
0xce: {  	[bflag:$0x0] =	sbarrier.arrive $0xFFFF  }
0xcf: {  	p0 =	sne.s32 s0, $0x0;
	_ =	strace $0x9000004A  }
0xd0: {  	s0 =	sadd.s32 @!p0 $0x100000, s1;
	[bflag:$0x2] =	sbarrier.arrive $0xFFFF  }
0xd1: {  	[sflag:s0] =	ssyncadd.tile.s32 @!p0 $0x1;
	_ =	shalt  }
.Lfunc_end2:
_tile_overlayer_lowered:
.L_overlay_start_2:
0xd2: {  	(tag) =	ssettag $0x2  }
0xd3: {  	s0 =	rddreg [dreg:$0x0];
	s2 =	stileid.u32  }
0xd4: {  	s1 =	rddreg [dreg:$0x1];
	p0 =	sne.s32 s2, $0x0  }
0xd5: {  	s3 =	rddreg [dreg:$0x2];
	[bflag:$0x3] =	sbarrier.arrive $0xFFFF;
	s2 =	simm.s32 @!p0 $0x1C09  }
0xd6: {  	[timem:s3], [sflag:s2] =	dma.local @!p0 [hbm:s0], s1  }
0xd7: {  	s0 =	simm.s32 @!p0 $0x9  }
0xd8: {  	_ =	swait.ge @!p0 [sflag:s0], s1  }
0xd9: {  	s1 =	ssub.s32 @!p0 $0x0, s1;
	[sflag:s0] =	ssyncset.done @!p0 $0x0  }
0xda: {  	[sflag:s0] =	ssyncadd.s32 @!p0 s1  }
0xdb: {  	[bflag:$0x3] =	sbarrier.arrive $0xFFFF  }
0xdc: {  	_ =	shalt  }

// kernel: kernel.19.cloned.1.call-start
scs
__scs_entry_jumppad:
0x0: {  	(pc) =	sbr.rel $0x88, $3  }
0x1: {  	(tag) =	ssettag $0x0;
	lr =	simm.s32 $0x1  }
0x2: {  	[smem:$0x3F91] =	sst lr;
	_ =	strace $0xD0000000  }
0x3: {  	_ = 	snop  }
0x4: {  	_ = 	snop  }
0x5: {  	_ = 	snop  }
0x6: {  	_ = 	snop  }
0x7: {  	_ = 	snop  }
__scs_overlays_trampoline_lowered:
0x8: {  	[smem:$0x3FA0] =	sst s0  }
0x9: {  	[smem:$0x3FA1] =	sst s1  }
0xa: {  	[smem:$0x3FA2] =	sst s2  }
0xb: {  	[smem:$0x3FA3] =	sst s3  }
0xc: {  	[smem:$0x3FA4] =	sst s4  }
0xd: {  	[smem:$0x3FA5] =	sst s5  }
0xe: {  	[smem:$0x3FA6] =	sst s6  }
0xf: {  	[smem:$0x3FA7] =	sst s7  }
0x10: {  	[smem:$0x3FA8] =	sst s8  }
0x11: {  	[smem:$0x3FA9] =	sst s9;
	s0 =	simm.s32 @!p0 $0x0  }
0x12: {  	s1 =	sld [smem:$0x3F8F];
	s0 =	simm.s32 @p0 $0x1  }
0x13: {  	[smem:$0x3FAA] =	sst s0;
	s0 =	simm.s32 @!p1 $0x0  }
0x14: {  	s2 =	sld [smem:$0x3F8E];
	s0 =	simm.s32 @p1 $0x1  }
0x15: {  	[smem:$0x3FAB] =	sst s0;
	s0 =	simm.s32 @!p2 $0x0  }
0x16: {  	s3 =	sld [smem:$0x3FDB];
	s0 =	simm.s32 @p2 $0x1  }
0x17: {  	s4 =	simm.s32 $0x1BF5;
	[smem:$0x3FAD] =	sst s0  }
0x18: {  	s0 =	sld [smem:$0x3F90];
	_ =	swait.ge [sflag:s4], $0x0  }
0x19: {  	s7 =	sld [smem:$0x3F91]  }
0x1a: {  	s8 =	sadd.s32 $0xFFFFE003, lr  }
0x1b: {  	s9 =	sadd.s32 $0xFFFFFEF7, lr;
	s5 =	simm.s32 $0xFFFFFFFF;
	p2 =	slt.u32 s8, $0xFFFFF086  }
0x1c: {  	p1 =	slt.u32 s9, $0xF7A;
	s5 =	simm.s32 @!p2 $0x0  }
0x1d: {  	s5 =	simm.s32 @p1 $0x1;
	p0 =	seq.s32 s7, s2  }
0x1e: {  	s7 =	smul.u32 @!p0 $0xF7A, s2;
	p2 =	seq.s32 @!p0 s5, $0x0  }
0x1f: {  	s9 =	smul.u32 $0xF7A, s1;
	s8 =	simm.s32 @!p0 $0x1BF5;
	p2 =	por !p2, p0  }
0x20: {  	[sflag:s8] =	ssyncset.s32 @!p0 $0xFFFFF086;
	s6 =	sadd.s32 @!p0 s3, s7;
	s7 =	simm.s32 @!p0 $0x108  }
0x21: {  	s3 =	sadd.s32 s3, s9;
	s6 =	sadd.s32 @!p0 $0x88, s6;
	s7 =	simm.s32 @p2 $0x1082  }
0x22: {  	[simem:s7], [sflag:s8] =	dma.local @!p0 [hbm:s6], $0xF7A  }
0x23: {  	s9 =	sor.u32 $0xD0000000, s2;
	s6 =	simm.s32 $0x108;
	_ =	swait.ge @!p0 [sflag:s8], $0x0  }
0x24: {  	s3 =	sadd.s32 $0x88, s3;
	s6 =	simm.s32 @!p1 $0x1082;
	[sflag:s4] =	ssyncset.s32 $0xFFFFF086  }
0x25: {  	[simem:s6], [sflag:s4] =	dma.local [hbm:s3], $0xF7A  }
0x26: {  	[smem:$0x3F91] =	sst s1;
	(tag) =	ssettag s2;
	_ =	strace s9  }
0x27: {  	s1 =	sld [smem:$0x3FA1]  }
0x28: {  	s2 =	sld [smem:$0x3FA2]  }
0x29: {  	s4 =	sld [smem:$0x3FA4]  }
0x2a: {  	p0 =	seq.s32 s5, $0x0;
	s5 =	sld [smem:$0x3FA5]  }
0x2b: {  	s6 =	sld [smem:$0x3FA6]  }
0x2c: {  	s7 =	sld [smem:$0x3FA7]  }
0x2d: {  	s3 =	simm.s32 $0x108;
	s8 =	sld [smem:$0x3FA8]  }
0x2e: {  	s3 =	simm.s32 @!p0 $0x1082;
	s9 =	sld [smem:$0x3FA9]  }
0x2f: {  	lr =	sadd.s32 s0, s3;
	s0 =	sld [smem:$0x3FA0]  }
0x30: {  	s3 =	sld [smem:$0x3FA3]  }
0x31: {  	[smem:$0x3FAC] =	sst s10  }
0x32: {  	s10 =	sld [smem:$0x3FAA];
	_ =	sdelay $0x3  }
0x33: {  	p0 =	seq.s32 s10, $0x1;
	s10 =	sld [smem:$0x3FAC];
	_ =	sdelay $0x3  }
0x34: {  	[smem:$0x3FAC] =	sst s10  }
0x35: {  	s10 =	sld [smem:$0x3FAB];
	_ =	sdelay $0x3  }
0x36: {  	p1 =	seq.s32 s10, $0x1;
	s10 =	sld [smem:$0x3FAC];
	_ =	sdelay $0x3  }
0x37: {  	[smem:$0x3FAC] =	sst s10  }
0x38: {  	s10 =	sld [smem:$0x3FAD]  }
0x39: {  	_ = 	snop;
	(pc) =	sbr.ind lr, $3  }
0x3a: {  	_ = 	snop  }
0x3b: {  	_ = 	snop  }
0x3c: {  	p2 =	seq.s32 s10, $0x1;
	s10 =	sld [smem:$0x3FAC]  }
0x3d: {  	_ =	shalt  }
0x3e: {  	_ =	shalt  }
0x3f: {  	_ =	shalt  }
0x40: {  	_ =	shalt  }
0x41: {  	_ =	shalt  }
0x42: {  	_ =	shalt  }
0x43: {  	_ =	shalt  }
0x44: {  	_ =	shalt  }
0x45: {  	_ =	shalt  }
0x46: {  	_ =	shalt  }
0x47: {  	_ =	shalt  }
0x48: {  	_ =	shalt  }
0x49: {  	_ =	shalt  }
0x4a: {  	_ =	shalt  }
0x4b: {  	_ =	shalt  }
0x4c: {  	_ =	shalt  }
0x4d: {  	_ =	shalt  }
0x4e: {  	_ =	shalt  }
0x4f: {  	_ =	shalt  }
0x50: {  	_ =	shalt  }
0x51: {  	_ =	shalt  }
0x52: {  	_ =	shalt  }
0x53: {  	_ =	shalt  }
0x54: {  	_ =	shalt  }
0x55: {  	_ =	shalt  }
0x56: {  	_ =	shalt  }
0x57: {  	_ =	shalt  }
0x58: {  	_ =	shalt  }
0x59: {  	_ =	shalt  }
0x5a: {  	_ =	shalt  }
0x5b: {  	_ =	shalt  }
0x5c: {  	_ =	shalt  }
0x5d: {  	_ =	shalt  }
0x5e: {  	_ =	shalt  }
0x5f: {  	_ =	shalt  }
0x60: {  	_ =	shalt  }
0x61: {  	_ =	shalt  }
0x62: {  	_ =	shalt  }
0x63: {  	_ =	shalt  }
0x64: {  	_ =	shalt  }
0x65: {  	_ =	shalt  }
0x66: {  	_ =	shalt  }
0x67: {  	_ =	shalt  }
0x68: {  	_ =	shalt  }
0x69: {  	_ =	shalt  }
0x6a: {  	_ =	shalt  }
0x6b: {  	_ =	shalt  }
0x6c: {  	_ =	shalt  }
0x6d: {  	_ =	shalt  }
0x6e: {  	_ =	shalt  }
0x6f: {  	_ =	shalt  }
0x70: {  	_ =	shalt  }
0x71: {  	_ =	shalt  }
0x72: {  	_ =	shalt  }
0x73: {  	_ =	shalt  }
0x74: {  	_ =	shalt  }
0x75: {  	_ =	shalt  }
0x76: {  	_ =	shalt  }
0x77: {  	_ =	shalt  }
0x78: {  	_ =	shalt  }
0x79: {  	_ =	shalt  }
0x7a: {  	_ =	shalt  }
0x7b: {  	_ =	shalt  }
0x7c: {  	_ =	shalt  }
0x7d: {  	_ =	shalt  }
0x7e: {  	_ =	shalt  }
0x7f: {  	_ =	shalt  }
0x80: {  	_ =	shalt  }
0x81: {  	_ =	shalt  }
0x82: {  	_ =	shalt  }
0x83: {  	_ =	shalt  }
0x84: {  	_ =	shalt  }
0x85: {  	_ =	shalt  }
0x86: {  	_ =	shalt  }
0x87: {  	_ =	shalt  }
.Lfunc_end0:
.L_simem_size_0:
called_computation.2_lowered:
.L_overlay_start_0:
0x88: {  	s2 =	sld [smem:$0x3FD9]  }
0x89: {  	s3 =	sld [smem:$0x3FFE];
	_ =	sdelay $0x1  }
0x8a: {  	s1 =	srdreg.scid  }
0x8b: {  	s0 =	sand.u32 $0x1, s1  }
0x8c: {  	s16 =	sshll.u32 s0, $0xA;
	s2 =	sadd.s32 s3, s2  }
0x8d: {  	s2 =	sadd.s32 s2, s16  }
0x8e: {  	[smem:$0x3FB8] =	sst s2  }
0x8f: {  	_ = 	snop  }
0x90: {  	(tm) =	ssettm $0x1  }
0x91: {  	s17 =	sld [smem:$0x3FFB];
	_ =	sdelay $0x3  }
0x92: {  	_ =	strace s17  }
0x93: {  	s2 =	sld [smem:$0x3FFC];
	_ =	sdelay $0x3  }
0x94: {  	_ =	strace s2  }
0x95: {  	s2 =	sld [smem:$0x3FFD];
	_ =	sdelay $0x3  }
0x96: {  	_ =	strace s2  }
0x97: {  	_ =	strace $0x8FFFFFFF  }
0x98: {  	s18 =	sld [smem:$0x3FDB];
	_ =	sdelay $0x1  }
0x99: {  	s19 =	simm.s32 $_scs_section_size  }
0x9a: {  	s4 =	simm.s32 $_size__tile_overlayer_lowered;
	s5 =	simm.s32 $_tile_overlayer_lowered  }
0x9b: {  	s22 =	simm.s32 $0x1BFF;
	s21 =	sshll.u32 s5, $0x1;
	s2 =	sadd.s32 s19, s18  }
0x9c: {  	s6 =	simm.s32 $0x0;
	s20 =	sshll.u32 s4, $0x1;
	s4 =	sadd.s32 s21, s2  }
0x9d: {  	[timem:s6], [sflag:s22] =	dma.local [hbm:s4], s20  }
0x9e: {  	_ =	swait.ge [sflag:s22], s20  }
0x9f: {  	s3 =	ssub.s32 $0x0, s20;
	[sflag:s22] =	ssyncset.done $0x0  }
0xa0: {  	[sflag:s22] =	ssyncadd.s32 s3;
	_ =	sdelay $0x1  }
0xa1: {  	s23 =	simm.s32 $0x1B8B  }
0xa2: {  	_ =	swait.ge [sflag:s23], $0x1  }
0xa3: {  	[sflag:s23] =	ssyncset.done $0x0  }
0xa4: {  	s25 =	simm.s32 $0x1B8E;
	s24 =	sld [smem:$0x3FFE];
	[sflag:s23] =	ssyncadd.s32 $0xFFFFFFFF  }
0xa5: {  	s26 =	simm.s32 $execute0_lowered;
	[smem:$0x3FD2] =	sst s25  }
0xa6: {  	s4 =	sshll.u32 s26, $0x1;
	_ =	strace $0x8000004C;
	[dreg:$0x1] =	wrdreg $0xFFFFFFFF  }
0xa7: {  	s28 =	simm.s32 $_size_execute0_lowered;
	s2 =	sadd.s32 s2, s4;
	[dreg:$0x0] =	wrdreg $0x0  }
0xa8: {  	s4 =	sshll.u32 s28, $0x1;
	[dreg:$0x2] =	wrdreg s2  }
0xa9: {  	[dreg:$0x3] =	wrdreg s4  }
0xaa: {  	[dreg:$0x4] =	wrdreg $0xC0  }
0xab: {  	_ =	task [dreg:s6], $0x5FFFF  }
0xac: {  	[dreg:$0x1] =	wrdreg $0xFFFFFFFF  }
0xad: {  	[dreg:$0x0] =	wrdreg $0x60  }
0xae: {  	[dreg:$0x2] =	wrdreg s24  }
0xaf: {  	[dreg:$0x3] =	wrdreg $0x102000  }
0xb0: {  	[dreg:$0x4] =	wrdreg $0x9  }
0xb1: {  	_ =	task.clear_ibuf [dreg:s6], $0x5FFFF;
	_ =	strace $0x9000004C  }
0xb2: {  	s29 =	simm.s32 $0x9;
	_ =	strace $0x8000004E  }
0xb3: {  	_ =	swait.ge [sflag:s29], $0x1  }
0xb4: {  	[sflag:s29] =	ssyncadd.s32 $0xFFFFFFFF  }
0xb5: {  	_ =	strace $0x9000004E  }
0xb6: {  	_ =	sfence  }
0xb7: {  	s30 =	sld [smem:$0x0];
	_ =	sdelay $0x2  }
0xb8: {  	s31 =	sshll.u32 s1, $0xD;
	s1 =	sshrl.u32 s1, $0x2  }
0xb9: {  	s3 =	sand.u32 $0x4000, s31;
	s1 =	sadd.s32 s1, s30  }
0xba: {  	s0 =	sor.u32 s3, s0;
	s1 =	sshll.u32 s1, $0x11  }
0xbb: {  	s0 =	sor.u32 s1, s0  }
0xbc: {  	s0 =	sadd.s32 $0x8F2B, s0  }
0xbd: {  	[sflag:s0] =	ssyncadd.remote.s32 $0x1  }
0xbe: {  	_ =	sfence.sel $0xFFFF  }
0xbf: {  	[dreg:$0x0] =	wrdreg $0xFFFFFFFF;
	(pc) =	sbr.abs _section_cstart, $3  }
0xc0: {  	[dreg:$0x1] =	wrdreg $0xFFFFFFFF  }
0xc1: {  	_ =	task.clear_ibuf [dreg:s6], $0x2FFFF;
	_ =	strace $0x9FFFFFFF  }
0xc2: {  	(tm) =	ssettm $0x7FFFFFFF  }
0xc3: {  	_ =	shalt  }
tec
execute0_lowered:
.L_overlay_start_1:
0x0: {  	(tag) =	ssettag $0x1  }
0x1: {  	s0 =	stileid.u32  }
0x2: {  	s1 =	srdreg.scid;
	s6 =	rddreg [dreg:$0x0]  }
0x3: {  	s2 =	rddreg [dreg:$0x1];
	s3 =	smul.u32 $0x3F, s0  }
0x4: {  	s18 =	simm.s32 $0x6200;
	s19 =	simm.s32 $0x0;
	s4 =	smul.u32 $0x5E, s0  }
0x5: {  	s7 =	sand.u32 $0x1, s1;
	s1 =	rddreg [dreg:$0x2];
	s8 =	smul.u32 $0x28000, s0  }
0x6: {  	s11 =	sadd.s32 $0x72600, s6;
	s13 =	sadd.s32 $0x5E600, s6;
	s12 =	smul.u32 $0xA000, s0  }
0x7: {  	p0 =	seq.s32 s7, $0x0;
	s7 =	ssub.s32 $0x2, s7;
	s5 =	sadd.s32 $0x5E0, s3  }
0x8: {  	s3 =	simm.s32 $0x0;
	s9 =	sshrl.u32 s7, $0x1;
	s8 =	sshrl.u32 s8, $0x2  }
0x9: {  	s17 =	sshrl.u32 s12, $0x3;
	s13 =	smov.u32 @p0 s11;
	s5 =	smov.u32 @p0 s4  }
0xa: {  	[smem:$0x7FF] =	sst s3;
	s4 =	sadd.s32 $0x4A600, s6;
	s14 =	ssub.s32 s7, s9  }
0xb: {  	s16 =	sadd.s32 s8, s2;
	s7 =	sadd.s32 s12, s2;
	s13 =	sadd.s32 s13, s17  }
0xc: {  	s17 =	simm.s32 $0x9;
	s5 =	sshll.u32 s5, $0x4;
	_ =	strace $0x8000004D  }
0xd: {  	s8 =	sadd.s32 $0x2000, s16;
	s9 =	sadd.s32 $0x4000, s16;
	s10 =	sadd.s32 $0x6000, s16  }
0xe: {  	s11 =	sadd.s32 $0x8000, s16;
	s12 =	smax.u32 s14, $0x1;
	s16 =	simm.s32 $0x4200  }
0xf: {  	s15 =	sadd.s32 s5, s6;
	s5 =	sadd.s32 $0xE400, s6;
	s6 =	simm.s32 $0x5E  }
0x10: {  	s6 =	simm.s32 @!p0 $0x3F;
	s14 =	sadd.s32 $0x4600, s15;
	s15 =	sadd.s32 $0x18800, s15  }
.LBB2_1:
0x11: {  	[tilespmem:s16], [sflag:$0x9] =	stream.linear.gather [hbm4b:s5+s3], $0x2000, $0x38;
	[tilespmem:$0x1A200] =	vst v63  }
0x12: {  	_ =	swait.ge [sflag:s17], $0x2000  }
0x13: {  	[sflag:s17] =	ssyncset.done $0x0  }
0x14: {  	[sflag:s17] =	ssyncadd.s32 $0xFFFFE000  }
0x15: {  	[spmem:s7] =	stream.linear.scatter [tilespmem:s16], [sflag:$0x9], $0x2000, $0x38;
	[tilespmem:$0x1A200] =	vst v63  }
0x16: {  	_ =	swait.ge [sflag:s17], $0x2000  }
0x17: {  	[sflag:s17] =	ssyncset.done $0x0  }
0x18: {  	[sflag:s17] =	ssyncadd.s32 $0xFFFFE000  }
0x19: {  	[spmem:s8] =	stream.linear.scatter [tilespmem:s16], [sflag:$0x9], $0x2000, $0x38;
	[tilespmem:$0x1A200] =	vst v63  }
0x1a: {  	_ =	swait.ge [sflag:s17], $0x2000  }
0x1b: {  	[sflag:s17] =	ssyncset.done $0x0  }
0x1c: {  	[sflag:s17] =	ssyncadd.s32 $0xFFFFE000  }
0x1d: {  	[spmem:s9] =	stream.linear.scatter [tilespmem:s16], [sflag:$0x9], $0x2000, $0x38;
	[tilespmem:$0x1A200] =	vst v63  }
0x1e: {  	_ =	swait.ge [sflag:s17], $0x2000  }
0x1f: {  	[sflag:s17] =	ssyncset.done $0x0  }
0x20: {  	[sflag:s17] =	ssyncadd.s32 $0xFFFFE000  }
0x21: {  	[spmem:s10] =	stream.linear.scatter [tilespmem:s16], [sflag:$0x9], $0x2000, $0x38;
	[tilespmem:$0x1A200] =	vst v63  }
0x22: {  	_ =	swait.ge [sflag:s17], $0x2000  }
0x23: {  	[sflag:s17] =	ssyncset.done $0x0  }
0x24: {  	[sflag:s17] =	ssyncadd.s32 $0xFFFFE000  }
0x25: {  	[spmem:s11] =	stream.linear.scatter [tilespmem:s16], [sflag:$0x9], $0x2000, $0x38;
	[tilespmem:$0x1A200] =	vst v63  }
0x26: {  	_ =	swait.ge [sflag:s17], $0x2000  }
0x27: {  	[sflag:s17] =	ssyncset.done $0x0  }
0x28: {  	p0 =	sle.u32 s6, $0x1;
	[sflag:s17] =	ssyncadd.s32 $0xFFFFE000  }
0x29: {  	s20 =	sadd.s32 @!p0 $0x0, s15;
	s21 =	simm.s32 @!p0 $0x0;
	[bflag:$0x0] =	sbarrier.arrive $0xFFFF  }
0x2a: {  	[tilespmem:s21], [sflag:$0x1] =	stream.linear.gather @!p0 [hbm4b:s20+s21], $0x80, $0x38;
	[tilespmem:$0x1A200] =	vst v63  }
0x2b: {  	s22 =	sadd.s32 @!p0 $0x0, s14;
	s23 =	simm.s32 @!p0 $0x80  }
0x2c: {  	[tilespmem:s23], [sflag:$0x2] =	stream.linear.gather @!p0 [hbm4b:s22+s21], $0x80, $0x38;
	[tilespmem:$0x1A200] =	vst v63  }
0x2d: {  	s24 =	simm.s32 @!p0 $0x100;
	s20 =	sadd.s32 @!p0 $0x10, s20  }
0x2e: {  	[tilespmem:s24], [sflag:$0x3] =	stream.linear.gather @!p0 [hbm4b:s20+s21], $0x80, $0x38;
	[tilespmem:$0x1A200] =	vst v63  }
0x2f: {  	s25 =	simm.s32 @!p0 $0x1;
	s20 =	sadd.s32 @!p0 $0x10, s22;
	s22 =	simm.s32 @!p0 $0x180  }
0x30: {  	[tilespmem:s22], [sflag:$0x4] =	stream.linear.gather @!p0 [hbm4b:s20+s21], $0x80, $0x38;
	[tilespmem:$0x1A200] =	vst v63  }
0x31: {  	_ =	swait.ge @!p0 [sflag:s25], $0x80  }
0x32: {  	[sflag:s25] =	ssyncset.done @!p0 $0x0  }
0x33: {  	s26 =	simm.s32 @!p0 $0x3;
	s20 =	simm.s32 @!p0 $0x200;
	[sflag:s25] =	ssyncadd.s32 @!p0 $0xFFFFFF80  }
0x34: {  	[tilespmem:s20], [sflag:$0x5] =	stream.indirect.gather @!p0 [hbm4b:s4+s23], $0x40, s21, s23, $0xb8;
	[tilespmem:$0x1A200] =	vst v63  }
0x35: {  	_ =	swait.ge @!p0 [sflag:s26], $0x80  }
0x36: {  	[sflag:s26] =	ssyncset.done @!p0 $0x0  }
0x37: {  	s25 =	simm.s32 @!p0 $0x5;
	s21 =	simm.s32 @!p0 $0x2200;
	[sflag:s26] =	ssyncadd.s32 @!p0 $0xFFFFFF80  }
0x38: {  	[tilespmem:s21], [sflag:$0x6] =	stream.indirect.gather @!p0 [hbm4b:s4+s23], $0x40, s24, s23, $0xb8;
	[tilespmem:$0x1A200] =	vst v63  }
0x39: {  	_ =	swait.ge @!p0 [sflag:s25], $0x2000  }
0x3a: {  	[sflag:s25] =	ssyncset.done @!p0 $0x0  }
0x3b: {  	s24 =	simm.s32 @!p0 $0x2;
	[sflag:s25] =	ssyncadd.s32 @!p0 $0xFFFFE000  }
0x3c: {  	_ =	swait.ge @!p0 [sflag:s24], $0x80  }
0x3d: {  	[sflag:s24] =	ssyncset.done @!p0 $0x0  }
0x3e: {  	s25 =	simm.s32 @!p0 $0x6;
	[sflag:s24] =	ssyncadd.s32 @!p0 $0xFFFFFF80  }
0x3f: {  	[spmem:s2] =	stream.indirect.scatter.add.f32 @!p0 [tilespmem:s20], [sflag:$0x7], $0x40, s23, s23, $0xb8;
	[tilespmem:$0x1A200] =	vst v63  }
0x40: {  	_ =	swait.ge @!p0 [sflag:s25], $0x2000  }
0x41: {  	[sflag:s25] =	ssyncset.done @!p0 $0x0  }
0x42: {  	s20 =	simm.s32 @!p0 $0x4;
	[sflag:s25] =	ssyncadd.s32 @!p0 $0xFFFFE000  }
0x43: {  	_ =	swait.ge @!p0 [sflag:s20], $0x80  }
0x44: {  	[sflag:s20] =	ssyncset.done @!p0 $0x0  }
0x45: {  	s24 =	simm.s32 @!p0 $0x7;
	[sflag:s20] =	ssyncadd.s32 @!p0 $0xFFFFFF80  }
0x46: {  	[spmem:s2] =	stream.indirect.scatter.add.f32 @!p0 [tilespmem:s21], [sflag:$0x8], $0x40, s22, s23, $0xb8;
	[tilespmem:$0x1A200] =	vst v63  }
0x47: {  	_ =	swait.ge @!p0 [sflag:s24], $0x2000  }
0x48: {  	p1 =	sle.u32 s6, $0x0;
	[sflag:s24] =	ssyncset.done @!p0 $0x0  }
0x49: {  	p2 =	sgt.u32 @!p1 s6, $0x1;
	s20 =	simm.s32 @!p0 $0x8;
	[sflag:s24] =	ssyncadd.s32 @!p0 $0xFFFFE000  }
0x4a: {  	p2 =	por p2, p1;
	_ =	swait.ge @!p0 [sflag:s20], $0x2000  }
0x4b: {  	s21 =	sadd.s32 @!p2 $0x0, s15;
	[sflag:s20] =	ssyncset.done @!p0 $0x0  }
0x4c: {  	s22 =	simm.s32 @!p2 $0x0;
	[sflag:s20] =	ssyncadd.s32 @!p0 $0xFFFFE000;
	s20 =	simm.s32 @!p2 $0xA  }
0x4d: {  	[tilespmem:s22], [sflag:$0xA] =	stream.linear.gather @!p2 [hbm4b:s21+s22], $0x80, $0x38;
	[tilespmem:$0x1A200] =	vst v63  }
0x4e: {  	_ =	swait.ge @!p2 [sflag:s20], $0x80  }
0x4f: {  	[sflag:s20] =	ssyncset.done @!p2 $0x0  }
0x50: {  	s23 =	simm.s32 @!p2 $0x80;
	s21 =	sadd.s32 @!p2 $0x0, s14;
	[sflag:s20] =	ssyncadd.s32 @!p2 $0xFFFFFF80  }
0x51: {  	[tilespmem:s23], [sflag:$0xA] =	stream.linear.gather @!p2 [hbm4b:s21+s22], $0x80, $0x38;
	[tilespmem:$0x1A200] =	vst v63  }
0x52: {  	_ =	swait.ge @!p2 [sflag:s20], $0x80  }
0x53: {  	[sflag:s20] =	ssyncset.done @!p2 $0x0  }
0x54: {  	s21 =	simm.s32 @!p2 $0x200;
	[sflag:s20] =	ssyncadd.s32 @!p2 $0xFFFFFF80  }
0x55: {  	[tilespmem:s21], [sflag:$0xA] =	stream.indirect.gather @!p2 [hbm4b:s4+s23], $0x40, s22, s23, $0xb8;
	[tilespmem:$0x1A200] =	vst v63  }
0x56: {  	_ =	swait.ge @!p2 [sflag:s20], $0x2000  }
0x57: {  	s24 =	simm.s32 @!p2 $0x9;
	[sflag:s20] =	ssyncset.done @!p2 $0x0  }
0x58: {  	p0 =	sle.u32 s6, $0x3;
	s22 =	simm.s32 $0x40;
	[sflag:s20] =	ssyncadd.s32 @!p2 $0xFFFFE000  }
0x59: {  	[spmem:s2] =	stream.indirect.scatter.add.f32 @!p2 [tilespmem:s21], [sflag:$0x9], $0x40, s23, s23, $0xb8;
	[tilespmem:$0x1A200] =	vst v63  }
0x5a: {  	s20 =	simm.s32 $0x20;
	s21 =	simm.s32 $0x3;
	_ =	swait.ge @!p2 [sflag:s24], $0x2000  }
.LBB2_2:
0x5b: {  	s25 =	sadd.s32 @!p0 s20, s15  }
0x5c: {  	s26 =	simm.s32 @!p0 $0x0;
	[sflag:s24] =	ssyncset.done @!p2 $0x0;
	s23 =	smov.u32 s22  }
0x5d: {  	s22 =	sadd.s32 $0x20, s22;
	s28 =	sadd.s32 @!p0 $0x10, s25;
	[sflag:s24] =	ssyncadd.s32 @!p2 $0xFFFFE000  }
0x5e: {  	[tilespmem:s26], [sflag:$0x1] =	stream.linear.gather @!p0 [hbm4b:s25+s26], $0x80, $0x38;
	[tilespmem:$0x1A200] =	vst v63  }
0x5f: {  	p1 =	sne.s32 s22, $0x5E0;
	s24 =	simm.s32 @!p0 $0x80;
	s25 =	sadd.s32 @!p0 s20, s14  }
0x60: {  	[tilespmem:s24], [sflag:$0x2] =	stream.linear.gather @!p0 [hbm4b:s25+s26], $0x80, $0x38;
	[tilespmem:$0x1A200] =	vst v63  }
0x61: {  	s29 =	simm.s32 @!p0 $0x100;
	s25 =	sadd.s32 @!p0 $0x10, s25  }
0x62: {  	[tilespmem:s29], [sflag:$0x3] =	stream.linear.gather @!p0 [hbm4b:s28+s26], $0x80, $0x38;
	[tilespmem:$0x1A200] =	vst v63  }
0x63: {  	s30 =	simm.s32 @!p0 $0x1;
	s28 =	simm.s32 @!p0 $0x180  }
0x64: {  	[tilespmem:s28], [sflag:$0x4] =	stream.linear.gather @!p0 [hbm4b:s25+s26], $0x80, $0x38;
	[tilespmem:$0x1A200] =	vst v63  }
0x65: {  	_ =	swait.ge @!p0 [sflag:s30], $0x80  }
0x66: {  	s31 =	simm.s32 @!p0 $0x3;
	s25 =	simm.s32 @!p0 $0x200;
	[sflag:s30] =	ssyncset.done @!p0 $0x0  }
0x67: {  	[sflag:s30] =	ssyncadd.s32 @!p0 $0xFFFFFF80  }
0x68: {  	[tilespmem:s25], [sflag:$0x5] =	stream.indirect.gather @!p0 [hbm4b:s4+s24], $0x40, s26, s24, $0xb8;
	[tilespmem:$0x1A200] =	vst v63  }
0x69: {  	_ =	swait.ge @!p0 [sflag:s31], $0x80  }
0x6a: {  	s30 =	simm.s32 @!p0 $0x5;
	s26 =	simm.s32 @!p0 $0x2200;
	[sflag:s31] =	ssyncset.done @!p0 $0x0  }
0x6b: {  	[sflag:s31] =	ssyncadd.s32 @!p0 $0xFFFFFF80  }
0x6c: {  	[tilespmem:s26], [sflag:$0x6] =	stream.indirect.gather @!p0 [hbm4b:s4+s24], $0x40, s29, s24, $0xb8;
	[tilespmem:$0x1A200] =	vst v63  }
0x6d: {  	_ =	swait.ge @!p0 [sflag:s30], $0x2000  }
0x6e: {  	s29 =	simm.s32 @!p0 $0x2;
	[sflag:s30] =	ssyncset.done @!p0 $0x0  }
0x6f: {  	[sflag:s30] =	ssyncadd.s32 @!p0 $0xFFFFE000  }
0x70: {  	_ =	swait.ge @!p0 [sflag:s29], $0x80  }
0x71: {  	s30 =	simm.s32 @!p0 $0x6;
	[sflag:s29] =	ssyncset.done @!p0 $0x0  }
0x72: {  	[sflag:s29] =	ssyncadd.s32 @!p0 $0xFFFFFF80  }
0x73: {  	[spmem:s2] =	stream.indirect.scatter.add.f32 @!p0 [tilespmem:s25], [sflag:$0x7], $0x40, s24, s24, $0xb8;
	[tilespmem:$0x1A200] =	vst v63  }
0x74: {  	_ =	swait.ge @!p0 [sflag:s30], $0x2000  }
0x75: {  	s25 =	simm.s32 @!p0 $0x4;
	[sflag:s30] =	ssyncset.done @!p0 $0x0  }
0x76: {  	[sflag:s30] =	ssyncadd.s32 @!p0 $0xFFFFE000  }
0x77: {  	_ =	swait.ge @!p0 [sflag:s25], $0x80  }
0x78: {  	s29 =	simm.s32 @!p0 $0x7;
	[sflag:s25] =	ssyncset.done @!p0 $0x0  }
0x79: {  	[sflag:s25] =	ssyncadd.s32 @!p0 $0xFFFFFF80  }
0x7a: {  	[spmem:s2] =	stream.indirect.scatter.add.f32 @!p0 [tilespmem:s26], [sflag:$0x8], $0x40, s28, s24, $0xb8;
	[tilespmem:$0x1A200] =	vst v63  }
0x7b: {  	s24 =	sadd.s32 $0xFFFFFFFF, s21;
	_ =	swait.ge @!p0 [sflag:s29], $0x2000  }
0x7c: {  	s25 =	simm.s32 @!p0 $0x8;
	p2 =	sge.u32 s24, s6;
	[sflag:s29] =	ssyncset.done @!p0 $0x0  }
0x7d: {  	p3 =	slt.u32 @!p2 s21, s6;
	[sflag:s29] =	ssyncadd.s32 @!p0 $0xFFFFE000  }
0x7e: {  	p2 =	por p3, p2;
	_ =	swait.ge @!p0 [sflag:s25], $0x2000  }
0x7f: {  	s24 =	sadd.s32 @!p2 s20, s15;
	s26 =	simm.s32 @!p2 $0x0;
	[sflag:s25] =	ssyncset.done @!p0 $0x0  }
0x80: {  	[sflag:s25] =	ssyncadd.s32 @!p0 $0xFFFFE000;
	s25 =	simm.s32 @!p2 $0xA  }
0x81: {  	[tilespmem:s26], [sflag:$0xA] =	stream.linear.gather @!p2 [hbm4b:s24+s26], $0x80, $0x38;
	[tilespmem:$0x1A200] =	vst v63  }
0x82: {  	_ =	swait.ge @!p2 [sflag:s25], $0x80  }
0x83: {  	s28 =	simm.s32 @!p2 $0x80;
	s24 =	sadd.s32 @!p2 s20, s14;
	[sflag:s25] =	ssyncset.done @!p2 $0x0  }
0x84: {  	s20 =	smov.u32 s23;
	[sflag:s25] =	ssyncadd.s32 @!p2 $0xFFFFFF80  }
0x85: {  	[tilespmem:s28], [sflag:$0xA] =	stream.linear.gather @!p2 [hbm4b:s24+s26], $0x80, $0x38;
	[tilespmem:$0x1A200] =	vst v63  }
0x86: {  	_ =	swait.ge @!p2 [sflag:s25], $0x80  }
0x87: {  	s23 =	simm.s32 @!p2 $0x200;
	[sflag:s25] =	ssyncset.done @!p2 $0x0  }
0x88: {  	[sflag:s25] =	ssyncadd.s32 @!p2 $0xFFFFFF80  }
0x89: {  	[tilespmem:s23], [sflag:$0xA] =	stream.indirect.gather @!p2 [hbm4b:s4+s28], $0x40, s26, s28, $0xb8;
	[tilespmem:$0x1A200] =	vst v63  }
.Ltmp0:
0x8a: {  	_ =	swait.ge @!p2 [sflag:s25], $0x2000;
	(pc) =	sbr.rel @p1 .LBB2_2-.Ltmp0, $4  }
0x8b: {  	[sflag:s25] =	ssyncset.done @!p2 $0x0  }
0x8c: {  	s21 =	sadd.s32 $0x2, s21;
	s24 =	simm.s32 @!p2 $0x9;
	[sflag:s25] =	ssyncadd.s32 @!p2 $0xFFFFE000  }
0x8d: {  	[spmem:s2] =	stream.indirect.scatter.add.f32 @!p2 [tilespmem:s23], [sflag:$0x9], $0x40, s28, s28, $0xb8;
	[tilespmem:$0x1A200] =	vst v63  }
0x8e: {  	p0 =	sge.u32 s21, s6;
	_ =	swait.ge @!p2 [sflag:s24], $0x2000  }
0x8f: {  	[sflag:s24] =	ssyncset.done @!p2 $0x0  }
0x90: {  	s22 =	sadd.s32 @!p0 s20, s15;
	s23 =	simm.s32 @!p0 $0x0;
	[sflag:s24] =	ssyncadd.s32 @!p2 $0xFFFFE000  }
0x91: {  	[tilespmem:s23], [sflag:$0x1] =	stream.linear.gather @!p0 [hbm4b:s22+s23], $0x80, $0x38;
	[tilespmem:$0x1A200] =	vst v63  }
0x92: {  	s25 =	simm.s32 @!p0 $0x80;
	s24 =	sadd.s32 @!p0 s20, s14  }
0x93: {  	[tilespmem:s25], [sflag:$0x2] =	stream.linear.gather @!p0 [hbm4b:s24+s23], $0x80, $0x38;
	[tilespmem:$0x1A200] =	vst v63  }
0x94: {  	s26 =	simm.s32 @!p0 $0x100;
	s22 =	sadd.s32 @!p0 $0x10, s22  }
0x95: {  	[tilespmem:s26], [sflag:$0x3] =	stream.linear.gather @!p0 [hbm4b:s22+s23], $0x80, $0x38;
	[tilespmem:$0x1A200] =	vst v63  }
0x96: {  	s28 =	simm.s32 @!p0 $0x1;
	s22 =	sadd.s32 @!p0 $0x10, s24;
	s24 =	simm.s32 @!p0 $0x180  }
0x97: {  	[tilespmem:s24], [sflag:$0x4] =	stream.linear.gather @!p0 [hbm4b:s22+s23], $0x80, $0x38;
	[tilespmem:$0x1A200] =	vst v63  }
0x98: {  	_ =	swait.ge @!p0 [sflag:s28], $0x80  }
0x99: {  	[sflag:s28] =	ssyncset.done @!p0 $0x0  }
0x9a: {  	s29 =	simm.s32 @!p0 $0x3;
	s22 =	simm.s32 @!p0 $0x200;
	[sflag:s28] =	ssyncadd.s32 @!p0 $0xFFFFFF80  }
0x9b: {  	[tilespmem:s22], [sflag:$0x5] =	stream.indirect.gather @!p0 [hbm4b:s4+s25], $0x40, s23, s25, $0xb8;
	[tilespmem:$0x1A200] =	vst v63  }
0x9c: {  	_ =	swait.ge @!p0 [sflag:s29], $0x80  }
0x9d: {  	[sflag:s29] =	ssyncset.done @!p0 $0x0  }
0x9e: {  	s28 =	simm.s32 @!p0 $0x5;
	s23 =	simm.s32 @!p0 $0x2200;
	[sflag:s29] =	ssyncadd.s32 @!p0 $0xFFFFFF80  }
0x9f: {  	[tilespmem:s23], [sflag:$0x6] =	stream.indirect.gather @!p0 [hbm4b:s4+s25], $0x40, s26, s25, $0xb8;
	[tilespmem:$0x1A200] =	vst v63  }
0xa0: {  	_ =	swait.ge @!p0 [sflag:s28], $0x2000  }
0xa1: {  	[sflag:s28] =	ssyncset.done @!p0 $0x0  }
0xa2: {  	s26 =	simm.s32 @!p0 $0x2;
	[sflag:s28] =	ssyncadd.s32 @!p0 $0xFFFFE000  }
0xa3: {  	_ =	swait.ge @!p0 [sflag:s26], $0x80  }
0xa4: {  	[sflag:s26] =	ssyncset.done @!p0 $0x0  }
0xa5: {  	s28 =	simm.s32 @!p0 $0x6;
	[sflag:s26] =	ssyncadd.s32 @!p0 $0xFFFFFF80  }
0xa6: {  	[spmem:s2] =	stream.indirect.scatter.add.f32 @!p0 [tilespmem:s22], [sflag:$0x7], $0x40, s25, s25, $0xb8;
	[tilespmem:$0x1A200] =	vst v63  }
0xa7: {  	_ =	swait.ge @!p0 [sflag:s28], $0x2000  }
0xa8: {  	[sflag:s28] =	ssyncset.done @!p0 $0x0  }
0xa9: {  	s22 =	simm.s32 @!p0 $0x4;
	[sflag:s28] =	ssyncadd.s32 @!p0 $0xFFFFE000  }
0xaa: {  	_ =	swait.ge @!p0 [sflag:s22], $0x80  }
0xab: {  	[sflag:s22] =	ssyncset.done @!p0 $0x0  }
0xac: {  	s26 =	simm.s32 @!p0 $0x7;
	[sflag:s22] =	ssyncadd.s32 @!p0 $0xFFFFFF80  }
0xad: {  	[spmem:s2] =	stream.indirect.scatter.add.f32 @!p0 [tilespmem:s23], [sflag:$0x8], $0x40, s24, s25, $0xb8;
	[tilespmem:$0x1A200] =	vst v63  }
0xae: {  	s31 =	sadd.s32 $0xFFFFFFFF, s21;
	_ =	swait.ge @!p0 [sflag:s26], $0x2000  }
0xaf: {  	p1 =	sge.u32 s31, s6;
	[sflag:s26] =	ssyncset.done @!p0 $0x0  }
0xb0: {  	p2 =	slt.u32 @!p1 s21, s6;
	s22 =	simm.s32 @!p0 $0x8;
	[sflag:s26] =	ssyncadd.s32 @!p0 $0xFFFFE000  }
0xb1: {  	p1 =	por p2, p1;
	_ =	swait.ge @!p0 [sflag:s22], $0x2000  }
0xb2: {  	s21 =	sadd.s32 @!p1 s20, s15;
	[sflag:s22] =	ssyncset.done @!p0 $0x0  }
0xb3: {  	s23 =	simm.s32 @!p1 $0x0;
	[sflag:s22] =	ssyncadd.s32 @!p0 $0xFFFFE000;
	s22 =	simm.s32 @!p1 $0xA  }
0xb4: {  	[tilespmem:s23], [sflag:$0xA] =	stream.linear.gather @!p1 [hbm4b:s21+s23], $0x80, $0x38;
	[tilespmem:$0x1A200] =	vst v63  }
0xb5: {  	_ =	swait.ge @!p1 [sflag:s22], $0x80  }
0xb6: {  	[sflag:s22] =	ssyncset.done @!p1 $0x0  }
0xb7: {  	s20 =	sadd.s32 @!p1 s20, s14;
	s21 =	simm.s32 @!p1 $0x80;
	[sflag:s22] =	ssyncadd.s32 @!p1 $0xFFFFFF80  }
0xb8: {  	[tilespmem:s21], [sflag:$0xA] =	stream.linear.gather @!p1 [hbm4b:s20+s23], $0x80, $0x38;
	[tilespmem:$0x1A200] =	vst v63  }
0xb9: {  	_ =	swait.ge @!p1 [sflag:s22], $0x80  }
0xba: {  	[sflag:s22] =	ssyncset.done @!p1 $0x0  }
0xbb: {  	s20 =	simm.s32 @!p1 $0x200;
	[sflag:s22] =	ssyncadd.s32 @!p1 $0xFFFFFF80  }
0xbc: {  	[tilespmem:s20], [sflag:$0xA] =	stream.indirect.gather @!p1 [hbm4b:s4+s21], $0x40, s23, s21, $0xb8;
	[tilespmem:$0x1A200] =	vst v63  }
0xbd: {  	_ =	swait.ge @!p1 [sflag:s22], $0x2000  }
0xbe: {  	[sflag:s22] =	ssyncset.done @!p1 $0x0  }
0xbf: {  	[sflag:s22] =	ssyncadd.s32 @!p1 $0xFFFFE000;
	s22 =	simm.s32 @!p1 $0x9  }
0xc0: {  	[spmem:s2] =	stream.indirect.scatter.add.f32 @!p1 [tilespmem:s20], [sflag:$0x9], $0x40, s21, s21, $0xb8;
	[tilespmem:$0x1A200] =	vst v63  }
0xc1: {  	_ =	swait.ge @!p1 [sflag:s22], $0x2000  }
0xc2: {  	[sflag:s22] =	ssyncset.done @!p1 $0x0  }
0xc3: {  	[sflag:s22] =	ssyncadd.s32 @!p1 $0xFFFFE000  }
0xc4: {  	[bflag:$0x0] =	sbarrier.arrive $0xFFFF  }
0xc5: {  	[tilespmem:s18], [sflag:$0x9] =	stream.linear.gather [spmem:s7], $0xA000, $0x38;
	[tilespmem:$0x1A200] =	vst v63  }
0xc6: {  	s19 =	sadd.s32 $0x1, s19;
	_ =	swait.ge [sflag:s17], $0xA000  }
0xc7: {  	p0 =	sne.s32 s19, s12;
	[sflag:s17] =	ssyncset.done $0x0  }
.Ltmp1:
0xc8: {  	[sflag:s17] =	ssyncadd.s32 $0xFFFF6000;
	(pc) =	sbr.rel @p0 .LBB2_1-.Ltmp1, $4  }
0xc9: {  	[hbm4b:s13+s3] =	stream.linear.scatter [tilespmem:s18], [sflag:$0x9], $0xA000, $0x38;
	[tilespmem:$0x1A200] =	vst v63  }
0xca: {  	_ =	swait.ge [sflag:s17], $0xA000  }
0xcb: {  	[sflag:s17] =	ssyncset.done $0x0  }
0xcc: {  	[sflag:s17] =	ssyncadd.s32 $0xFFFF6000  }
0xcd: {  	_ =	sfence.sel $0x180000  }
0xce: {  	[bflag:$0x0] =	sbarrier.arrive $0xFFFF  }
0xcf: {  	p0 =	sne.s32 s0, $0x0;
	_ =	strace $0x9000004D  }
0xd0: {  	s0 =	sadd.s32 @!p0 $0x100000, s1;
	[bflag:$0x2] =	sbarrier.arrive $0xFFFF  }
0xd1: {  	[sflag:s0] =	ssyncadd.tile.s32 @!p0 $0x1;
	_ =	shalt  }
.Lfunc_end2:
_tile_overlayer_lowered:
.L_overlay_start_2:
0xd2: {  	(tag) =	ssettag $0x2  }
0xd3: {  	s0 =	rddreg [dreg:$0x0];
	s2 =	stileid.u32  }
0xd4: {  	s1 =	rddreg [dreg:$0x1];
	p0 =	sne.s32 s2, $0x0  }
0xd5: {  	s3 =	rddreg [dreg:$0x2];
	[bflag:$0x3] =	sbarrier.arrive $0xFFFF;
	s2 =	simm.s32 @!p0 $0x1C09  }
0xd6: {  	[timem:s3], [sflag:s2] =	dma.local @!p0 [hbm:s0], s1  }
0xd7: {  	s0 =	simm.s32 @!p0 $0x9  }
0xd8: {  	_ =	swait.ge @!p0 [sflag:s0], s1  }
0xd9: {  	s1 =	ssub.s32 @!p0 $0x0, s1;
	[sflag:s0] =	ssyncset.done @!p0 $0x0  }
0xda: {  	[sflag:s0] =	ssyncadd.s32 @!p0 s1  }
0xdb: {  	[bflag:$0x3] =	sbarrier.arrive $0xFFFF  }
0xdc: {  	_ =	shalt  }

// kernel: kernel.22.cloned.1.call-start
scs
__scs_entry_jumppad:
0x0: {  	(pc) =	sbr.rel $0x88, $3  }
0x1: {  	(tag) =	ssettag $0x0;
	lr =	simm.s32 $0x1  }
0x2: {  	[smem:$0x3F91] =	sst lr;
	_ =	strace $0xD0000000  }
0x3: {  	_ = 	snop  }
0x4: {  	_ = 	snop  }
0x5: {  	_ = 	snop  }
0x6: {  	_ = 	snop  }
0x7: {  	_ = 	snop  }
__scs_overlays_trampoline_lowered:
0x8: {  	[smem:$0x3FA0] =	sst s0  }
0x9: {  	[smem:$0x3FA1] =	sst s1  }
0xa: {  	[smem:$0x3FA2] =	sst s2  }
0xb: {  	[smem:$0x3FA3] =	sst s3  }
0xc: {  	[smem:$0x3FA4] =	sst s4  }
0xd: {  	[smem:$0x3FA5] =	sst s5  }
0xe: {  	[smem:$0x3FA6] =	sst s6  }
0xf: {  	[smem:$0x3FA7] =	sst s7  }
0x10: {  	[smem:$0x3FA8] =	sst s8  }
0x11: {  	[smem:$0x3FA9] =	sst s9;
	s0 =	simm.s32 @!p0 $0x0  }
0x12: {  	s1 =	sld [smem:$0x3F8F];
	s0 =	simm.s32 @p0 $0x1  }
0x13: {  	[smem:$0x3FAA] =	sst s0;
	s0 =	simm.s32 @!p1 $0x0  }
0x14: {  	s2 =	sld [smem:$0x3F8E];
	s0 =	simm.s32 @p1 $0x1  }
0x15: {  	[smem:$0x3FAB] =	sst s0;
	s0 =	simm.s32 @!p2 $0x0  }
0x16: {  	s3 =	sld [smem:$0x3FDB];
	s0 =	simm.s32 @p2 $0x1  }
0x17: {  	s4 =	simm.s32 $0x1BF5;
	[smem:$0x3FAD] =	sst s0  }
0x18: {  	s0 =	sld [smem:$0x3F90];
	_ =	swait.ge [sflag:s4], $0x0  }
0x19: {  	s7 =	sld [smem:$0x3F91]  }
0x1a: {  	s8 =	sadd.s32 $0xFFFFE003, lr  }
0x1b: {  	s9 =	sadd.s32 $0xFFFFFEF7, lr;
	s5 =	simm.s32 $0xFFFFFFFF;
	p2 =	slt.u32 s8, $0xFFFFF086  }
0x1c: {  	p1 =	slt.u32 s9, $0xF7A;
	s5 =	simm.s32 @!p2 $0x0  }
0x1d: {  	s5 =	simm.s32 @p1 $0x1;
	p0 =	seq.s32 s7, s2  }
0x1e: {  	s7 =	smul.u32 @!p0 $0xF7A, s2;
	p2 =	seq.s32 @!p0 s5, $0x0  }
0x1f: {  	s9 =	smul.u32 $0xF7A, s1;
	s8 =	simm.s32 @!p0 $0x1BF5;
	p2 =	por !p2, p0  }
0x20: {  	[sflag:s8] =	ssyncset.s32 @!p0 $0xFFFFF086;
	s6 =	sadd.s32 @!p0 s3, s7;
	s7 =	simm.s32 @!p0 $0x108  }
0x21: {  	s3 =	sadd.s32 s3, s9;
	s6 =	sadd.s32 @!p0 $0x88, s6;
	s7 =	simm.s32 @p2 $0x1082  }
0x22: {  	[simem:s7], [sflag:s8] =	dma.local @!p0 [hbm:s6], $0xF7A  }
0x23: {  	s9 =	sor.u32 $0xD0000000, s2;
	s6 =	simm.s32 $0x108;
	_ =	swait.ge @!p0 [sflag:s8], $0x0  }
0x24: {  	s3 =	sadd.s32 $0x88, s3;
	s6 =	simm.s32 @!p1 $0x1082;
	[sflag:s4] =	ssyncset.s32 $0xFFFFF086  }
0x25: {  	[simem:s6], [sflag:s4] =	dma.local [hbm:s3], $0xF7A  }
0x26: {  	[smem:$0x3F91] =	sst s1;
	(tag) =	ssettag s2;
	_ =	strace s9  }
0x27: {  	s1 =	sld [smem:$0x3FA1]  }
0x28: {  	s2 =	sld [smem:$0x3FA2]  }
0x29: {  	s4 =	sld [smem:$0x3FA4]  }
0x2a: {  	p0 =	seq.s32 s5, $0x0;
	s5 =	sld [smem:$0x3FA5]  }
0x2b: {  	s6 =	sld [smem:$0x3FA6]  }
0x2c: {  	s7 =	sld [smem:$0x3FA7]  }
0x2d: {  	s3 =	simm.s32 $0x108;
	s8 =	sld [smem:$0x3FA8]  }
0x2e: {  	s3 =	simm.s32 @!p0 $0x1082;
	s9 =	sld [smem:$0x3FA9]  }
0x2f: {  	lr =	sadd.s32 s0, s3;
	s0 =	sld [smem:$0x3FA0]  }
0x30: {  	s3 =	sld [smem:$0x3FA3]  }
0x31: {  	[smem:$0x3FAC] =	sst s10  }
0x32: {  	s10 =	sld [smem:$0x3FAA];
	_ =	sdelay $0x3  }
0x33: {  	p0 =	seq.s32 s10, $0x1;
	s10 =	sld [smem:$0x3FAC];
	_ =	sdelay $0x3  }
0x34: {  	[smem:$0x3FAC] =	sst s10  }
0x35: {  	s10 =	sld [smem:$0x3FAB];
	_ =	sdelay $0x3  }
0x36: {  	p1 =	seq.s32 s10, $0x1;
	s10 =	sld [smem:$0x3FAC];
	_ =	sdelay $0x3  }
0x37: {  	[smem:$0x3FAC] =	sst s10  }
0x38: {  	s10 =	sld [smem:$0x3FAD]  }
0x39: {  	_ = 	snop;
	(pc) =	sbr.ind lr, $3  }
0x3a: {  	_ = 	snop  }
0x3b: {  	_ = 	snop  }
0x3c: {  	p2 =	seq.s32 s10, $0x1;
	s10 =	sld [smem:$0x3FAC]  }
0x3d: {  	_ =	shalt  }
0x3e: {  	_ =	shalt  }
0x3f: {  	_ =	shalt  }
0x40: {  	_ =	shalt  }
0x41: {  	_ =	shalt  }
0x42: {  	_ =	shalt  }
0x43: {  	_ =	shalt  }
0x44: {  	_ =	shalt  }
0x45: {  	_ =	shalt  }
0x46: {  	_ =	shalt  }
0x47: {  	_ =	shalt  }
0x48: {  	_ =	shalt  }
0x49: {  	_ =	shalt  }
0x4a: {  	_ =	shalt  }
0x4b: {  	_ =	shalt  }
0x4c: {  	_ =	shalt  }
0x4d: {  	_ =	shalt  }
0x4e: {  	_ =	shalt  }
0x4f: {  	_ =	shalt  }
0x50: {  	_ =	shalt  }
0x51: {  	_ =	shalt  }
0x52: {  	_ =	shalt  }
0x53: {  	_ =	shalt  }
0x54: {  	_ =	shalt  }
0x55: {  	_ =	shalt  }
0x56: {  	_ =	shalt  }
0x57: {  	_ =	shalt  }
0x58: {  	_ =	shalt  }
0x59: {  	_ =	shalt  }
0x5a: {  	_ =	shalt  }
0x5b: {  	_ =	shalt  }
0x5c: {  	_ =	shalt  }
0x5d: {  	_ =	shalt  }
0x5e: {  	_ =	shalt  }
0x5f: {  	_ =	shalt  }
0x60: {  	_ =	shalt  }
0x61: {  	_ =	shalt  }
0x62: {  	_ =	shalt  }
0x63: {  	_ =	shalt  }
0x64: {  	_ =	shalt  }
0x65: {  	_ =	shalt  }
0x66: {  	_ =	shalt  }
0x67: {  	_ =	shalt  }
0x68: {  	_ =	shalt  }
0x69: {  	_ =	shalt  }
0x6a: {  	_ =	shalt  }
0x6b: {  	_ =	shalt  }
0x6c: {  	_ =	shalt  }
0x6d: {  	_ =	shalt  }
0x6e: {  	_ =	shalt  }
0x6f: {  	_ =	shalt  }
0x70: {  	_ =	shalt  }
0x71: {  	_ =	shalt  }
0x72: {  	_ =	shalt  }
0x73: {  	_ =	shalt  }
0x74: {  	_ =	shalt  }
0x75: {  	_ =	shalt  }
0x76: {  	_ =	shalt  }
0x77: {  	_ =	shalt  }
0x78: {  	_ =	shalt  }
0x79: {  	_ =	shalt  }
0x7a: {  	_ =	shalt  }
0x7b: {  	_ =	shalt  }
0x7c: {  	_ =	shalt  }
0x7d: {  	_ =	shalt  }
0x7e: {  	_ =	shalt  }
0x7f: {  	_ =	shalt  }
0x80: {  	_ =	shalt  }
0x81: {  	_ =	shalt  }
0x82: {  	_ =	shalt  }
0x83: {  	_ =	shalt  }
0x84: {  	_ =	shalt  }
0x85: {  	_ =	shalt  }
0x86: {  	_ =	shalt  }
0x87: {  	_ =	shalt  }
.Lfunc_end0:
.L_simem_size_0:
called_computation.3_lowered:
.L_overlay_start_0:
0x88: {  	s2 =	sld [smem:$0x3FD9]  }
0x89: {  	s3 =	sld [smem:$0x3FFE];
	_ =	sdelay $0x1  }
0x8a: {  	s1 =	srdreg.scid  }
0x8b: {  	s0 =	sand.u32 $0x1, s1  }
0x8c: {  	s16 =	sshll.u32 s0, $0xA;
	s2 =	sadd.s32 s3, s2  }
0x8d: {  	s2 =	sadd.s32 s2, s16  }
0x8e: {  	[smem:$0x3FB8] =	sst s2  }
0x8f: {  	_ = 	snop  }
0x90: {  	(tm) =	ssettm $0x1  }
0x91: {  	s17 =	sld [smem:$0x3FFB];
	_ =	sdelay $0x3  }
0x92: {  	_ =	strace s17  }
0x93: {  	s2 =	sld [smem:$0x3FFC];
	_ =	sdelay $0x3  }
0x94: {  	_ =	strace s2  }
0x95: {  	s2 =	sld [smem:$0x3FFD];
	_ =	sdelay $0x3  }
0x96: {  	_ =	strace s2  }
0x97: {  	_ =	strace $0x8FFFFFFF  }
0x98: {  	s18 =	sld [smem:$0x3FDB];
	_ =	sdelay $0x1  }
0x99: {  	s19 =	simm.s32 $_scs_section_size  }
0x9a: {  	s4 =	simm.s32 $_size__tile_overlayer_lowered;
	s5 =	simm.s32 $_tile_overlayer_lowered  }
0x9b: {  	s22 =	simm.s32 $0x1BFF;
	s21 =	sshll.u32 s5, $0x1;
	s2 =	sadd.s32 s19, s18  }
0x9c: {  	s6 =	simm.s32 $0x0;
	s20 =	sshll.u32 s4, $0x1;
	s4 =	sadd.s32 s21, s2  }
0x9d: {  	[timem:s6], [sflag:s22] =	dma.local [hbm:s4], s20  }
0x9e: {  	_ =	swait.ge [sflag:s22], s20  }
0x9f: {  	s3 =	ssub.s32 $0x0, s20;
	[sflag:s22] =	ssyncset.done $0x0  }
0xa0: {  	[sflag:s22] =	ssyncadd.s32 s3;
	_ =	sdelay $0x1  }
0xa1: {  	s23 =	simm.s32 $0x1B8B  }
0xa2: {  	_ =	swait.ge [sflag:s23], $0x1  }
0xa3: {  	[sflag:s23] =	ssyncset.done $0x0  }
0xa4: {  	s25 =	simm.s32 $0x1B8E;
	s24 =	sld [smem:$0x3FFE];
	[sflag:s23] =	ssyncadd.s32 $0xFFFFFFFF  }
0xa5: {  	s26 =	simm.s32 $execute0_lowered;
	[smem:$0x3FD2] =	sst s25  }
0xa6: {  	s4 =	sshll.u32 s26, $0x1;
	_ =	strace $0x8000004F;
	[dreg:$0x1] =	wrdreg $0xFFFFFFFF  }
0xa7: {  	s28 =	simm.s32 $_size_execute0_lowered;
	s2 =	sadd.s32 s2, s4;
	[dreg:$0x0] =	wrdreg $0x0  }
0xa8: {  	s4 =	sshll.u32 s28, $0x1;
	[dreg:$0x2] =	wrdreg s2  }
0xa9: {  	[dreg:$0x3] =	wrdreg s4  }
0xaa: {  	[dreg:$0x4] =	wrdreg $0xC0  }
0xab: {  	_ =	task [dreg:s6], $0x5FFFF  }
0xac: {  	[dreg:$0x1] =	wrdreg $0xFFFFFFFF  }
0xad: {  	[dreg:$0x0] =	wrdreg $0x60  }
0xae: {  	[dreg:$0x2] =	wrdreg s24  }
0xaf: {  	[dreg:$0x3] =	wrdreg $0x102000  }
0xb0: {  	[dreg:$0x4] =	wrdreg $0x9  }
0xb1: {  	_ =	task.clear_ibuf [dreg:s6], $0x5FFFF;
	_ =	strace $0x9000004F  }
0xb2: {  	s29 =	simm.s32 $0x9;
	_ =	strace $0x80000051  }
0xb3: {  	_ =	swait.ge [sflag:s29], $0x1  }
0xb4: {  	[sflag:s29] =	ssyncadd.s32 $0xFFFFFFFF  }
0xb5: {  	_ =	strace $0x90000051  }
0xb6: {  	_ =	sfence  }
0xb7: {  	s30 =	sld [smem:$0x0];
	_ =	sdelay $0x2  }
0xb8: {  	s31 =	sshll.u32 s1, $0xD;
	s1 =	sshrl.u32 s1, $0x2  }
0xb9: {  	s3 =	sand.u32 $0x4000, s31;
	s1 =	sadd.s32 s1, s30  }
0xba: {  	s0 =	sor.u32 s3, s0;
	s1 =	sshll.u32 s1, $0x11  }
0xbb: {  	s0 =	sor.u32 s1, s0  }
0xbc: {  	s0 =	sadd.s32 $0x8F2B, s0  }
0xbd: {  	[sflag:s0] =	ssyncadd.remote.s32 $0x1  }
0xbe: {  	_ =	sfence.sel $0xFFFF  }
0xbf: {  	[dreg:$0x0] =	wrdreg $0xFFFFFFFF;
	(pc) =	sbr.abs _section_cstart, $3  }
0xc0: {  	[dreg:$0x1] =	wrdreg $0xFFFFFFFF  }
0xc1: {  	_ =	task.clear_ibuf [dreg:s6], $0x2FFFF;
	_ =	strace $0x9FFFFFFF  }
0xc2: {  	(tm) =	ssettm $0x7FFFFFFF  }
0xc3: {  	_ =	shalt  }
tec
execute0_lowered:
.L_overlay_start_1:
0x0: {  	(tag) =	ssettag $0x1  }
0x1: {  	s0 =	stileid.u32  }
0x2: {  	s1 =	srdreg.scid;
	s6 =	rddreg [dreg:$0x0]  }
0x3: {  	s2 =	rddreg [dreg:$0x1];
	s3 =	smul.u32 $0x3F, s0  }
0x4: {  	s18 =	simm.s32 $0x6200;
	s19 =	simm.s32 $0x0;
	s4 =	smul.u32 $0x5E, s0  }
0x5: {  	s7 =	sand.u32 $0x1, s1;
	s1 =	rddreg [dreg:$0x2];
	s8 =	smul.u32 $0x28000, s0  }
0x6: {  	s11 =	sadd.s32 $0x72600, s6;
	s13 =	sadd.s32 $0x5E600, s6;
	s12 =	smul.u32 $0xA000, s0  }
0x7: {  	p0 =	seq.s32 s7, $0x0;
	s7 =	ssub.s32 $0x2, s7;
	s5 =	sadd.s32 $0x5E0, s3  }
0x8: {  	s3 =	simm.s32 $0x0;
	s9 =	sshrl.u32 s7, $0x1;
	s8 =	sshrl.u32 s8, $0x2  }
0x9: {  	s17 =	sshrl.u32 s12, $0x3;
	s13 =	smov.u32 @p0 s11;
	s5 =	smov.u32 @p0 s4  }
0xa: {  	[smem:$0x7FF] =	sst s3;
	s4 =	sadd.s32 $0x4A600, s6;
	s14 =	ssub.s32 s7, s9  }
0xb: {  	s16 =	sadd.s32 s8, s2;
	s7 =	sadd.s32 s12, s2;
	s13 =	sadd.s32 s13, s17  }
0xc: {  	s17 =	simm.s32 $0x9;
	s5 =	sshll.u32 s5, $0x4;
	_ =	strace $0x80000050  }
0xd: {  	s8 =	sadd.s32 $0x2000, s16;
	s9 =	sadd.s32 $0x4000, s16;
	s10 =	sadd.s32 $0x6000, s16  }
0xe: {  	s11 =	sadd.s32 $0x8000, s16;
	s12 =	smax.u32 s14, $0x1;
	s16 =	simm.s32 $0x4200  }
0xf: {  	s15 =	sadd.s32 s5, s6;
	s5 =	sadd.s32 $0xE400, s6;
	s6 =	simm.s32 $0x5E  }
0x10: {  	s6 =	simm.s32 @!p0 $0x3F;
	s14 =	sadd.s32 $0x4600, s15;
	s15 =	sadd.s32 $0x18800, s15  }
.LBB2_1:
0x11: {  	[tilespmem:s16], [sflag:$0x9] =	stream.linear.gather [hbm4b:s5+s3], $0x2000, $0x38;
	[tilespmem:$0x1A200] =	vst v63  }
0x12: {  	_ =	swait.ge [sflag:s17], $0x2000  }
0x13: {  	[sflag:s17] =	ssyncset.done $0x0  }
0x14: {  	[sflag:s17] =	ssyncadd.s32 $0xFFFFE000  }
0x15: {  	[spmem:s7] =	stream.linear.scatter [tilespmem:s16], [sflag:$0x9], $0x2000, $0x38;
	[tilespmem:$0x1A200] =	vst v63  }
0x16: {  	_ =	swait.ge [sflag:s17], $0x2000  }
0x17: {  	[sflag:s17] =	ssyncset.done $0x0  }
0x18: {  	[sflag:s17] =	ssyncadd.s32 $0xFFFFE000  }
0x19: {  	[spmem:s8] =	stream.linear.scatter [tilespmem:s16], [sflag:$0x9], $0x2000, $0x38;
	[tilespmem:$0x1A200] =	vst v63  }
0x1a: {  	_ =	swait.ge [sflag:s17], $0x2000  }
0x1b: {  	[sflag:s17] =	ssyncset.done $0x0  }
0x1c: {  	[sflag:s17] =	ssyncadd.s32 $0xFFFFE000  }
0x1d: {  	[spmem:s9] =	stream.linear.scatter [tilespmem:s16], [sflag:$0x9], $0x2000, $0x38;
	[tilespmem:$0x1A200] =	vst v63  }
0x1e: {  	_ =	swait.ge [sflag:s17], $0x2000  }
0x1f: {  	[sflag:s17] =	ssyncset.done $0x0  }
0x20: {  	[sflag:s17] =	ssyncadd.s32 $0xFFFFE000  }
0x21: {  	[spmem:s10] =	stream.linear.scatter [tilespmem:s16], [sflag:$0x9], $0x2000, $0x38;
	[tilespmem:$0x1A200] =	vst v63  }
0x22: {  	_ =	swait.ge [sflag:s17], $0x2000  }
0x23: {  	[sflag:s17] =	ssyncset.done $0x0  }
0x24: {  	[sflag:s17] =	ssyncadd.s32 $0xFFFFE000  }
0x25: {  	[spmem:s11] =	stream.linear.scatter [tilespmem:s16], [sflag:$0x9], $0x2000, $0x38;
	[tilespmem:$0x1A200] =	vst v63  }
0x26: {  	_ =	swait.ge [sflag:s17], $0x2000  }
0x27: {  	[sflag:s17] =	ssyncset.done $0x0  }
0x28: {  	p0 =	sle.u32 s6, $0x1;
	[sflag:s17] =	ssyncadd.s32 $0xFFFFE000  }
0x29: {  	s20 =	sadd.s32 @!p0 $0x0, s15;
	s21 =	simm.s32 @!p0 $0x0;
	[bflag:$0x0] =	sbarrier.arrive $0xFFFF  }
0x2a: {  	[tilespmem:s21], [sflag:$0x1] =	stream.linear.gather @!p0 [hbm4b:s20+s21], $0x80, $0x38;
	[tilespmem:$0x1A200] =	vst v63  }
0x2b: {  	s22 =	sadd.s32 @!p0 $0x0, s14;
	s23 =	simm.s32 @!p0 $0x80  }
0x2c: {  	[tilespmem:s23], [sflag:$0x2] =	stream.linear.gather @!p0 [hbm4b:s22+s21], $0x80, $0x38;
	[tilespmem:$0x1A200] =	vst v63  }
0x2d: {  	s24 =	simm.s32 @!p0 $0x100;
	s20 =	sadd.s32 @!p0 $0x10, s20  }
0x2e: {  	[tilespmem:s24], [sflag:$0x3] =	stream.linear.gather @!p0 [hbm4b:s20+s21], $0x80, $0x38;
	[tilespmem:$0x1A200] =	vst v63  }
0x2f: {  	s25 =	simm.s32 @!p0 $0x1;
	s20 =	sadd.s32 @!p0 $0x10, s22;
	s22 =	simm.s32 @!p0 $0x180  }
0x30: {  	[tilespmem:s22], [sflag:$0x4] =	stream.linear.gather @!p0 [hbm4b:s20+s21], $0x80, $0x38;
	[tilespmem:$0x1A200] =	vst v63  }
0x31: {  	_ =	swait.ge @!p0 [sflag:s25], $0x80  }
0x32: {  	[sflag:s25] =	ssyncset.done @!p0 $0x0  }
0x33: {  	s26 =	simm.s32 @!p0 $0x3;
	s20 =	simm.s32 @!p0 $0x200;
	[sflag:s25] =	ssyncadd.s32 @!p0 $0xFFFFFF80  }
0x34: {  	[tilespmem:s20], [sflag:$0x5] =	stream.indirect.gather @!p0 [hbm4b:s4+s23], $0x40, s21, s23, $0xb8;
	[tilespmem:$0x1A200] =	vst v63  }
0x35: {  	_ =	swait.ge @!p0 [sflag:s26], $0x80  }
0x36: {  	[sflag:s26] =	ssyncset.done @!p0 $0x0  }
0x37: {  	s25 =	simm.s32 @!p0 $0x5;
	s21 =	simm.s32 @!p0 $0x2200;
	[sflag:s26] =	ssyncadd.s32 @!p0 $0xFFFFFF80  }
0x38: {  	[tilespmem:s21], [sflag:$0x6] =	stream.indirect.gather @!p0 [hbm4b:s4+s23], $0x40, s24, s23, $0xb8;
	[tilespmem:$0x1A200] =	vst v63  }
0x39: {  	_ =	swait.ge @!p0 [sflag:s25], $0x2000  }
0x3a: {  	[sflag:s25] =	ssyncset.done @!p0 $0x0  }
0x3b: {  	s24 =	simm.s32 @!p0 $0x2;
	[sflag:s25] =	ssyncadd.s32 @!p0 $0xFFFFE000  }
0x3c: {  	_ =	swait.ge @!p0 [sflag:s24], $0x80  }
0x3d: {  	[sflag:s24] =	ssyncset.done @!p0 $0x0  }
0x3e: {  	s25 =	simm.s32 @!p0 $0x6;
	[sflag:s24] =	ssyncadd.s32 @!p0 $0xFFFFFF80  }
0x3f: {  	[spmem:s2] =	stream.indirect.scatter.add.f32 @!p0 [tilespmem:s20], [sflag:$0x7], $0x40, s23, s23, $0xb8;
	[tilespmem:$0x1A200] =	vst v63  }
0x40: {  	_ =	swait.ge @!p0 [sflag:s25], $0x2000  }
0x41: {  	[sflag:s25] =	ssyncset.done @!p0 $0x0  }
0x42: {  	s20 =	simm.s32 @!p0 $0x4;
	[sflag:s25] =	ssyncadd.s32 @!p0 $0xFFFFE000  }
0x43: {  	_ =	swait.ge @!p0 [sflag:s20], $0x80  }
0x44: {  	[sflag:s20] =	ssyncset.done @!p0 $0x0  }
0x45: {  	s24 =	simm.s32 @!p0 $0x7;
	[sflag:s20] =	ssyncadd.s32 @!p0 $0xFFFFFF80  }
0x46: {  	[spmem:s2] =	stream.indirect.scatter.add.f32 @!p0 [tilespmem:s21], [sflag:$0x8], $0x40, s22, s23, $0xb8;
	[tilespmem:$0x1A200] =	vst v63  }
0x47: {  	_ =	swait.ge @!p0 [sflag:s24], $0x2000  }
0x48: {  	p1 =	sle.u32 s6, $0x0;
	[sflag:s24] =	ssyncset.done @!p0 $0x0  }
0x49: {  	p2 =	sgt.u32 @!p1 s6, $0x1;
	s20 =	simm.s32 @!p0 $0x8;
	[sflag:s24] =	ssyncadd.s32 @!p0 $0xFFFFE000  }
0x4a: {  	p2 =	por p2, p1;
	_ =	swait.ge @!p0 [sflag:s20], $0x2000  }
0x4b: {  	s21 =	sadd.s32 @!p2 $0x0, s15;
	[sflag:s20] =	ssyncset.done @!p0 $0x0  }
0x4c: {  	s22 =	simm.s32 @!p2 $0x0;
	[sflag:s20] =	ssyncadd.s32 @!p0 $0xFFFFE000;
	s20 =	simm.s32 @!p2 $0xA  }
0x4d: {  	[tilespmem:s22], [sflag:$0xA] =	stream.linear.gather @!p2 [hbm4b:s21+s22], $0x80, $0x38;
	[tilespmem:$0x1A200] =	vst v63  }
0x4e: {  	_ =	swait.ge @!p2 [sflag:s20], $0x80  }
0x4f: {  	[sflag:s20] =	ssyncset.done @!p2 $0x0  }
0x50: {  	s23 =	simm.s32 @!p2 $0x80;
	s21 =	sadd.s32 @!p2 $0x0, s14;
	[sflag:s20] =	ssyncadd.s32 @!p2 $0xFFFFFF80  }
0x51: {  	[tilespmem:s23], [sflag:$0xA] =	stream.linear.gather @!p2 [hbm4b:s21+s22], $0x80, $0x38;
	[tilespmem:$0x1A200] =	vst v63  }
0x52: {  	_ =	swait.ge @!p2 [sflag:s20], $0x80  }
0x53: {  	[sflag:s20] =	ssyncset.done @!p2 $0x0  }
0x54: {  	s21 =	simm.s32 @!p2 $0x200;
	[sflag:s20] =	ssyncadd.s32 @!p2 $0xFFFFFF80  }
0x55: {  	[tilespmem:s21], [sflag:$0xA] =	stream.indirect.gather @!p2 [hbm4b:s4+s23], $0x40, s22, s23, $0xb8;
	[tilespmem:$0x1A200] =	vst v63  }
0x56: {  	_ =	swait.ge @!p2 [sflag:s20], $0x2000  }
0x57: {  	s24 =	simm.s32 @!p2 $0x9;
	[sflag:s20] =	ssyncset.done @!p2 $0x0  }
0x58: {  	p0 =	sle.u32 s6, $0x3;
	s22 =	simm.s32 $0x40;
	[sflag:s20] =	ssyncadd.s32 @!p2 $0xFFFFE000  }
0x59: {  	[spmem:s2] =	stream.indirect.scatter.add.f32 @!p2 [tilespmem:s21], [sflag:$0x9], $0x40, s23, s23, $0xb8;
	[tilespmem:$0x1A200] =	vst v63  }
0x5a: {  	s20 =	simm.s32 $0x20;
	s21 =	simm.s32 $0x3;
	_ =	swait.ge @!p2 [sflag:s24], $0x2000  }
.LBB2_2:
0x5b: {  	s25 =	sadd.s32 @!p0 s20, s15  }
0x5c: {  	s26 =	simm.s32 @!p0 $0x0;
	[sflag:s24] =	ssyncset.done @!p2 $0x0;
	s23 =	smov.u32 s22  }
0x5d: {  	s22 =	sadd.s32 $0x20, s22;
	s28 =	sadd.s32 @!p0 $0x10, s25;
	[sflag:s24] =	ssyncadd.s32 @!p2 $0xFFFFE000  }
0x5e: {  	[tilespmem:s26], [sflag:$0x1] =	stream.linear.gather @!p0 [hbm4b:s25+s26], $0x80, $0x38;
	[tilespmem:$0x1A200] =	vst v63  }
0x5f: {  	p1 =	sne.s32 s22, $0x5E0;
	s24 =	simm.s32 @!p0 $0x80;
	s25 =	sadd.s32 @!p0 s20, s14  }
0x60: {  	[tilespmem:s24], [sflag:$0x2] =	stream.linear.gather @!p0 [hbm4b:s25+s26], $0x80, $0x38;
	[tilespmem:$0x1A200] =	vst v63  }
0x61: {  	s29 =	simm.s32 @!p0 $0x100;
	s25 =	sadd.s32 @!p0 $0x10, s25  }
0x62: {  	[tilespmem:s29], [sflag:$0x3] =	stream.linear.gather @!p0 [hbm4b:s28+s26], $0x80, $0x38;
	[tilespmem:$0x1A200] =	vst v63  }
0x63: {  	s30 =	simm.s32 @!p0 $0x1;
	s28 =	simm.s32 @!p0 $0x180  }
0x64: {  	[tilespmem:s28], [sflag:$0x4] =	stream.linear.gather @!p0 [hbm4b:s25+s26], $0x80, $0x38;
	[tilespmem:$0x1A200] =	vst v63  }
0x65: {  	_ =	swait.ge @!p0 [sflag:s30], $0x80  }
0x66: {  	s31 =	simm.s32 @!p0 $0x3;
	s25 =	simm.s32 @!p0 $0x200;
	[sflag:s30] =	ssyncset.done @!p0 $0x0  }
0x67: {  	[sflag:s30] =	ssyncadd.s32 @!p0 $0xFFFFFF80  }
0x68: {  	[tilespmem:s25], [sflag:$0x5] =	stream.indirect.gather @!p0 [hbm4b:s4+s24], $0x40, s26, s24, $0xb8;
	[tilespmem:$0x1A200] =	vst v63  }
0x69: {  	_ =	swait.ge @!p0 [sflag:s31], $0x80  }
0x6a: {  	s30 =	simm.s32 @!p0 $0x5;
	s26 =	simm.s32 @!p0 $0x2200;
	[sflag:s31] =	ssyncset.done @!p0 $0x0  }
0x6b: {  	[sflag:s31] =	ssyncadd.s32 @!p0 $0xFFFFFF80  }
0x6c: {  	[tilespmem:s26], [sflag:$0x6] =	stream.indirect.gather @!p0 [hbm4b:s4+s24], $0x40, s29, s24, $0xb8;
	[tilespmem:$0x1A200] =	vst v63  }
0x6d: {  	_ =	swait.ge @!p0 [sflag:s30], $0x2000  }
0x6e: {  	s29 =	simm.s32 @!p0 $0x2;
	[sflag:s30] =	ssyncset.done @!p0 $0x0  }
0x6f: {  	[sflag:s30] =	ssyncadd.s32 @!p0 $0xFFFFE000  }
0x70: {  	_ =	swait.ge @!p0 [sflag:s29], $0x80  }
0x71: {  	s30 =	simm.s32 @!p0 $0x6;
	[sflag:s29] =	ssyncset.done @!p0 $0x0  }
0x72: {  	[sflag:s29] =	ssyncadd.s32 @!p0 $0xFFFFFF80  }
0x73: {  	[spmem:s2] =	stream.indirect.scatter.add.f32 @!p0 [tilespmem:s25], [sflag:$0x7], $0x40, s24, s24, $0xb8;
	[tilespmem:$0x1A200] =	vst v63  }
0x74: {  	_ =	swait.ge @!p0 [sflag:s30], $0x2000  }
0x75: {  	s25 =	simm.s32 @!p0 $0x4;
	[sflag:s30] =	ssyncset.done @!p0 $0x0  }
0x76: {  	[sflag:s30] =	ssyncadd.s32 @!p0 $0xFFFFE000  }
0x77: {  	_ =	swait.ge @!p0 [sflag:s25], $0x80  }
0x78: {  	s29 =	simm.s32 @!p0 $0x7;
	[sflag:s25] =	ssyncset.done @!p0 $0x0  }
0x79: {  	[sflag:s25] =	ssyncadd.s32 @!p0 $0xFFFFFF80  }
0x7a: {  	[spmem:s2] =	stream.indirect.scatter.add.f32 @!p0 [tilespmem:s26], [sflag:$0x8], $0x40, s28, s24, $0xb8;
	[tilespmem:$0x1A200] =	vst v63  }
0x7b: {  	s24 =	sadd.s32 $0xFFFFFFFF, s21;
	_ =	swait.ge @!p0 [sflag:s29], $0x2000  }
0x7c: {  	s25 =	simm.s32 @!p0 $0x8;
	p2 =	sge.u32 s24, s6;
	[sflag:s29] =	ssyncset.done @!p0 $0x0  }
0x7d: {  	p3 =	slt.u32 @!p2 s21, s6;
	[sflag:s29] =	ssyncadd.s32 @!p0 $0xFFFFE000  }
0x7e: {  	p2 =	por p3, p2;
	_ =	swait.ge @!p0 [sflag:s25], $0x2000  }
0x7f: {  	s24 =	sadd.s32 @!p2 s20, s15;
	s26 =	simm.s32 @!p2 $0x0;
	[sflag:s25] =	ssyncset.done @!p0 $0x0  }
0x80: {  	[sflag:s25] =	ssyncadd.s32 @!p0 $0xFFFFE000;
	s25 =	simm.s32 @!p2 $0xA  }
0x81: {  	[tilespmem:s26], [sflag:$0xA] =	stream.linear.gather @!p2 [hbm4b:s24+s26], $0x80, $0x38;
	[tilespmem:$0x1A200] =	vst v63  }
0x82: {  	_ =	swait.ge @!p2 [sflag:s25], $0x80  }
0x83: {  	s28 =	simm.s32 @!p2 $0x80;
	s24 =	sadd.s32 @!p2 s20, s14;
	[sflag:s25] =	ssyncset.done @!p2 $0x0  }
0x84: {  	s20 =	smov.u32 s23;
	[sflag:s25] =	ssyncadd.s32 @!p2 $0xFFFFFF80  }
0x85: {  	[tilespmem:s28], [sflag:$0xA] =	stream.linear.gather @!p2 [hbm4b:s24+s26], $0x80, $0x38;
	[tilespmem:$0x1A200] =	vst v63  }
0x86: {  	_ =	swait.ge @!p2 [sflag:s25], $0x80  }
0x87: {  	s23 =	simm.s32 @!p2 $0x200;
	[sflag:s25] =	ssyncset.done @!p2 $0x0  }
0x88: {  	[sflag:s25] =	ssyncadd.s32 @!p2 $0xFFFFFF80  }
0x89: {  	[tilespmem:s23], [sflag:$0xA] =	stream.indirect.gather @!p2 [hbm4b:s4+s28], $0x40, s26, s28, $0xb8;
	[tilespmem:$0x1A200] =	vst v63  }
.Ltmp0:
0x8a: {  	_ =	swait.ge @!p2 [sflag:s25], $0x2000;
	(pc) =	sbr.rel @p1 .LBB2_2-.Ltmp0, $4  }
0x8b: {  	[sflag:s25] =	ssyncset.done @!p2 $0x0  }
0x8c: {  	s21 =	sadd.s32 $0x2, s21;
	s24 =	simm.s32 @!p2 $0x9;
	[sflag:s25] =	ssyncadd.s32 @!p2 $0xFFFFE000  }
0x8d: {  	[spmem:s2] =	stream.indirect.scatter.add.f32 @!p2 [tilespmem:s23], [sflag:$0x9], $0x40, s28, s28, $0xb8;
	[tilespmem:$0x1A200] =	vst v63  }
0x8e: {  	p0 =	sge.u32 s21, s6;
	_ =	swait.ge @!p2 [sflag:s24], $0x2000  }
0x8f: {  	[sflag:s24] =	ssyncset.done @!p2 $0x0  }
0x90: {  	s22 =	sadd.s32 @!p0 s20, s15;
	s23 =	simm.s32 @!p0 $0x0;
	[sflag:s24] =	ssyncadd.s32 @!p2 $0xFFFFE000  }
0x91: {  	[tilespmem:s23], [sflag:$0x1] =	stream.linear.gather @!p0 [hbm4b:s22+s23], $0x80, $0x38;
	[tilespmem:$0x1A200] =	vst v63  }
0x92: {  	s25 =	simm.s32 @!p0 $0x80;
	s24 =	sadd.s32 @!p0 s20, s14  }
0x93: {  	[tilespmem:s25], [sflag:$0x2] =	stream.linear.gather @!p0 [hbm4b:s24+s23], $0x80, $0x38;
	[tilespmem:$0x1A200] =	vst v63  }
0x94: {  	s26 =	simm.s32 @!p0 $0x100;
	s22 =	sadd.s32 @!p0 $0x10, s22  }
0x95: {  	[tilespmem:s26], [sflag:$0x3] =	stream.linear.gather @!p0 [hbm4b:s22+s23], $0x80, $0x38;
	[tilespmem:$0x1A200] =	vst v63  }
0x96: {  	s28 =	simm.s32 @!p0 $0x1;
	s22 =	sadd.s32 @!p0 $0x10, s24;
	s24 =	simm.s32 @!p0 $0x180  }
0x97: {  	[tilespmem:s24], [sflag:$0x4] =	stream.linear.gather @!p0 [hbm4b:s22+s23], $0x80, $0x38;
	[tilespmem:$0x1A200] =	vst v63  }
0x98: {  	_ =	swait.ge @!p0 [sflag:s28], $0x80  }
0x99: {  	[sflag:s28] =	ssyncset.done @!p0 $0x0  }
0x9a: {  	s29 =	simm.s32 @!p0 $0x3;
	s22 =	simm.s32 @!p0 $0x200;
	[sflag:s28] =	ssyncadd.s32 @!p0 $0xFFFFFF80  }
0x9b: {  	[tilespmem:s22], [sflag:$0x5] =	stream.indirect.gather @!p0 [hbm4b:s4+s25], $0x40, s23, s25, $0xb8;
	[tilespmem:$0x1A200] =	vst v63  }
0x9c: {  	_ =	swait.ge @!p0 [sflag:s29], $0x80  }
0x9d: {  	[sflag:s29] =	ssyncset.done @!p0 $0x0  }
0x9e: {  	s28 =	simm.s32 @!p0 $0x5;
	s23 =	simm.s32 @!p0 $0x2200;
	[sflag:s29] =	ssyncadd.s32 @!p0 $0xFFFFFF80  }
0x9f: {  	[tilespmem:s23], [sflag:$0x6] =	stream.indirect.gather @!p0 [hbm4b:s4+s25], $0x40, s26, s25, $0xb8;
	[tilespmem:$0x1A200] =	vst v63  }
0xa0: {  	_ =	swait.ge @!p0 [sflag:s28], $0x2000  }
0xa1: {  	[sflag:s28] =	ssyncset.done @!p0 $0x0  }
0xa2: {  	s26 =	simm.s32 @!p0 $0x2;
	[sflag:s28] =	ssyncadd.s32 @!p0 $0xFFFFE000  }
0xa3: {  	_ =	swait.ge @!p0 [sflag:s26], $0x80  }
0xa4: {  	[sflag:s26] =	ssyncset.done @!p0 $0x0  }
0xa5: {  	s28 =	simm.s32 @!p0 $0x6;
	[sflag:s26] =	ssyncadd.s32 @!p0 $0xFFFFFF80  }
0xa6: {  	[spmem:s2] =	stream.indirect.scatter.add.f32 @!p0 [tilespmem:s22], [sflag:$0x7], $0x40, s25, s25, $0xb8;
	[tilespmem:$0x1A200] =	vst v63  }
0xa7: {  	_ =	swait.ge @!p0 [sflag:s28], $0x2000  }
0xa8: {  	[sflag:s28] =	ssyncset.done @!p0 $0x0  }
0xa9: {  	s22 =	simm.s32 @!p0 $0x4;
	[sflag:s28] =	ssyncadd.s32 @!p0 $0xFFFFE000  }
0xaa: {  	_ =	swait.ge @!p0 [sflag:s22], $0x80  }
0xab: {  	[sflag:s22] =	ssyncset.done @!p0 $0x0  }
0xac: {  	s26 =	simm.s32 @!p0 $0x7;
	[sflag:s22] =	ssyncadd.s32 @!p0 $0xFFFFFF80  }
0xad: {  	[spmem:s2] =	stream.indirect.scatter.add.f32 @!p0 [tilespmem:s23], [sflag:$0x8], $0x40, s24, s25, $0xb8;
	[tilespmem:$0x1A200] =	vst v63  }
0xae: {  	s31 =	sadd.s32 $0xFFFFFFFF, s21;
	_ =	swait.ge @!p0 [sflag:s26], $0x2000  }
0xaf: {  	p1 =	sge.u32 s31, s6;
	[sflag:s26] =	ssyncset.done @!p0 $0x0  }
0xb0: {  	p2 =	slt.u32 @!p1 s21, s6;
	s22 =	simm.s32 @!p0 $0x8;
	[sflag:s26] =	ssyncadd.s32 @!p0 $0xFFFFE000  }
0xb1: {  	p1 =	por p2, p1;
	_ =	swait.ge @!p0 [sflag:s22], $0x2000  }
0xb2: {  	s21 =	sadd.s32 @!p1 s20, s15;
	[sflag:s22] =	ssyncset.done @!p0 $0x0  }
0xb3: {  	s23 =	simm.s32 @!p1 $0x0;
	[sflag:s22] =	ssyncadd.s32 @!p0 $0xFFFFE000;
	s22 =	simm.s32 @!p1 $0xA  }
0xb4: {  	[tilespmem:s23], [sflag:$0xA] =	stream.linear.gather @!p1 [hbm4b:s21+s23], $0x80, $0x38;
	[tilespmem:$0x1A200] =	vst v63  }
0xb5: {  	_ =	swait.ge @!p1 [sflag:s22], $0x80  }
0xb6: {  	[sflag:s22] =	ssyncset.done @!p1 $0x0  }
0xb7: {  	s20 =	sadd.s32 @!p1 s20, s14;
	s21 =	simm.s32 @!p1 $0x80;
	[sflag:s22] =	ssyncadd.s32 @!p1 $0xFFFFFF80  }
0xb8: {  	[tilespmem:s21], [sflag:$0xA] =	stream.linear.gather @!p1 [hbm4b:s20+s23], $0x80, $0x38;
	[tilespmem:$0x1A200] =	vst v63  }
0xb9: {  	_ =	swait.ge @!p1 [sflag:s22], $0x80  }
0xba: {  	[sflag:s22] =	ssyncset.done @!p1 $0x0  }
0xbb: {  	s20 =	simm.s32 @!p1 $0x200;
	[sflag:s22] =	ssyncadd.s32 @!p1 $0xFFFFFF80  }
0xbc: {  	[tilespmem:s20], [sflag:$0xA] =	stream.indirect.gather @!p1 [hbm4b:s4+s21], $0x40, s23, s21, $0xb8;
	[tilespmem:$0x1A200] =	vst v63  }
0xbd: {  	_ =	swait.ge @!p1 [sflag:s22], $0x2000  }
0xbe: {  	[sflag:s22] =	ssyncset.done @!p1 $0x0  }
0xbf: {  	[sflag:s22] =	ssyncadd.s32 @!p1 $0xFFFFE000;
	s22 =	simm.s32 @!p1 $0x9  }
0xc0: {  	[spmem:s2] =	stream.indirect.scatter.add.f32 @!p1 [tilespmem:s20], [sflag:$0x9], $0x40, s21, s21, $0xb8;
	[tilespmem:$0x1A200] =	vst v63  }
0xc1: {  	_ =	swait.ge @!p1 [sflag:s22], $0x2000  }
0xc2: {  	[sflag:s22] =	ssyncset.done @!p1 $0x0  }
0xc3: {  	[sflag:s22] =	ssyncadd.s32 @!p1 $0xFFFFE000  }
0xc4: {  	[bflag:$0x0] =	sbarrier.arrive $0xFFFF  }
0xc5: {  	[tilespmem:s18], [sflag:$0x9] =	stream.linear.gather [spmem:s7], $0xA000, $0x38;
	[tilespmem:$0x1A200] =	vst v63  }
0xc6: {  	s19 =	sadd.s32 $0x1, s19;
	_ =	swait.ge [sflag:s17], $0xA000  }
0xc7: {  	p0 =	sne.s32 s19, s12;
	[sflag:s17] =	ssyncset.done $0x0  }
.Ltmp1:
0xc8: {  	[sflag:s17] =	ssyncadd.s32 $0xFFFF6000;
	(pc) =	sbr.rel @p0 .LBB2_1-.Ltmp1, $4  }
0xc9: {  	[hbm4b:s13+s3] =	stream.linear.scatter [tilespmem:s18], [sflag:$0x9], $0xA000, $0x38;
	[tilespmem:$0x1A200] =	vst v63  }
0xca: {  	_ =	swait.ge [sflag:s17], $0xA000  }
0xcb: {  	[sflag:s17] =	ssyncset.done $0x0  }
0xcc: {  	[sflag:s17] =	ssyncadd.s32 $0xFFFF6000  }
0xcd: {  	_ =	sfence.sel $0x180000  }
0xce: {  	[bflag:$0x0] =	sbarrier.arrive $0xFFFF  }
0xcf: {  	p0 =	sne.s32 s0, $0x0;
	_ =	strace $0x90000050  }
0xd0: {  	s0 =	sadd.s32 @!p0 $0x100000, s1;
	[bflag:$0x2] =	sbarrier.arrive $0xFFFF  }
0xd1: {  	[sflag:s0] =	ssyncadd.tile.s32 @!p0 $0x1;
	_ =	shalt  }
.Lfunc_end2:
_tile_overlayer_lowered:
.L_overlay_start_2:
0xd2: {  	(tag) =	ssettag $0x2  }
0xd3: {  	s0 =	rddreg [dreg:$0x0];
	s2 =	stileid.u32  }
0xd4: {  	s1 =	rddreg [dreg:$0x1];
	p0 =	sne.s32 s2, $0x0  }
0xd5: {  	s3 =	rddreg [dreg:$0x2];
	[bflag:$0x3] =	sbarrier.arrive $0xFFFF;
	s2 =	simm.s32 @!p0 $0x1C09  }
0xd6: {  	[timem:s3], [sflag:s2] =	dma.local @!p0 [hbm:s0], s1  }
0xd7: {  	s0 =	simm.s32 @!p0 $0x9  }
0xd8: {  	_ =	swait.ge @!p0 [sflag:s0], s1  }
0xd9: {  	s1 =	ssub.s32 @!p0 $0x0, s1;
	[sflag:s0] =	ssyncset.done @!p0 $0x0  }
0xda: {  	[sflag:s0] =	ssyncadd.s32 @!p0 s1  }
0xdb: {  	[bflag:$0x3] =	sbarrier.arrive $0xFFFF  }
0xdc: {  	_ =	shalt  }

// kernel: kernel.25.cloned.1.call-start
scs
__scs_entry_jumppad:
0x0: {  	(pc) =	sbr.rel $0x88, $3  }
0x1: {  	(tag) =	ssettag $0x0;
	lr =	simm.s32 $0x1  }
0x2: {  	[smem:$0x3F91] =	sst lr;
	_ =	strace $0xD0000000  }
0x3: {  	_ = 	snop  }
0x4: {  	_ = 	snop  }
0x5: {  	_ = 	snop  }
0x6: {  	_ = 	snop  }
0x7: {  	_ = 	snop  }
__scs_overlays_trampoline_lowered:
0x8: {  	[smem:$0x3FA0] =	sst s0  }
0x9: {  	[smem:$0x3FA1] =	sst s1  }
0xa: {  	[smem:$0x3FA2] =	sst s2  }
0xb: {  	[smem:$0x3FA3] =	sst s3  }
0xc: {  	[smem:$0x3FA4] =	sst s4  }
0xd: {  	[smem:$0x3FA5] =	sst s5  }
0xe: {  	[smem:$0x3FA6] =	sst s6  }
0xf: {  	[smem:$0x3FA7] =	sst s7  }
0x10: {  	[smem:$0x3FA8] =	sst s8  }
0x11: {  	[smem:$0x3FA9] =	sst s9;
	s0 =	simm.s32 @!p0 $0x0  }
0x12: {  	s1 =	sld [smem:$0x3F8F];
	s0 =	simm.s32 @p0 $0x1  }
0x13: {  	[smem:$0x3FAA] =	sst s0;
	s0 =	simm.s32 @!p1 $0x0  }
0x14: {  	s2 =	sld [smem:$0x3F8E];
	s0 =	simm.s32 @p1 $0x1  }
0x15: {  	[smem:$0x3FAB] =	sst s0;
	s0 =	simm.s32 @!p2 $0x0  }
0x16: {  	s3 =	sld [smem:$0x3FDB];
	s0 =	simm.s32 @p2 $0x1  }
0x17: {  	s4 =	simm.s32 $0x1BF5;
	[smem:$0x3FAD] =	sst s0  }
0x18: {  	s0 =	sld [smem:$0x3F90];
	_ =	swait.ge [sflag:s4], $0x0  }
0x19: {  	s7 =	sld [smem:$0x3F91]  }
0x1a: {  	s8 =	sadd.s32 $0xFFFFE003, lr  }
0x1b: {  	s9 =	sadd.s32 $0xFFFFFEF7, lr;
	s5 =	simm.s32 $0xFFFFFFFF;
	p2 =	slt.u32 s8, $0xFFFFF086  }
0x1c: {  	p1 =	slt.u32 s9, $0xF7A;
	s5 =	simm.s32 @!p2 $0x0  }
0x1d: {  	s5 =	simm.s32 @p1 $0x1;
	p0 =	seq.s32 s7, s2  }
0x1e: {  	s7 =	smul.u32 @!p0 $0xF7A, s2;
	p2 =	seq.s32 @!p0 s5, $0x0  }
0x1f: {  	s9 =	smul.u32 $0xF7A, s1;
	s8 =	simm.s32 @!p0 $0x1BF5;
	p2 =	por !p2, p0  }
0x20: {  	[sflag:s8] =	ssyncset.s32 @!p0 $0xFFFFF086;
	s6 =	sadd.s32 @!p0 s3, s7;
	s7 =	simm.s32 @!p0 $0x108  }
0x21: {  	s3 =	sadd.s32 s3, s9;
	s6 =	sadd.s32 @!p0 $0x88, s6;
	s7 =	simm.s32 @p2 $0x1082  }
0x22: {  	[simem:s7], [sflag:s8] =	dma.local @!p0 [hbm:s6], $0xF7A  }
0x23: {  	s9 =	sor.u32 $0xD0000000, s2;
	s6 =	simm.s32 $0x108;
	_ =	swait.ge @!p0 [sflag:s8], $0x0  }
0x24: {  	s3 =	sadd.s32 $0x88, s3;
	s6 =	simm.s32 @!p1 $0x1082;
	[sflag:s4] =	ssyncset.s32 $0xFFFFF086  }
0x25: {  	[simem:s6], [sflag:s4] =	dma.local [hbm:s3], $0xF7A  }
0x26: {  	[smem:$0x3F91] =	sst s1;
	(tag) =	ssettag s2;
	_ =	strace s9  }
0x27: {  	s1 =	sld [smem:$0x3FA1]  }
0x28: {  	s2 =	sld [smem:$0x3FA2]  }
0x29: {  	s4 =	sld [smem:$0x3FA4]  }
0x2a: {  	p0 =	seq.s32 s5, $0x0;
	s5 =	sld [smem:$0x3FA5]  }
0x2b: {  	s6 =	sld [smem:$0x3FA6]  }
0x2c: {  	s7 =	sld [smem:$0x3FA7]  }
0x2d: {  	s3 =	simm.s32 $0x108;
	s8 =	sld [smem:$0x3FA8]  }
0x2e: {  	s3 =	simm.s32 @!p0 $0x1082;
	s9 =	sld [smem:$0x3FA9]  }
0x2f: {  	lr =	sadd.s32 s0, s3;
	s0 =	sld [smem:$0x3FA0]  }
0x30: {  	s3 =	sld [smem:$0x3FA3]  }
0x31: {  	[smem:$0x3FAC] =	sst s10  }
0x32: {  	s10 =	sld [smem:$0x3FAA];
	_ =	sdelay $0x3  }
0x33: {  	p0 =	seq.s32 s10, $0x1;
	s10 =	sld [smem:$0x3FAC];
	_ =	sdelay $0x3  }
0x34: {  	[smem:$0x3FAC] =	sst s10  }
0x35: {  	s10 =	sld [smem:$0x3FAB];
	_ =	sdelay $0x3  }
0x36: {  	p1 =	seq.s32 s10, $0x1;
	s10 =	sld [smem:$0x3FAC];
	_ =	sdelay $0x3  }
0x37: {  	[smem:$0x3FAC] =	sst s10  }
0x38: {  	s10 =	sld [smem:$0x3FAD]  }
0x39: {  	_ = 	snop;
	(pc) =	sbr.ind lr, $3  }
0x3a: {  	_ = 	snop  }
0x3b: {  	_ = 	snop  }
0x3c: {  	p2 =	seq.s32 s10, $0x1;
	s10 =	sld [smem:$0x3FAC]  }
0x3d: {  	_ =	shalt  }
0x3e: {  	_ =	shalt  }
0x3f: {  	_ =	shalt  }
0x40: {  	_ =	shalt  }
0x41: {  	_ =	shalt  }
0x42: {  	_ =	shalt  }
0x43: {  	_ =	shalt  }
0x44: {  	_ =	shalt  }
0x45: {  	_ =	shalt  }
0x46: {  	_ =	shalt  }
0x47: {  	_ =	shalt  }
0x48: {  	_ =	shalt  }
0x49: {  	_ =	shalt  }
0x4a: {  	_ =	shalt  }
0x4b: {  	_ =	shalt  }
0x4c: {  	_ =	shalt  }
0x4d: {  	_ =	shalt  }
0x4e: {  	_ =	shalt  }
0x4f: {  	_ =	shalt  }
0x50: {  	_ =	shalt  }
0x51: {  	_ =	shalt  }
0x52: {  	_ =	shalt  }
0x53: {  	_ =	shalt  }
0x54: {  	_ =	shalt  }
0x55: {  	_ =	shalt  }
0x56: {  	_ =	shalt  }
0x57: {  	_ =	shalt  }
0x58: {  	_ =	shalt  }
0x59: {  	_ =	shalt  }
0x5a: {  	_ =	shalt  }
0x5b: {  	_ =	shalt  }
0x5c: {  	_ =	shalt  }
0x5d: {  	_ =	shalt  }
0x5e: {  	_ =	shalt  }
0x5f: {  	_ =	shalt  }
0x60: {  	_ =	shalt  }
0x61: {  	_ =	shalt  }
0x62: {  	_ =	shalt  }
0x63: {  	_ =	shalt  }
0x64: {  	_ =	shalt  }
0x65: {  	_ =	shalt  }
0x66: {  	_ =	shalt  }
0x67: {  	_ =	shalt  }
0x68: {  	_ =	shalt  }
0x69: {  	_ =	shalt  }
0x6a: {  	_ =	shalt  }
0x6b: {  	_ =	shalt  }
0x6c: {  	_ =	shalt  }
0x6d: {  	_ =	shalt  }
0x6e: {  	_ =	shalt  }
0x6f: {  	_ =	shalt  }
0x70: {  	_ =	shalt  }
0x71: {  	_ =	shalt  }
0x72: {  	_ =	shalt  }
0x73: {  	_ =	shalt  }
0x74: {  	_ =	shalt  }
0x75: {  	_ =	shalt  }
0x76: {  	_ =	shalt  }
0x77: {  	_ =	shalt  }
0x78: {  	_ =	shalt  }
0x79: {  	_ =	shalt  }
0x7a: {  	_ =	shalt  }
0x7b: {  	_ =	shalt  }
0x7c: {  	_ =	shalt  }
0x7d: {  	_ =	shalt  }
0x7e: {  	_ =	shalt  }
0x7f: {  	_ =	shalt  }
0x80: {  	_ =	shalt  }
0x81: {  	_ =	shalt  }
0x82: {  	_ =	shalt  }
0x83: {  	_ =	shalt  }
0x84: {  	_ =	shalt  }
0x85: {  	_ =	shalt  }
0x86: {  	_ =	shalt  }
0x87: {  	_ =	shalt  }
.Lfunc_end0:
.L_simem_size_0:
called_computation.4_lowered:
.L_overlay_start_0:
0x88: {  	s2 =	sld [smem:$0x3FD9]  }
0x89: {  	s3 =	sld [smem:$0x3FFE];
	_ =	sdelay $0x1  }
0x8a: {  	s1 =	srdreg.scid  }
0x8b: {  	s0 =	sand.u32 $0x1, s1  }
0x8c: {  	s16 =	sshll.u32 s0, $0xA;
	s2 =	sadd.s32 s3, s2  }
0x8d: {  	s2 =	sadd.s32 s2, s16  }
0x8e: {  	[smem:$0x3FB8] =	sst s2  }
0x8f: {  	_ = 	snop  }
0x90: {  	(tm) =	ssettm $0x1  }
0x91: {  	s17 =	sld [smem:$0x3FFB];
	_ =	sdelay $0x3  }
0x92: {  	_ =	strace s17  }
0x93: {  	s2 =	sld [smem:$0x3FFC];
	_ =	sdelay $0x3  }
0x94: {  	_ =	strace s2  }
0x95: {  	s2 =	sld [smem:$0x3FFD];
	_ =	sdelay $0x3  }
0x96: {  	_ =	strace s2  }
0x97: {  	_ =	strace $0x8FFFFFFF  }
0x98: {  	s18 =	sld [smem:$0x3FDB];
	_ =	sdelay $0x1  }
0x99: {  	s19 =	simm.s32 $_scs_section_size  }
0x9a: {  	s4 =	simm.s32 $_size__tile_overlayer_lowered;
	s5 =	simm.s32 $_tile_overlayer_lowered  }
0x9b: {  	s22 =	simm.s32 $0x1BFF;
	s21 =	sshll.u32 s5, $0x1;
	s2 =	sadd.s32 s19, s18  }
0x9c: {  	s6 =	simm.s32 $0x0;
	s20 =	sshll.u32 s4, $0x1;
	s4 =	sadd.s32 s21, s2  }
0x9d: {  	[timem:s6], [sflag:s22] =	dma.local [hbm:s4], s20  }
0x9e: {  	_ =	swait.ge [sflag:s22], s20  }
0x9f: {  	s3 =	ssub.s32 $0x0, s20;
	[sflag:s22] =	ssyncset.done $0x0  }
0xa0: {  	[sflag:s22] =	ssyncadd.s32 s3;
	_ =	sdelay $0x1  }
0xa1: {  	s23 =	simm.s32 $0x1B8B  }
0xa2: {  	_ =	swait.ge [sflag:s23], $0x1  }
0xa3: {  	[sflag:s23] =	ssyncset.done $0x0  }
0xa4: {  	s25 =	simm.s32 $0x1B8E;
	s24 =	sld [smem:$0x3FFE];
	[sflag:s23] =	ssyncadd.s32 $0xFFFFFFFF  }
0xa5: {  	s26 =	simm.s32 $execute0_lowered;
	[smem:$0x3FD2] =	sst s25  }
0xa6: {  	s4 =	sshll.u32 s26, $0x1;
	_ =	strace $0x80000052;
	[dreg:$0x1] =	wrdreg $0xFFFFFFFF  }
0xa7: {  	s28 =	simm.s32 $_size_execute0_lowered;
	s2 =	sadd.s32 s2, s4;
	[dreg:$0x0] =	wrdreg $0x0  }
0xa8: {  	s4 =	sshll.u32 s28, $0x1;
	[dreg:$0x2] =	wrdreg s2  }
0xa9: {  	[dreg:$0x3] =	wrdreg s4  }
0xaa: {  	[dreg:$0x4] =	wrdreg $0xC0  }
0xab: {  	_ =	task [dreg:s6], $0x5FFFF  }
0xac: {  	[dreg:$0x1] =	wrdreg $0xFFFFFFFF  }
0xad: {  	[dreg:$0x0] =	wrdreg $0x60  }
0xae: {  	[dreg:$0x2] =	wrdreg s24  }
0xaf: {  	[dreg:$0x3] =	wrdreg $0x102000  }
0xb0: {  	[dreg:$0x4] =	wrdreg $0x9  }
0xb1: {  	_ =	task.clear_ibuf [dreg:s6], $0x5FFFF;
	_ =	strace $0x90000052  }
0xb2: {  	s29 =	simm.s32 $0x9;
	_ =	strace $0x80000054  }
0xb3: {  	_ =	swait.ge [sflag:s29], $0x1  }
0xb4: {  	[sflag:s29] =	ssyncadd.s32 $0xFFFFFFFF  }
0xb5: {  	_ =	strace $0x90000054  }
0xb6: {  	_ =	sfence  }
0xb7: {  	s30 =	sld [smem:$0x0];
	_ =	sdelay $0x2  }
0xb8: {  	s31 =	sshll.u32 s1, $0xD;
	s1 =	sshrl.u32 s1, $0x2  }
0xb9: {  	s3 =	sand.u32 $0x4000, s31;
	s1 =	sadd.s32 s1, s30  }
0xba: {  	s0 =	sor.u32 s3, s0;
	s1 =	sshll.u32 s1, $0x11  }
0xbb: {  	s0 =	sor.u32 s1, s0  }
0xbc: {  	s0 =	sadd.s32 $0x8F2B, s0  }
0xbd: {  	[sflag:s0] =	ssyncadd.remote.s32 $0x1  }
0xbe: {  	_ =	sfence.sel $0xFFFF  }
0xbf: {  	[dreg:$0x0] =	wrdreg $0xFFFFFFFF;
	(pc) =	sbr.abs _section_cstart, $3  }
0xc0: {  	[dreg:$0x1] =	wrdreg $0xFFFFFFFF  }
0xc1: {  	_ =	task.clear_ibuf [dreg:s6], $0x2FFFF;
	_ =	strace $0x9FFFFFFF  }
0xc2: {  	(tm) =	ssettm $0x7FFFFFFF  }
0xc3: {  	_ =	shalt  }
tec
execute0_lowered:
.L_overlay_start_1:
0x0: {  	(tag) =	ssettag $0x1  }
0x1: {  	s0 =	stileid.u32  }
0x2: {  	s1 =	srdreg.scid;
	s6 =	rddreg [dreg:$0x0]  }
0x3: {  	s2 =	rddreg [dreg:$0x1];
	s3 =	smul.u32 $0x3F, s0  }
0x4: {  	s18 =	simm.s32 $0x6200;
	s19 =	simm.s32 $0x0;
	s4 =	smul.u32 $0x5E, s0  }
0x5: {  	s7 =	sand.u32 $0x1, s1;
	s1 =	rddreg [dreg:$0x2];
	s8 =	smul.u32 $0x28000, s0  }
0x6: {  	s11 =	sadd.s32 $0x72600, s6;
	s13 =	sadd.s32 $0x5E600, s6;
	s12 =	smul.u32 $0xA000, s0  }
0x7: {  	p0 =	seq.s32 s7, $0x0;
	s7 =	ssub.s32 $0x2, s7;
	s5 =	sadd.s32 $0x5E0, s3  }
0x8: {  	s3 =	simm.s32 $0x0;
	s9 =	sshrl.u32 s7, $0x1;
	s8 =	sshrl.u32 s8, $0x2  }
0x9: {  	s17 =	sshrl.u32 s12, $0x3;
	s13 =	smov.u32 @p0 s11;
	s5 =	smov.u32 @p0 s4  }
0xa: {  	[smem:$0x7FF] =	sst s3;
	s4 =	sadd.s32 $0x4A600, s6;
	s14 =	ssub.s32 s7, s9  }
0xb: {  	s16 =	sadd.s32 s8, s2;
	s7 =	sadd.s32 s12, s2;
	s13 =	sadd.s32 s13, s17  }
0xc: {  	s17 =	simm.s32 $0x9;
	s5 =	sshll.u32 s5, $0x4;
	_ =	strace $0x80000053  }
0xd: {  	s8 =	sadd.s32 $0x2000, s16;
	s9 =	sadd.s32 $0x4000, s16;
	s10 =	sadd.s32 $0x6000, s16  }
0xe: {  	s11 =	sadd.s32 $0x8000, s16;
	s12 =	smax.u32 s14, $0x1;
	s16 =	simm.s32 $0x4200  }
0xf: {  	s15 =	sadd.s32 s5, s6;
	s5 =	sadd.s32 $0xE400, s6;
	s6 =	simm.s32 $0x5E  }
0x10: {  	s6 =	simm.s32 @!p0 $0x3F;
	s14 =	sadd.s32 $0x4600, s15;
	s15 =	sadd.s32 $0x18800, s15  }
.LBB2_1:
0x11: {  	[tilespmem:s16], [sflag:$0x9] =	stream.linear.gather [hbm4b:s5+s3], $0x2000, $0x38;
	[tilespmem:$0x1A200] =	vst v63  }
0x12: {  	_ =	swait.ge [sflag:s17], $0x2000  }
0x13: {  	[sflag:s17] =	ssyncset.done $0x0  }
0x14: {  	[sflag:s17] =	ssyncadd.s32 $0xFFFFE000  }
0x15: {  	[spmem:s7] =	stream.linear.scatter [tilespmem:s16], [sflag:$0x9], $0x2000, $0x38;
	[tilespmem:$0x1A200] =	vst v63  }
0x16: {  	_ =	swait.ge [sflag:s17], $0x2000  }
0x17: {  	[sflag:s17] =	ssyncset.done $0x0  }
0x18: {  	[sflag:s17] =	ssyncadd.s32 $0xFFFFE000  }
0x19: {  	[spmem:s8] =	stream.linear.scatter [tilespmem:s16], [sflag:$0x9], $0x2000, $0x38;
	[tilespmem:$0x1A200] =	vst v63  }
0x1a: {  	_ =	swait.ge [sflag:s17], $0x2000  }
0x1b: {  	[sflag:s17] =	ssyncset.done $0x0  }
0x1c: {  	[sflag:s17] =	ssyncadd.s32 $0xFFFFE000  }
0x1d: {  	[spmem:s9] =	stream.linear.scatter [tilespmem:s16], [sflag:$0x9], $0x2000, $0x38;
	[tilespmem:$0x1A200] =	vst v63  }
0x1e: {  	_ =	swait.ge [sflag:s17], $0x2000  }
0x1f: {  	[sflag:s17] =	ssyncset.done $0x0  }
0x20: {  	[sflag:s17] =	ssyncadd.s32 $0xFFFFE000  }
0x21: {  	[spmem:s10] =	stream.linear.scatter [tilespmem:s16], [sflag:$0x9], $0x2000, $0x38;
	[tilespmem:$0x1A200] =	vst v63  }
0x22: {  	_ =	swait.ge [sflag:s17], $0x2000  }
0x23: {  	[sflag:s17] =	ssyncset.done $0x0  }
0x24: {  	[sflag:s17] =	ssyncadd.s32 $0xFFFFE000  }
0x25: {  	[spmem:s11] =	stream.linear.scatter [tilespmem:s16], [sflag:$0x9], $0x2000, $0x38;
	[tilespmem:$0x1A200] =	vst v63  }
0x26: {  	_ =	swait.ge [sflag:s17], $0x2000  }
0x27: {  	[sflag:s17] =	ssyncset.done $0x0  }
0x28: {  	p0 =	sle.u32 s6, $0x1;
	[sflag:s17] =	ssyncadd.s32 $0xFFFFE000  }
0x29: {  	s20 =	sadd.s32 @!p0 $0x0, s15;
	s21 =	simm.s32 @!p0 $0x0;
	[bflag:$0x0] =	sbarrier.arrive $0xFFFF  }
0x2a: {  	[tilespmem:s21], [sflag:$0x1] =	stream.linear.gather @!p0 [hbm4b:s20+s21], $0x80, $0x38;
	[tilespmem:$0x1A200] =	vst v63  }
0x2b: {  	s22 =	sadd.s32 @!p0 $0x0, s14;
	s23 =	simm.s32 @!p0 $0x80  }
0x2c: {  	[tilespmem:s23], [sflag:$0x2] =	stream.linear.gather @!p0 [hbm4b:s22+s21], $0x80, $0x38;
	[tilespmem:$0x1A200] =	vst v63  }
0x2d: {  	s24 =	simm.s32 @!p0 $0x100;
	s20 =	sadd.s32 @!p0 $0x10, s20  }
0x2e: {  	[tilespmem:s24], [sflag:$0x3] =	stream.linear.gather @!p0 [hbm4b:s20+s21], $0x80, $0x38;
	[tilespmem:$0x1A200] =	vst v63  }
0x2f: {  	s25 =	simm.s32 @!p0 $0x1;
	s20 =	sadd.s32 @!p0 $0x10, s22;
	s22 =	simm.s32 @!p0 $0x180  }
0x30: {  	[tilespmem:s22], [sflag:$0x4] =	stream.linear.gather @!p0 [hbm4b:s20+s21], $0x80, $0x38;
	[tilespmem:$0x1A200] =	vst v63  }
0x31: {  	_ =	swait.ge @!p0 [sflag:s25], $0x80  }
0x32: {  	[sflag:s25] =	ssyncset.done @!p0 $0x0  }
0x33: {  	s26 =	simm.s32 @!p0 $0x3;
	s20 =	simm.s32 @!p0 $0x200;
	[sflag:s25] =	ssyncadd.s32 @!p0 $0xFFFFFF80  }
0x34: {  	[tilespmem:s20], [sflag:$0x5] =	stream.indirect.gather @!p0 [hbm4b:s4+s23], $0x40, s21, s23, $0xb8;
	[tilespmem:$0x1A200] =	vst v63  }
0x35: {  	_ =	swait.ge @!p0 [sflag:s26], $0x80  }
0x36: {  	[sflag:s26] =	ssyncset.done @!p0 $0x0  }
0x37: {  	s25 =	simm.s32 @!p0 $0x5;
	s21 =	simm.s32 @!p0 $0x2200;
	[sflag:s26] =	ssyncadd.s32 @!p0 $0xFFFFFF80  }
0x38: {  	[tilespmem:s21], [sflag:$0x6] =	stream.indirect.gather @!p0 [hbm4b:s4+s23], $0x40, s24, s23, $0xb8;
	[tilespmem:$0x1A200] =	vst v63  }
0x39: {  	_ =	swait.ge @!p0 [sflag:s25], $0x2000  }
0x3a: {  	[sflag:s25] =	ssyncset.done @!p0 $0x0  }
0x3b: {  	s24 =	simm.s32 @!p0 $0x2;
	[sflag:s25] =	ssyncadd.s32 @!p0 $0xFFFFE000  }
0x3c: {  	_ =	swait.ge @!p0 [sflag:s24], $0x80  }
0x3d: {  	[sflag:s24] =	ssyncset.done @!p0 $0x0  }
0x3e: {  	s25 =	simm.s32 @!p0 $0x6;
	[sflag:s24] =	ssyncadd.s32 @!p0 $0xFFFFFF80  }
0x3f: {  	[spmem:s2] =	stream.indirect.scatter.add.f32 @!p0 [tilespmem:s20], [sflag:$0x7], $0x40, s23, s23, $0xb8;
	[tilespmem:$0x1A200] =	vst v63  }
0x40: {  	_ =	swait.ge @!p0 [sflag:s25], $0x2000  }
0x41: {  	[sflag:s25] =	ssyncset.done @!p0 $0x0  }
0x42: {  	s20 =	simm.s32 @!p0 $0x4;
	[sflag:s25] =	ssyncadd.s32 @!p0 $0xFFFFE000  }
0x43: {  	_ =	swait.ge @!p0 [sflag:s20], $0x80  }
0x44: {  	[sflag:s20] =	ssyncset.done @!p0 $0x0  }
0x45: {  	s24 =	simm.s32 @!p0 $0x7;
	[sflag:s20] =	ssyncadd.s32 @!p0 $0xFFFFFF80  }
0x46: {  	[spmem:s2] =	stream.indirect.scatter.add.f32 @!p0 [tilespmem:s21], [sflag:$0x8], $0x40, s22, s23, $0xb8;
	[tilespmem:$0x1A200] =	vst v63  }
0x47: {  	_ =	swait.ge @!p0 [sflag:s24], $0x2000  }
0x48: {  	p1 =	sle.u32 s6, $0x0;
	[sflag:s24] =	ssyncset.done @!p0 $0x0  }
0x49: {  	p2 =	sgt.u32 @!p1 s6, $0x1;
	s20 =	simm.s32 @!p0 $0x8;
	[sflag:s24] =	ssyncadd.s32 @!p0 $0xFFFFE000  }
0x4a: {  	p2 =	por p2, p1;
	_ =	swait.ge @!p0 [sflag:s20], $0x2000  }
0x4b: {  	s21 =	sadd.s32 @!p2 $0x0, s15;
	[sflag:s20] =	ssyncset.done @!p0 $0x0  }
0x4c: {  	s22 =	simm.s32 @!p2 $0x0;
	[sflag:s20] =	ssyncadd.s32 @!p0 $0xFFFFE000;
	s20 =	simm.s32 @!p2 $0xA  }
0x4d: {  	[tilespmem:s22], [sflag:$0xA] =	stream.linear.gather @!p2 [hbm4b:s21+s22], $0x80, $0x38;
	[tilespmem:$0x1A200] =	vst v63  }
0x4e: {  	_ =	swait.ge @!p2 [sflag:s20], $0x80  }
0x4f: {  	[sflag:s20] =	ssyncset.done @!p2 $0x0  }
0x50: {  	s23 =	simm.s32 @!p2 $0x80;
	s21 =	sadd.s32 @!p2 $0x0, s14;
	[sflag:s20] =	ssyncadd.s32 @!p2 $0xFFFFFF80  }
0x51: {  	[tilespmem:s23], [sflag:$0xA] =	stream.linear.gather @!p2 [hbm4b:s21+s22], $0x80, $0x38;
	[tilespmem:$0x1A200] =	vst v63  }
0x52: {  	_ =	swait.ge @!p2 [sflag:s20], $0x80  }
0x53: {  	[sflag:s20] =	ssyncset.done @!p2 $0x0  }
0x54: {  	s21 =	simm.s32 @!p2 $0x200;
	[sflag:s20] =	ssyncadd.s32 @!p2 $0xFFFFFF80  }
0x55: {  	[tilespmem:s21], [sflag:$0xA] =	stream.indirect.gather @!p2 [hbm4b:s4+s23], $0x40, s22, s23, $0xb8;
	[tilespmem:$0x1A200] =	vst v63  }
0x56: {  	_ =	swait.ge @!p2 [sflag:s20], $0x2000  }
0x57: {  	s24 =	simm.s32 @!p2 $0x9;
	[sflag:s20] =	ssyncset.done @!p2 $0x0  }
0x58: {  	p0 =	sle.u32 s6, $0x3;
	s22 =	simm.s32 $0x40;
	[sflag:s20] =	ssyncadd.s32 @!p2 $0xFFFFE000  }
0x59: {  	[spmem:s2] =	stream.indirect.scatter.add.f32 @!p2 [tilespmem:s21], [sflag:$0x9], $0x40, s23, s23, $0xb8;
	[tilespmem:$0x1A200] =	vst v63  }
0x5a: {  	s20 =	simm.s32 $0x20;
	s21 =	simm.s32 $0x3;
	_ =	swait.ge @!p2 [sflag:s24], $0x2000  }
.LBB2_2:
0x5b: {  	s25 =	sadd.s32 @!p0 s20, s15  }
0x5c: {  	s26 =	simm.s32 @!p0 $0x0;
	[sflag:s24] =	ssyncset.done @!p2 $0x0;
	s23 =	smov.u32 s22  }
0x5d: {  	s22 =	sadd.s32 $0x20, s22;
	s28 =	sadd.s32 @!p0 $0x10, s25;
	[sflag:s24] =	ssyncadd.s32 @!p2 $0xFFFFE000  }
0x5e: {  	[tilespmem:s26], [sflag:$0x1] =	stream.linear.gather @!p0 [hbm4b:s25+s26], $0x80, $0x38;
	[tilespmem:$0x1A200] =	vst v63  }
0x5f: {  	p1 =	sne.s32 s22, $0x5E0;
	s24 =	simm.s32 @!p0 $0x80;
	s25 =	sadd.s32 @!p0 s20, s14  }
0x60: {  	[tilespmem:s24], [sflag:$0x2] =	stream.linear.gather @!p0 [hbm4b:s25+s26], $0x80, $0x38;
	[tilespmem:$0x1A200] =	vst v63  }
0x61: {  	s29 =	simm.s32 @!p0 $0x100;
	s25 =	sadd.s32 @!p0 $0x10, s25  }
0x62: {  	[tilespmem:s29], [sflag:$0x3] =	stream.linear.gather @!p0 [hbm4b:s28+s26], $0x80, $0x38;
	[tilespmem:$0x1A200] =	vst v63  }
0x63: {  	s30 =	simm.s32 @!p0 $0x1;
	s28 =	simm.s32 @!p0 $0x180  }
0x64: {  	[tilespmem:s28], [sflag:$0x4] =	stream.linear.gather @!p0 [hbm4b:s25+s26], $0x80, $0x38;
	[tilespmem:$0x1A200] =	vst v63  }
0x65: {  	_ =	swait.ge @!p0 [sflag:s30], $0x80  }
0x66: {  	s31 =	simm.s32 @!p0 $0x3;
	s25 =	simm.s32 @!p0 $0x200;
	[sflag:s30] =	ssyncset.done @!p0 $0x0  }
0x67: {  	[sflag:s30] =	ssyncadd.s32 @!p0 $0xFFFFFF80  }
0x68: {  	[tilespmem:s25], [sflag:$0x5] =	stream.indirect.gather @!p0 [hbm4b:s4+s24], $0x40, s26, s24, $0xb8;
	[tilespmem:$0x1A200] =	vst v63  }
0x69: {  	_ =	swait.ge @!p0 [sflag:s31], $0x80  }
0x6a: {  	s30 =	simm.s32 @!p0 $0x5;
	s26 =	simm.s32 @!p0 $0x2200;
	[sflag:s31] =	ssyncset.done @!p0 $0x0  }
0x6b: {  	[sflag:s31] =	ssyncadd.s32 @!p0 $0xFFFFFF80  }
0x6c: {  	[tilespmem:s26], [sflag:$0x6] =	stream.indirect.gather @!p0 [hbm4b:s4+s24], $0x40, s29, s24, $0xb8;
	[tilespmem:$0x1A200] =	vst v63  }
0x6d: {  	_ =	swait.ge @!p0 [sflag:s30], $0x2000  }
0x6e: {  	s29 =	simm.s32 @!p0 $0x2;
	[sflag:s30] =	ssyncset.done @!p0 $0x0  }
0x6f: {  	[sflag:s30] =	ssyncadd.s32 @!p0 $0xFFFFE000  }
0x70: {  	_ =	swait.ge @!p0 [sflag:s29], $0x80  }
0x71: {  	s30 =	simm.s32 @!p0 $0x6;
	[sflag:s29] =	ssyncset.done @!p0 $0x0  }
0x72: {  	[sflag:s29] =	ssyncadd.s32 @!p0 $0xFFFFFF80  }
0x73: {  	[spmem:s2] =	stream.indirect.scatter.add.f32 @!p0 [tilespmem:s25], [sflag:$0x7], $0x40, s24, s24, $0xb8;
	[tilespmem:$0x1A200] =	vst v63  }
0x74: {  	_ =	swait.ge @!p0 [sflag:s30], $0x2000  }
0x75: {  	s25 =	simm.s32 @!p0 $0x4;
	[sflag:s30] =	ssyncset.done @!p0 $0x0  }
0x76: {  	[sflag:s30] =	ssyncadd.s32 @!p0 $0xFFFFE000  }
0x77: {  	_ =	swait.ge @!p0 [sflag:s25], $0x80  }
0x78: {  	s29 =	simm.s32 @!p0 $0x7;
	[sflag:s25] =	ssyncset.done @!p0 $0x0  }
0x79: {  	[sflag:s25] =	ssyncadd.s32 @!p0 $0xFFFFFF80  }
0x7a: {  	[spmem:s2] =	stream.indirect.scatter.add.f32 @!p0 [tilespmem:s26], [sflag:$0x8], $0x40, s28, s24, $0xb8;
	[tilespmem:$0x1A200] =	vst v63  }
0x7b: {  	s24 =	sadd.s32 $0xFFFFFFFF, s21;
	_ =	swait.ge @!p0 [sflag:s29], $0x2000  }
0x7c: {  	s25 =	simm.s32 @!p0 $0x8;
	p2 =	sge.u32 s24, s6;
	[sflag:s29] =	ssyncset.done @!p0 $0x0  }
0x7d: {  	p3 =	slt.u32 @!p2 s21, s6;
	[sflag:s29] =	ssyncadd.s32 @!p0 $0xFFFFE000  }
0x7e: {  	p2 =	por p3, p2;
	_ =	swait.ge @!p0 [sflag:s25], $0x2000  }
0x7f: {  	s24 =	sadd.s32 @!p2 s20, s15;
	s26 =	simm.s32 @!p2 $0x0;
	[sflag:s25] =	ssyncset.done @!p0 $0x0  }
0x80: {  	[sflag:s25] =	ssyncadd.s32 @!p0 $0xFFFFE000;
	s25 =	simm.s32 @!p2 $0xA  }
0x81: {  	[tilespmem:s26], [sflag:$0xA] =	stream.linear.gather @!p2 [hbm4b:s24+s26], $0x80, $0x38;
	[tilespmem:$0x1A200] =	vst v63  }
0x82: {  	_ =	swait.ge @!p2 [sflag:s25], $0x80  }
0x83: {  	s28 =	simm.s32 @!p2 $0x80;
	s24 =	sadd.s32 @!p2 s20, s14;
	[sflag:s25] =	ssyncset.done @!p2 $0x0  }
0x84: {  	s20 =	smov.u32 s23;
	[sflag:s25] =	ssyncadd.s32 @!p2 $0xFFFFFF80  }
0x85: {  	[tilespmem:s28], [sflag:$0xA] =	stream.linear.gather @!p2 [hbm4b:s24+s26], $0x80, $0x38;
	[tilespmem:$0x1A200] =	vst v63  }
0x86: {  	_ =	swait.ge @!p2 [sflag:s25], $0x80  }
0x87: {  	s23 =	simm.s32 @!p2 $0x200;
	[sflag:s25] =	ssyncset.done @!p2 $0x0  }
0x88: {  	[sflag:s25] =	ssyncadd.s32 @!p2 $0xFFFFFF80  }
0x89: {  	[tilespmem:s23], [sflag:$0xA] =	stream.indirect.gather @!p2 [hbm4b:s4+s28], $0x40, s26, s28, $0xb8;
	[tilespmem:$0x1A200] =	vst v63  }
.Ltmp0:
0x8a: {  	_ =	swait.ge @!p2 [sflag:s25], $0x2000;
	(pc) =	sbr.rel @p1 .LBB2_2-.Ltmp0, $4  }
0x8b: {  	[sflag:s25] =	ssyncset.done @!p2 $0x0  }
0x8c: {  	s21 =	sadd.s32 $0x2, s21;
	s24 =	simm.s32 @!p2 $0x9;
	[sflag:s25] =	ssyncadd.s32 @!p2 $0xFFFFE000  }
0x8d: {  	[spmem:s2] =	stream.indirect.scatter.add.f32 @!p2 [tilespmem:s23], [sflag:$0x9], $0x40, s28, s28, $0xb8;
	[tilespmem:$0x1A200] =	vst v63  }
0x8e: {  	p0 =	sge.u32 s21, s6;
	_ =	swait.ge @!p2 [sflag:s24], $0x2000  }
0x8f: {  	[sflag:s24] =	ssyncset.done @!p2 $0x0  }
0x90: {  	s22 =	sadd.s32 @!p0 s20, s15;
	s23 =	simm.s32 @!p0 $0x0;
	[sflag:s24] =	ssyncadd.s32 @!p2 $0xFFFFE000  }
0x91: {  	[tilespmem:s23], [sflag:$0x1] =	stream.linear.gather @!p0 [hbm4b:s22+s23], $0x80, $0x38;
	[tilespmem:$0x1A200] =	vst v63  }
0x92: {  	s25 =	simm.s32 @!p0 $0x80;
	s24 =	sadd.s32 @!p0 s20, s14  }
0x93: {  	[tilespmem:s25], [sflag:$0x2] =	stream.linear.gather @!p0 [hbm4b:s24+s23], $0x80, $0x38;
	[tilespmem:$0x1A200] =	vst v63  }
0x94: {  	s26 =	simm.s32 @!p0 $0x100;
	s22 =	sadd.s32 @!p0 $0x10, s22  }
0x95: {  	[tilespmem:s26], [sflag:$0x3] =	stream.linear.gather @!p0 [hbm4b:s22+s23], $0x80, $0x38;
	[tilespmem:$0x1A200] =	vst v63  }
0x96: {  	s28 =	simm.s32 @!p0 $0x1;
	s22 =	sadd.s32 @!p0 $0x10, s24;
	s24 =	simm.s32 @!p0 $0x180  }
0x97: {  	[tilespmem:s24], [sflag:$0x4] =	stream.linear.gather @!p0 [hbm4b:s22+s23], $0x80, $0x38;
	[tilespmem:$0x1A200] =	vst v63  }
0x98: {  	_ =	swait.ge @!p0 [sflag:s28], $0x80  }
0x99: {  	[sflag:s28] =	ssyncset.done @!p0 $0x0  }
0x9a: {  	s29 =	simm.s32 @!p0 $0x3;
	s22 =	simm.s32 @!p0 $0x200;
	[sflag:s28] =	ssyncadd.s32 @!p0 $0xFFFFFF80  }
0x9b: {  	[tilespmem:s22], [sflag:$0x5] =	stream.indirect.gather @!p0 [hbm4b:s4+s25], $0x40, s23, s25, $0xb8;
	[tilespmem:$0x1A200] =	vst v63  }
0x9c: {  	_ =	swait.ge @!p0 [sflag:s29], $0x80  }
0x9d: {  	[sflag:s29] =	ssyncset.done @!p0 $0x0  }
0x9e: {  	s28 =	simm.s32 @!p0 $0x5;
	s23 =	simm.s32 @!p0 $0x2200;
	[sflag:s29] =	ssyncadd.s32 @!p0 $0xFFFFFF80  }
0x9f: {  	[tilespmem:s23], [sflag:$0x6] =	stream.indirect.gather @!p0 [hbm4b:s4+s25], $0x40, s26, s25, $0xb8;
	[tilespmem:$0x1A200] =	vst v63  }
0xa0: {  	_ =	swait.ge @!p0 [sflag:s28], $0x2000  }
0xa1: {  	[sflag:s28] =	ssyncset.done @!p0 $0x0  }
0xa2: {  	s26 =	simm.s32 @!p0 $0x2;
	[sflag:s28] =	ssyncadd.s32 @!p0 $0xFFFFE000  }
0xa3: {  	_ =	swait.ge @!p0 [sflag:s26], $0x80  }
0xa4: {  	[sflag:s26] =	ssyncset.done @!p0 $0x0  }
0xa5: {  	s28 =	simm.s32 @!p0 $0x6;
	[sflag:s26] =	ssyncadd.s32 @!p0 $0xFFFFFF80  }
0xa6: {  	[spmem:s2] =	stream.indirect.scatter.add.f32 @!p0 [tilespmem:s22], [sflag:$0x7], $0x40, s25, s25, $0xb8;
	[tilespmem:$0x1A200] =	vst v63  }
0xa7: {  	_ =	swait.ge @!p0 [sflag:s28], $0x2000  }
0xa8: {  	[sflag:s28] =	ssyncset.done @!p0 $0x0  }
0xa9: {  	s22 =	simm.s32 @!p0 $0x4;
	[sflag:s28] =	ssyncadd.s32 @!p0 $0xFFFFE000  }
0xaa: {  	_ =	swait.ge @!p0 [sflag:s22], $0x80  }
0xab: {  	[sflag:s22] =	ssyncset.done @!p0 $0x0  }
0xac: {  	s26 =	simm.s32 @!p0 $0x7;
	[sflag:s22] =	ssyncadd.s32 @!p0 $0xFFFFFF80  }
0xad: {  	[spmem:s2] =	stream.indirect.scatter.add.f32 @!p0 [tilespmem:s23], [sflag:$0x8], $0x40, s24, s25, $0xb8;
	[tilespmem:$0x1A200] =	vst v63  }
0xae: {  	s31 =	sadd.s32 $0xFFFFFFFF, s21;
	_ =	swait.ge @!p0 [sflag:s26], $0x2000  }
0xaf: {  	p1 =	sge.u32 s31, s6;
	[sflag:s26] =	ssyncset.done @!p0 $0x0  }
0xb0: {  	p2 =	slt.u32 @!p1 s21, s6;
	s22 =	simm.s32 @!p0 $0x8;
	[sflag:s26] =	ssyncadd.s32 @!p0 $0xFFFFE000  }
0xb1: {  	p1 =	por p2, p1;
	_ =	swait.ge @!p0 [sflag:s22], $0x2000  }
0xb2: {  	s21 =	sadd.s32 @!p1 s20, s15;
	[sflag:s22] =	ssyncset.done @!p0 $0x0  }
0xb3: {  	s23 =	simm.s32 @!p1 $0x0;
	[sflag:s22] =	ssyncadd.s32 @!p0 $0xFFFFE000;
	s22 =	simm.s32 @!p1 $0xA  }
0xb4: {  	[tilespmem:s23], [sflag:$0xA] =	stream.linear.gather @!p1 [hbm4b:s21+s23], $0x80, $0x38;
	[tilespmem:$0x1A200] =	vst v63  }
0xb5: {  	_ =	swait.ge @!p1 [sflag:s22], $0x80  }
0xb6: {  	[sflag:s22] =	ssyncset.done @!p1 $0x0  }
0xb7: {  	s20 =	sadd.s32 @!p1 s20, s14;
	s21 =	simm.s32 @!p1 $0x80;
	[sflag:s22] =	ssyncadd.s32 @!p1 $0xFFFFFF80  }
0xb8: {  	[tilespmem:s21], [sflag:$0xA] =	stream.linear.gather @!p1 [hbm4b:s20+s23], $0x80, $0x38;
	[tilespmem:$0x1A200] =	vst v63  }
0xb9: {  	_ =	swait.ge @!p1 [sflag:s22], $0x80  }
0xba: {  	[sflag:s22] =	ssyncset.done @!p1 $0x0  }
0xbb: {  	s20 =	simm.s32 @!p1 $0x200;
	[sflag:s22] =	ssyncadd.s32 @!p1 $0xFFFFFF80  }
0xbc: {  	[tilespmem:s20], [sflag:$0xA] =	stream.indirect.gather @!p1 [hbm4b:s4+s21], $0x40, s23, s21, $0xb8;
	[tilespmem:$0x1A200] =	vst v63  }
0xbd: {  	_ =	swait.ge @!p1 [sflag:s22], $0x2000  }
0xbe: {  	[sflag:s22] =	ssyncset.done @!p1 $0x0  }
0xbf: {  	[sflag:s22] =	ssyncadd.s32 @!p1 $0xFFFFE000;
	s22 =	simm.s32 @!p1 $0x9  }
0xc0: {  	[spmem:s2] =	stream.indirect.scatter.add.f32 @!p1 [tilespmem:s20], [sflag:$0x9], $0x40, s21, s21, $0xb8;
	[tilespmem:$0x1A200] =	vst v63  }
0xc1: {  	_ =	swait.ge @!p1 [sflag:s22], $0x2000  }
0xc2: {  	[sflag:s22] =	ssyncset.done @!p1 $0x0  }
0xc3: {  	[sflag:s22] =	ssyncadd.s32 @!p1 $0xFFFFE000  }
0xc4: {  	[bflag:$0x0] =	sbarrier.arrive $0xFFFF  }
0xc5: {  	[tilespmem:s18], [sflag:$0x9] =	stream.linear.gather [spmem:s7], $0xA000, $0x38;
	[tilespmem:$0x1A200] =	vst v63  }
0xc6: {  	s19 =	sadd.s32 $0x1, s19;
	_ =	swait.ge [sflag:s17], $0xA000  }
0xc7: {  	p0 =	sne.s32 s19, s12;
	[sflag:s17] =	ssyncset.done $0x0  }
.Ltmp1:
0xc8: {  	[sflag:s17] =	ssyncadd.s32 $0xFFFF6000;
	(pc) =	sbr.rel @p0 .LBB2_1-.Ltmp1, $4  }
0xc9: {  	[hbm4b:s13+s3] =	stream.linear.scatter [tilespmem:s18], [sflag:$0x9], $0xA000, $0x38;
	[tilespmem:$0x1A200] =	vst v63  }
0xca: {  	_ =	swait.ge [sflag:s17], $0xA000  }
0xcb: {  	[sflag:s17] =	ssyncset.done $0x0  }
0xcc: {  	[sflag:s17] =	ssyncadd.s32 $0xFFFF6000  }
0xcd: {  	_ =	sfence.sel $0x180000  }
0xce: {  	[bflag:$0x0] =	sbarrier.arrive $0xFFFF  }
0xcf: {  	p0 =	sne.s32 s0, $0x0;
	_ =	strace $0x90000053  }
0xd0: {  	s0 =	sadd.s32 @!p0 $0x100000, s1;
	[bflag:$0x2] =	sbarrier.arrive $0xFFFF  }
0xd1: {  	[sflag:s0] =	ssyncadd.tile.s32 @!p0 $0x1;
	_ =	shalt  }
.Lfunc_end2:
_tile_overlayer_lowered:
.L_overlay_start_2:
0xd2: {  	(tag) =	ssettag $0x2  }
0xd3: {  	s0 =	rddreg [dreg:$0x0];
	s2 =	stileid.u32  }
0xd4: {  	s1 =	rddreg [dreg:$0x1];
	p0 =	sne.s32 s2, $0x0  }
0xd5: {  	s3 =	rddreg [dreg:$0x2];
	[bflag:$0x3] =	sbarrier.arrive $0xFFFF;
	s2 =	simm.s32 @!p0 $0x1C09  }
0xd6: {  	[timem:s3], [sflag:s2] =	dma.local @!p0 [hbm:s0], s1  }
0xd7: {  	s0 =	simm.s32 @!p0 $0x9  }
0xd8: {  	_ =	swait.ge @!p0 [sflag:s0], s1  }
0xd9: {  	s1 =	ssub.s32 @!p0 $0x0, s1;
	[sflag:s0] =	ssyncset.done @!p0 $0x0  }
0xda: {  	[sflag:s0] =	ssyncadd.s32 @!p0 s1  }
0xdb: {  	[bflag:$0x3] =	sbarrier.arrive $0xFFFF  }
0xdc: {  	_ =	shalt  }

</sc_bundles>
